<compile_context>
chip_gen: v7x
topology: tpu7x:2x2x1
jax: 0.10.2.dev20260603
libtpu: 0.0.44.dev20260713+nightly
codegen_flags: <defaults>
</compile_context>

<pallas_src>
import functools

import jax
import jax.numpy as jnp
from jax import lax
from jax.experimental import pallas as pl
from jax.experimental.pallas import tpu as pltpu
from jax.experimental.pallas import tpu_sc as plsc

N = 10000
E = 320000
D = 128
NEG_SLOPE = 0.2

NUM_CORES = 2
NUM_SUBCORES = 16
NUM_WORKERS = NUM_CORES * NUM_SUBCORES
CHUNK = 128
NUM_CHUNKS = E // CHUNK
ROWS_PER_SUBCORE = 624
TAIL_START = ROWS_PER_SUBCORE * NUM_SUBCORES
TAIL_ROWS = N - TAIL_START


def _tc_prep_body(x_ref, w_ref, asrc_ref, adst_ref, h_ref, s_ref, d_ref):
    h = jnp.dot(x_ref[...], w_ref[...], preferred_element_type=jnp.float32)
    h_ref[...] = h
    s_ref[...] = jnp.dot(h, asrc_ref[...], preferred_element_type=jnp.float32)
    d_ref[...] = jnp.dot(h, adst_ref[...], preferred_element_type=jnp.float32)


def _tc_prep(x, W, att_src, att_dst):
    blk = 1000
    grid = N // blk
    return pl.pallas_call(
        _tc_prep_body,
        grid=(grid,),
        in_specs=[
            pl.BlockSpec((blk, D), lambda i: (i, 0)),
            pl.BlockSpec((D, D), lambda i: (0, 0)),
            pl.BlockSpec((D, 1), lambda i: (0, 0)),
            pl.BlockSpec((D, 1), lambda i: (0, 0)),
        ],
        out_specs=[
            pl.BlockSpec((blk, D), lambda i: (i, 0)),
            pl.BlockSpec((blk, 1), lambda i: (i, 0)),
            pl.BlockSpec((blk, 1), lambda i: (i, 0)),
        ],
        out_shape=[
            jax.ShapeDtypeStruct((N, D), jnp.float32),
            jax.ShapeDtypeStruct((N, 1), jnp.float32),
            jax.ShapeDtypeStruct((N, 1), jnp.float32),
        ],
    )(x, W, att_src.reshape(D, 1), att_dst.reshape(D, 1))


ZCHUNK = 48
DCHUNK = 128


def _sc_body(h_hbm, src_hbm, dst_hbm, as_hbm, ad_hbm,
             acc_out, den_out,
             si_v, di_v, p_v, ag_v, dg_v, rows_v, acc_sp, den_sp,
             gsem, ssem, isem, lsem, dsem):
    c = lax.axis_index("c")
    s = lax.axis_index("s")
    wid = s * NUM_CORES + c

    def zero_row(j, carry2):
        for k in range(D // 16):
            rows_v[0, j, pl.ds(k * 16, 16)] = jnp.zeros((16,), jnp.float32)
        return carry2

    lax.fori_loop(0, ZCHUNK, zero_row, 0)

    for j in range(DCHUNK // 16):
        ag_v[0, pl.ds(j * 16, 16)] = jnp.zeros((16,), jnp.float32)

    r0 = s * ROWS_PER_SUBCORE

    def zero_acc(t, carry2):
        pltpu.sync_copy(rows_v.at[0, pl.ds(0, ZCHUNK)],
                        acc_sp.at[pl.ds(r0 + t * ZCHUNK, ZCHUNK)])
        return carry2

    lax.fori_loop(0, ROWS_PER_SUBCORE // ZCHUNK, zero_acc, 0)

    def zero_den(t, carry2):
        pltpu.sync_copy(ag_v.at[0],
                        den_sp.at[pl.ds(r0 + t * DCHUNK, DCHUNK)])
        return carry2

    lax.fori_loop(0, ROWS_PER_SUBCORE // DCHUNK, zero_den, 0)
    pltpu.sync_copy(ag_v.at[0, pl.ds(0, 112)],
                    den_sp.at[pl.ds(r0 + 512, 112)])

    @pl.when(s == 0)
    def _zero_tail():
        pltpu.sync_copy(rows_v.at[0, pl.ds(0, TAIL_ROWS)],
                        acc_sp.at[pl.ds(TAIL_START, TAIL_ROWS)])
        pltpu.sync_copy(ag_v.at[0, pl.ds(0, TAIL_ROWS)],
                        den_sp.at[pl.ds(TAIL_START, TAIL_ROWS)])

    plsc.subcore_barrier()

    base_chunks = NUM_CHUNKS // NUM_WORKERS
    extra = NUM_CHUNKS - base_chunks * NUM_WORKERS
    my_n = base_chunks + jnp.where(wid < extra, 1, 0)
    my_start = wid * base_chunks + jnp.minimum(wid, extra)

    def start_load_idx(i, t):
        base = (my_start + i) * CHUNK
        pltpu.async_copy(src_hbm.at[pl.ds(base, CHUNK)], si_v.at[t], isem)
        pltpu.async_copy(dst_hbm.at[pl.ds(base, CHUNK)], di_v.at[t], isem)

    def wait_load_idx(t):
        pltpu.make_async_copy(src_hbm.at[pl.ds(0, CHUNK)], si_v.at[t],
                              isem).wait()
        pltpu.make_async_copy(dst_hbm.at[pl.ds(0, CHUNK)], di_v.at[t],
                              isem).wait()

    def start_gather(b, t):
        pltpu.async_copy(h_hbm.at[si_v.at[t]], rows_v.at[b], gsem)

    def wait_gather(b, t):
        pltpu.make_async_copy(h_hbm.at[si_v.at[t]], rows_v.at[b],
                              gsem).wait()

    def start_logit_gather(b, t):
        pltpu.async_copy(as_hbm.at[si_v.at[t]], ag_v.at[b], lsem)
        pltpu.async_copy(ad_hbm.at[di_v.at[t]], dg_v.at[b], lsem)

    def wait_logit_gather(b, t):
        pltpu.make_async_copy(as_hbm.at[si_v.at[t]], ag_v.at[b], lsem).wait()
        pltpu.make_async_copy(ad_hbm.at[di_v.at[t]], dg_v.at[b], lsem).wait()

    def compute_p(b, t):
        wait_logit_gather(b, t)
        for j in range(CHUNK // 16):
            sl = pl.ds(j * 16, 16)
            logit = ag_v[b, sl] + dg_v[b, sl]
            e = jnp.maximum(logit, logit * NEG_SLOPE)
            p_v[b, sl] = jnp.exp(e)
        pltpu.async_copy(p_v.at[b], den_sp.at[di_v.at[t]], dsem, add=True)

    def wait_den(b, t):
        pltpu.make_async_copy(p_v.at[b], den_sp.at[di_v.at[t]], dsem).wait()

    def scale_rows(b):
        def scale4(j, carry2):
            for r in range(4):
                row = j * 4 + r
                pj = plsc.load_gather(
                    p_v.at[b], [jnp.full((16,), row, jnp.int32)])
                for k in range(D // 16):
                    slk = pl.ds(k * 16, 16)
                    rows_v[b, row, slk] = rows_v[b, row, slk] * pj
            return carry2

        lax.fori_loop(0, CHUNK // 4, scale4, 0)

    def start_scatter(b, t):
        pltpu.async_copy(rows_v.at[b], acc_sp.at[di_v.at[t]], ssem, add=True)

    def wait_scatter(b, t):
        pltpu.make_async_copy(rows_v.at[b], acc_sp.at[di_v.at[t]],
                              ssem).wait()

    start_load_idx(0, 0)
    wait_load_idx(0)
    start_logit_gather(0, 0)
    start_gather(0, 0)
    start_load_idx(1, 1)

    def chunk_body(i, carry):
        b = lax.rem(i, 2)
        nb = 1 - b
        t = lax.rem(i, 3)
        tn = lax.rem(i + 1, 3)
        tp = lax.rem(i + 2, 3)

        compute_p(b, t)
        wait_gather(b, t)

        @pl.when(i >= 1)
        def _wait_prev_scatter():
            wait_scatter(nb, tp)
            wait_den(nb, tp)

        @pl.when(i + 2 < my_n)
        def _prefetch_idx():
            start_load_idx(i + 2, tp)

        wait_load_idx(tn)
        start_logit_gather(nb, tn)
        start_gather(nb, tn)
        scale_rows(b)
        start_scatter(b, t)
        return carry

    lax.fori_loop(0, my_n - 1, chunk_body, 0)

    last = my_n - 1
    lb = lax.rem(last, 2)
    lt = lax.rem(last, 3)
    ltp = lax.rem(last + 2, 3)
    compute_p(lb, lt)
    wait_gather(lb, lt)
    wait_scatter(1 - lb, ltp)
    wait_den(1 - lb, ltp)
    scale_rows(lb)
    pltpu.sync_copy(rows_v.at[lb], acc_sp.at[di_v.at[lt]], add=True)
    wait_den(lb, lt)
    plsc.subcore_barrier()

    def pub_acc(t, carry2):
        base = r0 + t * ZCHUNK
        pltpu.sync_copy(acc_sp.at[pl.ds(base, ZCHUNK)],
                        rows_v.at[0, pl.ds(0, ZCHUNK)])
        pltpu.sync_copy(rows_v.at[0, pl.ds(0, ZCHUNK)],
                        acc_out.at[c, pl.ds(base, ZCHUNK)])
        return carry2

    lax.fori_loop(0, ROWS_PER_SUBCORE // ZCHUNK, pub_acc, 0)

    def pub_den(t, carry2):
        base = r0 + t * DCHUNK
        pltpu.sync_copy(den_sp.at[pl.ds(base, DCHUNK)], ag_v.at[0])
        pltpu.sync_copy(ag_v.at[0], den_out.at[pl.ds(c * N + base, DCHUNK)])
        return carry2

    lax.fori_loop(0, ROWS_PER_SUBCORE // DCHUNK, pub_den, 0)
    pltpu.sync_copy(den_sp.at[pl.ds(r0 + 512, 112)],
                    ag_v.at[0, pl.ds(0, 112)])
    pltpu.sync_copy(ag_v.at[0, pl.ds(0, 112)],
                    den_out.at[pl.ds(c * N + r0 + 512, 112)])

    @pl.when(s == 0)
    def _publish_tail():
        pltpu.sync_copy(acc_sp.at[pl.ds(TAIL_START, TAIL_ROWS)],
                        rows_v.at[0, pl.ds(0, TAIL_ROWS)])
        pltpu.sync_copy(rows_v.at[0, pl.ds(0, TAIL_ROWS)],
                        acc_out.at[c, pl.ds(TAIL_START, TAIL_ROWS)])
        pltpu.sync_copy(den_sp.at[pl.ds(TAIL_START, TAIL_ROWS)],
                        dg_v.at[0, pl.ds(0, TAIL_ROWS)])
        pltpu.sync_copy(dg_v.at[0, pl.ds(0, TAIL_ROWS)],
                        den_out.at[pl.ds(c * N + TAIL_START, TAIL_ROWS)])


def _sc_edge_pass(h, src, dst, a_s, a_d):
    mesh = plsc.VectorSubcoreMesh(core_axis_name="c", subcore_axis_name="s")
    f = functools.partial(
        pl.kernel,
        mesh=mesh,
        compiler_params=pltpu.CompilerParams(needs_layout_passes=False),
        out_type=[
            jax.ShapeDtypeStruct((NUM_CORES, N, D), jnp.float32),
            jax.ShapeDtypeStruct((NUM_CORES * N,), jnp.float32),
        ],
        scratch_types=[
            pltpu.VMEM((3, CHUNK), jnp.int32),
            pltpu.VMEM((3, CHUNK), jnp.int32),
            pltpu.VMEM((2, CHUNK), jnp.float32),
            pltpu.VMEM((2, CHUNK), jnp.float32),
            pltpu.VMEM((2, CHUNK), jnp.float32),
            pltpu.VMEM((2, CHUNK, D), jnp.float32),
            pltpu.VMEM_SHARED((N, D), jnp.float32),
            pltpu.VMEM_SHARED((N,), jnp.float32),
            pltpu.SemaphoreType.DMA,
            pltpu.SemaphoreType.DMA,
            pltpu.SemaphoreType.DMA,
            pltpu.SemaphoreType.DMA,
            pltpu.SemaphoreType.DMA,
        ],
    )(_sc_body)
    return f(h, src, dst, a_s, a_d)


def _tc_combine_body(acc_ref, den_ref, bias_ref, out_ref):
    num = acc_ref[0] + acc_ref[1]
    den = den_ref[0] + den_ref[1] + 1e-16
    out_ref[...] = num / den + bias_ref[...]


def _tc_combine(acc, den, bias):
    blk = 1000
    grid = N // blk
    return pl.pallas_call(
        _tc_combine_body,
        grid=(grid,),
        in_specs=[
            pl.BlockSpec((NUM_CORES, blk, D), lambda i: (0, i, 0)),
            pl.BlockSpec((NUM_CORES, blk, 1), lambda i: (0, i, 0)),
            pl.BlockSpec((1, D), lambda i: (0, 0)),
        ],
        out_specs=pl.BlockSpec((blk, D), lambda i: (i, 0)),
        out_shape=jax.ShapeDtypeStruct((N, D), jnp.float32),
    )(acc, den, bias.reshape(1, D))


def kernel(x, edge_index, W, att_src, att_dst, bias):
    src = edge_index[0]
    dst = edge_index[1]
    h, a_s, a_d = _tc_prep(x, W, att_src, att_dst)
    acc, den = _sc_edge_pass(h, src, dst, a_s.reshape(N), a_d.reshape(N))
    return _tc_combine(acc, den.reshape(NUM_CORES, N, 1), bias)

# --- scband reference (transcript-rebuilt; emitter-appended) ---
"""Pipeline reference for scband-gat-21869973471805 (READ-ONLY COPY).

The authoritative reference and input builder live on the scoring server;
editing this copy changes nothing except your own understanding.
"""

import jax, jax.numpy as jnp
import numpy as np

N = 10000
E = 320000
D_IN = 128
D_OUT = 128
NEG_SLOPE = 0.2


def setup_inputs(seed: int = 0) -> dict:
    key = jax.random.key(seed)
    k1, k2, k3, k4, k5 = jax.random.split(key, 5)
    x = jax.random.normal(k1, (N, D_IN), dtype=jnp.float32)
    edge_index = jax.random.randint(k2, (2, E), 0, N, dtype=jnp.int32)
    W = jax.random.normal(k3, (D_IN, D_OUT), dtype=jnp.float32) * (1.0 / np.sqrt(D_IN))
    att_src = jax.random.normal(k4, (D_OUT,), dtype=jnp.float32) * 0.1
    att_dst = jax.random.normal(k5, (D_OUT,), dtype=jnp.float32) * 0.1
    bias = jnp.zeros((D_OUT,), dtype=jnp.float32)
    return {"x": x, "edge_index": edge_index, "W": W, "att_src": att_src, "att_dst": att_dst, "bias": bias}


def reference(x, edge_index, W, att_src, att_dst, bias):
    # Single-layer GAT (hidden_channels=[], heads=1), full-graph adjs=[(edge_index, None, (N, N))]
    src = edge_index[0]
    dst = edge_index[1]
    h = x @ W                              # [N, D_OUT] (shared lin for src/dst, heads=1)
    a_src = h @ att_src                    # [N] attention logits, source side
    a_dst = h @ att_dst                    # [N] attention logits, target side
    e = jax.nn.leaky_relu(a_src[src] + a_dst[dst], negative_slope=NEG_SLOPE)  # [E]
    # numerically-stable softmax over incoming edges of each dst node
    e_max = jax.ops.segment_max(e, dst, num_segments=N)
    e_max = jnp.where(jnp.isfinite(e_max), e_max, 0.0)
    p = jnp.exp(e - e_max[dst])
    denom = jax.ops.segment_sum(p, dst, num_segments=N)
    alpha = p / (denom[dst] + 1e-16)       # [E]
    msg = h[src] * alpha[:, None]          # gather + weight
    out = jax.ops.segment_sum(msg, dst, num_segments=N)  # scatter-add aggregate
    return out + bias

if __name__ == "__main__":
    import jax
    _d = setup_inputs()
    print(jax.jit(kernel)(*tuple(_d.values())))

</pallas_src>

<mosaic_0001>
#map = affine_map<(d0, d1) -> (0, 0)>
#map1 = affine_map<(d0, d1) -> (0)>
#map2 = affine_map<(d0, d1) -> (0, 0, 0)>
module attributes {stable_mosaic.version = 14 : i64} {
  func.func @_sc_body(%arg0: i32, %arg1: i32, %arg2: memref<10000x128xf32, #tpu.memory_space<hbm>>, %arg3: memref<320000xi32, #tpu.memory_space<hbm>>, %arg4: memref<320000xi32, #tpu.memory_space<hbm>>, %arg5: memref<10000xf32, #tpu.memory_space<hbm>>, %arg6: memref<10000xf32, #tpu.memory_space<hbm>>, %arg7: memref<2x10000x128xf32, #tpu.memory_space<hbm>>, %arg8: memref<20000xf32, #tpu.memory_space<hbm>>, %arg9: memref<3x128xi32, #tpu.memory_space<vmem>>, %arg10: memref<3x128xi32, #tpu.memory_space<vmem>>, %arg11: memref<2x128xf32, #tpu.memory_space<vmem>>, %arg12: memref<2x128xf32, #tpu.memory_space<vmem>>, %arg13: memref<2x128xf32, #tpu.memory_space<vmem>>, %arg14: memref<2x128x128xf32, #tpu.memory_space<vmem>>, %arg15: memref<10000x128xf32, #tpu.memory_space<vmem_shared>>, %arg16: memref<10000xf32, #tpu.memory_space<vmem_shared>>, %arg17: memref<!tpu.dma_semaphore, #tpu.memory_space<semaphore_mem>>, %arg18: memref<!tpu.dma_semaphore, #tpu.memory_space<semaphore_mem>>, %arg19: memref<!tpu.dma_semaphore, #tpu.memory_space<semaphore_mem>>, %arg20: memref<!tpu.dma_semaphore, #tpu.memory_space<semaphore_mem>>, %arg21: memref<!tpu.dma_semaphore, #tpu.memory_space<semaphore_mem>>) attributes {dimension_semantics = [#tpu.dimension_semantics<core_parallel>, #tpu.dimension_semantics<subcore_parallel>], iteration_bounds = array<i64: 2, 16>, scalar_prefetch = 0 : i64, scratch_operands = 13 : i64, tpu.core_type = #tpu.core_type<sc_vector_subcore>, window_params = [{transform_indices = #map}, {transform_indices = #map1}, {transform_indices = #map1}, {transform_indices = #map1}, {transform_indices = #map1}, {transform_indices = #map2}, {transform_indices = #map1}]} {
    %mul3A = arith.constant 2 : i32
    %mul3A_0 = arith.muli %arg1, %mul3A : i32
    %add3A = arith.addi %mul3A_0, %arg0 : i32
    %scan3A = arith.constant 0 : i32
    %scan3A_1 = arith.constant 0 : i32
    %scan3A_2 = arith.constant 48 : i32
    %scan3A_3 = arith.addi %scan3A_1, %scan3A_2 : i32
    %scan3A_4 = arith.constant 1 : i32
    scf.for %scan3A_407 = %scan3A_1 to %scan3A_3 step %scan3A_4  : i32 {
      %broadcast_in_dim3A_408 = arith.constant 0.000000e+00 : f32
      %broadcast_in_dim3A_409 = vector.broadcast %broadcast_in_dim3A_408 : f32 to vector<16xf32>
      %swap3A_410 = arith.constant 0 : i32
      %swap3A_411 = arith.index_cast %swap3A_410 : i32 to index
      %swap3A_412 = arith.index_cast %scan3A_407 : i32 to index
      %swap3A_413 = arith.constant 0 : index
      %swap3A_414 = tpu.vector_load %arg14[%swap3A_411, %swap3A_412, %swap3A_413] {strides = array<i32>} : memref<2x128x128xf32, #tpu.memory_space<vmem>>, vector<16xf32>,
      tpu.vector_store %arg14[%swap3A_411, %swap3A_412, %swap3A_413], %broadcast_in_dim3A_409 {strides = array<i32>} : memref<2x128x128xf32, #tpu.memory_space<vmem>>, vector<16xf32>,
      %broadcast_in_dim3A_415 = arith.constant 0.000000e+00 : f32
      %broadcast_in_dim3A_416 = vector.broadcast %broadcast_in_dim3A_415 : f32 to vector<16xf32>
      %swap3A_417 = arith.constant 0 : i32
      %swap3A_418 = arith.index_cast %swap3A_417 : i32 to index
      %swap3A_419 = arith.index_cast %scan3A_407 : i32 to index
      %swap3A_420 = arith.constant 16 : index
      %swap3A_421 = tpu.vector_load %arg14[%swap3A_418, %swap3A_419, %swap3A_420] {strides = array<i32>} : memref<2x128x128xf32, #tpu.memory_space<vmem>>, vector<16xf32>,
      tpu.vector_store %arg14[%swap3A_418, %swap3A_419, %swap3A_420], %broadcast_in_dim3A_416 {strides = array<i32>} : memref<2x128x128xf32, #tpu.memory_space<vmem>>, vector<16xf32>,
      %broadcast_in_dim3A_422 = arith.constant 0.000000e+00 : f32
      %broadcast_in_dim3A_423 = vector.broadcast %broadcast_in_dim3A_422 : f32 to vector<16xf32>
      %swap3A_424 = arith.constant 0 : i32
      %swap3A_425 = arith.index_cast %swap3A_424 : i32 to index
      %swap3A_426 = arith.index_cast %scan3A_407 : i32 to index
      %swap3A_427 = arith.constant 32 : index
      %swap3A_428 = tpu.vector_load %arg14[%swap3A_425, %swap3A_426, %swap3A_427] {strides = array<i32>} : memref<2x128x128xf32, #tpu.memory_space<vmem>>, vector<16xf32>,
      tpu.vector_store %arg14[%swap3A_425, %swap3A_426, %swap3A_427], %broadcast_in_dim3A_423 {strides = array<i32>} : memref<2x128x128xf32, #tpu.memory_space<vmem>>, vector<16xf32>,
      %broadcast_in_dim3A_429 = arith.constant 0.000000e+00 : f32
      %broadcast_in_dim3A_430 = vector.broadcast %broadcast_in_dim3A_429 : f32 to vector<16xf32>
      %swap3A_431 = arith.constant 0 : i32
      %swap3A_432 = arith.index_cast %swap3A_431 : i32 to index
      %swap3A_433 = arith.index_cast %scan3A_407 : i32 to index
      %swap3A_434 = arith.constant 48 : index
      %swap3A_435 = tpu.vector_load %arg14[%swap3A_432, %swap3A_433, %swap3A_434] {strides = array<i32>} : memref<2x128x128xf32, #tpu.memory_space<vmem>>, vector<16xf32>,
      tpu.vector_store %arg14[%swap3A_432, %swap3A_433, %swap3A_434], %broadcast_in_dim3A_430 {strides = array<i32>} : memref<2x128x128xf32, #tpu.memory_space<vmem>>, vector<16xf32>,
      %broadcast_in_dim3A_436 = arith.constant 0.000000e+00 : f32
      %broadcast_in_dim3A_437 = vector.broadcast %broadcast_in_dim3A_436 : f32 to vector<16xf32>
      %swap3A_438 = arith.constant 0 : i32
      %swap3A_439 = arith.index_cast %swap3A_438 : i32 to index
      %swap3A_440 = arith.index_cast %scan3A_407 : i32 to index
      %swap3A_441 = arith.constant 64 : index
      %swap3A_442 = tpu.vector_load %arg14[%swap3A_439, %swap3A_440, %swap3A_441] {strides = array<i32>} : memref<2x128x128xf32, #tpu.memory_space<vmem>>, vector<16xf32>,
      tpu.vector_store %arg14[%swap3A_439, %swap3A_440, %swap3A_441], %broadcast_in_dim3A_437 {strides = array<i32>} : memref<2x128x128xf32, #tpu.memory_space<vmem>>, vector<16xf32>,
      %broadcast_in_dim3A_443 = arith.constant 0.000000e+00 : f32
      %broadcast_in_dim3A_444 = vector.broadcast %broadcast_in_dim3A_443 : f32 to vector<16xf32>
      %swap3A_445 = arith.constant 0 : i32
      %swap3A_446 = arith.index_cast %swap3A_445 : i32 to index
      %swap3A_447 = arith.index_cast %scan3A_407 : i32 to index
      %swap3A_448 = arith.constant 80 : index
      %swap3A_449 = tpu.vector_load %arg14[%swap3A_446, %swap3A_447, %swap3A_448] {strides = array<i32>} : memref<2x128x128xf32, #tpu.memory_space<vmem>>, vector<16xf32>,
      tpu.vector_store %arg14[%swap3A_446, %swap3A_447, %swap3A_448], %broadcast_in_dim3A_444 {strides = array<i32>} : memref<2x128x128xf32, #tpu.memory_space<vmem>>, vector<16xf32>,
      %broadcast_in_dim3A_450 = arith.constant 0.000000e+00 : f32
      %broadcast_in_dim3A_451 = vector.broadcast %broadcast_in_dim3A_450 : f32 to vector<16xf32>
      %swap3A_452 = arith.constant 0 : i32
      %swap3A_453 = arith.index_cast %swap3A_452 : i32 to index
      %swap3A_454 = arith.index_cast %scan3A_407 : i32 to index
      %swap3A_455 = arith.constant 96 : index
      %swap3A_456 = tpu.vector_load %arg14[%swap3A_453, %swap3A_454, %swap3A_455] {strides = array<i32>} : memref<2x128x128xf32, #tpu.memory_space<vmem>>, vector<16xf32>,
      tpu.vector_store %arg14[%swap3A_453, %swap3A_454, %swap3A_455], %broadcast_in_dim3A_451 {strides = array<i32>} : memref<2x128x128xf32, #tpu.memory_space<vmem>>, vector<16xf32>,
      %broadcast_in_dim3A_457 = arith.constant 0.000000e+00 : f32
      %broadcast_in_dim3A_458 = vector.broadcast %broadcast_in_dim3A_457 : f32 to vector<16xf32>
      %swap3A_459 = arith.constant 0 : i32
      %swap3A_460 = arith.index_cast %swap3A_459 : i32 to index
      %swap3A_461 = arith.index_cast %scan3A_407 : i32 to index
      %swap3A_462 = arith.constant 112 : index
      %swap3A_463 = tpu.vector_load %arg14[%swap3A_460, %swap3A_461, %swap3A_462] {strides = array<i32>} : memref<2x128x128xf32, #tpu.memory_space<vmem>>, vector<16xf32>,
      tpu.vector_store %arg14[%swap3A_460, %swap3A_461, %swap3A_462], %broadcast_in_dim3A_458 {strides = array<i32>} : memref<2x128x128xf32, #tpu.memory_space<vmem>>, vector<16xf32>,
    }
    %scan3A_5 = arith.constant 48 : i32
    %broadcast_in_dim3A = arith.constant 0.000000e+00 : f32
    %broadcast_in_dim3A_6 = vector.broadcast %broadcast_in_dim3A : f32 to vector<16xf32>
    %swap3A = arith.constant 0 : i32
    %swap3A_7 = arith.index_cast %swap3A : i32 to index
    %swap3A_8 = arith.constant 0 : index
    %swap3A_9 = tpu.vector_load %arg12[%swap3A_7, %swap3A_8] {strides = array<i32>} : memref<2x128xf32, #tpu.memory_space<vmem>>, vector<16xf32>,
    tpu.vector_store %arg12[%swap3A_7, %swap3A_8], %broadcast_in_dim3A_6 {strides = array<i32>} : memref<2x128xf32, #tpu.memory_space<vmem>>, vector<16xf32>,
    %broadcast_in_dim3A_10 = arith.constant 0.000000e+00 : f32
    %broadcast_in_dim3A_11 = vector.broadcast %broadcast_in_dim3A_10 : f32 to vector<16xf32>
    %swap3A_12 = arith.constant 0 : i32
    %swap3A_13 = arith.index_cast %swap3A_12 : i32 to index
    %swap3A_14 = arith.constant 16 : index
    %swap3A_15 = tpu.vector_load %arg12[%swap3A_13, %swap3A_14] {strides = array<i32>} : memref<2x128xf32, #tpu.memory_space<vmem>>, vector<16xf32>,
    tpu.vector_store %arg12[%swap3A_13, %swap3A_14], %broadcast_in_dim3A_11 {strides = array<i32>} : memref<2x128xf32, #tpu.memory_space<vmem>>, vector<16xf32>,
    %broadcast_in_dim3A_16 = arith.constant 0.000000e+00 : f32
    %broadcast_in_dim3A_17 = vector.broadcast %broadcast_in_dim3A_16 : f32 to vector<16xf32>
    %swap3A_18 = arith.constant 0 : i32
    %swap3A_19 = arith.index_cast %swap3A_18 : i32 to index
    %swap3A_20 = arith.constant 32 : index
    %swap3A_21 = tpu.vector_load %arg12[%swap3A_19, %swap3A_20] {strides = array<i32>} : memref<2x128xf32, #tpu.memory_space<vmem>>, vector<16xf32>,
    tpu.vector_store %arg12[%swap3A_19, %swap3A_20], %broadcast_in_dim3A_17 {strides = array<i32>} : memref<2x128xf32, #tpu.memory_space<vmem>>, vector<16xf32>,
    %broadcast_in_dim3A_22 = arith.constant 0.000000e+00 : f32
    %broadcast_in_dim3A_23 = vector.broadcast %broadcast_in_dim3A_22 : f32 to vector<16xf32>
    %swap3A_24 = arith.constant 0 : i32
    %swap3A_25 = arith.index_cast %swap3A_24 : i32 to index
    %swap3A_26 = arith.constant 48 : index
    %swap3A_27 = tpu.vector_load %arg12[%swap3A_25, %swap3A_26] {strides = array<i32>} : memref<2x128xf32, #tpu.memory_space<vmem>>, vector<16xf32>,
    tpu.vector_store %arg12[%swap3A_25, %swap3A_26], %broadcast_in_dim3A_23 {strides = array<i32>} : memref<2x128xf32, #tpu.memory_space<vmem>>, vector<16xf32>,
    %broadcast_in_dim3A_28 = arith.constant 0.000000e+00 : f32
    %broadcast_in_dim3A_29 = vector.broadcast %broadcast_in_dim3A_28 : f32 to vector<16xf32>
    %swap3A_30 = arith.constant 0 : i32
    %swap3A_31 = arith.index_cast %swap3A_30 : i32 to index
    %swap3A_32 = arith.constant 64 : index
    %swap3A_33 = tpu.vector_load %arg12[%swap3A_31, %swap3A_32] {strides = array<i32>} : memref<2x128xf32, #tpu.memory_space<vmem>>, vector<16xf32>,
    tpu.vector_store %arg12[%swap3A_31, %swap3A_32], %broadcast_in_dim3A_29 {strides = array<i32>} : memref<2x128xf32, #tpu.memory_space<vmem>>, vector<16xf32>,
    %broadcast_in_dim3A_34 = arith.constant 0.000000e+00 : f32
    %broadcast_in_dim3A_35 = vector.broadcast %broadcast_in_dim3A_34 : f32 to vector<16xf32>
    %swap3A_36 = arith.constant 0 : i32
    %swap3A_37 = arith.index_cast %swap3A_36 : i32 to index
    %swap3A_38 = arith.constant 80 : index
    %swap3A_39 = tpu.vector_load %arg12[%swap3A_37, %swap3A_38] {strides = array<i32>} : memref<2x128xf32, #tpu.memory_space<vmem>>, vector<16xf32>,
    tpu.vector_store %arg12[%swap3A_37, %swap3A_38], %broadcast_in_dim3A_35 {strides = array<i32>} : memref<2x128xf32, #tpu.memory_space<vmem>>, vector<16xf32>,
    %broadcast_in_dim3A_40 = arith.constant 0.000000e+00 : f32
    %broadcast_in_dim3A_41 = vector.broadcast %broadcast_in_dim3A_40 : f32 to vector<16xf32>
    %swap3A_42 = arith.constant 0 : i32
    %swap3A_43 = arith.index_cast %swap3A_42 : i32 to index
    %swap3A_44 = arith.constant 96 : index
    %swap3A_45 = tpu.vector_load %arg12[%swap3A_43, %swap3A_44] {strides = array<i32>} : memref<2x128xf32, #tpu.memory_space<vmem>>, vector<16xf32>,
    tpu.vector_store %arg12[%swap3A_43, %swap3A_44], %broadcast_in_dim3A_41 {strides = array<i32>} : memref<2x128xf32, #tpu.memory_space<vmem>>, vector<16xf32>,
    %broadcast_in_dim3A_46 = arith.constant 0.000000e+00 : f32
    %broadcast_in_dim3A_47 = vector.broadcast %broadcast_in_dim3A_46 : f32 to vector<16xf32>
    %swap3A_48 = arith.constant 0 : i32
    %swap3A_49 = arith.index_cast %swap3A_48 : i32 to index
    %swap3A_50 = arith.constant 112 : index
    %swap3A_51 = tpu.vector_load %arg12[%swap3A_49, %swap3A_50] {strides = array<i32>} : memref<2x128xf32, #tpu.memory_space<vmem>>, vector<16xf32>,
    tpu.vector_store %arg12[%swap3A_49, %swap3A_50], %broadcast_in_dim3A_47 {strides = array<i32>} : memref<2x128xf32, #tpu.memory_space<vmem>>, vector<16xf32>,
    %mul3A_52 = arith.constant 624 : i32
    %mul3A_53 = arith.muli %arg1, %mul3A_52 : i32
    %scan3A_54 = arith.constant 0 : i32
    %scan3A_55 = arith.constant 0 : i32
    %scan3A_56 = arith.constant 13 : i32
    %scan3A_57 = arith.addi %scan3A_55, %scan3A_56 : i32
    %scan3A_58 = arith.constant 1 : i32
    scf.for %scan3A_407 = %scan3A_55 to %scan3A_57 step %scan3A_58  : i32 {
      %mul3A_408 = arith.constant 48 : i32
      %mul3A_409 = arith.muli %scan3A_407, %mul3A_408 : i32
      %add3A_410 = arith.addi %mul3A_53, %mul3A_409 : i32
      %run_scoped3A_411 = arith.constant 0 : i32
      "tpu.region"() ({
        %run_scoped3A_412 = tpu.sem_alloc : memref<!tpu.dma_semaphore, #tpu.memory_space<semaphore_mem>>
        %dma_start3A_413 = arith.constant 0 : i32
        %dma_start3A_414 = arith.constant 0 : i32
        %dma_start3A_415 = tpu.memref_slice %arg14[%run_scoped3A_411, %dma_start3A_413, %dma_start3A_414] : memref<2x128x128xf32, #tpu.memory_space<vmem>> -> memref<1x48x128xf32, #tpu.memory_space<vmem>>
        %dma_start3A_416 = tpu.memref_squeeze %dma_start3A_415 : memref<1x48x128xf32, #tpu.memory_space<vmem>> -> memref<48x128xf32, #tpu.memory_space<vmem>>
        %dma_start3A_417 = arith.constant 0 : i32
        %dma_start3A_418 = tpu.memref_slice %arg15[%add3A_410, %dma_start3A_417] : memref<10000x128xf32, #tpu.memory_space<vmem_shared>> -> memref<48x128xf32, #tpu.memory_space<vmem_shared>>
        %dma_start3A_419 = arith.constant 0 : i32
        %dma_start3A_420 = tpu.memref_slice %arg15[%add3A_410, %dma_start3A_419] : memref<10000x128xf32, #tpu.memory_space<vmem_shared>> -> memref<48x128xf32, #tpu.memory_space<vmem_shared>>
        %dma_start3A_421 = arith.constant 0 : i32
        %dma_start3A_422 = arith.constant 0 : i32
        %dma_start3A_423 = tpu.memref_slice %arg14[%run_scoped3A_411, %dma_start3A_421, %dma_start3A_422] : memref<2x128x128xf32, #tpu.memory_space<vmem>> -> memref<1x48x128xf32, #tpu.memory_space<vmem>>
        %dma_start3A_424 = tpu.memref_squeeze %dma_start3A_423 : memref<1x48x128xf32, #tpu.memory_space<vmem>> -> memref<48x128xf32, #tpu.memory_space<vmem>>
        tpu.enqueue_dma source(%dma_start3A_424 : memref<48x128xf32, #tpu.memory_space<vmem>>) target(%dma_start3A_420 : memref<48x128xf32, #tpu.memory_space<vmem_shared>>) target_semaphore(%run_scoped3A_412 : memref<!tpu.dma_semaphore, #tpu.memory_space<semaphore_mem>>)
        %dma_wait3A_425 = arith.constant 0 : i32
        %dma_wait3A_426 = arith.constant 0 : i32
        %dma_wait3A_427 = tpu.memref_slice %arg14[%run_scoped3A_411, %dma_wait3A_425, %dma_wait3A_426] : memref<2x128x128xf32, #tpu.memory_space<vmem>> -> memref<1x48x128xf32, #tpu.memory_space<vmem>>
        %dma_wait3A_428 = tpu.memref_squeeze %dma_wait3A_427 : memref<1x48x128xf32, #tpu.memory_space<vmem>> -> memref<48x128xf32, #tpu.memory_space<vmem>>
        %dma_wait3A_429 = arith.constant 0 : i32
        %dma_wait3A_430 = tpu.memref_slice %arg15[%add3A_410, %dma_wait3A_429] : memref<10000x128xf32, #tpu.memory_space<vmem_shared>> -> memref<48x128xf32, #tpu.memory_space<vmem_shared>>
        %dma_wait3A_431 = arith.constant 0 : i32
        %dma_wait3A_432 = tpu.memref_slice %arg15[%add3A_410, %dma_wait3A_431] : memref<10000x128xf32, #tpu.memory_space<vmem_shared>> -> memref<48x128xf32, #tpu.memory_space<vmem_shared>>
        %dma_wait3A_433 = arith.constant 0 : i32
        %dma_wait3A_434 = arith.constant 0 : i32
        %dma_wait3A_435 = tpu.memref_slice %arg14[%run_scoped3A_411, %dma_wait3A_433, %dma_wait3A_434] : memref<2x128x128xf32, #tpu.memory_space<vmem>> -> memref<1x48x128xf32, #tpu.memory_space<vmem>>
        %dma_wait3A_436 = tpu.memref_squeeze %dma_wait3A_435 : memref<1x48x128xf32, #tpu.memory_space<vmem>> -> memref<48x128xf32, #tpu.memory_space<vmem>>
        tpu.wait_dma2 semaphore(%run_scoped3A_412 : memref<!tpu.dma_semaphore, #tpu.memory_space<semaphore_mem>>) src(%dma_wait3A_436 : memref<48x128xf32, #tpu.memory_space<vmem>>) dst(%dma_wait3A_432 : memref<48x128xf32, #tpu.memory_space<vmem_shared>>)
        tpu.yield
      }) : () -> ()
    }
    %scan3A_59 = arith.constant 13 : i32
    %scan3A_60 = arith.constant 0 : i32
    %scan3A_61 = arith.constant 0 : i32
    %scan3A_62 = arith.constant 4 : i32
    %scan3A_63 = arith.addi %scan3A_61, %scan3A_62 : i32
    %scan3A_64 = arith.constant 1 : i32
    scf.for %scan3A_407 = %scan3A_61 to %scan3A_63 step %scan3A_64  : i32 {
      %mul3A_408 = arith.constant 128 : i32
      %mul3A_409 = arith.muli %scan3A_407, %mul3A_408 : i32
      %add3A_410 = arith.addi %mul3A_53, %mul3A_409 : i32
      %run_scoped3A_411 = arith.constant 0 : i32
      "tpu.region"() ({
        %run_scoped3A_412 = tpu.sem_alloc : memref<!tpu.dma_semaphore, #tpu.memory_space<semaphore_mem>>
        %dma_start3A_413 = arith.constant 0 : i32
        %dma_start3A_414 = tpu.memref_slice %arg12[%run_scoped3A_411, %dma_start3A_413] : memref<2x128xf32, #tpu.memory_space<vmem>> -> memref<1x128xf32, #tpu.memory_space<vmem>>
        %dma_start3A_415 = tpu.memref_squeeze %dma_start3A_414 : memref<1x128xf32, #tpu.memory_space<vmem>> -> memref<128xf32, #tpu.memory_space<vmem>>
        %dma_start3A_416 = tpu.memref_slice %arg16[%add3A_410] : memref<10000xf32, #tpu.memory_space<vmem_shared>> -> memref<128xf32, #tpu.memory_space<vmem_shared>>
        %dma_start3A_417 = tpu.memref_slice %arg16[%add3A_410] : memref<10000xf32, #tpu.memory_space<vmem_shared>> -> memref<128xf32, #tpu.memory_space<vmem_shared>>
        %dma_start3A_418 = arith.constant 0 : i32
        %dma_start3A_419 = tpu.memref_slice %arg12[%run_scoped3A_411, %dma_start3A_418] : memref<2x128xf32, #tpu.memory_space<vmem>> -> memref<1x128xf32, #tpu.memory_space<vmem>>
        %dma_start3A_420 = tpu.memref_squeeze %dma_start3A_419 : memref<1x128xf32, #tpu.memory_space<vmem>> -> memref<128xf32, #tpu.memory_space<vmem>>
        tpu.enqueue_dma source(%dma_start3A_420 : memref<128xf32, #tpu.memory_space<vmem>>) target(%dma_start3A_417 : memref<128xf32, #tpu.memory_space<vmem_shared>>) target_semaphore(%run_scoped3A_412 : memref<!tpu.dma_semaphore, #tpu.memory_space<semaphore_mem>>)
        %dma_wait3A_421 = arith.constant 0 : i32
        %dma_wait3A_422 = tpu.memref_slice %arg12[%run_scoped3A_411, %dma_wait3A_421] : memref<2x128xf32, #tpu.memory_space<vmem>> -> memref<1x128xf32, #tpu.memory_space<vmem>>
        %dma_wait3A_423 = tpu.memref_squeeze %dma_wait3A_422 : memref<1x128xf32, #tpu.memory_space<vmem>> -> memref<128xf32, #tpu.memory_space<vmem>>
        %dma_wait3A_424 = tpu.memref_slice %arg16[%add3A_410] : memref<10000xf32, #tpu.memory_space<vmem_shared>> -> memref<128xf32, #tpu.memory_space<vmem_shared>>
        %dma_wait3A_425 = tpu.memref_slice %arg16[%add3A_410] : memref<10000xf32, #tpu.memory_space<vmem_shared>> -> memref<128xf32, #tpu.memory_space<vmem_shared>>
        %dma_wait3A_426 = arith.constant 0 : i32
        %dma_wait3A_427 = tpu.memref_slice %arg12[%run_scoped3A_411, %dma_wait3A_426] : memref<2x128xf32, #tpu.memory_space<vmem>> -> memref<1x128xf32, #tpu.memory_space<vmem>>
        %dma_wait3A_428 = tpu.memref_squeeze %dma_wait3A_427 : memref<1x128xf32, #tpu.memory_space<vmem>> -> memref<128xf32, #tpu.memory_space<vmem>>
        tpu.wait_dma2 semaphore(%run_scoped3A_412 : memref<!tpu.dma_semaphore, #tpu.memory_space<semaphore_mem>>) src(%dma_wait3A_428 : memref<128xf32, #tpu.memory_space<vmem>>) dst(%dma_wait3A_425 : memref<128xf32, #tpu.memory_space<vmem_shared>>)
        tpu.yield
      }) : () -> ()
    }
    %scan3A_65 = arith.constant 4 : i32
    %add3A_66 = arith.constant 512 : i32
    %add3A_67 = arith.addi %mul3A_53, %add3A_66 : i32
    %run_scoped3A = arith.constant 0 : i32
    "tpu.region"() ({
      %run_scoped3A_407 = tpu.sem_alloc : memref<!tpu.dma_semaphore, #tpu.memory_space<semaphore_mem>>
      %dma_start3A_408 = arith.constant 0 : i32
      %dma_start3A_409 = tpu.memref_slice %arg12[%run_scoped3A, %dma_start3A_408] : memref<2x128xf32, #tpu.memory_space<vmem>> -> memref<1x112xf32, #tpu.memory_space<vmem>>
      %dma_start3A_410 = tpu.memref_squeeze %dma_start3A_409 : memref<1x112xf32, #tpu.memory_space<vmem>> -> memref<112xf32, #tpu.memory_space<vmem>>
      %dma_start3A_411 = tpu.memref_slice %arg16[%add3A_67] : memref<10000xf32, #tpu.memory_space<vmem_shared>> -> memref<112xf32, #tpu.memory_space<vmem_shared>>
      %dma_start3A_412 = tpu.memref_slice %arg16[%add3A_67] : memref<10000xf32, #tpu.memory_space<vmem_shared>> -> memref<112xf32, #tpu.memory_space<vmem_shared>>
      %dma_start3A_413 = arith.constant 0 : i32
      %dma_start3A_414 = tpu.memref_slice %arg12[%run_scoped3A, %dma_start3A_413] : memref<2x128xf32, #tpu.memory_space<vmem>> -> memref<1x112xf32, #tpu.memory_space<vmem>>
      %dma_start3A_415 = tpu.memref_squeeze %dma_start3A_414 : memref<1x112xf32, #tpu.memory_space<vmem>> -> memref<112xf32, #tpu.memory_space<vmem>>
      tpu.enqueue_dma source(%dma_start3A_415 : memref<112xf32, #tpu.memory_space<vmem>>) target(%dma_start3A_412 : memref<112xf32, #tpu.memory_space<vmem_shared>>) target_semaphore(%run_scoped3A_407 : memref<!tpu.dma_semaphore, #tpu.memory_space<semaphore_mem>>)
      %dma_wait3A_416 = arith.constant 0 : i32
      %dma_wait3A_417 = tpu.memref_slice %arg12[%run_scoped3A, %dma_wait3A_416] : memref<2x128xf32, #tpu.memory_space<vmem>> -> memref<1x112xf32, #tpu.memory_space<vmem>>
      %dma_wait3A_418 = tpu.memref_squeeze %dma_wait3A_417 : memref<1x112xf32, #tpu.memory_space<vmem>> -> memref<112xf32, #tpu.memory_space<vmem>>
      %dma_wait3A_419 = tpu.memref_slice %arg16[%add3A_67] : memref<10000xf32, #tpu.memory_space<vmem_shared>> -> memref<112xf32, #tpu.memory_space<vmem_shared>>
      %dma_wait3A_420 = tpu.memref_slice %arg16[%add3A_67] : memref<10000xf32, #tpu.memory_space<vmem_shared>> -> memref<112xf32, #tpu.memory_space<vmem_shared>>
      %dma_wait3A_421 = arith.constant 0 : i32
      %dma_wait3A_422 = tpu.memref_slice %arg12[%run_scoped3A, %dma_wait3A_421] : memref<2x128xf32, #tpu.memory_space<vmem>> -> memref<1x112xf32, #tpu.memory_space<vmem>>
      %dma_wait3A_423 = tpu.memref_squeeze %dma_wait3A_422 : memref<1x112xf32, #tpu.memory_space<vmem>> -> memref<112xf32, #tpu.memory_space<vmem>>
      tpu.wait_dma2 semaphore(%run_scoped3A_407 : memref<!tpu.dma_semaphore, #tpu.memory_space<semaphore_mem>>) src(%dma_wait3A_423 : memref<112xf32, #tpu.memory_space<vmem>>) dst(%dma_wait3A_420 : memref<112xf32, #tpu.memory_space<vmem_shared>>)
      tpu.yield
    }) : () -> ()
    %eq3A = arith.constant 0 : i32
    %eq3A_68 = arith.cmpi eq, %arg1, %eq3A : i32
    %convert_element_type3A = arith.extui %eq3A_68 : i1 to i32
    %cond3A = arith.constant 0 : i32
    %cond3A_69 = arith.cmpi ne, %convert_element_type3A, %cond3A : i32
    scf.if %cond3A_69 {
      %run_scoped3A_407 = arith.constant 0 : i32
      "tpu.region"() ({
        %run_scoped3A_409 = tpu.sem_alloc : memref<!tpu.dma_semaphore, #tpu.memory_space<semaphore_mem>>
        %dma_start3A_410 = arith.constant 0 : i32
        %dma_start3A_411 = arith.constant 0 : i32
        %dma_start3A_412 = tpu.memref_slice %arg14[%run_scoped3A_407, %dma_start3A_410, %dma_start3A_411] : memref<2x128x128xf32, #tpu.memory_space<vmem>> -> memref<1x16x128xf32, #tpu.memory_space<vmem>>
        %dma_start3A_413 = tpu.memref_squeeze %dma_start3A_412 : memref<1x16x128xf32, #tpu.memory_space<vmem>> -> memref<16x128xf32, #tpu.memory_space<vmem>>
        %dma_start3A_414 = arith.constant 9984 : i32
        %dma_start3A_415 = arith.constant 0 : i32
        %dma_start3A_416 = tpu.memref_slice %arg15[%dma_start3A_414, %dma_start3A_415] : memref<10000x128xf32, #tpu.memory_space<vmem_shared>> -> memref<16x128xf32, #tpu.memory_space<vmem_shared>>
        %dma_start3A_417 = arith.constant 9984 : i32
        %dma_start3A_418 = arith.constant 0 : i32
        %dma_start3A_419 = tpu.memref_slice %arg15[%dma_start3A_417, %dma_start3A_418] : memref<10000x128xf32, #tpu.memory_space<vmem_shared>> -> memref<16x128xf32, #tpu.memory_space<vmem_shared>>
        %dma_start3A_420 = arith.constant 0 : i32
        %dma_start3A_421 = arith.constant 0 : i32
        %dma_start3A_422 = tpu.memref_slice %arg14[%run_scoped3A_407, %dma_start3A_420, %dma_start3A_421] : memref<2x128x128xf32, #tpu.memory_space<vmem>> -> memref<1x16x128xf32, #tpu.memory_space<vmem>>
        %dma_start3A_423 = tpu.memref_squeeze %dma_start3A_422 : memref<1x16x128xf32, #tpu.memory_space<vmem>> -> memref<16x128xf32, #tpu.memory_space<vmem>>
        tpu.enqueue_dma source(%dma_start3A_423 : memref<16x128xf32, #tpu.memory_space<vmem>>) target(%dma_start3A_419 : memref<16x128xf32, #tpu.memory_space<vmem_shared>>) target_semaphore(%run_scoped3A_409 : memref<!tpu.dma_semaphore, #tpu.memory_space<semaphore_mem>>)
        %dma_wait3A_424 = arith.constant 0 : i32
        %dma_wait3A_425 = arith.constant 0 : i32
        %dma_wait3A_426 = tpu.memref_slice %arg14[%run_scoped3A_407, %dma_wait3A_424, %dma_wait3A_425] : memref<2x128x128xf32, #tpu.memory_space<vmem>> -> memref<1x16x128xf32, #tpu.memory_space<vmem>>
        %dma_wait3A_427 = tpu.memref_squeeze %dma_wait3A_426 : memref<1x16x128xf32, #tpu.memory_space<vmem>> -> memref<16x128xf32, #tpu.memory_space<vmem>>
        %dma_wait3A_428 = arith.constant 9984 : i32
        %dma_wait3A_429 = arith.constant 0 : i32
        %dma_wait3A_430 = tpu.memref_slice %arg15[%dma_wait3A_428, %dma_wait3A_429] : memref<10000x128xf32, #tpu.memory_space<vmem_shared>> -> memref<16x128xf32, #tpu.memory_space<vmem_shared>>
        %dma_wait3A_431 = arith.constant 9984 : i32
        %dma_wait3A_432 = arith.constant 0 : i32
        %dma_wait3A_433 = tpu.memref_slice %arg15[%dma_wait3A_431, %dma_wait3A_432] : memref<10000x128xf32, #tpu.memory_space<vmem_shared>> -> memref<16x128xf32, #tpu.memory_space<vmem_shared>>
        %dma_wait3A_434 = arith.constant 0 : i32
        %dma_wait3A_435 = arith.constant 0 : i32
        %dma_wait3A_436 = tpu.memref_slice %arg14[%run_scoped3A_407, %dma_wait3A_434, %dma_wait3A_435] : memref<2x128x128xf32, #tpu.memory_space<vmem>> -> memref<1x16x128xf32, #tpu.memory_space<vmem>>
        %dma_wait3A_437 = tpu.memref_squeeze %dma_wait3A_436 : memref<1x16x128xf32, #tpu.memory_space<vmem>> -> memref<16x128xf32, #tpu.memory_space<vmem>>
        tpu.wait_dma2 semaphore(%run_scoped3A_409 : memref<!tpu.dma_semaphore, #tpu.memory_space<semaphore_mem>>) src(%dma_wait3A_437 : memref<16x128xf32, #tpu.memory_space<vmem>>) dst(%dma_wait3A_433 : memref<16x128xf32, #tpu.memory_space<vmem_shared>>)
        tpu.yield
      }) : () -> ()
      %run_scoped3A_408 = arith.constant 0 : i32
      "tpu.region"() ({
        %run_scoped3A_409 = tpu.sem_alloc : memref<!tpu.dma_semaphore, #tpu.memory_space<semaphore_mem>>
        %dma_start3A_410 = arith.constant 0 : i32
        %dma_start3A_411 = tpu.memref_slice %arg12[%run_scoped3A_408, %dma_start3A_410] : memref<2x128xf32, #tpu.memory_space<vmem>> -> memref<1x16xf32, #tpu.memory_space<vmem>>
        %dma_start3A_412 = tpu.memref_squeeze %dma_start3A_411 : memref<1x16xf32, #tpu.memory_space<vmem>> -> memref<16xf32, #tpu.memory_space<vmem>>
        %dma_start3A_413 = arith.constant 9984 : i32
        %dma_start3A_414 = tpu.memref_slice %arg16[%dma_start3A_413] : memref<10000xf32, #tpu.memory_space<vmem_shared>> -> memref<16xf32, #tpu.memory_space<vmem_shared>>
        %dma_start3A_415 = arith.constant 9984 : i32
        %dma_start3A_416 = tpu.memref_slice %arg16[%dma_start3A_415] : memref<10000xf32, #tpu.memory_space<vmem_shared>> -> memref<16xf32, #tpu.memory_space<vmem_shared>>
        %dma_start3A_417 = arith.constant 0 : i32
        %dma_start3A_418 = tpu.memref_slice %arg12[%run_scoped3A_408, %dma_start3A_417] : memref<2x128xf32, #tpu.memory_space<vmem>> -> memref<1x16xf32, #tpu.memory_space<vmem>>
        %dma_start3A_419 = tpu.memref_squeeze %dma_start3A_418 : memref<1x16xf32, #tpu.memory_space<vmem>> -> memref<16xf32, #tpu.memory_space<vmem>>
        tpu.enqueue_dma source(%dma_start3A_419 : memref<16xf32, #tpu.memory_space<vmem>>) target(%dma_start3A_416 : memref<16xf32, #tpu.memory_space<vmem_shared>>) target_semaphore(%run_scoped3A_409 : memref<!tpu.dma_semaphore, #tpu.memory_space<semaphore_mem>>)
        %dma_wait3A_420 = arith.constant 0 : i32
        %dma_wait3A_421 = tpu.memref_slice %arg12[%run_scoped3A_408, %dma_wait3A_420] : memref<2x128xf32, #tpu.memory_space<vmem>> -> memref<1x16xf32, #tpu.memory_space<vmem>>
        %dma_wait3A_422 = tpu.memref_squeeze %dma_wait3A_421 : memref<1x16xf32, #tpu.memory_space<vmem>> -> memref<16xf32, #tpu.memory_space<vmem>>
        %dma_wait3A_423 = arith.constant 9984 : i32
        %dma_wait3A_424 = tpu.memref_slice %arg16[%dma_wait3A_423] : memref<10000xf32, #tpu.memory_space<vmem_shared>> -> memref<16xf32, #tpu.memory_space<vmem_shared>>
        %dma_wait3A_425 = arith.constant 9984 : i32
        %dma_wait3A_426 = tpu.memref_slice %arg16[%dma_wait3A_425] : memref<10000xf32, #tpu.memory_space<vmem_shared>> -> memref<16xf32, #tpu.memory_space<vmem_shared>>
        %dma_wait3A_427 = arith.constant 0 : i32
        %dma_wait3A_428 = tpu.memref_slice %arg12[%run_scoped3A_408, %dma_wait3A_427] : memref<2x128xf32, #tpu.memory_space<vmem>> -> memref<1x16xf32, #tpu.memory_space<vmem>>
        %dma_wait3A_429 = tpu.memref_squeeze %dma_wait3A_428 : memref<1x16xf32, #tpu.memory_space<vmem>> -> memref<16xf32, #tpu.memory_space<vmem>>
        tpu.wait_dma2 semaphore(%run_scoped3A_409 : memref<!tpu.dma_semaphore, #tpu.memory_space<semaphore_mem>>) src(%dma_wait3A_429 : memref<16xf32, #tpu.memory_space<vmem>>) dst(%dma_wait3A_426 : memref<16xf32, #tpu.memory_space<vmem_shared>>)
        tpu.yield
      }) : () -> ()
    } else {
    }
    %barrier3A = arith.constant 0 : index
    tpu.barrier barrier_id(%barrier3A)
    %lt3A = arith.constant 4 : i32
    %lt3A_70 = arith.cmpi slt, %add3A, %lt3A : i32
    %jit3A = arith.constant 1 : i32
    %jit3A_71 = arith.constant 0 : i32
    %select_n3A = arith.select %lt3A_70, %jit3A, %jit3A_71 : i32
    %add3A_72 = arith.constant 78 : i32
    %add3A_73 = arith.addi %add3A_72, %select_n3A : i32
    %mul3A_74 = arith.constant 78 : i32
    %mul3A_75 = arith.muli %add3A, %mul3A_74 : i32
    %min3A = arith.constant 4 : i32
    %min3A_76 = arith.minsi %add3A, %min3A : i32
    %add3A_77 = arith.addi %mul3A_75, %min3A_76 : i32
    %add3A_78 = arith.constant 0 : i32
    %add3A_79 = arith.addi %add3A_77, %add3A_78 : i32
    %mul3A_80 = arith.constant 128 : i32
    %mul3A_81 = arith.muli %add3A_79, %mul3A_80 : i32
    %dma_start3A = arith.constant 0 : i32
    %dma_start3A_82 = arith.constant 0 : i32
    %dma_start3A_83 = tpu.memref_slice %arg9[%dma_start3A, %dma_start3A_82] : memref<3x128xi32, #tpu.memory_space<vmem>> -> memref<1x128xi32, #tpu.memory_space<vmem>>
    %dma_start3A_84 = tpu.memref_squeeze %dma_start3A_83 : memref<1x128xi32, #tpu.memory_space<vmem>> -> memref<128xi32, #tpu.memory_space<vmem>>
    %dma_start3A_85 = tpu.memref_slice %arg3[%mul3A_81] : memref<320000xi32, #tpu.memory_space<hbm>> -> memref<128xi32, #tpu.memory_space<hbm>>
    %dma_start3A_86 = arith.constant 0 : i32
    %dma_start3A_87 = tpu.memref_slice %arg9[%dma_start3A, %dma_start3A_86] : memref<3x128xi32, #tpu.memory_space<vmem>> -> memref<1x128xi32, #tpu.memory_space<vmem>>
    %dma_start3A_88 = tpu.memref_squeeze %dma_start3A_87 : memref<1x128xi32, #tpu.memory_space<vmem>> -> memref<128xi32, #tpu.memory_space<vmem>>
    %dma_start3A_89 = tpu.memref_slice %arg3[%mul3A_81] : memref<320000xi32, #tpu.memory_space<hbm>> -> memref<128xi32, #tpu.memory_space<hbm>>
    tpu.enqueue_dma source(%dma_start3A_89 : memref<128xi32, #tpu.memory_space<hbm>>) target(%dma_start3A_88 : memref<128xi32, #tpu.memory_space<vmem>>) target_semaphore(%arg19 : memref<!tpu.dma_semaphore, #tpu.memory_space<semaphore_mem>>)
    %dma_start3A_90 = arith.constant 0 : i32
    %dma_start3A_91 = arith.constant 0 : i32
    %dma_start3A_92 = tpu.memref_slice %arg10[%dma_start3A_90, %dma_start3A_91] : memref<3x128xi32, #tpu.memory_space<vmem>> -> memref<1x128xi32, #tpu.memory_space<vmem>>
    %dma_start3A_93 = tpu.memref_squeeze %dma_start3A_92 : memref<1x128xi32, #tpu.memory_space<vmem>> -> memref<128xi32, #tpu.memory_space<vmem>>
    %dma_start3A_94 = tpu.memref_slice %arg4[%mul3A_81] : memref<320000xi32, #tpu.memory_space<hbm>> -> memref<128xi32, #tpu.memory_space<hbm>>
    %dma_start3A_95 = arith.constant 0 : i32
    %dma_start3A_96 = tpu.memref_slice %arg10[%dma_start3A_90, %dma_start3A_95] : memref<3x128xi32, #tpu.memory_space<vmem>> -> memref<1x128xi32, #tpu.memory_space<vmem>>
    %dma_start3A_97 = tpu.memref_squeeze %dma_start3A_96 : memref<1x128xi32, #tpu.memory_space<vmem>> -> memref<128xi32, #tpu.memory_space<vmem>>
    %dma_start3A_98 = tpu.memref_slice %arg4[%mul3A_81] : memref<320000xi32, #tpu.memory_space<hbm>> -> memref<128xi32, #tpu.memory_space<hbm>>
    tpu.enqueue_dma source(%dma_start3A_98 : memref<128xi32, #tpu.memory_space<hbm>>) target(%dma_start3A_97 : memref<128xi32, #tpu.memory_space<vmem>>) target_semaphore(%arg19 : memref<!tpu.dma_semaphore, #tpu.memory_space<semaphore_mem>>)
    %dma_wait3A = arith.constant 0 : i32
    %dma_wait3A_99 = arith.constant 0 : i32
    %dma_wait3A_100 = tpu.memref_slice %arg9[%dma_wait3A, %dma_wait3A_99] : memref<3x128xi32, #tpu.memory_space<vmem>> -> memref<1x128xi32, #tpu.memory_space<vmem>>
    %dma_wait3A_101 = tpu.memref_squeeze %dma_wait3A_100 : memref<1x128xi32, #tpu.memory_space<vmem>> -> memref<128xi32, #tpu.memory_space<vmem>>
    %dma_wait3A_102 = arith.constant 0 : i32
    %dma_wait3A_103 = tpu.memref_slice %arg3[%dma_wait3A_102] : memref<320000xi32, #tpu.memory_space<hbm>> -> memref<128xi32, #tpu.memory_space<hbm>>
    %dma_wait3A_104 = arith.constant 0 : i32
    %dma_wait3A_105 = tpu.memref_slice %arg9[%dma_wait3A, %dma_wait3A_104] : memref<3x128xi32, #tpu.memory_space<vmem>> -> memref<1x128xi32, #tpu.memory_space<vmem>>
    %dma_wait3A_106 = tpu.memref_squeeze %dma_wait3A_105 : memref<1x128xi32, #tpu.memory_space<vmem>> -> memref<128xi32, #tpu.memory_space<vmem>>
    %dma_wait3A_107 = arith.constant 0 : i32
    %dma_wait3A_108 = tpu.memref_slice %arg3[%dma_wait3A_107] : memref<320000xi32, #tpu.memory_space<hbm>> -> memref<128xi32, #tpu.memory_space<hbm>>
    tpu.wait_dma2 semaphore(%arg19 : memref<!tpu.dma_semaphore, #tpu.memory_space<semaphore_mem>>) src(%dma_wait3A_108 : memref<128xi32, #tpu.memory_space<hbm>>) dst(%dma_wait3A_106 : memref<128xi32, #tpu.memory_space<vmem>>)
    %dma_wait3A_109 = arith.constant 0 : i32
    %dma_wait3A_110 = arith.constant 0 : i32
    %dma_wait3A_111 = tpu.memref_slice %arg10[%dma_wait3A_109, %dma_wait3A_110] : memref<3x128xi32, #tpu.memory_space<vmem>> -> memref<1x128xi32, #tpu.memory_space<vmem>>
    %dma_wait3A_112 = tpu.memref_squeeze %dma_wait3A_111 : memref<1x128xi32, #tpu.memory_space<vmem>> -> memref<128xi32, #tpu.memory_space<vmem>>
    %dma_wait3A_113 = arith.constant 0 : i32
    %dma_wait3A_114 = tpu.memref_slice %arg4[%dma_wait3A_113] : memref<320000xi32, #tpu.memory_space<hbm>> -> memref<128xi32, #tpu.memory_space<hbm>>
    %dma_wait3A_115 = arith.constant 0 : i32
    %dma_wait3A_116 = tpu.memref_slice %arg10[%dma_wait3A_109, %dma_wait3A_115] : memref<3x128xi32, #tpu.memory_space<vmem>> -> memref<1x128xi32, #tpu.memory_space<vmem>>
    %dma_wait3A_117 = tpu.memref_squeeze %dma_wait3A_116 : memref<1x128xi32, #tpu.memory_space<vmem>> -> memref<128xi32, #tpu.memory_space<vmem>>
    %dma_wait3A_118 = arith.constant 0 : i32
    %dma_wait3A_119 = tpu.memref_slice %arg4[%dma_wait3A_118] : memref<320000xi32, #tpu.memory_space<hbm>> -> memref<128xi32, #tpu.memory_space<hbm>>
    tpu.wait_dma2 semaphore(%arg19 : memref<!tpu.dma_semaphore, #tpu.memory_space<semaphore_mem>>) src(%dma_wait3A_119 : memref<128xi32, #tpu.memory_space<hbm>>) dst(%dma_wait3A_117 : memref<128xi32, #tpu.memory_space<vmem>>)
    %dma_start3A_120 = arith.constant 0 : i32
    %dma_start3A_121 = arith.constant 0 : i32
    %dma_start3A_122 = arith.constant 0 : i32
    %dma_start3A_123 = tpu.memref_slice %arg12[%dma_start3A_121, %dma_start3A_122] : memref<2x128xf32, #tpu.memory_space<vmem>> -> memref<1x128xf32, #tpu.memory_space<vmem>>
    %dma_start3A_124 = tpu.memref_squeeze %dma_start3A_123 : memref<1x128xf32, #tpu.memory_space<vmem>> -> memref<128xf32, #tpu.memory_space<vmem>>
    %dma_start3A_125 = arith.constant 0 : i32
    %dma_start3A_126 = tpu.memref_slice %arg9[%dma_start3A_120, %dma_start3A_125] : memref<3x128xi32, #tpu.memory_space<vmem>> -> memref<1x128xi32, #tpu.memory_space<vmem>>
    %dma_start3A_127 = tpu.memref_squeeze %dma_start3A_126 : memref<1x128xi32, #tpu.memory_space<vmem>> -> memref<128xi32, #tpu.memory_space<vmem>>
    %dma_start3A_128 = arith.constant 0 : i32
    %dma_start3A_129 = tpu.memref_slice %arg5[%dma_start3A_128] : memref<10000xf32, #tpu.memory_space<hbm>> -> memref<10000xf32, #tpu.memory_space<hbm>>
    tpu.enqueue_indirect_dma source(%dma_start3A_129 : memref<10000xf32, #tpu.memory_space<hbm>>) target(%dma_start3A_124 : memref<128xf32, #tpu.memory_space<vmem>>) offsets(%dma_start3A_127 : memref<128xi32, #tpu.memory_space<vmem>>) semaphore(%arg20 : memref<!tpu.dma_semaphore, #tpu.memory_space<semaphore_mem>>)
    %dma_start3A_130 = arith.constant 0 : i32
    %dma_start3A_131 = arith.constant 0 : i32
    %dma_start3A_132 = arith.constant 0 : i32
    %dma_start3A_133 = tpu.memref_slice %arg13[%dma_start3A_131, %dma_start3A_132] : memref<2x128xf32, #tpu.memory_space<vmem>> -> memref<1x128xf32, #tpu.memory_space<vmem>>
    %dma_start3A_134 = tpu.memref_squeeze %dma_start3A_133 : memref<1x128xf32, #tpu.memory_space<vmem>> -> memref<128xf32, #tpu.memory_space<vmem>>
    %dma_start3A_135 = arith.constant 0 : i32
    %dma_start3A_136 = tpu.memref_slice %arg10[%dma_start3A_130, %dma_start3A_135] : memref<3x128xi32, #tpu.memory_space<vmem>> -> memref<1x128xi32, #tpu.memory_space<vmem>>
    %dma_start3A_137 = tpu.memref_squeeze %dma_start3A_136 : memref<1x128xi32, #tpu.memory_space<vmem>> -> memref<128xi32, #tpu.memory_space<vmem>>
    %dma_start3A_138 = arith.constant 0 : i32
    %dma_start3A_139 = tpu.memref_slice %arg6[%dma_start3A_138] : memref<10000xf32, #tpu.memory_space<hbm>> -> memref<10000xf32, #tpu.memory_space<hbm>>
    tpu.enqueue_indirect_dma source(%dma_start3A_139 : memref<10000xf32, #tpu.memory_space<hbm>>) target(%dma_start3A_134 : memref<128xf32, #tpu.memory_space<vmem>>) offsets(%dma_start3A_137 : memref<128xi32, #tpu.memory_space<vmem>>) semaphore(%arg20 : memref<!tpu.dma_semaphore, #tpu.memory_space<semaphore_mem>>)
    %dma_start3A_140 = arith.constant 0 : i32
    %dma_start3A_141 = arith.constant 0 : i32
    %dma_start3A_142 = arith.constant 0 : i32
    %dma_start3A_143 = arith.constant 0 : i32
    %dma_start3A_144 = tpu.memref_slice %arg14[%dma_start3A_141, %dma_start3A_142, %dma_start3A_143] : memref<2x128x128xf32, #tpu.memory_space<vmem>> -> memref<1x128x128xf32, #tpu.memory_space<vmem>>
    %dma_start3A_145 = tpu.memref_squeeze %dma_start3A_144 : memref<1x128x128xf32, #tpu.memory_space<vmem>> -> memref<128x128xf32, #tpu.memory_space<vmem>>
    %dma_start3A_146 = arith.constant 0 : i32
    %dma_start3A_147 = tpu.memref_slice %arg9[%dma_start3A_140, %dma_start3A_146] : memref<3x128xi32, #tpu.memory_space<vmem>> -> memref<1x128xi32, #tpu.memory_space<vmem>>
    %dma_start3A_148 = tpu.memref_squeeze %dma_start3A_147 : memref<1x128xi32, #tpu.memory_space<vmem>> -> memref<128xi32, #tpu.memory_space<vmem>>
    %dma_start3A_149 = arith.constant 0 : i32
    %dma_start3A_150 = arith.constant 0 : i32
    %dma_start3A_151 = tpu.memref_slice %arg2[%dma_start3A_149, %dma_start3A_150] : memref<10000x128xf32, #tpu.memory_space<hbm>> -> memref<10000x128xf32, #tpu.memory_space<hbm>>
    tpu.enqueue_indirect_dma source(%dma_start3A_151 : memref<10000x128xf32, #tpu.memory_space<hbm>>) target(%dma_start3A_145 : memref<128x128xf32, #tpu.memory_space<vmem>>) offsets(%dma_start3A_148 : memref<128xi32, #tpu.memory_space<vmem>>) semaphore(%arg17 : memref<!tpu.dma_semaphore, #tpu.memory_space<semaphore_mem>>)
    %add3A_152 = arith.constant 1 : i32
    %add3A_153 = arith.addi %add3A_77, %add3A_152 : i32
    %mul3A_154 = arith.constant 128 : i32
    %mul3A_155 = arith.muli %add3A_153, %mul3A_154 : i32
    %dma_start3A_156 = arith.constant 1 : i32
    %dma_start3A_157 = arith.constant 0 : i32
    %dma_start3A_158 = tpu.memref_slice %arg9[%dma_start3A_156, %dma_start3A_157] : memref<3x128xi32, #tpu.memory_space<vmem>> -> memref<1x128xi32, #tpu.memory_space<vmem>>
    %dma_start3A_159 = tpu.memref_squeeze %dma_start3A_158 : memref<1x128xi32, #tpu.memory_space<vmem>> -> memref<128xi32, #tpu.memory_space<vmem>>
    %dma_start3A_160 = tpu.memref_slice %arg3[%mul3A_155] : memref<320000xi32, #tpu.memory_space<hbm>> -> memref<128xi32, #tpu.memory_space<hbm>>
    %dma_start3A_161 = arith.constant 0 : i32
    %dma_start3A_162 = tpu.memref_slice %arg9[%dma_start3A_156, %dma_start3A_161] : memref<3x128xi32, #tpu.memory_space<vmem>> -> memref<1x128xi32, #tpu.memory_space<vmem>>
    %dma_start3A_163 = tpu.memref_squeeze %dma_start3A_162 : memref<1x128xi32, #tpu.memory_space<vmem>> -> memref<128xi32, #tpu.memory_space<vmem>>
    %dma_start3A_164 = tpu.memref_slice %arg3[%mul3A_155] : memref<320000xi32, #tpu.memory_space<hbm>> -> memref<128xi32, #tpu.memory_space<hbm>>
    tpu.enqueue_dma source(%dma_start3A_164 : memref<128xi32, #tpu.memory_space<hbm>>) target(%dma_start3A_163 : memref<128xi32, #tpu.memory_space<vmem>>) target_semaphore(%arg19 : memref<!tpu.dma_semaphore, #tpu.memory_space<semaphore_mem>>)
    %dma_start3A_165 = arith.constant 1 : i32
    %dma_start3A_166 = arith.constant 0 : i32
    %dma_start3A_167 = tpu.memref_slice %arg10[%dma_start3A_165, %dma_start3A_166] : memref<3x128xi32, #tpu.memory_space<vmem>> -> memref<1x128xi32, #tpu.memory_space<vmem>>
    %dma_start3A_168 = tpu.memref_squeeze %dma_start3A_167 : memref<1x128xi32, #tpu.memory_space<vmem>> -> memref<128xi32, #tpu.memory_space<vmem>>
    %dma_start3A_169 = tpu.memref_slice %arg4[%mul3A_155] : memref<320000xi32, #tpu.memory_space<hbm>> -> memref<128xi32, #tpu.memory_space<hbm>>
    %dma_start3A_170 = arith.constant 0 : i32
    %dma_start3A_171 = tpu.memref_slice %arg10[%dma_start3A_165, %dma_start3A_170] : memref<3x128xi32, #tpu.memory_space<vmem>> -> memref<1x128xi32, #tpu.memory_space<vmem>>
    %dma_start3A_172 = tpu.memref_squeeze %dma_start3A_171 : memref<1x128xi32, #tpu.memory_space<vmem>> -> memref<128xi32, #tpu.memory_space<vmem>>
    %dma_start3A_173 = tpu.memref_slice %arg4[%mul3A_155] : memref<320000xi32, #tpu.memory_space<hbm>> -> memref<128xi32, #tpu.memory_space<hbm>>
    tpu.enqueue_dma source(%dma_start3A_173 : memref<128xi32, #tpu.memory_space<hbm>>) target(%dma_start3A_172 : memref<128xi32, #tpu.memory_space<vmem>>) target_semaphore(%arg19 : memref<!tpu.dma_semaphore, #tpu.memory_space<semaphore_mem>>)
    %sub3A = arith.constant 1 : i32
    %sub3A_174 = arith.subi %add3A_73, %sub3A : i32
    %while3A = arith.constant 0 : i32
    %while3A_175 = arith.constant 0 : i32
    %while3A_176 = arith.subi %sub3A_174, %while3A_175 : i32
    %while3A_177 = arith.addi %while3A_175, %while3A_176 : i32
    %while3A_178 = arith.constant 1 : i32
    %while3A_179 = arith.divsi %while3A_176, %while3A_178 : i32
    %while3A_180 = arith.muli %while3A_179, %while3A_178 : i32
    %while3A_181 = arith.addi %while3A_175, %while3A_180 : i32
    %while3A_182 = arith.constant 1 : i32
    scf.for %while3A_407 = %while3A_175 to %while3A_181 step %while3A_182  : i32 {
      %rem3A_408 = arith.constant 2 : i32
      %rem3A_409 = arith.remsi %while3A_407, %rem3A_408 : i32
      %sub3A_410 = arith.constant 1 : i32
      %sub3A_411 = arith.subi %sub3A_410, %rem3A_409 : i32
      %rem3A_412 = arith.constant 3 : i32
      %rem3A_413 = arith.remsi %while3A_407, %rem3A_412 : i32
      %add3A_414 = arith.constant 1 : i32
      %add3A_415 = arith.addi %while3A_407, %add3A_414 : i32
      %rem3A_416 = arith.constant 3 : i32
      %rem3A_417 = arith.remsi %add3A_415, %rem3A_416 : i32
      %add3A_418 = arith.constant 2 : i32
      %add3A_419 = arith.addi %while3A_407, %add3A_418 : i32
      %rem3A_420 = arith.constant 3 : i32
      %rem3A_421 = arith.remsi %add3A_419, %rem3A_420 : i32
      %dma_wait3A_422 = arith.constant 0 : i32
      %dma_wait3A_423 = tpu.memref_slice %arg12[%rem3A_409, %dma_wait3A_422] : memref<2x128xf32, #tpu.memory_space<vmem>> -> memref<1x128xf32, #tpu.memory_space<vmem>>
      %dma_wait3A_424 = tpu.memref_squeeze %dma_wait3A_423 : memref<1x128xf32, #tpu.memory_space<vmem>> -> memref<128xf32, #tpu.memory_space<vmem>>
      %dma_wait3A_425 = arith.constant 0 : i32
      %dma_wait3A_426 = tpu.memref_slice %arg9[%rem3A_413, %dma_wait3A_425] : memref<3x128xi32, #tpu.memory_space<vmem>> -> memref<1x128xi32, #tpu.memory_space<vmem>>
      %dma_wait3A_427 = tpu.memref_squeeze %dma_wait3A_426 : memref<1x128xi32, #tpu.memory_space<vmem>> -> memref<128xi32, #tpu.memory_space<vmem>>
      %dma_wait3A_428 = arith.constant 0 : i32
      %dma_wait3A_429 = tpu.memref_slice %arg5[%dma_wait3A_428] : memref<10000xf32, #tpu.memory_space<hbm>> -> memref<10000xf32, #tpu.memory_space<hbm>>
      tpu.wait_indirect_dma semaphore(%arg20 : memref<!tpu.dma_semaphore, #tpu.memory_space<semaphore_mem>>) src(%dma_wait3A_429 : memref<10000xf32, #tpu.memory_space<hbm>>) dst(%dma_wait3A_424 : memref<128xf32, #tpu.memory_space<vmem>>)
      %dma_wait3A_430 = arith.constant 0 : i32
      %dma_wait3A_431 = tpu.memref_slice %arg13[%rem3A_409, %dma_wait3A_430] : memref<2x128xf32, #tpu.memory_space<vmem>> -> memref<1x128xf32, #tpu.memory_space<vmem>>
      %dma_wait3A_432 = tpu.memref_squeeze %dma_wait3A_431 : memref<1x128xf32, #tpu.memory_space<vmem>> -> memref<128xf32, #tpu.memory_space<vmem>>
      %dma_wait3A_433 = arith.constant 0 : i32
      %dma_wait3A_434 = tpu.memref_slice %arg10[%rem3A_413, %dma_wait3A_433] : memref<3x128xi32, #tpu.memory_space<vmem>> -> memref<1x128xi32, #tpu.memory_space<vmem>>
      %dma_wait3A_435 = tpu.memref_squeeze %dma_wait3A_434 : memref<1x128xi32, #tpu.memory_space<vmem>> -> memref<128xi32, #tpu.memory_space<vmem>>
      %dma_wait3A_436 = arith.constant 0 : i32
      %dma_wait3A_437 = tpu.memref_slice %arg6[%dma_wait3A_436] : memref<10000xf32, #tpu.memory_space<hbm>> -> memref<10000xf32, #tpu.memory_space<hbm>>
      tpu.wait_indirect_dma semaphore(%arg20 : memref<!tpu.dma_semaphore, #tpu.memory_space<semaphore_mem>>) src(%dma_wait3A_437 : memref<10000xf32, #tpu.memory_space<hbm>>) dst(%dma_wait3A_432 : memref<128xf32, #tpu.memory_space<vmem>>)
      %get3A_438 = arith.index_cast %rem3A_409 : i32 to index
      %get3A_439 = arith.constant 0 : index
      %get3A_440 = tpu.vector_load %arg12[%get3A_438, %get3A_439] {strides = array<i32>} : memref<2x128xf32, #tpu.memory_space<vmem>>, vector<16xf32>,
      %get3A_441 = arith.index_cast %rem3A_409 : i32 to index
      %get3A_442 = arith.constant 0 : index
      %get3A_443 = tpu.vector_load %arg13[%get3A_441, %get3A_442] {strides = array<i32>} : memref<2x128xf32, #tpu.memory_space<vmem>>, vector<16xf32>,
      %add3A_444 = arith.addf %get3A_440, %get3A_443 : vector<16xf32>
      %mul3A_445 = arith.constant 2.000000e-01 : f32
      %mul3A_446 = vector.broadcast %mul3A_445 : f32 to vector<16xf32>
      %mul3A_447 = arith.mulf %add3A_444, %mul3A_446 : vector<16xf32>
      %max3A_448 = arith.maximumf %add3A_444, %mul3A_447 : vector<16xf32>
      %exp3A_449 = math.exp %max3A_448 : vector<16xf32>
      %swap3A_450 = arith.index_cast %rem3A_409 : i32 to index
      %swap3A_451 = arith.constant 0 : index
      %swap3A_452 = tpu.vector_load %arg11[%swap3A_450, %swap3A_451] {strides = array<i32>} : memref<2x128xf32, #tpu.memory_space<vmem>>, vector<16xf32>,
      tpu.vector_store %arg11[%swap3A_450, %swap3A_451], %exp3A_449 {strides = array<i32>} : memref<2x128xf32, #tpu.memory_space<vmem>>, vector<16xf32>,
      %get3A_453 = arith.index_cast %rem3A_409 : i32 to index
      %get3A_454 = arith.constant 16 : index
      %get3A_455 = tpu.vector_load %arg12[%get3A_453, %get3A_454] {strides = array<i32>} : memref<2x128xf32, #tpu.memory_space<vmem>>, vector<16xf32>,
      %get3A_456 = arith.index_cast %rem3A_409 : i32 to index
      %get3A_457 = arith.constant 16 : index
      %get3A_458 = tpu.vector_load %arg13[%get3A_456, %get3A_457] {strides = array<i32>} : memref<2x128xf32, #tpu.memory_space<vmem>>, vector<16xf32>,
      %add3A_459 = arith.addf %get3A_455, %get3A_458 : vector<16xf32>
      %mul3A_460 = arith.constant 2.000000e-01 : f32
      %mul3A_461 = vector.broadcast %mul3A_460 : f32 to vector<16xf32>
      %mul3A_462 = arith.mulf %add3A_459, %mul3A_461 : vector<16xf32>
      %max3A_463 = arith.maximumf %add3A_459, %mul3A_462 : vector<16xf32>
      %exp3A_464 = math.exp %max3A_463 : vector<16xf32>
      %swap3A_465 = arith.index_cast %rem3A_409 : i32 to index
      %swap3A_466 = arith.constant 16 : index
      %swap3A_467 = tpu.vector_load %arg11[%swap3A_465, %swap3A_466] {strides = array<i32>} : memref<2x128xf32, #tpu.memory_space<vmem>>, vector<16xf32>,
      tpu.vector_store %arg11[%swap3A_465, %swap3A_466], %exp3A_464 {strides = array<i32>} : memref<2x128xf32, #tpu.memory_space<vmem>>, vector<16xf32>,
      %get3A_468 = arith.index_cast %rem3A_409 : i32 to index
      %get3A_469 = arith.constant 32 : index
      %get3A_470 = tpu.vector_load %arg12[%get3A_468, %get3A_469] {strides = array<i32>} : memref<2x128xf32, #tpu.memory_space<vmem>>, vector<16xf32>,
      %get3A_471 = arith.index_cast %rem3A_409 : i32 to index
      %get3A_472 = arith.constant 32 : index
      %get3A_473 = tpu.vector_load %arg13[%get3A_471, %get3A_472] {strides = array<i32>} : memref<2x128xf32, #tpu.memory_space<vmem>>, vector<16xf32>,
      %add3A_474 = arith.addf %get3A_470, %get3A_473 : vector<16xf32>
      %mul3A_475 = arith.constant 2.000000e-01 : f32
      %mul3A_476 = vector.broadcast %mul3A_475 : f32 to vector<16xf32>
      %mul3A_477 = arith.mulf %add3A_474, %mul3A_476 : vector<16xf32>
      %max3A_478 = arith.maximumf %add3A_474, %mul3A_477 : vector<16xf32>
      %exp3A_479 = math.exp %max3A_478 : vector<16xf32>
      %swap3A_480 = arith.index_cast %rem3A_409 : i32 to index
      %swap3A_481 = arith.constant 32 : index
      %swap3A_482 = tpu.vector_load %arg11[%swap3A_480, %swap3A_481] {strides = array<i32>} : memref<2x128xf32, #tpu.memory_space<vmem>>, vector<16xf32>,
      tpu.vector_store %arg11[%swap3A_480, %swap3A_481], %exp3A_479 {strides = array<i32>} : memref<2x128xf32, #tpu.memory_space<vmem>>, vector<16xf32>,
      %get3A_483 = arith.index_cast %rem3A_409 : i32 to index
      %get3A_484 = arith.constant 48 : index
      %get3A_485 = tpu.vector_load %arg12[%get3A_483, %get3A_484] {strides = array<i32>} : memref<2x128xf32, #tpu.memory_space<vmem>>, vector<16xf32>,
      %get3A_486 = arith.index_cast %rem3A_409 : i32 to index
      %get3A_487 = arith.constant 48 : index
      %get3A_488 = tpu.vector_load %arg13[%get3A_486, %get3A_487] {strides = array<i32>} : memref<2x128xf32, #tpu.memory_space<vmem>>, vector<16xf32>,
      %add3A_489 = arith.addf %get3A_485, %get3A_488 : vector<16xf32>
      %mul3A_490 = arith.constant 2.000000e-01 : f32
      %mul3A_491 = vector.broadcast %mul3A_490 : f32 to vector<16xf32>
      %mul3A_492 = arith.mulf %add3A_489, %mul3A_491 : vector<16xf32>
      %max3A_493 = arith.maximumf %add3A_489, %mul3A_492 : vector<16xf32>
      %exp3A_494 = math.exp %max3A_493 : vector<16xf32>
      %swap3A_495 = arith.index_cast %rem3A_409 : i32 to index
      %swap3A_496 = arith.constant 48 : index
      %swap3A_497 = tpu.vector_load %arg11[%swap3A_495, %swap3A_496] {strides = array<i32>} : memref<2x128xf32, #tpu.memory_space<vmem>>, vector<16xf32>,
      tpu.vector_store %arg11[%swap3A_495, %swap3A_496], %exp3A_494 {strides = array<i32>} : memref<2x128xf32, #tpu.memory_space<vmem>>, vector<16xf32>,
      %get3A_498 = arith.index_cast %rem3A_409 : i32 to index
      %get3A_499 = arith.constant 64 : index
      %get3A_500 = tpu.vector_load %arg12[%get3A_498, %get3A_499] {strides = array<i32>} : memref<2x128xf32, #tpu.memory_space<vmem>>, vector<16xf32>,
      %get3A_501 = arith.index_cast %rem3A_409 : i32 to index
      %get3A_502 = arith.constant 64 : index
      %get3A_503 = tpu.vector_load %arg13[%get3A_501, %get3A_502] {strides = array<i32>} : memref<2x128xf32, #tpu.memory_space<vmem>>, vector<16xf32>,
      %add3A_504 = arith.addf %get3A_500, %get3A_503 : vector<16xf32>
      %mul3A_505 = arith.constant 2.000000e-01 : f32
      %mul3A_506 = vector.broadcast %mul3A_505 : f32 to vector<16xf32>
      %mul3A_507 = arith.mulf %add3A_504, %mul3A_506 : vector<16xf32>
      %max3A_508 = arith.maximumf %add3A_504, %mul3A_507 : vector<16xf32>
      %exp3A_509 = math.exp %max3A_508 : vector<16xf32>
      %swap3A_510 = arith.index_cast %rem3A_409 : i32 to index
      %swap3A_511 = arith.constant 64 : index
      %swap3A_512 = tpu.vector_load %arg11[%swap3A_510, %swap3A_511] {strides = array<i32>} : memref<2x128xf32, #tpu.memory_space<vmem>>, vector<16xf32>,
      tpu.vector_store %arg11[%swap3A_510, %swap3A_511], %exp3A_509 {strides = array<i32>} : memref<2x128xf32, #tpu.memory_space<vmem>>, vector<16xf32>,
      %get3A_513 = arith.index_cast %rem3A_409 : i32 to index
      %get3A_514 = arith.constant 80 : index
      %get3A_515 = tpu.vector_load %arg12[%get3A_513, %get3A_514] {strides = array<i32>} : memref<2x128xf32, #tpu.memory_space<vmem>>, vector<16xf32>,
      %get3A_516 = arith.index_cast %rem3A_409 : i32 to index
      %get3A_517 = arith.constant 80 : index
      %get3A_518 = tpu.vector_load %arg13[%get3A_516, %get3A_517] {strides = array<i32>} : memref<2x128xf32, #tpu.memory_space<vmem>>, vector<16xf32>,
      %add3A_519 = arith.addf %get3A_515, %get3A_518 : vector<16xf32>
      %mul3A_520 = arith.constant 2.000000e-01 : f32
      %mul3A_521 = vector.broadcast %mul3A_520 : f32 to vector<16xf32>
      %mul3A_522 = arith.mulf %add3A_519, %mul3A_521 : vector<16xf32>
      %max3A_523 = arith.maximumf %add3A_519, %mul3A_522 : vector<16xf32>
      %exp3A_524 = math.exp %max3A_523 : vector<16xf32>
      %swap3A_525 = arith.index_cast %rem3A_409 : i32 to index
      %swap3A_526 = arith.constant 80 : index
      %swap3A_527 = tpu.vector_load %arg11[%swap3A_525, %swap3A_526] {strides = array<i32>} : memref<2x128xf32, #tpu.memory_space<vmem>>, vector<16xf32>,
      tpu.vector_store %arg11[%swap3A_525, %swap3A_526], %exp3A_524 {strides = array<i32>} : memref<2x128xf32, #tpu.memory_space<vmem>>, vector<16xf32>,
      %get3A_528 = arith.index_cast %rem3A_409 : i32 to index
      %get3A_529 = arith.constant 96 : index
      %get3A_530 = tpu.vector_load %arg12[%get3A_528, %get3A_529] {strides = array<i32>} : memref<2x128xf32, #tpu.memory_space<vmem>>, vector<16xf32>,
      %get3A_531 = arith.index_cast %rem3A_409 : i32 to index
      %get3A_532 = arith.constant 96 : index
      %get3A_533 = tpu.vector_load %arg13[%get3A_531, %get3A_532] {strides = array<i32>} : memref<2x128xf32, #tpu.memory_space<vmem>>, vector<16xf32>,
      %add3A_534 = arith.addf %get3A_530, %get3A_533 : vector<16xf32>
      %mul3A_535 = arith.constant 2.000000e-01 : f32
      %mul3A_536 = vector.broadcast %mul3A_535 : f32 to vector<16xf32>
      %mul3A_537 = arith.mulf %add3A_534, %mul3A_536 : vector<16xf32>
      %max3A_538 = arith.maximumf %add3A_534, %mul3A_537 : vector<16xf32>
      %exp3A_539 = math.exp %max3A_538 : vector<16xf32>
      %swap3A_540 = arith.index_cast %rem3A_409 : i32 to index
      %swap3A_541 = arith.constant 96 : index
      %swap3A_542 = tpu.vector_load %arg11[%swap3A_540, %swap3A_541] {strides = array<i32>} : memref<2x128xf32, #tpu.memory_space<vmem>>, vector<16xf32>,
      tpu.vector_store %arg11[%swap3A_540, %swap3A_541], %exp3A_539 {strides = array<i32>} : memref<2x128xf32, #tpu.memory_space<vmem>>, vector<16xf32>,
      %get3A_543 = arith.index_cast %rem3A_409 : i32 to index
      %get3A_544 = arith.constant 112 : index
      %get3A_545 = tpu.vector_load %arg12[%get3A_543, %get3A_544] {strides = array<i32>} : memref<2x128xf32, #tpu.memory_space<vmem>>, vector<16xf32>,
      %get3A_546 = arith.index_cast %rem3A_409 : i32 to index
      %get3A_547 = arith.constant 112 : index
      %get3A_548 = tpu.vector_load %arg13[%get3A_546, %get3A_547] {strides = array<i32>} : memref<2x128xf32, #tpu.memory_space<vmem>>, vector<16xf32>,
      %add3A_549 = arith.addf %get3A_545, %get3A_548 : vector<16xf32>
      %mul3A_550 = arith.constant 2.000000e-01 : f32
      %mul3A_551 = vector.broadcast %mul3A_550 : f32 to vector<16xf32>
      %mul3A_552 = arith.mulf %add3A_549, %mul3A_551 : vector<16xf32>
      %max3A_553 = arith.maximumf %add3A_549, %mul3A_552 : vector<16xf32>
      %exp3A_554 = math.exp %max3A_553 : vector<16xf32>
      %swap3A_555 = arith.index_cast %rem3A_409 : i32 to index
      %swap3A_556 = arith.constant 112 : index
      %swap3A_557 = tpu.vector_load %arg11[%swap3A_555, %swap3A_556] {strides = array<i32>} : memref<2x128xf32, #tpu.memory_space<vmem>>, vector<16xf32>,
      tpu.vector_store %arg11[%swap3A_555, %swap3A_556], %exp3A_554 {strides = array<i32>} : memref<2x128xf32, #tpu.memory_space<vmem>>, vector<16xf32>,
      %dma_start3A_558 = arith.constant 0 : i32
      %dma_start3A_559 = tpu.memref_slice %arg11[%rem3A_409, %dma_start3A_558] : memref<2x128xf32, #tpu.memory_space<vmem>> -> memref<1x128xf32, #tpu.memory_space<vmem>>
      %dma_start3A_560 = tpu.memref_squeeze %dma_start3A_559 : memref<1x128xf32, #tpu.memory_space<vmem>> -> memref<128xf32, #tpu.memory_space<vmem>>
      %dma_start3A_561 = arith.constant 0 : i32
      %dma_start3A_562 = tpu.memref_slice %arg10[%rem3A_413, %dma_start3A_561] : memref<3x128xi32, #tpu.memory_space<vmem>> -> memref<1x128xi32, #tpu.memory_space<vmem>>
      %dma_start3A_563 = tpu.memref_squeeze %dma_start3A_562 : memref<1x128xi32, #tpu.memory_space<vmem>> -> memref<128xi32, #tpu.memory_space<vmem>>
      %dma_start3A_564 = arith.constant 0 : i32
      %dma_start3A_565 = tpu.memref_slice %arg16[%dma_start3A_564] : memref<10000xf32, #tpu.memory_space<vmem_shared>> -> memref<10000xf32, #tpu.memory_space<vmem_shared>>
      tpu.enqueue_indirect_dma source(%dma_start3A_560 : memref<128xf32, #tpu.memory_space<vmem>>) target(%dma_start3A_565 : memref<10000xf32, #tpu.memory_space<vmem_shared>>) offsets(%dma_start3A_563 : memref<128xi32, #tpu.memory_space<vmem>>) semaphore(%arg21 : memref<!tpu.dma_semaphore, #tpu.memory_space<semaphore_mem>>) {add = true}
      %dma_wait3A_566 = arith.constant 0 : i32
      %dma_wait3A_567 = arith.constant 0 : i32
      %dma_wait3A_568 = tpu.memref_slice %arg14[%rem3A_409, %dma_wait3A_566, %dma_wait3A_567] : memref<2x128x128xf32, #tpu.memory_space<vmem>> -> memref<1x128x128xf32, #tpu.memory_space<vmem>>
      %dma_wait3A_569 = tpu.memref_squeeze %dma_wait3A_568 : memref<1x128x128xf32, #tpu.memory_space<vmem>> -> memref<128x128xf32, #tpu.memory_space<vmem>>
      %dma_wait3A_570 = arith.constant 0 : i32
      %dma_wait3A_571 = tpu.memref_slice %arg9[%rem3A_413, %dma_wait3A_570] : memref<3x128xi32, #tpu.memory_space<vmem>> -> memref<1x128xi32, #tpu.memory_space<vmem>>
      %dma_wait3A_572 = tpu.memref_squeeze %dma_wait3A_571 : memref<1x128xi32, #tpu.memory_space<vmem>> -> memref<128xi32, #tpu.memory_space<vmem>>
      %dma_wait3A_573 = arith.constant 0 : i32
      %dma_wait3A_574 = arith.constant 0 : i32
      %dma_wait3A_575 = tpu.memref_slice %arg2[%dma_wait3A_573, %dma_wait3A_574] : memref<10000x128xf32, #tpu.memory_space<hbm>> -> memref<10000x128xf32, #tpu.memory_space<hbm>>
      tpu.wait_indirect_dma semaphore(%arg17 : memref<!tpu.dma_semaphore, #tpu.memory_space<semaphore_mem>>) src(%dma_wait3A_575 : memref<10000x128xf32, #tpu.memory_space<hbm>>) dst(%dma_wait3A_569 : memref<128x128xf32, #tpu.memory_space<vmem>>)
      %ge3A = arith.constant 1 : i32
      %ge3A_576 = arith.cmpi sge, %while3A_407, %ge3A : i32
      %convert_element_type3A_577 = arith.extui %ge3A_576 : i1 to i32
      %cond3A_578 = arith.constant 0 : i32
      %cond3A_579 = arith.cmpi ne, %convert_element_type3A_577, %cond3A_578 : i32
      scf.if %cond3A_579 {
        %dma_wait3A_648 = arith.constant 0 : i32
        %dma_wait3A_649 = arith.constant 0 : i32
        %dma_wait3A_650 = tpu.memref_slice %arg14[%sub3A_411, %dma_wait3A_648, %dma_wait3A_649] : memref<2x128x128xf32, #tpu.memory_space<vmem>> -> memref<1x128x128xf32, #tpu.memory_space<vmem>>
        %dma_wait3A_651 = tpu.memref_squeeze %dma_wait3A_650 : memref<1x128x128xf32, #tpu.memory_space<vmem>> -> memref<128x128xf32, #tpu.memory_space<vmem>>
        %dma_wait3A_652 = arith.constant 0 : i32
        %dma_wait3A_653 = tpu.memref_slice %arg10[%rem3A_421, %dma_wait3A_652] : memref<3x128xi32, #tpu.memory_space<vmem>> -> memref<1x128xi32, #tpu.memory_space<vmem>>
        %dma_wait3A_654 = tpu.memref_squeeze %dma_wait3A_653 : memref<1x128xi32, #tpu.memory_space<vmem>> -> memref<128xi32, #tpu.memory_space<vmem>>
        %dma_wait3A_655 = arith.constant 0 : i32
        %dma_wait3A_656 = arith.constant 0 : i32
        %dma_wait3A_657 = tpu.memref_slice %arg15[%dma_wait3A_655, %dma_wait3A_656] : memref<10000x128xf32, #tpu.memory_space<vmem_shared>> -> memref<10000x128xf32, #tpu.memory_space<vmem_shared>>
        tpu.wait_indirect_dma semaphore(%arg18 : memref<!tpu.dma_semaphore, #tpu.memory_space<semaphore_mem>>) src(%dma_wait3A_651 : memref<128x128xf32, #tpu.memory_space<vmem>>) dst(%dma_wait3A_657 : memref<10000x128xf32, #tpu.memory_space<vmem_shared>>)
        %dma_wait3A_658 = arith.constant 0 : i32
        %dma_wait3A_659 = tpu.memref_slice %arg11[%sub3A_411, %dma_wait3A_658] : memref<2x128xf32, #tpu.memory_space<vmem>> -> memref<1x128xf32, #tpu.memory_space<vmem>>
        %dma_wait3A_660 = tpu.memref_squeeze %dma_wait3A_659 : memref<1x128xf32, #tpu.memory_space<vmem>> -> memref<128xf32, #tpu.memory_space<vmem>>
        %dma_wait3A_661 = arith.constant 0 : i32
        %dma_wait3A_662 = tpu.memref_slice %arg10[%rem3A_421, %dma_wait3A_661] : memref<3x128xi32, #tpu.memory_space<vmem>> -> memref<1x128xi32, #tpu.memory_space<vmem>>
        %dma_wait3A_663 = tpu.memref_squeeze %dma_wait3A_662 : memref<1x128xi32, #tpu.memory_space<vmem>> -> memref<128xi32, #tpu.memory_space<vmem>>
        %dma_wait3A_664 = arith.constant 0 : i32
        %dma_wait3A_665 = tpu.memref_slice %arg16[%dma_wait3A_664] : memref<10000xf32, #tpu.memory_space<vmem_shared>> -> memref<10000xf32, #tpu.memory_space<vmem_shared>>
        tpu.wait_indirect_dma semaphore(%arg21 : memref<!tpu.dma_semaphore, #tpu.memory_space<semaphore_mem>>) src(%dma_wait3A_660 : memref<128xf32, #tpu.memory_space<vmem>>) dst(%dma_wait3A_665 : memref<10000xf32, #tpu.memory_space<vmem_shared>>)
      } else {
      }
      %add3A_580 = arith.constant 2 : i32
      %add3A_581 = arith.addi %while3A_407, %add3A_580 : i32
      %lt3A_582 = arith.cmpi slt, %add3A_581, %add3A_73 : i32
      %convert_element_type3A_583 = arith.extui %lt3A_582 : i1 to i32
      %cond3A_584 = arith.constant 0 : i32
      %cond3A_585 = arith.cmpi ne, %convert_element_type3A_583, %cond3A_584 : i32
      scf.if %cond3A_585 {
        %add3A_648 = arith.constant 2 : i32
        %add3A_649 = arith.addi %while3A_407, %add3A_648 : i32
        %add3A_650 = arith.addi %add3A_77, %add3A_649 : i32
        %mul3A_651 = arith.constant 128 : i32
        %mul3A_652 = arith.muli %add3A_650, %mul3A_651 : i32
        %dma_start3A_653 = arith.constant 0 : i32
        %dma_start3A_654 = tpu.memref_slice %arg9[%rem3A_421, %dma_start3A_653] : memref<3x128xi32, #tpu.memory_space<vmem>> -> memref<1x128xi32, #tpu.memory_space<vmem>>
        %dma_start3A_655 = tpu.memref_squeeze %dma_start3A_654 : memref<1x128xi32, #tpu.memory_space<vmem>> -> memref<128xi32, #tpu.memory_space<vmem>>
        %dma_start3A_656 = tpu.memref_slice %arg3[%mul3A_652] : memref<320000xi32, #tpu.memory_space<hbm>> -> memref<128xi32, #tpu.memory_space<hbm>>
        %dma_start3A_657 = arith.constant 0 : i32
        %dma_start3A_658 = tpu.memref_slice %arg9[%rem3A_421, %dma_start3A_657] : memref<3x128xi32, #tpu.memory_space<vmem>> -> memref<1x128xi32, #tpu.memory_space<vmem>>
        %dma_start3A_659 = tpu.memref_squeeze %dma_start3A_658 : memref<1x128xi32, #tpu.memory_space<vmem>> -> memref<128xi32, #tpu.memory_space<vmem>>
        %dma_start3A_660 = tpu.memref_slice %arg3[%mul3A_652] : memref<320000xi32, #tpu.memory_space<hbm>> -> memref<128xi32, #tpu.memory_space<hbm>>
        tpu.enqueue_dma source(%dma_start3A_660 : memref<128xi32, #tpu.memory_space<hbm>>) target(%dma_start3A_659 : memref<128xi32, #tpu.memory_space<vmem>>) target_semaphore(%arg19 : memref<!tpu.dma_semaphore, #tpu.memory_space<semaphore_mem>>)
        %dma_start3A_661 = arith.constant 0 : i32
        %dma_start3A_662 = tpu.memref_slice %arg10[%rem3A_421, %dma_start3A_661] : memref<3x128xi32, #tpu.memory_space<vmem>> -> memref<1x128xi32, #tpu.memory_space<vmem>>
        %dma_start3A_663 = tpu.memref_squeeze %dma_start3A_662 : memref<1x128xi32, #tpu.memory_space<vmem>> -> memref<128xi32, #tpu.memory_space<vmem>>
        %dma_start3A_664 = tpu.memref_slice %arg4[%mul3A_652] : memref<320000xi32, #tpu.memory_space<hbm>> -> memref<128xi32, #tpu.memory_space<hbm>>
        %dma_start3A_665 = arith.constant 0 : i32
        %dma_start3A_666 = tpu.memref_slice %arg10[%rem3A_421, %dma_start3A_665] : memref<3x128xi32, #tpu.memory_space<vmem>> -> memref<1x128xi32, #tpu.memory_space<vmem>>
        %dma_start3A_667 = tpu.memref_squeeze %dma_start3A_666 : memref<1x128xi32, #tpu.memory_space<vmem>> -> memref<128xi32, #tpu.memory_space<vmem>>
        %dma_start3A_668 = tpu.memref_slice %arg4[%mul3A_652] : memref<320000xi32, #tpu.memory_space<hbm>> -> memref<128xi32, #tpu.memory_space<hbm>>
        tpu.enqueue_dma source(%dma_start3A_668 : memref<128xi32, #tpu.memory_space<hbm>>) target(%dma_start3A_667 : memref<128xi32, #tpu.memory_space<vmem>>) target_semaphore(%arg19 : memref<!tpu.dma_semaphore, #tpu.memory_space<semaphore_mem>>)
      } else {
      }
      %dma_wait3A_586 = arith.constant 0 : i32
      %dma_wait3A_587 = tpu.memref_slice %arg9[%rem3A_417, %dma_wait3A_586] : memref<3x128xi32, #tpu.memory_space<vmem>> -> memref<1x128xi32, #tpu.memory_space<vmem>>
      %dma_wait3A_588 = tpu.memref_squeeze %dma_wait3A_587 : memref<1x128xi32, #tpu.memory_space<vmem>> -> memref<128xi32, #tpu.memory_space<vmem>>
      %dma_wait3A_589 = arith.constant 0 : i32
      %dma_wait3A_590 = tpu.memref_slice %arg3[%dma_wait3A_589] : memref<320000xi32, #tpu.memory_space<hbm>> -> memref<128xi32, #tpu.memory_space<hbm>>
      %dma_wait3A_591 = arith.constant 0 : i32
      %dma_wait3A_592 = tpu.memref_slice %arg9[%rem3A_417, %dma_wait3A_591] : memref<3x128xi32, #tpu.memory_space<vmem>> -> memref<1x128xi32, #tpu.memory_space<vmem>>
      %dma_wait3A_593 = tpu.memref_squeeze %dma_wait3A_592 : memref<1x128xi32, #tpu.memory_space<vmem>> -> memref<128xi32, #tpu.memory_space<vmem>>
      %dma_wait3A_594 = arith.constant 0 : i32
      %dma_wait3A_595 = tpu.memref_slice %arg3[%dma_wait3A_594] : memref<320000xi32, #tpu.memory_space<hbm>> -> memref<128xi32, #tpu.memory_space<hbm>>
      tpu.wait_dma2 semaphore(%arg19 : memref<!tpu.dma_semaphore, #tpu.memory_space<semaphore_mem>>) src(%dma_wait3A_595 : memref<128xi32, #tpu.memory_space<hbm>>) dst(%dma_wait3A_593 : memref<128xi32, #tpu.memory_space<vmem>>)
      %dma_wait3A_596 = arith.constant 0 : i32
      %dma_wait3A_597 = tpu.memref_slice %arg10[%rem3A_417, %dma_wait3A_596] : memref<3x128xi32, #tpu.memory_space<vmem>> -> memref<1x128xi32, #tpu.memory_space<vmem>>
      %dma_wait3A_598 = tpu.memref_squeeze %dma_wait3A_597 : memref<1x128xi32, #tpu.memory_space<vmem>> -> memref<128xi32, #tpu.memory_space<vmem>>
      %dma_wait3A_599 = arith.constant 0 : i32
      %dma_wait3A_600 = tpu.memref_slice %arg4[%dma_wait3A_599] : memref<320000xi32, #tpu.memory_space<hbm>> -> memref<128xi32, #tpu.memory_space<hbm>>
      %dma_wait3A_601 = arith.constant 0 : i32
      %dma_wait3A_602 = tpu.memref_slice %arg10[%rem3A_417, %dma_wait3A_601] : memref<3x128xi32, #tpu.memory_space<vmem>> -> memref<1x128xi32, #tpu.memory_space<vmem>>
      %dma_wait3A_603 = tpu.memref_squeeze %dma_wait3A_602 : memref<1x128xi32, #tpu.memory_space<vmem>> -> memref<128xi32, #tpu.memory_space<vmem>>
      %dma_wait3A_604 = arith.constant 0 : i32
      %dma_wait3A_605 = tpu.memref_slice %arg4[%dma_wait3A_604] : memref<320000xi32, #tpu.memory_space<hbm>> -> memref<128xi32, #tpu.memory_space<hbm>>
      tpu.wait_dma2 semaphore(%arg19 : memref<!tpu.dma_semaphore, #tpu.memory_space<semaphore_mem>>) src(%dma_wait3A_605 : memref<128xi32, #tpu.memory_space<hbm>>) dst(%dma_wait3A_603 : memref<128xi32, #tpu.memory_space<vmem>>)
      %dma_start3A_606 = arith.constant 0 : i32
      %dma_start3A_607 = tpu.memref_slice %arg12[%sub3A_411, %dma_start3A_606] : memref<2x128xf32, #tpu.memory_space<vmem>> -> memref<1x128xf32, #tpu.memory_space<vmem>>
      %dma_start3A_608 = tpu.memref_squeeze %dma_start3A_607 : memref<1x128xf32, #tpu.memory_space<vmem>> -> memref<128xf32, #tpu.memory_space<vmem>>
      %dma_start3A_609 = arith.constant 0 : i32
      %dma_start3A_610 = tpu.memref_slice %arg9[%rem3A_417, %dma_start3A_609] : memref<3x128xi32, #tpu.memory_space<vmem>> -> memref<1x128xi32, #tpu.memory_space<vmem>>
      %dma_start3A_611 = tpu.memref_squeeze %dma_start3A_610 : memref<1x128xi32, #tpu.memory_space<vmem>> -> memref<128xi32, #tpu.memory_space<vmem>>
      %dma_start3A_612 = arith.constant 0 : i32
      %dma_start3A_613 = tpu.memref_slice %arg5[%dma_start3A_612] : memref<10000xf32, #tpu.memory_space<hbm>> -> memref<10000xf32, #tpu.memory_space<hbm>>
      tpu.enqueue_indirect_dma source(%dma_start3A_613 : memref<10000xf32, #tpu.memory_space<hbm>>) target(%dma_start3A_608 : memref<128xf32, #tpu.memory_space<vmem>>) offsets(%dma_start3A_611 : memref<128xi32, #tpu.memory_space<vmem>>) semaphore(%arg20 : memref<!tpu.dma_semaphore, #tpu.memory_space<semaphore_mem>>)
      %dma_start3A_614 = arith.constant 0 : i32
      %dma_start3A_615 = tpu.memref_slice %arg13[%sub3A_411, %dma_start3A_614] : memref<2x128xf32, #tpu.memory_space<vmem>> -> memref<1x128xf32, #tpu.memory_space<vmem>>
      %dma_start3A_616 = tpu.memref_squeeze %dma_start3A_615 : memref<1x128xf32, #tpu.memory_space<vmem>> -> memref<128xf32, #tpu.memory_space<vmem>>
      %dma_start3A_617 = arith.constant 0 : i32
      %dma_start3A_618 = tpu.memref_slice %arg10[%rem3A_417, %dma_start3A_617] : memref<3x128xi32, #tpu.memory_space<vmem>> -> memref<1x128xi32, #tpu.memory_space<vmem>>
      %dma_start3A_619 = tpu.memref_squeeze %dma_start3A_618 : memref<1x128xi32, #tpu.memory_space<vmem>> -> memref<128xi32, #tpu.memory_space<vmem>>
      %dma_start3A_620 = arith.constant 0 : i32
      %dma_start3A_621 = tpu.memref_slice %arg6[%dma_start3A_620] : memref<10000xf32, #tpu.memory_space<hbm>> -> memref<10000xf32, #tpu.memory_space<hbm>>
      tpu.enqueue_indirect_dma source(%dma_start3A_621 : memref<10000xf32, #tpu.memory_space<hbm>>) target(%dma_start3A_616 : memref<128xf32, #tpu.memory_space<vmem>>) offsets(%dma_start3A_619 : memref<128xi32, #tpu.memory_space<vmem>>) semaphore(%arg20 : memref<!tpu.dma_semaphore, #tpu.memory_space<semaphore_mem>>)
      %dma_start3A_622 = arith.constant 0 : i32
      %dma_start3A_623 = arith.constant 0 : i32
      %dma_start3A_624 = tpu.memref_slice %arg14[%sub3A_411, %dma_start3A_622, %dma_start3A_623] : memref<2x128x128xf32, #tpu.memory_space<vmem>> -> memref<1x128x128xf32, #tpu.memory_space<vmem>>
      %dma_start3A_625 = tpu.memref_squeeze %dma_start3A_624 : memref<1x128x128xf32, #tpu.memory_space<vmem>> -> memref<128x128xf32, #tpu.memory_space<vmem>>
      %dma_start3A_626 = arith.constant 0 : i32
      %dma_start3A_627 = tpu.memref_slice %arg9[%rem3A_417, %dma_start3A_626] : memref<3x128xi32, #tpu.memory_space<vmem>> -> memref<1x128xi32, #tpu.memory_space<vmem>>
      %dma_start3A_628 = tpu.memref_squeeze %dma_start3A_627 : memref<1x128xi32, #tpu.memory_space<vmem>> -> memref<128xi32, #tpu.memory_space<vmem>>
      %dma_start3A_629 = arith.constant 0 : i32
      %dma_start3A_630 = arith.constant 0 : i32
      %dma_start3A_631 = tpu.memref_slice %arg2[%dma_start3A_629, %dma_start3A_630] : memref<10000x128xf32, #tpu.memory_space<hbm>> -> memref<10000x128xf32, #tpu.memory_space<hbm>>
      tpu.enqueue_indirect_dma source(%dma_start3A_631 : memref<10000x128xf32, #tpu.memory_space<hbm>>) target(%dma_start3A_625 : memref<128x128xf32, #tpu.memory_space<vmem>>) offsets(%dma_start3A_628 : memref<128xi32, #tpu.memory_space<vmem>>) semaphore(%arg17 : memref<!tpu.dma_semaphore, #tpu.memory_space<semaphore_mem>>)
      %scan3A_632 = arith.constant 0 : i32
      %scan3A_633 = arith.constant 0 : i32
      %scan3A_634 = arith.constant 32 : i32
      %scan3A_635 = arith.addi %scan3A_633, %scan3A_634 : i32
      %scan3A_636 = arith.constant 1 : i32
      scf.for %scan3A_648 = %scan3A_633 to %scan3A_635 step %scan3A_636  : i32 {
        %mul3A_649 = arith.constant 4 : i32
        %mul3A_650 = arith.muli %scan3A_648, %mul3A_649 : i32
        %add3A_651 = arith.constant 0 : i32
        %add3A_652 = arith.addi %mul3A_650, %add3A_651 : i32
        %broadcast_in_dim3A_653 = vector.broadcast %add3A_652 : i32 to vector<16xi32>
        %gather3A = arith.constant 0 : i32
        %gather3A_654 = tpu.memref_slice %arg11[%rem3A_409, %gather3A] : memref<2x128xf32, #tpu.memory_space<vmem>> -> memref<1x128xf32, #tpu.memory_space<vmem>>
        %gather3A_655 = tpu.memref_squeeze %gather3A_654 : memref<1x128xf32, #tpu.memory_space<vmem>> -> memref<128xf32, #tpu.memory_space<vmem>>
        %gather3A_656 = tpu.vector_load_idx %gather3A_655[%broadcast_in_dim3A_653] : memref<128xf32, #tpu.memory_space<vmem>>[vector<16xi32>], vector<16xf32>,
        %get3A_657 = arith.index_cast %rem3A_409 : i32 to index
        %get3A_658 = arith.index_cast %add3A_652 : i32 to index
        %get3A_659 = arith.constant 0 : index
        %get3A_660 = tpu.vector_load %arg14[%get3A_657, %get3A_658, %get3A_659] {strides = array<i32>} : memref<2x128x128xf32, #tpu.memory_space<vmem>>, vector<16xf32>,
        %mul3A_661 = arith.mulf %get3A_660, %gather3A_656 : vector<16xf32>
        %swap3A_662 = arith.index_cast %rem3A_409 : i32 to index
        %swap3A_663 = arith.index_cast %add3A_652 : i32 to index
        %swap3A_664 = arith.constant 0 : index
        %swap3A_665 = tpu.vector_load %arg14[%swap3A_662, %swap3A_663, %swap3A_664] {strides = array<i32>} : memref<2x128x128xf32, #tpu.memory_space<vmem>>, vector<16xf32>,
        tpu.vector_store %arg14[%swap3A_662, %swap3A_663, %swap3A_664], %mul3A_661 {strides = array<i32>} : memref<2x128x128xf32, #tpu.memory_space<vmem>>, vector<16xf32>,
        %get3A_666 = arith.index_cast %rem3A_409 : i32 to index
        %get3A_667 = arith.index_cast %add3A_652 : i32 to index
        %get3A_668 = arith.constant 16 : index
        %get3A_669 = tpu.vector_load %arg14[%get3A_666, %get3A_667, %get3A_668] {strides = array<i32>} : memref<2x128x128xf32, #tpu.memory_space<vmem>>, vector<16xf32>,
        %mul3A_670 = arith.mulf %get3A_669, %gather3A_656 : vector<16xf32>
        %swap3A_671 = arith.index_cast %rem3A_409 : i32 to index
        %swap3A_672 = arith.index_cast %add3A_652 : i32 to index
        %swap3A_673 = arith.constant 16 : index
        %swap3A_674 = tpu.vector_load %arg14[%swap3A_671, %swap3A_672, %swap3A_673] {strides = array<i32>} : memref<2x128x128xf32, #tpu.memory_space<vmem>>, vector<16xf32>,
        tpu.vector_store %arg14[%swap3A_671, %swap3A_672, %swap3A_673], %mul3A_670 {strides = array<i32>} : memref<2x128x128xf32, #tpu.memory_space<vmem>>, vector<16xf32>,
        %get3A_675 = arith.index_cast %rem3A_409 : i32 to index
        %get3A_676 = arith.index_cast %add3A_652 : i32 to index
        %get3A_677 = arith.constant 32 : index
        %get3A_678 = tpu.vector_load %arg14[%get3A_675, %get3A_676, %get3A_677] {strides = array<i32>} : memref<2x128x128xf32, #tpu.memory_space<vmem>>, vector<16xf32>,
        %mul3A_679 = arith.mulf %get3A_678, %gather3A_656 : vector<16xf32>
        %swap3A_680 = arith.index_cast %rem3A_409 : i32 to index
        %swap3A_681 = arith.index_cast %add3A_652 : i32 to index
        %swap3A_682 = arith.constant 32 : index
        %swap3A_683 = tpu.vector_load %arg14[%swap3A_680, %swap3A_681, %swap3A_682] {strides = array<i32>} : memref<2x128x128xf32, #tpu.memory_space<vmem>>, vector<16xf32>,
        tpu.vector_store %arg14[%swap3A_680, %swap3A_681, %swap3A_682], %mul3A_679 {strides = array<i32>} : memref<2x128x128xf32, #tpu.memory_space<vmem>>, vector<16xf32>,
        %get3A_684 = arith.index_cast %rem3A_409 : i32 to index
        %get3A_685 = arith.index_cast %add3A_652 : i32 to index
        %get3A_686 = arith.constant 48 : index
        %get3A_687 = tpu.vector_load %arg14[%get3A_684, %get3A_685, %get3A_686] {strides = array<i32>} : memref<2x128x128xf32, #tpu.memory_space<vmem>>, vector<16xf32>,
        %mul3A_688 = arith.mulf %get3A_687, %gather3A_656 : vector<16xf32>
        %swap3A_689 = arith.index_cast %rem3A_409 : i32 to index
        %swap3A_690 = arith.index_cast %add3A_652 : i32 to index
        %swap3A_691 = arith.constant 48 : index
        %swap3A_692 = tpu.vector_load %arg14[%swap3A_689, %swap3A_690, %swap3A_691] {strides = array<i32>} : memref<2x128x128xf32, #tpu.memory_space<vmem>>, vector<16xf32>,
        tpu.vector_store %arg14[%swap3A_689, %swap3A_690, %swap3A_691], %mul3A_688 {strides = array<i32>} : memref<2x128x128xf32, #tpu.memory_space<vmem>>, vector<16xf32>,
        %get3A_693 = arith.index_cast %rem3A_409 : i32 to index
        %get3A_694 = arith.index_cast %add3A_652 : i32 to index
        %get3A_695 = arith.constant 64 : index
        %get3A_696 = tpu.vector_load %arg14[%get3A_693, %get3A_694, %get3A_695] {strides = array<i32>} : memref<2x128x128xf32, #tpu.memory_space<vmem>>, vector<16xf32>,
        %mul3A_697 = arith.mulf %get3A_696, %gather3A_656 : vector<16xf32>
        %swap3A_698 = arith.index_cast %rem3A_409 : i32 to index
        %swap3A_699 = arith.index_cast %add3A_652 : i32 to index
        %swap3A_700 = arith.constant 64 : index
        %swap3A_701 = tpu.vector_load %arg14[%swap3A_698, %swap3A_699, %swap3A_700] {strides = array<i32>} : memref<2x128x128xf32, #tpu.memory_space<vmem>>, vector<16xf32>,
        tpu.vector_store %arg14[%swap3A_698, %swap3A_699, %swap3A_700], %mul3A_697 {strides = array<i32>} : memref<2x128x128xf32, #tpu.memory_space<vmem>>, vector<16xf32>,
        %get3A_702 = arith.index_cast %rem3A_409 : i32 to index
        %get3A_703 = arith.index_cast %add3A_652 : i32 to index
        %get3A_704 = arith.constant 80 : index
        %get3A_705 = tpu.vector_load %arg14[%get3A_702, %get3A_703, %get3A_704] {strides = array<i32>} : memref<2x128x128xf32, #tpu.memory_space<vmem>>, vector<16xf32>,
        %mul3A_706 = arith.mulf %get3A_705, %gather3A_656 : vector<16xf32>
        %swap3A_707 = arith.index_cast %rem3A_409 : i32 to index
        %swap3A_708 = arith.index_cast %add3A_652 : i32 to index
        %swap3A_709 = arith.constant 80 : index
        %swap3A_710 = tpu.vector_load %arg14[%swap3A_707, %swap3A_708, %swap3A_709] {strides = array<i32>} : memref<2x128x128xf32, #tpu.memory_space<vmem>>, vector<16xf32>,
        tpu.vector_store %arg14[%swap3A_707, %swap3A_708, %swap3A_709], %mul3A_706 {strides = array<i32>} : memref<2x128x128xf32, #tpu.memory_space<vmem>>, vector<16xf32>,
        %get3A_711 = arith.index_cast %rem3A_409 : i32 to index
        %get3A_712 = arith.index_cast %add3A_652 : i32 to index
        %get3A_713 = arith.constant 96 : index
        %get3A_714 = tpu.vector_load %arg14[%get3A_711, %get3A_712, %get3A_713] {strides = array<i32>} : memref<2x128x128xf32, #tpu.memory_space<vmem>>, vector<16xf32>,
        %mul3A_715 = arith.mulf %get3A_714, %gather3A_656 : vector<16xf32>
        %swap3A_716 = arith.index_cast %rem3A_409 : i32 to index
        %swap3A_717 = arith.index_cast %add3A_652 : i32 to index
        %swap3A_718 = arith.constant 96 : index
        %swap3A_719 = tpu.vector_load %arg14[%swap3A_716, %swap3A_717, %swap3A_718] {strides = array<i32>} : memref<2x128x128xf32, #tpu.memory_space<vmem>>, vector<16xf32>,
        tpu.vector_store %arg14[%swap3A_716, %swap3A_717, %swap3A_718], %mul3A_715 {strides = array<i32>} : memref<2x128x128xf32, #tpu.memory_space<vmem>>, vector<16xf32>,
        %get3A_720 = arith.index_cast %rem3A_409 : i32 to index
        %get3A_721 = arith.index_cast %add3A_652 : i32 to index
        %get3A_722 = arith.constant 112 : index
        %get3A_723 = tpu.vector_load %arg14[%get3A_720, %get3A_721, %get3A_722] {strides = array<i32>} : memref<2x128x128xf32, #tpu.memory_space<vmem>>, vector<16xf32>,
        %mul3A_724 = arith.mulf %get3A_723, %gather3A_656 : vector<16xf32>
        %swap3A_725 = arith.index_cast %rem3A_409 : i32 to index
        %swap3A_726 = arith.index_cast %add3A_652 : i32 to index
        %swap3A_727 = arith.constant 112 : index
        %swap3A_728 = tpu.vector_load %arg14[%swap3A_725, %swap3A_726, %swap3A_727] {strides = array<i32>} : memref<2x128x128xf32, #tpu.memory_space<vmem>>, vector<16xf32>,
        tpu.vector_store %arg14[%swap3A_725, %swap3A_726, %swap3A_727], %mul3A_724 {strides = array<i32>} : memref<2x128x128xf32, #tpu.memory_space<vmem>>, vector<16xf32>,
        %mul3A_729 = arith.constant 4 : i32
        %mul3A_730 = arith.muli %scan3A_648, %mul3A_729 : i32
        %add3A_731 = arith.constant 1 : i32
        %add3A_732 = arith.addi %mul3A_730, %add3A_731 : i32
        %broadcast_in_dim3A_733 = vector.broadcast %add3A_732 : i32 to vector<16xi32>
        %gather3A_734 = arith.constant 0 : i32
        %gather3A_735 = tpu.memref_slice %arg11[%rem3A_409, %gather3A_734] : memref<2x128xf32, #tpu.memory_space<vmem>> -> memref<1x128xf32, #tpu.memory_space<vmem>>
        %gather3A_736 = tpu.memref_squeeze %gather3A_735 : memref<1x128xf32, #tpu.memory_space<vmem>> -> memref<128xf32, #tpu.memory_space<vmem>>
        %gather3A_737 = tpu.vector_load_idx %gather3A_736[%broadcast_in_dim3A_733] : memref<128xf32, #tpu.memory_space<vmem>>[vector<16xi32>], vector<16xf32>,
        %get3A_738 = arith.index_cast %rem3A_409 : i32 to index
        %get3A_739 = arith.index_cast %add3A_732 : i32 to index
        %get3A_740 = arith.constant 0 : index
        %get3A_741 = tpu.vector_load %arg14[%get3A_738, %get3A_739, %get3A_740] {strides = array<i32>} : memref<2x128x128xf32, #tpu.memory_space<vmem>>, vector<16xf32>,
        %mul3A_742 = arith.mulf %get3A_741, %gather3A_737 : vector<16xf32>
        %swap3A_743 = arith.index_cast %rem3A_409 : i32 to index
        %swap3A_744 = arith.index_cast %add3A_732 : i32 to index
        %swap3A_745 = arith.constant 0 : index
        %swap3A_746 = tpu.vector_load %arg14[%swap3A_743, %swap3A_744, %swap3A_745] {strides = array<i32>} : memref<2x128x128xf32, #tpu.memory_space<vmem>>, vector<16xf32>,
        tpu.vector_store %arg14[%swap3A_743, %swap3A_744, %swap3A_745], %mul3A_742 {strides = array<i32>} : memref<2x128x128xf32, #tpu.memory_space<vmem>>, vector<16xf32>,
        %get3A_747 = arith.index_cast %rem3A_409 : i32 to index
        %get3A_748 = arith.index_cast %add3A_732 : i32 to index
        %get3A_749 = arith.constant 16 : index
        %get3A_750 = tpu.vector_load %arg14[%get3A_747, %get3A_748, %get3A_749] {strides = array<i32>} : memref<2x128x128xf32, #tpu.memory_space<vmem>>, vector<16xf32>,
        %mul3A_751 = arith.mulf %get3A_750, %gather3A_737 : vector<16xf32>
        %swap3A_752 = arith.index_cast %rem3A_409 : i32 to index
        %swap3A_753 = arith.index_cast %add3A_732 : i32 to index
        %swap3A_754 = arith.constant 16 : index
        %swap3A_755 = tpu.vector_load %arg14[%swap3A_752, %swap3A_753, %swap3A_754] {strides = array<i32>} : memref<2x128x128xf32, #tpu.memory_space<vmem>>, vector<16xf32>,
        tpu.vector_store %arg14[%swap3A_752, %swap3A_753, %swap3A_754], %mul3A_751 {strides = array<i32>} : memref<2x128x128xf32, #tpu.memory_space<vmem>>, vector<16xf32>,
        %get3A_756 = arith.index_cast %rem3A_409 : i32 to index
        %get3A_757 = arith.index_cast %add3A_732 : i32 to index
        %get3A_758 = arith.constant 32 : index
        %get3A_759 = tpu.vector_load %arg14[%get3A_756, %get3A_757, %get3A_758] {strides = array<i32>} : memref<2x128x128xf32, #tpu.memory_space<vmem>>, vector<16xf32>,
        %mul3A_760 = arith.mulf %get3A_759, %gather3A_737 : vector<16xf32>
        %swap3A_761 = arith.index_cast %rem3A_409 : i32 to index
        %swap3A_762 = arith.index_cast %add3A_732 : i32 to index
        %swap3A_763 = arith.constant 32 : index
        %swap3A_764 = tpu.vector_load %arg14[%swap3A_761, %swap3A_762, %swap3A_763] {strides = array<i32>} : memref<2x128x128xf32, #tpu.memory_space<vmem>>, vector<16xf32>,
        tpu.vector_store %arg14[%swap3A_761, %swap3A_762, %swap3A_763], %mul3A_760 {strides = array<i32>} : memref<2x128x128xf32, #tpu.memory_space<vmem>>, vector<16xf32>,
        %get3A_765 = arith.index_cast %rem3A_409 : i32 to index
        %get3A_766 = arith.index_cast %add3A_732 : i32 to index
        %get3A_767 = arith.constant 48 : index
        %get3A_768 = tpu.vector_load %arg14[%get3A_765, %get3A_766, %get3A_767] {strides = array<i32>} : memref<2x128x128xf32, #tpu.memory_space<vmem>>, vector<16xf32>,
        %mul3A_769 = arith.mulf %get3A_768, %gather3A_737 : vector<16xf32>
        %swap3A_770 = arith.index_cast %rem3A_409 : i32 to index
        %swap3A_771 = arith.index_cast %add3A_732 : i32 to index
        %swap3A_772 = arith.constant 48 : index
        %swap3A_773 = tpu.vector_load %arg14[%swap3A_770, %swap3A_771, %swap3A_772] {strides = array<i32>} : memref<2x128x128xf32, #tpu.memory_space<vmem>>, vector<16xf32>,
        tpu.vector_store %arg14[%swap3A_770, %swap3A_771, %swap3A_772], %mul3A_769 {strides = array<i32>} : memref<2x128x128xf32, #tpu.memory_space<vmem>>, vector<16xf32>,
        %get3A_774 = arith.index_cast %rem3A_409 : i32 to index
        %get3A_775 = arith.index_cast %add3A_732 : i32 to index
        %get3A_776 = arith.constant 64 : index
        %get3A_777 = tpu.vector_load %arg14[%get3A_774, %get3A_775, %get3A_776] {strides = array<i32>} : memref<2x128x128xf32, #tpu.memory_space<vmem>>, vector<16xf32>,
        %mul3A_778 = arith.mulf %get3A_777, %gather3A_737 : vector<16xf32>
        %swap3A_779 = arith.index_cast %rem3A_409 : i32 to index
        %swap3A_780 = arith.index_cast %add3A_732 : i32 to index
        %swap3A_781 = arith.constant 64 : index
        %swap3A_782 = tpu.vector_load %arg14[%swap3A_779, %swap3A_780, %swap3A_781] {strides = array<i32>} : memref<2x128x128xf32, #tpu.memory_space<vmem>>, vector<16xf32>,
        tpu.vector_store %arg14[%swap3A_779, %swap3A_780, %swap3A_781], %mul3A_778 {strides = array<i32>} : memref<2x128x128xf32, #tpu.memory_space<vmem>>, vector<16xf32>,
        %get3A_783 = arith.index_cast %rem3A_409 : i32 to index
        %get3A_784 = arith.index_cast %add3A_732 : i32 to index
        %get3A_785 = arith.constant 80 : index
        %get3A_786 = tpu.vector_load %arg14[%get3A_783, %get3A_784, %get3A_785] {strides = array<i32>} : memref<2x128x128xf32, #tpu.memory_space<vmem>>, vector<16xf32>,
        %mul3A_787 = arith.mulf %get3A_786, %gather3A_737 : vector<16xf32>
        %swap3A_788 = arith.index_cast %rem3A_409 : i32 to index
        %swap3A_789 = arith.index_cast %add3A_732 : i32 to index
        %swap3A_790 = arith.constant 80 : index
        %swap3A_791 = tpu.vector_load %arg14[%swap3A_788, %swap3A_789, %swap3A_790] {strides = array<i32>} : memref<2x128x128xf32, #tpu.memory_space<vmem>>, vector<16xf32>,
        tpu.vector_store %arg14[%swap3A_788, %swap3A_789, %swap3A_790], %mul3A_787 {strides = array<i32>} : memref<2x128x128xf32, #tpu.memory_space<vmem>>, vector<16xf32>,
        %get3A_792 = arith.index_cast %rem3A_409 : i32 to index
        %get3A_793 = arith.index_cast %add3A_732 : i32 to index
        %get3A_794 = arith.constant 96 : index
        %get3A_795 = tpu.vector_load %arg14[%get3A_792, %get3A_793, %get3A_794] {strides = array<i32>} : memref<2x128x128xf32, #tpu.memory_space<vmem>>, vector<16xf32>,
        %mul3A_796 = arith.mulf %get3A_795, %gather3A_737 : vector<16xf32>
        %swap3A_797 = arith.index_cast %rem3A_409 : i32 to index
        %swap3A_798 = arith.index_cast %add3A_732 : i32 to index
        %swap3A_799 = arith.constant 96 : index
        %swap3A_800 = tpu.vector_load %arg14[%swap3A_797, %swap3A_798, %swap3A_799] {strides = array<i32>} : memref<2x128x128xf32, #tpu.memory_space<vmem>>, vector<16xf32>,
        tpu.vector_store %arg14[%swap3A_797, %swap3A_798, %swap3A_799], %mul3A_796 {strides = array<i32>} : memref<2x128x128xf32, #tpu.memory_space<vmem>>, vector<16xf32>,
        %get3A_801 = arith.index_cast %rem3A_409 : i32 to index
        %get3A_802 = arith.index_cast %add3A_732 : i32 to index
        %get3A_803 = arith.constant 112 : index
        %get3A_804 = tpu.vector_load %arg14[%get3A_801, %get3A_802, %get3A_803] {strides = array<i32>} : memref<2x128x128xf32, #tpu.memory_space<vmem>>, vector<16xf32>,
        %mul3A_805 = arith.mulf %get3A_804, %gather3A_737 : vector<16xf32>
        %swap3A_806 = arith.index_cast %rem3A_409 : i32 to index
        %swap3A_807 = arith.index_cast %add3A_732 : i32 to index
        %swap3A_808 = arith.constant 112 : index
        %swap3A_809 = tpu.vector_load %arg14[%swap3A_806, %swap3A_807, %swap3A_808] {strides = array<i32>} : memref<2x128x128xf32, #tpu.memory_space<vmem>>, vector<16xf32>,
        tpu.vector_store %arg14[%swap3A_806, %swap3A_807, %swap3A_808], %mul3A_805 {strides = array<i32>} : memref<2x128x128xf32, #tpu.memory_space<vmem>>, vector<16xf32>,
        %mul3A_810 = arith.constant 4 : i32
        %mul3A_811 = arith.muli %scan3A_648, %mul3A_810 : i32
        %add3A_812 = arith.constant 2 : i32
        %add3A_813 = arith.addi %mul3A_811, %add3A_812 : i32
        %broadcast_in_dim3A_814 = vector.broadcast %add3A_813 : i32 to vector<16xi32>
        %gather3A_815 = arith.constant 0 : i32
        %gather3A_816 = tpu.memref_slice %arg11[%rem3A_409, %gather3A_815] : memref<2x128xf32, #tpu.memory_space<vmem>> -> memref<1x128xf32, #tpu.memory_space<vmem>>
        %gather3A_817 = tpu.memref_squeeze %gather3A_816 : memref<1x128xf32, #tpu.memory_space<vmem>> -> memref<128xf32, #tpu.memory_space<vmem>>
        %gather3A_818 = tpu.vector_load_idx %gather3A_817[%broadcast_in_dim3A_814] : memref<128xf32, #tpu.memory_space<vmem>>[vector<16xi32>], vector<16xf32>,
        %get3A_819 = arith.index_cast %rem3A_409 : i32 to index
        %get3A_820 = arith.index_cast %add3A_813 : i32 to index
        %get3A_821 = arith.constant 0 : index
        %get3A_822 = tpu.vector_load %arg14[%get3A_819, %get3A_820, %get3A_821] {strides = array<i32>} : memref<2x128x128xf32, #tpu.memory_space<vmem>>, vector<16xf32>,
        %mul3A_823 = arith.mulf %get3A_822, %gather3A_818 : vector<16xf32>
        %swap3A_824 = arith.index_cast %rem3A_409 : i32 to index
        %swap3A_825 = arith.index_cast %add3A_813 : i32 to index
        %swap3A_826 = arith.constant 0 : index
        %swap3A_827 = tpu.vector_load %arg14[%swap3A_824, %swap3A_825, %swap3A_826] {strides = array<i32>} : memref<2x128x128xf32, #tpu.memory_space<vmem>>, vector<16xf32>,
        tpu.vector_store %arg14[%swap3A_824, %swap3A_825, %swap3A_826], %mul3A_823 {strides = array<i32>} : memref<2x128x128xf32, #tpu.memory_space<vmem>>, vector<16xf32>,
        %get3A_828 = arith.index_cast %rem3A_409 : i32 to index
        %get3A_829 = arith.index_cast %add3A_813 : i32 to index
        %get3A_830 = arith.constant 16 : index
        %get3A_831 = tpu.vector_load %arg14[%get3A_828, %get3A_829, %get3A_830] {strides = array<i32>} : memref<2x128x128xf32, #tpu.memory_space<vmem>>, vector<16xf32>,
        %mul3A_832 = arith.mulf %get3A_831, %gather3A_818 : vector<16xf32>
        %swap3A_833 = arith.index_cast %rem3A_409 : i32 to index
        %swap3A_834 = arith.index_cast %add3A_813 : i32 to index
        %swap3A_835 = arith.constant 16 : index
        %swap3A_836 = tpu.vector_load %arg14[%swap3A_833, %swap3A_834, %swap3A_835] {strides = array<i32>} : memref<2x128x128xf32, #tpu.memory_space<vmem>>, vector<16xf32>,
        tpu.vector_store %arg14[%swap3A_833, %swap3A_834, %swap3A_835], %mul3A_832 {strides = array<i32>} : memref<2x128x128xf32, #tpu.memory_space<vmem>>, vector<16xf32>,
        %get3A_837 = arith.index_cast %rem3A_409 : i32 to index
        %get3A_838 = arith.index_cast %add3A_813 : i32 to index
        %get3A_839 = arith.constant 32 : index
        %get3A_840 = tpu.vector_load %arg14[%get3A_837, %get3A_838, %get3A_839] {strides = array<i32>} : memref<2x128x128xf32, #tpu.memory_space<vmem>>, vector<16xf32>,
        %mul3A_841 = arith.mulf %get3A_840, %gather3A_818 : vector<16xf32>
        %swap3A_842 = arith.index_cast %rem3A_409 : i32 to index
        %swap3A_843 = arith.index_cast %add3A_813 : i32 to index
        %swap3A_844 = arith.constant 32 : index
        %swap3A_845 = tpu.vector_load %arg14[%swap3A_842, %swap3A_843, %swap3A_844] {strides = array<i32>} : memref<2x128x128xf32, #tpu.memory_space<vmem>>, vector<16xf32>,
        tpu.vector_store %arg14[%swap3A_842, %swap3A_843, %swap3A_844], %mul3A_841 {strides = array<i32>} : memref<2x128x128xf32, #tpu.memory_space<vmem>>, vector<16xf32>,
        %get3A_846 = arith.index_cast %rem3A_409 : i32 to index
        %get3A_847 = arith.index_cast %add3A_813 : i32 to index
        %get3A_848 = arith.constant 48 : index
        %get3A_849 = tpu.vector_load %arg14[%get3A_846, %get3A_847, %get3A_848] {strides = array<i32>} : memref<2x128x128xf32, #tpu.memory_space<vmem>>, vector<16xf32>,
        %mul3A_850 = arith.mulf %get3A_849, %gather3A_818 : vector<16xf32>
        %swap3A_851 = arith.index_cast %rem3A_409 : i32 to index
        %swap3A_852 = arith.index_cast %add3A_813 : i32 to index
        %swap3A_853 = arith.constant 48 : index
        %swap3A_854 = tpu.vector_load %arg14[%swap3A_851, %swap3A_852, %swap3A_853] {strides = array<i32>} : memref<2x128x128xf32, #tpu.memory_space<vmem>>, vector<16xf32>,
        tpu.vector_store %arg14[%swap3A_851, %swap3A_852, %swap3A_853], %mul3A_850 {strides = array<i32>} : memref<2x128x128xf32, #tpu.memory_space<vmem>>, vector<16xf32>,
        %get3A_855 = arith.index_cast %rem3A_409 : i32 to index
        %get3A_856 = arith.index_cast %add3A_813 : i32 to index
        %get3A_857 = arith.constant 64 : index
        %get3A_858 = tpu.vector_load %arg14[%get3A_855, %get3A_856, %get3A_857] {strides = array<i32>} : memref<2x128x128xf32, #tpu.memory_space<vmem>>, vector<16xf32>,
        %mul3A_859 = arith.mulf %get3A_858, %gather3A_818 : vector<16xf32>
        %swap3A_860 = arith.index_cast %rem3A_409 : i32 to index
        %swap3A_861 = arith.index_cast %add3A_813 : i32 to index
        %swap3A_862 = arith.constant 64 : index
        %swap3A_863 = tpu.vector_load %arg14[%swap3A_860, %swap3A_861, %swap3A_862] {strides = array<i32>} : memref<2x128x128xf32, #tpu.memory_space<vmem>>, vector<16xf32>,
        tpu.vector_store %arg14[%swap3A_860, %swap3A_861, %swap3A_862], %mul3A_859 {strides = array<i32>} : memref<2x128x128xf32, #tpu.memory_space<vmem>>, vector<16xf32>,
        %get3A_864 = arith.index_cast %rem3A_409 : i32 to index
        %get3A_865 = arith.index_cast %add3A_813 : i32 to index
        %get3A_866 = arith.constant 80 : index
        %get3A_867 = tpu.vector_load %arg14[%get3A_864, %get3A_865, %get3A_866] {strides = array<i32>} : memref<2x128x128xf32, #tpu.memory_space<vmem>>, vector<16xf32>,
        %mul3A_868 = arith.mulf %get3A_867, %gather3A_818 : vector<16xf32>
        %swap3A_869 = arith.index_cast %rem3A_409 : i32 to index
        %swap3A_870 = arith.index_cast %add3A_813 : i32 to index
        %swap3A_871 = arith.constant 80 : index
        %swap3A_872 = tpu.vector_load %arg14[%swap3A_869, %swap3A_870, %swap3A_871] {strides = array<i32>} : memref<2x128x128xf32, #tpu.memory_space<vmem>>, vector<16xf32>,
        tpu.vector_store %arg14[%swap3A_869, %swap3A_870, %swap3A_871], %mul3A_868 {strides = array<i32>} : memref<2x128x128xf32, #tpu.memory_space<vmem>>, vector<16xf32>,
        %get3A_873 = arith.index_cast %rem3A_409 : i32 to index
        %get3A_874 = arith.index_cast %add3A_813 : i32 to index
        %get3A_875 = arith.constant 96 : index
        %get3A_876 = tpu.vector_load %arg14[%get3A_873, %get3A_874, %get3A_875] {strides = array<i32>} : memref<2x128x128xf32, #tpu.memory_space<vmem>>, vector<16xf32>,
        %mul3A_877 = arith.mulf %get3A_876, %gather3A_818 : vector<16xf32>
        %swap3A_878 = arith.index_cast %rem3A_409 : i32 to index
        %swap3A_879 = arith.index_cast %add3A_813 : i32 to index
        %swap3A_880 = arith.constant 96 : index
        %swap3A_881 = tpu.vector_load %arg14[%swap3A_878, %swap3A_879, %swap3A_880] {strides = array<i32>} : memref<2x128x128xf32, #tpu.memory_space<vmem>>, vector<16xf32>,
        tpu.vector_store %arg14[%swap3A_878, %swap3A_879, %swap3A_880], %mul3A_877 {strides = array<i32>} : memref<2x128x128xf32, #tpu.memory_space<vmem>>, vector<16xf32>,
        %get3A_882 = arith.index_cast %rem3A_409 : i32 to index
        %get3A_883 = arith.index_cast %add3A_813 : i32 to index
        %get3A_884 = arith.constant 112 : index
        %get3A_885 = tpu.vector_load %arg14[%get3A_882, %get3A_883, %get3A_884] {strides = array<i32>} : memref<2x128x128xf32, #tpu.memory_space<vmem>>, vector<16xf32>,
        %mul3A_886 = arith.mulf %get3A_885, %gather3A_818 : vector<16xf32>
        %swap3A_887 = arith.index_cast %rem3A_409 : i32 to index
        %swap3A_888 = arith.index_cast %add3A_813 : i32 to index
        %swap3A_889 = arith.constant 112 : index
        %swap3A_890 = tpu.vector_load %arg14[%swap3A_887, %swap3A_888, %swap3A_889] {strides = array<i32>} : memref<2x128x128xf32, #tpu.memory_space<vmem>>, vector<16xf32>,
        tpu.vector_store %arg14[%swap3A_887, %swap3A_888, %swap3A_889], %mul3A_886 {strides = array<i32>} : memref<2x128x128xf32, #tpu.memory_space<vmem>>, vector<16xf32>,
        %mul3A_891 = arith.constant 4 : i32
        %mul3A_892 = arith.muli %scan3A_648, %mul3A_891 : i32
        %add3A_893 = arith.constant 3 : i32
        %add3A_894 = arith.addi %mul3A_892, %add3A_893 : i32
        %broadcast_in_dim3A_895 = vector.broadcast %add3A_894 : i32 to vector<16xi32>
        %gather3A_896 = arith.constant 0 : i32
        %gather3A_897 = tpu.memref_slice %arg11[%rem3A_409, %gather3A_896] : memref<2x128xf32, #tpu.memory_space<vmem>> -> memref<1x128xf32, #tpu.memory_space<vmem>>
        %gather3A_898 = tpu.memref_squeeze %gather3A_897 : memref<1x128xf32, #tpu.memory_space<vmem>> -> memref<128xf32, #tpu.memory_space<vmem>>
        %gather3A_899 = tpu.vector_load_idx %gather3A_898[%broadcast_in_dim3A_895] : memref<128xf32, #tpu.memory_space<vmem>>[vector<16xi32>], vector<16xf32>,
        %get3A_900 = arith.index_cast %rem3A_409 : i32 to index
        %get3A_901 = arith.index_cast %add3A_894 : i32 to index
        %get3A_902 = arith.constant 0 : index
        %get3A_903 = tpu.vector_load %arg14[%get3A_900, %get3A_901, %get3A_902] {strides = array<i32>} : memref<2x128x128xf32, #tpu.memory_space<vmem>>, vector<16xf32>,
        %mul3A_904 = arith.mulf %get3A_903, %gather3A_899 : vector<16xf32>
        %swap3A_905 = arith.index_cast %rem3A_409 : i32 to index
        %swap3A_906 = arith.index_cast %add3A_894 : i32 to index
        %swap3A_907 = arith.constant 0 : index
        %swap3A_908 = tpu.vector_load %arg14[%swap3A_905, %swap3A_906, %swap3A_907] {strides = array<i32>} : memref<2x128x128xf32, #tpu.memory_space<vmem>>, vector<16xf32>,
        tpu.vector_store %arg14[%swap3A_905, %swap3A_906, %swap3A_907], %mul3A_904 {strides = array<i32>} : memref<2x128x128xf32, #tpu.memory_space<vmem>>, vector<16xf32>,
        %get3A_909 = arith.index_cast %rem3A_409 : i32 to index
        %get3A_910 = arith.index_cast %add3A_894 : i32 to index
        %get3A_911 = arith.constant 16 : index
        %get3A_912 = tpu.vector_load %arg14[%get3A_909, %get3A_910, %get3A_911] {strides = array<i32>} : memref<2x128x128xf32, #tpu.memory_space<vmem>>, vector<16xf32>,
        %mul3A_913 = arith.mulf %get3A_912, %gather3A_899 : vector<16xf32>
        %swap3A_914 = arith.index_cast %rem3A_409 : i32 to index
        %swap3A_915 = arith.index_cast %add3A_894 : i32 to index
        %swap3A_916 = arith.constant 16 : index
        %swap3A_917 = tpu.vector_load %arg14[%swap3A_914, %swap3A_915, %swap3A_916] {strides = array<i32>} : memref<2x128x128xf32, #tpu.memory_space<vmem>>, vector<16xf32>,
        tpu.vector_store %arg14[%swap3A_914, %swap3A_915, %swap3A_916], %mul3A_913 {strides = array<i32>} : memref<2x128x128xf32, #tpu.memory_space<vmem>>, vector<16xf32>,
        %get3A_918 = arith.index_cast %rem3A_409 : i32 to index
        %get3A_919 = arith.index_cast %add3A_894 : i32 to index
        %get3A_920 = arith.constant 32 : index
        %get3A_921 = tpu.vector_load %arg14[%get3A_918, %get3A_919, %get3A_920] {strides = array<i32>} : memref<2x128x128xf32, #tpu.memory_space<vmem>>, vector<16xf32>,
        %mul3A_922 = arith.mulf %get3A_921, %gather3A_899 : vector<16xf32>
        %swap3A_923 = arith.index_cast %rem3A_409 : i32 to index
        %swap3A_924 = arith.index_cast %add3A_894 : i32 to index
        %swap3A_925 = arith.constant 32 : index
        %swap3A_926 = tpu.vector_load %arg14[%swap3A_923, %swap3A_924, %swap3A_925] {strides = array<i32>} : memref<2x128x128xf32, #tpu.memory_space<vmem>>, vector<16xf32>,
        tpu.vector_store %arg14[%swap3A_923, %swap3A_924, %swap3A_925], %mul3A_922 {strides = array<i32>} : memref<2x128x128xf32, #tpu.memory_space<vmem>>, vector<16xf32>,
        %get3A_927 = arith.index_cast %rem3A_409 : i32 to index
        %get3A_928 = arith.index_cast %add3A_894 : i32 to index
        %get3A_929 = arith.constant 48 : index
        %get3A_930 = tpu.vector_load %arg14[%get3A_927, %get3A_928, %get3A_929] {strides = array<i32>} : memref<2x128x128xf32, #tpu.memory_space<vmem>>, vector<16xf32>,
        %mul3A_931 = arith.mulf %get3A_930, %gather3A_899 : vector<16xf32>
        %swap3A_932 = arith.index_cast %rem3A_409 : i32 to index
        %swap3A_933 = arith.index_cast %add3A_894 : i32 to index
        %swap3A_934 = arith.constant 48 : index
        %swap3A_935 = tpu.vector_load %arg14[%swap3A_932, %swap3A_933, %swap3A_934] {strides = array<i32>} : memref<2x128x128xf32, #tpu.memory_space<vmem>>, vector<16xf32>,
        tpu.vector_store %arg14[%swap3A_932, %swap3A_933, %swap3A_934], %mul3A_931 {strides = array<i32>} : memref<2x128x128xf32, #tpu.memory_space<vmem>>, vector<16xf32>,
        %get3A_936 = arith.index_cast %rem3A_409 : i32 to index
        %get3A_937 = arith.index_cast %add3A_894 : i32 to index
        %get3A_938 = arith.constant 64 : index
        %get3A_939 = tpu.vector_load %arg14[%get3A_936, %get3A_937, %get3A_938] {strides = array<i32>} : memref<2x128x128xf32, #tpu.memory_space<vmem>>, vector<16xf32>,
        %mul3A_940 = arith.mulf %get3A_939, %gather3A_899 : vector<16xf32>
        %swap3A_941 = arith.index_cast %rem3A_409 : i32 to index
        %swap3A_942 = arith.index_cast %add3A_894 : i32 to index
        %swap3A_943 = arith.constant 64 : index
        %swap3A_944 = tpu.vector_load %arg14[%swap3A_941, %swap3A_942, %swap3A_943] {strides = array<i32>} : memref<2x128x128xf32, #tpu.memory_space<vmem>>, vector<16xf32>,
        tpu.vector_store %arg14[%swap3A_941, %swap3A_942, %swap3A_943], %mul3A_940 {strides = array<i32>} : memref<2x128x128xf32, #tpu.memory_space<vmem>>, vector<16xf32>,
        %get3A_945 = arith.index_cast %rem3A_409 : i32 to index
        %get3A_946 = arith.index_cast %add3A_894 : i32 to index
        %get3A_947 = arith.constant 80 : index
        %get3A_948 = tpu.vector_load %arg14[%get3A_945, %get3A_946, %get3A_947] {strides = array<i32>} : memref<2x128x128xf32, #tpu.memory_space<vmem>>, vector<16xf32>,
        %mul3A_949 = arith.mulf %get3A_948, %gather3A_899 : vector<16xf32>
        %swap3A_950 = arith.index_cast %rem3A_409 : i32 to index
        %swap3A_951 = arith.index_cast %add3A_894 : i32 to index
        %swap3A_952 = arith.constant 80 : index
        %swap3A_953 = tpu.vector_load %arg14[%swap3A_950, %swap3A_951, %swap3A_952] {strides = array<i32>} : memref<2x128x128xf32, #tpu.memory_space<vmem>>, vector<16xf32>,
        tpu.vector_store %arg14[%swap3A_950, %swap3A_951, %swap3A_952], %mul3A_949 {strides = array<i32>} : memref<2x128x128xf32, #tpu.memory_space<vmem>>, vector<16xf32>,
        %get3A_954 = arith.index_cast %rem3A_409 : i32 to index
        %get3A_955 = arith.index_cast %add3A_894 : i32 to index
        %get3A_956 = arith.constant 96 : index
        %get3A_957 = tpu.vector_load %arg14[%get3A_954, %get3A_955, %get3A_956] {strides = array<i32>} : memref<2x128x128xf32, #tpu.memory_space<vmem>>, vector<16xf32>,
        %mul3A_958 = arith.mulf %get3A_957, %gather3A_899 : vector<16xf32>
        %swap3A_959 = arith.index_cast %rem3A_409 : i32 to index
        %swap3A_960 = arith.index_cast %add3A_894 : i32 to index
        %swap3A_961 = arith.constant 96 : index
        %swap3A_962 = tpu.vector_load %arg14[%swap3A_959, %swap3A_960, %swap3A_961] {strides = array<i32>} : memref<2x128x128xf32, #tpu.memory_space<vmem>>, vector<16xf32>,
        tpu.vector_store %arg14[%swap3A_959, %swap3A_960, %swap3A_961], %mul3A_958 {strides = array<i32>} : memref<2x128x128xf32, #tpu.memory_space<vmem>>, vector<16xf32>,
        %get3A_963 = arith.index_cast %rem3A_409 : i32 to index
        %get3A_964 = arith.index_cast %add3A_894 : i32 to index
        %get3A_965 = arith.constant 112 : index
        %get3A_966 = tpu.vector_load %arg14[%get3A_963, %get3A_964, %get3A_965] {strides = array<i32>} : memref<2x128x128xf32, #tpu.memory_space<vmem>>, vector<16xf32>,
        %mul3A_967 = arith.mulf %get3A_966, %gather3A_899 : vector<16xf32>
        %swap3A_968 = arith.index_cast %rem3A_409 : i32 to index
        %swap3A_969 = arith.index_cast %add3A_894 : i32 to index
        %swap3A_970 = arith.constant 112 : index
        %swap3A_971 = tpu.vector_load %arg14[%swap3A_968, %swap3A_969, %swap3A_970] {strides = array<i32>} : memref<2x128x128xf32, #tpu.memory_space<vmem>>, vector<16xf32>,
        tpu.vector_store %arg14[%swap3A_968, %swap3A_969, %swap3A_970], %mul3A_967 {strides = array<i32>} : memref<2x128x128xf32, #tpu.memory_space<vmem>>, vector<16xf32>,
      }
      %scan3A_637 = arith.constant 32 : i32
      %dma_start3A_638 = arith.constant 0 : i32
      %dma_start3A_639 = arith.constant 0 : i32
      %dma_start3A_640 = tpu.memref_slice %arg14[%rem3A_409, %dma_start3A_638, %dma_start3A_639] : memref<2x128x128xf32, #tpu.memory_space<vmem>> -> memref<1x128x128xf32, #tpu.memory_space<vmem>>
      %dma_start3A_641 = tpu.memref_squeeze %dma_start3A_640 : memref<1x128x128xf32, #tpu.memory_space<vmem>> -> memref<128x128xf32, #tpu.memory_space<vmem>>
      %dma_start3A_642 = arith.constant 0 : i32
      %dma_start3A_643 = tpu.memref_slice %arg10[%rem3A_413, %dma_start3A_642] : memref<3x128xi32, #tpu.memory_space<vmem>> -> memref<1x128xi32, #tpu.memory_space<vmem>>
      %dma_start3A_644 = tpu.memref_squeeze %dma_start3A_643 : memref<1x128xi32, #tpu.memory_space<vmem>> -> memref<128xi32, #tpu.memory_space<vmem>>
      %dma_start3A_645 = arith.constant 0 : i32
      %dma_start3A_646 = arith.constant 0 : i32
      %dma_start3A_647 = tpu.memref_slice %arg15[%dma_start3A_645, %dma_start3A_646] : memref<10000x128xf32, #tpu.memory_space<vmem_shared>> -> memref<10000x128xf32, #tpu.memory_space<vmem_shared>>
      tpu.enqueue_indirect_dma source(%dma_start3A_641 : memref<128x128xf32, #tpu.memory_space<vmem>>) target(%dma_start3A_647 : memref<10000x128xf32, #tpu.memory_space<vmem_shared>>) offsets(%dma_start3A_644 : memref<128xi32, #tpu.memory_space<vmem>>) semaphore(%arg18 : memref<!tpu.dma_semaphore, #tpu.memory_space<semaphore_mem>>) {add = true}
    }
    %while3A_183 = arith.constant 1 : i32
    scf.for %while3A_407 = %while3A_181 to %while3A_177 step %while3A_183  : i32 {
      %rem3A_408 = arith.constant 2 : i32
      %rem3A_409 = arith.remsi %while3A_407, %rem3A_408 : i32
      %sub3A_410 = arith.constant 1 : i32
      %sub3A_411 = arith.subi %sub3A_410, %rem3A_409 : i32
      %rem3A_412 = arith.constant 3 : i32
      %rem3A_413 = arith.remsi %while3A_407, %rem3A_412 : i32
      %add3A_414 = arith.constant 1 : i32
      %add3A_415 = arith.addi %while3A_407, %add3A_414 : i32
      %rem3A_416 = arith.constant 3 : i32
      %rem3A_417 = arith.remsi %add3A_415, %rem3A_416 : i32
      %add3A_418 = arith.constant 2 : i32
      %add3A_419 = arith.addi %while3A_407, %add3A_418 : i32
      %rem3A_420 = arith.constant 3 : i32
      %rem3A_421 = arith.remsi %add3A_419, %rem3A_420 : i32
      %dma_wait3A_422 = arith.constant 0 : i32
      %dma_wait3A_423 = tpu.memref_slice %arg12[%rem3A_409, %dma_wait3A_422] : memref<2x128xf32, #tpu.memory_space<vmem>> -> memref<1x128xf32, #tpu.memory_space<vmem>>
      %dma_wait3A_424 = tpu.memref_squeeze %dma_wait3A_423 : memref<1x128xf32, #tpu.memory_space<vmem>> -> memref<128xf32, #tpu.memory_space<vmem>>
      %dma_wait3A_425 = arith.constant 0 : i32
      %dma_wait3A_426 = tpu.memref_slice %arg9[%rem3A_413, %dma_wait3A_425] : memref<3x128xi32, #tpu.memory_space<vmem>> -> memref<1x128xi32, #tpu.memory_space<vmem>>
      %dma_wait3A_427 = tpu.memref_squeeze %dma_wait3A_426 : memref<1x128xi32, #tpu.memory_space<vmem>> -> memref<128xi32, #tpu.memory_space<vmem>>
      %dma_wait3A_428 = arith.constant 0 : i32
      %dma_wait3A_429 = tpu.memref_slice %arg5[%dma_wait3A_428] : memref<10000xf32, #tpu.memory_space<hbm>> -> memref<10000xf32, #tpu.memory_space<hbm>>
      tpu.wait_indirect_dma semaphore(%arg20 : memref<!tpu.dma_semaphore, #tpu.memory_space<semaphore_mem>>) src(%dma_wait3A_429 : memref<10000xf32, #tpu.memory_space<hbm>>) dst(%dma_wait3A_424 : memref<128xf32, #tpu.memory_space<vmem>>)
      %dma_wait3A_430 = arith.constant 0 : i32
      %dma_wait3A_431 = tpu.memref_slice %arg13[%rem3A_409, %dma_wait3A_430] : memref<2x128xf32, #tpu.memory_space<vmem>> -> memref<1x128xf32, #tpu.memory_space<vmem>>
      %dma_wait3A_432 = tpu.memref_squeeze %dma_wait3A_431 : memref<1x128xf32, #tpu.memory_space<vmem>> -> memref<128xf32, #tpu.memory_space<vmem>>
      %dma_wait3A_433 = arith.constant 0 : i32
      %dma_wait3A_434 = tpu.memref_slice %arg10[%rem3A_413, %dma_wait3A_433] : memref<3x128xi32, #tpu.memory_space<vmem>> -> memref<1x128xi32, #tpu.memory_space<vmem>>
      %dma_wait3A_435 = tpu.memref_squeeze %dma_wait3A_434 : memref<1x128xi32, #tpu.memory_space<vmem>> -> memref<128xi32, #tpu.memory_space<vmem>>
      %dma_wait3A_436 = arith.constant 0 : i32
      %dma_wait3A_437 = tpu.memref_slice %arg6[%dma_wait3A_436] : memref<10000xf32, #tpu.memory_space<hbm>> -> memref<10000xf32, #tpu.memory_space<hbm>>
      tpu.wait_indirect_dma semaphore(%arg20 : memref<!tpu.dma_semaphore, #tpu.memory_space<semaphore_mem>>) src(%dma_wait3A_437 : memref<10000xf32, #tpu.memory_space<hbm>>) dst(%dma_wait3A_432 : memref<128xf32, #tpu.memory_space<vmem>>)
      %get3A_438 = arith.index_cast %rem3A_409 : i32 to index
      %get3A_439 = arith.constant 0 : index
      %get3A_440 = tpu.vector_load %arg12[%get3A_438, %get3A_439] {strides = array<i32>} : memref<2x128xf32, #tpu.memory_space<vmem>>, vector<16xf32>,
      %get3A_441 = arith.index_cast %rem3A_409 : i32 to index
      %get3A_442 = arith.constant 0 : index
      %get3A_443 = tpu.vector_load %arg13[%get3A_441, %get3A_442] {strides = array<i32>} : memref<2x128xf32, #tpu.memory_space<vmem>>, vector<16xf32>,
      %add3A_444 = arith.addf %get3A_440, %get3A_443 : vector<16xf32>
      %mul3A_445 = arith.constant 2.000000e-01 : f32
      %mul3A_446 = vector.broadcast %mul3A_445 : f32 to vector<16xf32>
      %mul3A_447 = arith.mulf %add3A_444, %mul3A_446 : vector<16xf32>
      %max3A_448 = arith.maximumf %add3A_444, %mul3A_447 : vector<16xf32>
      %exp3A_449 = math.exp %max3A_448 : vector<16xf32>
      %swap3A_450 = arith.index_cast %rem3A_409 : i32 to index
      %swap3A_451 = arith.constant 0 : index
      %swap3A_452 = tpu.vector_load %arg11[%swap3A_450, %swap3A_451] {strides = array<i32>} : memref<2x128xf32, #tpu.memory_space<vmem>>, vector<16xf32>,
      tpu.vector_store %arg11[%swap3A_450, %swap3A_451], %exp3A_449 {strides = array<i32>} : memref<2x128xf32, #tpu.memory_space<vmem>>, vector<16xf32>,
      %get3A_453 = arith.index_cast %rem3A_409 : i32 to index
      %get3A_454 = arith.constant 16 : index
      %get3A_455 = tpu.vector_load %arg12[%get3A_453, %get3A_454] {strides = array<i32>} : memref<2x128xf32, #tpu.memory_space<vmem>>, vector<16xf32>,
      %get3A_456 = arith.index_cast %rem3A_409 : i32 to index
      %get3A_457 = arith.constant 16 : index
      %get3A_458 = tpu.vector_load %arg13[%get3A_456, %get3A_457] {strides = array<i32>} : memref<2x128xf32, #tpu.memory_space<vmem>>, vector<16xf32>,
      %add3A_459 = arith.addf %get3A_455, %get3A_458 : vector<16xf32>
      %mul3A_460 = arith.constant 2.000000e-01 : f32
      %mul3A_461 = vector.broadcast %mul3A_460 : f32 to vector<16xf32>
      %mul3A_462 = arith.mulf %add3A_459, %mul3A_461 : vector<16xf32>
      %max3A_463 = arith.maximumf %add3A_459, %mul3A_462 : vector<16xf32>
      %exp3A_464 = math.exp %max3A_463 : vector<16xf32>
      %swap3A_465 = arith.index_cast %rem3A_409 : i32 to index
      %swap3A_466 = arith.constant 16 : index
      %swap3A_467 = tpu.vector_load %arg11[%swap3A_465, %swap3A_466] {strides = array<i32>} : memref<2x128xf32, #tpu.memory_space<vmem>>, vector<16xf32>,
      tpu.vector_store %arg11[%swap3A_465, %swap3A_466], %exp3A_464 {strides = array<i32>} : memref<2x128xf32, #tpu.memory_space<vmem>>, vector<16xf32>,
      %get3A_468 = arith.index_cast %rem3A_409 : i32 to index
      %get3A_469 = arith.constant 32 : index
      %get3A_470 = tpu.vector_load %arg12[%get3A_468, %get3A_469] {strides = array<i32>} : memref<2x128xf32, #tpu.memory_space<vmem>>, vector<16xf32>,
      %get3A_471 = arith.index_cast %rem3A_409 : i32 to index
      %get3A_472 = arith.constant 32 : index
      %get3A_473 = tpu.vector_load %arg13[%get3A_471, %get3A_472] {strides = array<i32>} : memref<2x128xf32, #tpu.memory_space<vmem>>, vector<16xf32>,
      %add3A_474 = arith.addf %get3A_470, %get3A_473 : vector<16xf32>
      %mul3A_475 = arith.constant 2.000000e-01 : f32
      %mul3A_476 = vector.broadcast %mul3A_475 : f32 to vector<16xf32>
      %mul3A_477 = arith.mulf %add3A_474, %mul3A_476 : vector<16xf32>
      %max3A_478 = arith.maximumf %add3A_474, %mul3A_477 : vector<16xf32>
      %exp3A_479 = math.exp %max3A_478 : vector<16xf32>
      %swap3A_480 = arith.index_cast %rem3A_409 : i32 to index
      %swap3A_481 = arith.constant 32 : index
      %swap3A_482 = tpu.vector_load %arg11[%swap3A_480, %swap3A_481] {strides = array<i32>} : memref<2x128xf32, #tpu.memory_space<vmem>>, vector<16xf32>,
      tpu.vector_store %arg11[%swap3A_480, %swap3A_481], %exp3A_479 {strides = array<i32>} : memref<2x128xf32, #tpu.memory_space<vmem>>, vector<16xf32>,
      %get3A_483 = arith.index_cast %rem3A_409 : i32 to index
      %get3A_484 = arith.constant 48 : index
      %get3A_485 = tpu.vector_load %arg12[%get3A_483, %get3A_484] {strides = array<i32>} : memref<2x128xf32, #tpu.memory_space<vmem>>, vector<16xf32>,
      %get3A_486 = arith.index_cast %rem3A_409 : i32 to index
      %get3A_487 = arith.constant 48 : index
      %get3A_488 = tpu.vector_load %arg13[%get3A_486, %get3A_487] {strides = array<i32>} : memref<2x128xf32, #tpu.memory_space<vmem>>, vector<16xf32>,
      %add3A_489 = arith.addf %get3A_485, %get3A_488 : vector<16xf32>
      %mul3A_490 = arith.constant 2.000000e-01 : f32
      %mul3A_491 = vector.broadcast %mul3A_490 : f32 to vector<16xf32>
      %mul3A_492 = arith.mulf %add3A_489, %mul3A_491 : vector<16xf32>
      %max3A_493 = arith.maximumf %add3A_489, %mul3A_492 : vector<16xf32>
      %exp3A_494 = math.exp %max3A_493 : vector<16xf32>
      %swap3A_495 = arith.index_cast %rem3A_409 : i32 to index
      %swap3A_496 = arith.constant 48 : index
      %swap3A_497 = tpu.vector_load %arg11[%swap3A_495, %swap3A_496] {strides = array<i32>} : memref<2x128xf32, #tpu.memory_space<vmem>>, vector<16xf32>,
      tpu.vector_store %arg11[%swap3A_495, %swap3A_496], %exp3A_494 {strides = array<i32>} : memref<2x128xf32, #tpu.memory_space<vmem>>, vector<16xf32>,
      %get3A_498 = arith.index_cast %rem3A_409 : i32 to index
      %get3A_499 = arith.constant 64 : index
      %get3A_500 = tpu.vector_load %arg12[%get3A_498, %get3A_499] {strides = array<i32>} : memref<2x128xf32, #tpu.memory_space<vmem>>, vector<16xf32>,
      %get3A_501 = arith.index_cast %rem3A_409 : i32 to index
      %get3A_502 = arith.constant 64 : index
      %get3A_503 = tpu.vector_load %arg13[%get3A_501, %get3A_502] {strides = array<i32>} : memref<2x128xf32, #tpu.memory_space<vmem>>, vector<16xf32>,
      %add3A_504 = arith.addf %get3A_500, %get3A_503 : vector<16xf32>
      %mul3A_505 = arith.constant 2.000000e-01 : f32
      %mul3A_506 = vector.broadcast %mul3A_505 : f32 to vector<16xf32>
      %mul3A_507 = arith.mulf %add3A_504, %mul3A_506 : vector<16xf32>
      %max3A_508 = arith.maximumf %add3A_504, %mul3A_507 : vector<16xf32>
      %exp3A_509 = math.exp %max3A_508 : vector<16xf32>
      %swap3A_510 = arith.index_cast %rem3A_409 : i32 to index
      %swap3A_511 = arith.constant 64 : index
      %swap3A_512 = tpu.vector_load %arg11[%swap3A_510, %swap3A_511] {strides = array<i32>} : memref<2x128xf32, #tpu.memory_space<vmem>>, vector<16xf32>,
      tpu.vector_store %arg11[%swap3A_510, %swap3A_511], %exp3A_509 {strides = array<i32>} : memref<2x128xf32, #tpu.memory_space<vmem>>, vector<16xf32>,
      %get3A_513 = arith.index_cast %rem3A_409 : i32 to index
      %get3A_514 = arith.constant 80 : index
      %get3A_515 = tpu.vector_load %arg12[%get3A_513, %get3A_514] {strides = array<i32>} : memref<2x128xf32, #tpu.memory_space<vmem>>, vector<16xf32>,
      %get3A_516 = arith.index_cast %rem3A_409 : i32 to index
      %get3A_517 = arith.constant 80 : index
      %get3A_518 = tpu.vector_load %arg13[%get3A_516, %get3A_517] {strides = array<i32>} : memref<2x128xf32, #tpu.memory_space<vmem>>, vector<16xf32>,
      %add3A_519 = arith.addf %get3A_515, %get3A_518 : vector<16xf32>
      %mul3A_520 = arith.constant 2.000000e-01 : f32
      %mul3A_521 = vector.broadcast %mul3A_520 : f32 to vector<16xf32>
      %mul3A_522 = arith.mulf %add3A_519, %mul3A_521 : vector<16xf32>
      %max3A_523 = arith.maximumf %add3A_519, %mul3A_522 : vector<16xf32>
      %exp3A_524 = math.exp %max3A_523 : vector<16xf32>
      %swap3A_525 = arith.index_cast %rem3A_409 : i32 to index
      %swap3A_526 = arith.constant 80 : index
      %swap3A_527 = tpu.vector_load %arg11[%swap3A_525, %swap3A_526] {strides = array<i32>} : memref<2x128xf32, #tpu.memory_space<vmem>>, vector<16xf32>,
      tpu.vector_store %arg11[%swap3A_525, %swap3A_526], %exp3A_524 {strides = array<i32>} : memref<2x128xf32, #tpu.memory_space<vmem>>, vector<16xf32>,
      %get3A_528 = arith.index_cast %rem3A_409 : i32 to index
      %get3A_529 = arith.constant 96 : index
      %get3A_530 = tpu.vector_load %arg12[%get3A_528, %get3A_529] {strides = array<i32>} : memref<2x128xf32, #tpu.memory_space<vmem>>, vector<16xf32>,
      %get3A_531 = arith.index_cast %rem3A_409 : i32 to index
      %get3A_532 = arith.constant 96 : index
      %get3A_533 = tpu.vector_load %arg13[%get3A_531, %get3A_532] {strides = array<i32>} : memref<2x128xf32, #tpu.memory_space<vmem>>, vector<16xf32>,
      %add3A_534 = arith.addf %get3A_530, %get3A_533 : vector<16xf32>
      %mul3A_535 = arith.constant 2.000000e-01 : f32
      %mul3A_536 = vector.broadcast %mul3A_535 : f32 to vector<16xf32>
      %mul3A_537 = arith.mulf %add3A_534, %mul3A_536 : vector<16xf32>
      %max3A_538 = arith.maximumf %add3A_534, %mul3A_537 : vector<16xf32>
      %exp3A_539 = math.exp %max3A_538 : vector<16xf32>
      %swap3A_540 = arith.index_cast %rem3A_409 : i32 to index
      %swap3A_541 = arith.constant 96 : index
      %swap3A_542 = tpu.vector_load %arg11[%swap3A_540, %swap3A_541] {strides = array<i32>} : memref<2x128xf32, #tpu.memory_space<vmem>>, vector<16xf32>,
      tpu.vector_store %arg11[%swap3A_540, %swap3A_541], %exp3A_539 {strides = array<i32>} : memref<2x128xf32, #tpu.memory_space<vmem>>, vector<16xf32>,
      %get3A_543 = arith.index_cast %rem3A_409 : i32 to index
      %get3A_544 = arith.constant 112 : index
      %get3A_545 = tpu.vector_load %arg12[%get3A_543, %get3A_544] {strides = array<i32>} : memref<2x128xf32, #tpu.memory_space<vmem>>, vector<16xf32>,
      %get3A_546 = arith.index_cast %rem3A_409 : i32 to index
      %get3A_547 = arith.constant 112 : index
      %get3A_548 = tpu.vector_load %arg13[%get3A_546, %get3A_547] {strides = array<i32>} : memref<2x128xf32, #tpu.memory_space<vmem>>, vector<16xf32>,
      %add3A_549 = arith.addf %get3A_545, %get3A_548 : vector<16xf32>
      %mul3A_550 = arith.constant 2.000000e-01 : f32
      %mul3A_551 = vector.broadcast %mul3A_550 : f32 to vector<16xf32>
      %mul3A_552 = arith.mulf %add3A_549, %mul3A_551 : vector<16xf32>
      %max3A_553 = arith.maximumf %add3A_549, %mul3A_552 : vector<16xf32>
      %exp3A_554 = math.exp %max3A_553 : vector<16xf32>
      %swap3A_555 = arith.index_cast %rem3A_409 : i32 to index
      %swap3A_556 = arith.constant 112 : index
      %swap3A_557 = tpu.vector_load %arg11[%swap3A_555, %swap3A_556] {strides = array<i32>} : memref<2x128xf32, #tpu.memory_space<vmem>>, vector<16xf32>,
      tpu.vector_store %arg11[%swap3A_555, %swap3A_556], %exp3A_554 {strides = array<i32>} : memref<2x128xf32, #tpu.memory_space<vmem>>, vector<16xf32>,
      %dma_start3A_558 = arith.constant 0 : i32
      %dma_start3A_559 = tpu.memref_slice %arg11[%rem3A_409, %dma_start3A_558] : memref<2x128xf32, #tpu.memory_space<vmem>> -> memref<1x128xf32, #tpu.memory_space<vmem>>
      %dma_start3A_560 = tpu.memref_squeeze %dma_start3A_559 : memref<1x128xf32, #tpu.memory_space<vmem>> -> memref<128xf32, #tpu.memory_space<vmem>>
      %dma_start3A_561 = arith.constant 0 : i32
      %dma_start3A_562 = tpu.memref_slice %arg10[%rem3A_413, %dma_start3A_561] : memref<3x128xi32, #tpu.memory_space<vmem>> -> memref<1x128xi32, #tpu.memory_space<vmem>>
      %dma_start3A_563 = tpu.memref_squeeze %dma_start3A_562 : memref<1x128xi32, #tpu.memory_space<vmem>> -> memref<128xi32, #tpu.memory_space<vmem>>
      %dma_start3A_564 = arith.constant 0 : i32
      %dma_start3A_565 = tpu.memref_slice %arg16[%dma_start3A_564] : memref<10000xf32, #tpu.memory_space<vmem_shared>> -> memref<10000xf32, #tpu.memory_space<vmem_shared>>
      tpu.enqueue_indirect_dma source(%dma_start3A_560 : memref<128xf32, #tpu.memory_space<vmem>>) target(%dma_start3A_565 : memref<10000xf32, #tpu.memory_space<vmem_shared>>) offsets(%dma_start3A_563 : memref<128xi32, #tpu.memory_space<vmem>>) semaphore(%arg21 : memref<!tpu.dma_semaphore, #tpu.memory_space<semaphore_mem>>) {add = true}
      %dma_wait3A_566 = arith.constant 0 : i32
      %dma_wait3A_567 = arith.constant 0 : i32
      %dma_wait3A_568 = tpu.memref_slice %arg14[%rem3A_409, %dma_wait3A_566, %dma_wait3A_567] : memref<2x128x128xf32, #tpu.memory_space<vmem>> -> memref<1x128x128xf32, #tpu.memory_space<vmem>>
      %dma_wait3A_569 = tpu.memref_squeeze %dma_wait3A_568 : memref<1x128x128xf32, #tpu.memory_space<vmem>> -> memref<128x128xf32, #tpu.memory_space<vmem>>
      %dma_wait3A_570 = arith.constant 0 : i32
      %dma_wait3A_571 = tpu.memref_slice %arg9[%rem3A_413, %dma_wait3A_570] : memref<3x128xi32, #tpu.memory_space<vmem>> -> memref<1x128xi32, #tpu.memory_space<vmem>>
      %dma_wait3A_572 = tpu.memref_squeeze %dma_wait3A_571 : memref<1x128xi32, #tpu.memory_space<vmem>> -> memref<128xi32, #tpu.memory_space<vmem>>
      %dma_wait3A_573 = arith.constant 0 : i32
      %dma_wait3A_574 = arith.constant 0 : i32
      %dma_wait3A_575 = tpu.memref_slice %arg2[%dma_wait3A_573, %dma_wait3A_574] : memref<10000x128xf32, #tpu.memory_space<hbm>> -> memref<10000x128xf32, #tpu.memory_space<hbm>>
      tpu.wait_indirect_dma semaphore(%arg17 : memref<!tpu.dma_semaphore, #tpu.memory_space<semaphore_mem>>) src(%dma_wait3A_575 : memref<10000x128xf32, #tpu.memory_space<hbm>>) dst(%dma_wait3A_569 : memref<128x128xf32, #tpu.memory_space<vmem>>)
      %ge3A = arith.constant 1 : i32
      %ge3A_576 = arith.cmpi sge, %while3A_407, %ge3A : i32
      %convert_element_type3A_577 = arith.extui %ge3A_576 : i1 to i32
      %cond3A_578 = arith.constant 0 : i32
      %cond3A_579 = arith.cmpi ne, %convert_element_type3A_577, %cond3A_578 : i32
      scf.if %cond3A_579 {
        %dma_wait3A_648 = arith.constant 0 : i32
        %dma_wait3A_649 = arith.constant 0 : i32
        %dma_wait3A_650 = tpu.memref_slice %arg14[%sub3A_411, %dma_wait3A_648, %dma_wait3A_649] : memref<2x128x128xf32, #tpu.memory_space<vmem>> -> memref<1x128x128xf32, #tpu.memory_space<vmem>>
        %dma_wait3A_651 = tpu.memref_squeeze %dma_wait3A_650 : memref<1x128x128xf32, #tpu.memory_space<vmem>> -> memref<128x128xf32, #tpu.memory_space<vmem>>
        %dma_wait3A_652 = arith.constant 0 : i32
        %dma_wait3A_653 = tpu.memref_slice %arg10[%rem3A_421, %dma_wait3A_652] : memref<3x128xi32, #tpu.memory_space<vmem>> -> memref<1x128xi32, #tpu.memory_space<vmem>>
        %dma_wait3A_654 = tpu.memref_squeeze %dma_wait3A_653 : memref<1x128xi32, #tpu.memory_space<vmem>> -> memref<128xi32, #tpu.memory_space<vmem>>
        %dma_wait3A_655 = arith.constant 0 : i32
        %dma_wait3A_656 = arith.constant 0 : i32
        %dma_wait3A_657 = tpu.memref_slice %arg15[%dma_wait3A_655, %dma_wait3A_656] : memref<10000x128xf32, #tpu.memory_space<vmem_shared>> -> memref<10000x128xf32, #tpu.memory_space<vmem_shared>>
        tpu.wait_indirect_dma semaphore(%arg18 : memref<!tpu.dma_semaphore, #tpu.memory_space<semaphore_mem>>) src(%dma_wait3A_651 : memref<128x128xf32, #tpu.memory_space<vmem>>) dst(%dma_wait3A_657 : memref<10000x128xf32, #tpu.memory_space<vmem_shared>>)
        %dma_wait3A_658 = arith.constant 0 : i32
        %dma_wait3A_659 = tpu.memref_slice %arg11[%sub3A_411, %dma_wait3A_658] : memref<2x128xf32, #tpu.memory_space<vmem>> -> memref<1x128xf32, #tpu.memory_space<vmem>>
        %dma_wait3A_660 = tpu.memref_squeeze %dma_wait3A_659 : memref<1x128xf32, #tpu.memory_space<vmem>> -> memref<128xf32, #tpu.memory_space<vmem>>
        %dma_wait3A_661 = arith.constant 0 : i32
        %dma_wait3A_662 = tpu.memref_slice %arg10[%rem3A_421, %dma_wait3A_661] : memref<3x128xi32, #tpu.memory_space<vmem>> -> memref<1x128xi32, #tpu.memory_space<vmem>>
        %dma_wait3A_663 = tpu.memref_squeeze %dma_wait3A_662 : memref<1x128xi32, #tpu.memory_space<vmem>> -> memref<128xi32, #tpu.memory_space<vmem>>
        %dma_wait3A_664 = arith.constant 0 : i32
        %dma_wait3A_665 = tpu.memref_slice %arg16[%dma_wait3A_664] : memref<10000xf32, #tpu.memory_space<vmem_shared>> -> memref<10000xf32, #tpu.memory_space<vmem_shared>>
        tpu.wait_indirect_dma semaphore(%arg21 : memref<!tpu.dma_semaphore, #tpu.memory_space<semaphore_mem>>) src(%dma_wait3A_660 : memref<128xf32, #tpu.memory_space<vmem>>) dst(%dma_wait3A_665 : memref<10000xf32, #tpu.memory_space<vmem_shared>>)
      } else {
      }
      %add3A_580 = arith.constant 2 : i32
      %add3A_581 = arith.addi %while3A_407, %add3A_580 : i32
      %lt3A_582 = arith.cmpi slt, %add3A_581, %add3A_73 : i32
      %convert_element_type3A_583 = arith.extui %lt3A_582 : i1 to i32
      %cond3A_584 = arith.constant 0 : i32
      %cond3A_585 = arith.cmpi ne, %convert_element_type3A_583, %cond3A_584 : i32
      scf.if %cond3A_585 {
        %add3A_648 = arith.constant 2 : i32
        %add3A_649 = arith.addi %while3A_407, %add3A_648 : i32
        %add3A_650 = arith.addi %add3A_77, %add3A_649 : i32
        %mul3A_651 = arith.constant 128 : i32
        %mul3A_652 = arith.muli %add3A_650, %mul3A_651 : i32
        %dma_start3A_653 = arith.constant 0 : i32
        %dma_start3A_654 = tpu.memref_slice %arg9[%rem3A_421, %dma_start3A_653] : memref<3x128xi32, #tpu.memory_space<vmem>> -> memref<1x128xi32, #tpu.memory_space<vmem>>
        %dma_start3A_655 = tpu.memref_squeeze %dma_start3A_654 : memref<1x128xi32, #tpu.memory_space<vmem>> -> memref<128xi32, #tpu.memory_space<vmem>>
        %dma_start3A_656 = tpu.memref_slice %arg3[%mul3A_652] : memref<320000xi32, #tpu.memory_space<hbm>> -> memref<128xi32, #tpu.memory_space<hbm>>
        %dma_start3A_657 = arith.constant 0 : i32
        %dma_start3A_658 = tpu.memref_slice %arg9[%rem3A_421, %dma_start3A_657] : memref<3x128xi32, #tpu.memory_space<vmem>> -> memref<1x128xi32, #tpu.memory_space<vmem>>
        %dma_start3A_659 = tpu.memref_squeeze %dma_start3A_658 : memref<1x128xi32, #tpu.memory_space<vmem>> -> memref<128xi32, #tpu.memory_space<vmem>>
        %dma_start3A_660 = tpu.memref_slice %arg3[%mul3A_652] : memref<320000xi32, #tpu.memory_space<hbm>> -> memref<128xi32, #tpu.memory_space<hbm>>
        tpu.enqueue_dma source(%dma_start3A_660 : memref<128xi32, #tpu.memory_space<hbm>>) target(%dma_start3A_659 : memref<128xi32, #tpu.memory_space<vmem>>) target_semaphore(%arg19 : memref<!tpu.dma_semaphore, #tpu.memory_space<semaphore_mem>>)
        %dma_start3A_661 = arith.constant 0 : i32
        %dma_start3A_662 = tpu.memref_slice %arg10[%rem3A_421, %dma_start3A_661] : memref<3x128xi32, #tpu.memory_space<vmem>> -> memref<1x128xi32, #tpu.memory_space<vmem>>
        %dma_start3A_663 = tpu.memref_squeeze %dma_start3A_662 : memref<1x128xi32, #tpu.memory_space<vmem>> -> memref<128xi32, #tpu.memory_space<vmem>>
        %dma_start3A_664 = tpu.memref_slice %arg4[%mul3A_652] : memref<320000xi32, #tpu.memory_space<hbm>> -> memref<128xi32, #tpu.memory_space<hbm>>
        %dma_start3A_665 = arith.constant 0 : i32
        %dma_start3A_666 = tpu.memref_slice %arg10[%rem3A_421, %dma_start3A_665] : memref<3x128xi32, #tpu.memory_space<vmem>> -> memref<1x128xi32, #tpu.memory_space<vmem>>
        %dma_start3A_667 = tpu.memref_squeeze %dma_start3A_666 : memref<1x128xi32, #tpu.memory_space<vmem>> -> memref<128xi32, #tpu.memory_space<vmem>>
        %dma_start3A_668 = tpu.memref_slice %arg4[%mul3A_652] : memref<320000xi32, #tpu.memory_space<hbm>> -> memref<128xi32, #tpu.memory_space<hbm>>
        tpu.enqueue_dma source(%dma_start3A_668 : memref<128xi32, #tpu.memory_space<hbm>>) target(%dma_start3A_667 : memref<128xi32, #tpu.memory_space<vmem>>) target_semaphore(%arg19 : memref<!tpu.dma_semaphore, #tpu.memory_space<semaphore_mem>>)
      } else {
      }
      %dma_wait3A_586 = arith.constant 0 : i32
      %dma_wait3A_587 = tpu.memref_slice %arg9[%rem3A_417, %dma_wait3A_586] : memref<3x128xi32, #tpu.memory_space<vmem>> -> memref<1x128xi32, #tpu.memory_space<vmem>>
      %dma_wait3A_588 = tpu.memref_squeeze %dma_wait3A_587 : memref<1x128xi32, #tpu.memory_space<vmem>> -> memref<128xi32, #tpu.memory_space<vmem>>
      %dma_wait3A_589 = arith.constant 0 : i32
      %dma_wait3A_590 = tpu.memref_slice %arg3[%dma_wait3A_589] : memref<320000xi32, #tpu.memory_space<hbm>> -> memref<128xi32, #tpu.memory_space<hbm>>
      %dma_wait3A_591 = arith.constant 0 : i32
      %dma_wait3A_592 = tpu.memref_slice %arg9[%rem3A_417, %dma_wait3A_591] : memref<3x128xi32, #tpu.memory_space<vmem>> -> memref<1x128xi32, #tpu.memory_space<vmem>>
      %dma_wait3A_593 = tpu.memref_squeeze %dma_wait3A_592 : memref<1x128xi32, #tpu.memory_space<vmem>> -> memref<128xi32, #tpu.memory_space<vmem>>
      %dma_wait3A_594 = arith.constant 0 : i32
      %dma_wait3A_595 = tpu.memref_slice %arg3[%dma_wait3A_594] : memref<320000xi32, #tpu.memory_space<hbm>> -> memref<128xi32, #tpu.memory_space<hbm>>
      tpu.wait_dma2 semaphore(%arg19 : memref<!tpu.dma_semaphore, #tpu.memory_space<semaphore_mem>>) src(%dma_wait3A_595 : memref<128xi32, #tpu.memory_space<hbm>>) dst(%dma_wait3A_593 : memref<128xi32, #tpu.memory_space<vmem>>)
      %dma_wait3A_596 = arith.constant 0 : i32
      %dma_wait3A_597 = tpu.memref_slice %arg10[%rem3A_417, %dma_wait3A_596] : memref<3x128xi32, #tpu.memory_space<vmem>> -> memref<1x128xi32, #tpu.memory_space<vmem>>
      %dma_wait3A_598 = tpu.memref_squeeze %dma_wait3A_597 : memref<1x128xi32, #tpu.memory_space<vmem>> -> memref<128xi32, #tpu.memory_space<vmem>>
      %dma_wait3A_599 = arith.constant 0 : i32
      %dma_wait3A_600 = tpu.memref_slice %arg4[%dma_wait3A_599] : memref<320000xi32, #tpu.memory_space<hbm>> -> memref<128xi32, #tpu.memory_space<hbm>>
      %dma_wait3A_601 = arith.constant 0 : i32
      %dma_wait3A_602 = tpu.memref_slice %arg10[%rem3A_417, %dma_wait3A_601] : memref<3x128xi32, #tpu.memory_space<vmem>> -> memref<1x128xi32, #tpu.memory_space<vmem>>
      %dma_wait3A_603 = tpu.memref_squeeze %dma_wait3A_602 : memref<1x128xi32, #tpu.memory_space<vmem>> -> memref<128xi32, #tpu.memory_space<vmem>>
      %dma_wait3A_604 = arith.constant 0 : i32
      %dma_wait3A_605 = tpu.memref_slice %arg4[%dma_wait3A_604] : memref<320000xi32, #tpu.memory_space<hbm>> -> memref<128xi32, #tpu.memory_space<hbm>>
      tpu.wait_dma2 semaphore(%arg19 : memref<!tpu.dma_semaphore, #tpu.memory_space<semaphore_mem>>) src(%dma_wait3A_605 : memref<128xi32, #tpu.memory_space<hbm>>) dst(%dma_wait3A_603 : memref<128xi32, #tpu.memory_space<vmem>>)
      %dma_start3A_606 = arith.constant 0 : i32
      %dma_start3A_607 = tpu.memref_slice %arg12[%sub3A_411, %dma_start3A_606] : memref<2x128xf32, #tpu.memory_space<vmem>> -> memref<1x128xf32, #tpu.memory_space<vmem>>
      %dma_start3A_608 = tpu.memref_squeeze %dma_start3A_607 : memref<1x128xf32, #tpu.memory_space<vmem>> -> memref<128xf32, #tpu.memory_space<vmem>>
      %dma_start3A_609 = arith.constant 0 : i32
      %dma_start3A_610 = tpu.memref_slice %arg9[%rem3A_417, %dma_start3A_609] : memref<3x128xi32, #tpu.memory_space<vmem>> -> memref<1x128xi32, #tpu.memory_space<vmem>>
      %dma_start3A_611 = tpu.memref_squeeze %dma_start3A_610 : memref<1x128xi32, #tpu.memory_space<vmem>> -> memref<128xi32, #tpu.memory_space<vmem>>
      %dma_start3A_612 = arith.constant 0 : i32
      %dma_start3A_613 = tpu.memref_slice %arg5[%dma_start3A_612] : memref<10000xf32, #tpu.memory_space<hbm>> -> memref<10000xf32, #tpu.memory_space<hbm>>
      tpu.enqueue_indirect_dma source(%dma_start3A_613 : memref<10000xf32, #tpu.memory_space<hbm>>) target(%dma_start3A_608 : memref<128xf32, #tpu.memory_space<vmem>>) offsets(%dma_start3A_611 : memref<128xi32, #tpu.memory_space<vmem>>) semaphore(%arg20 : memref<!tpu.dma_semaphore, #tpu.memory_space<semaphore_mem>>)
      %dma_start3A_614 = arith.constant 0 : i32
      %dma_start3A_615 = tpu.memref_slice %arg13[%sub3A_411, %dma_start3A_614] : memref<2x128xf32, #tpu.memory_space<vmem>> -> memref<1x128xf32, #tpu.memory_space<vmem>>
      %dma_start3A_616 = tpu.memref_squeeze %dma_start3A_615 : memref<1x128xf32, #tpu.memory_space<vmem>> -> memref<128xf32, #tpu.memory_space<vmem>>
      %dma_start3A_617 = arith.constant 0 : i32
      %dma_start3A_618 = tpu.memref_slice %arg10[%rem3A_417, %dma_start3A_617] : memref<3x128xi32, #tpu.memory_space<vmem>> -> memref<1x128xi32, #tpu.memory_space<vmem>>
      %dma_start3A_619 = tpu.memref_squeeze %dma_start3A_618 : memref<1x128xi32, #tpu.memory_space<vmem>> -> memref<128xi32, #tpu.memory_space<vmem>>
      %dma_start3A_620 = arith.constant 0 : i32
      %dma_start3A_621 = tpu.memref_slice %arg6[%dma_start3A_620] : memref<10000xf32, #tpu.memory_space<hbm>> -> memref<10000xf32, #tpu.memory_space<hbm>>
      tpu.enqueue_indirect_dma source(%dma_start3A_621 : memref<10000xf32, #tpu.memory_space<hbm>>) target(%dma_start3A_616 : memref<128xf32, #tpu.memory_space<vmem>>) offsets(%dma_start3A_619 : memref<128xi32, #tpu.memory_space<vmem>>) semaphore(%arg20 : memref<!tpu.dma_semaphore, #tpu.memory_space<semaphore_mem>>)
      %dma_start3A_622 = arith.constant 0 : i32
      %dma_start3A_623 = arith.constant 0 : i32
      %dma_start3A_624 = tpu.memref_slice %arg14[%sub3A_411, %dma_start3A_622, %dma_start3A_623] : memref<2x128x128xf32, #tpu.memory_space<vmem>> -> memref<1x128x128xf32, #tpu.memory_space<vmem>>
      %dma_start3A_625 = tpu.memref_squeeze %dma_start3A_624 : memref<1x128x128xf32, #tpu.memory_space<vmem>> -> memref<128x128xf32, #tpu.memory_space<vmem>>
      %dma_start3A_626 = arith.constant 0 : i32
      %dma_start3A_627 = tpu.memref_slice %arg9[%rem3A_417, %dma_start3A_626] : memref<3x128xi32, #tpu.memory_space<vmem>> -> memref<1x128xi32, #tpu.memory_space<vmem>>
      %dma_start3A_628 = tpu.memref_squeeze %dma_start3A_627 : memref<1x128xi32, #tpu.memory_space<vmem>> -> memref<128xi32, #tpu.memory_space<vmem>>
      %dma_start3A_629 = arith.constant 0 : i32
      %dma_start3A_630 = arith.constant 0 : i32
      %dma_start3A_631 = tpu.memref_slice %arg2[%dma_start3A_629, %dma_start3A_630] : memref<10000x128xf32, #tpu.memory_space<hbm>> -> memref<10000x128xf32, #tpu.memory_space<hbm>>
      tpu.enqueue_indirect_dma source(%dma_start3A_631 : memref<10000x128xf32, #tpu.memory_space<hbm>>) target(%dma_start3A_625 : memref<128x128xf32, #tpu.memory_space<vmem>>) offsets(%dma_start3A_628 : memref<128xi32, #tpu.memory_space<vmem>>) semaphore(%arg17 : memref<!tpu.dma_semaphore, #tpu.memory_space<semaphore_mem>>)
      %scan3A_632 = arith.constant 0 : i32
      %scan3A_633 = arith.constant 0 : i32
      %scan3A_634 = arith.constant 32 : i32
      %scan3A_635 = arith.addi %scan3A_633, %scan3A_634 : i32
      %scan3A_636 = arith.constant 1 : i32
      scf.for %scan3A_648 = %scan3A_633 to %scan3A_635 step %scan3A_636  : i32 {
        %mul3A_649 = arith.constant 4 : i32
        %mul3A_650 = arith.muli %scan3A_648, %mul3A_649 : i32
        %add3A_651 = arith.constant 0 : i32
        %add3A_652 = arith.addi %mul3A_650, %add3A_651 : i32
        %broadcast_in_dim3A_653 = vector.broadcast %add3A_652 : i32 to vector<16xi32>
        %gather3A = arith.constant 0 : i32
        %gather3A_654 = tpu.memref_slice %arg11[%rem3A_409, %gather3A] : memref<2x128xf32, #tpu.memory_space<vmem>> -> memref<1x128xf32, #tpu.memory_space<vmem>>
        %gather3A_655 = tpu.memref_squeeze %gather3A_654 : memref<1x128xf32, #tpu.memory_space<vmem>> -> memref<128xf32, #tpu.memory_space<vmem>>
        %gather3A_656 = tpu.vector_load_idx %gather3A_655[%broadcast_in_dim3A_653] : memref<128xf32, #tpu.memory_space<vmem>>[vector<16xi32>], vector<16xf32>,
        %get3A_657 = arith.index_cast %rem3A_409 : i32 to index
        %get3A_658 = arith.index_cast %add3A_652 : i32 to index
        %get3A_659 = arith.constant 0 : index
        %get3A_660 = tpu.vector_load %arg14[%get3A_657, %get3A_658, %get3A_659] {strides = array<i32>} : memref<2x128x128xf32, #tpu.memory_space<vmem>>, vector<16xf32>,
        %mul3A_661 = arith.mulf %get3A_660, %gather3A_656 : vector<16xf32>
        %swap3A_662 = arith.index_cast %rem3A_409 : i32 to index
        %swap3A_663 = arith.index_cast %add3A_652 : i32 to index
        %swap3A_664 = arith.constant 0 : index
        %swap3A_665 = tpu.vector_load %arg14[%swap3A_662, %swap3A_663, %swap3A_664] {strides = array<i32>} : memref<2x128x128xf32, #tpu.memory_space<vmem>>, vector<16xf32>,
        tpu.vector_store %arg14[%swap3A_662, %swap3A_663, %swap3A_664], %mul3A_661 {strides = array<i32>} : memref<2x128x128xf32, #tpu.memory_space<vmem>>, vector<16xf32>,
        %get3A_666 = arith.index_cast %rem3A_409 : i32 to index
        %get3A_667 = arith.index_cast %add3A_652 : i32 to index
        %get3A_668 = arith.constant 16 : index
        %get3A_669 = tpu.vector_load %arg14[%get3A_666, %get3A_667, %get3A_668] {strides = array<i32>} : memref<2x128x128xf32, #tpu.memory_space<vmem>>, vector<16xf32>,
        %mul3A_670 = arith.mulf %get3A_669, %gather3A_656 : vector<16xf32>
        %swap3A_671 = arith.index_cast %rem3A_409 : i32 to index
        %swap3A_672 = arith.index_cast %add3A_652 : i32 to index
        %swap3A_673 = arith.constant 16 : index
        %swap3A_674 = tpu.vector_load %arg14[%swap3A_671, %swap3A_672, %swap3A_673] {strides = array<i32>} : memref<2x128x128xf32, #tpu.memory_space<vmem>>, vector<16xf32>,
        tpu.vector_store %arg14[%swap3A_671, %swap3A_672, %swap3A_673], %mul3A_670 {strides = array<i32>} : memref<2x128x128xf32, #tpu.memory_space<vmem>>, vector<16xf32>,
        %get3A_675 = arith.index_cast %rem3A_409 : i32 to index
        %get3A_676 = arith.index_cast %add3A_652 : i32 to index
        %get3A_677 = arith.constant 32 : index
        %get3A_678 = tpu.vector_load %arg14[%get3A_675, %get3A_676, %get3A_677] {strides = array<i32>} : memref<2x128x128xf32, #tpu.memory_space<vmem>>, vector<16xf32>,
        %mul3A_679 = arith.mulf %get3A_678, %gather3A_656 : vector<16xf32>
        %swap3A_680 = arith.index_cast %rem3A_409 : i32 to index
        %swap3A_681 = arith.index_cast %add3A_652 : i32 to index
        %swap3A_682 = arith.constant 32 : index
        %swap3A_683 = tpu.vector_load %arg14[%swap3A_680, %swap3A_681, %swap3A_682] {strides = array<i32>} : memref<2x128x128xf32, #tpu.memory_space<vmem>>, vector<16xf32>,
        tpu.vector_store %arg14[%swap3A_680, %swap3A_681, %swap3A_682], %mul3A_679 {strides = array<i32>} : memref<2x128x128xf32, #tpu.memory_space<vmem>>, vector<16xf32>,
        %get3A_684 = arith.index_cast %rem3A_409 : i32 to index
        %get3A_685 = arith.index_cast %add3A_652 : i32 to index
        %get3A_686 = arith.constant 48 : index
        %get3A_687 = tpu.vector_load %arg14[%get3A_684, %get3A_685, %get3A_686] {strides = array<i32>} : memref<2x128x128xf32, #tpu.memory_space<vmem>>, vector<16xf32>,
        %mul3A_688 = arith.mulf %get3A_687, %gather3A_656 : vector<16xf32>
        %swap3A_689 = arith.index_cast %rem3A_409 : i32 to index
        %swap3A_690 = arith.index_cast %add3A_652 : i32 to index
        %swap3A_691 = arith.constant 48 : index
        %swap3A_692 = tpu.vector_load %arg14[%swap3A_689, %swap3A_690, %swap3A_691] {strides = array<i32>} : memref<2x128x128xf32, #tpu.memory_space<vmem>>, vector<16xf32>,
        tpu.vector_store %arg14[%swap3A_689, %swap3A_690, %swap3A_691], %mul3A_688 {strides = array<i32>} : memref<2x128x128xf32, #tpu.memory_space<vmem>>, vector<16xf32>,
        %get3A_693 = arith.index_cast %rem3A_409 : i32 to index
        %get3A_694 = arith.index_cast %add3A_652 : i32 to index
        %get3A_695 = arith.constant 64 : index
        %get3A_696 = tpu.vector_load %arg14[%get3A_693, %get3A_694, %get3A_695] {strides = array<i32>} : memref<2x128x128xf32, #tpu.memory_space<vmem>>, vector<16xf32>,
        %mul3A_697 = arith.mulf %get3A_696, %gather3A_656 : vector<16xf32>
        %swap3A_698 = arith.index_cast %rem3A_409 : i32 to index
        %swap3A_699 = arith.index_cast %add3A_652 : i32 to index
        %swap3A_700 = arith.constant 64 : index
        %swap3A_701 = tpu.vector_load %arg14[%swap3A_698, %swap3A_699, %swap3A_700] {strides = array<i32>} : memref<2x128x128xf32, #tpu.memory_space<vmem>>, vector<16xf32>,
        tpu.vector_store %arg14[%swap3A_698, %swap3A_699, %swap3A_700], %mul3A_697 {strides = array<i32>} : memref<2x128x128xf32, #tpu.memory_space<vmem>>, vector<16xf32>,
        %get3A_702 = arith.index_cast %rem3A_409 : i32 to index
        %get3A_703 = arith.index_cast %add3A_652 : i32 to index
        %get3A_704 = arith.constant 80 : index
        %get3A_705 = tpu.vector_load %arg14[%get3A_702, %get3A_703, %get3A_704] {strides = array<i32>} : memref<2x128x128xf32, #tpu.memory_space<vmem>>, vector<16xf32>,
        %mul3A_706 = arith.mulf %get3A_705, %gather3A_656 : vector<16xf32>
        %swap3A_707 = arith.index_cast %rem3A_409 : i32 to index
        %swap3A_708 = arith.index_cast %add3A_652 : i32 to index
        %swap3A_709 = arith.constant 80 : index
        %swap3A_710 = tpu.vector_load %arg14[%swap3A_707, %swap3A_708, %swap3A_709] {strides = array<i32>} : memref<2x128x128xf32, #tpu.memory_space<vmem>>, vector<16xf32>,
        tpu.vector_store %arg14[%swap3A_707, %swap3A_708, %swap3A_709], %mul3A_706 {strides = array<i32>} : memref<2x128x128xf32, #tpu.memory_space<vmem>>, vector<16xf32>,
        %get3A_711 = arith.index_cast %rem3A_409 : i32 to index
        %get3A_712 = arith.index_cast %add3A_652 : i32 to index
        %get3A_713 = arith.constant 96 : index
        %get3A_714 = tpu.vector_load %arg14[%get3A_711, %get3A_712, %get3A_713] {strides = array<i32>} : memref<2x128x128xf32, #tpu.memory_space<vmem>>, vector<16xf32>,
        %mul3A_715 = arith.mulf %get3A_714, %gather3A_656 : vector<16xf32>
        %swap3A_716 = arith.index_cast %rem3A_409 : i32 to index
        %swap3A_717 = arith.index_cast %add3A_652 : i32 to index
        %swap3A_718 = arith.constant 96 : index
        %swap3A_719 = tpu.vector_load %arg14[%swap3A_716, %swap3A_717, %swap3A_718] {strides = array<i32>} : memref<2x128x128xf32, #tpu.memory_space<vmem>>, vector<16xf32>,
        tpu.vector_store %arg14[%swap3A_716, %swap3A_717, %swap3A_718], %mul3A_715 {strides = array<i32>} : memref<2x128x128xf32, #tpu.memory_space<vmem>>, vector<16xf32>,
        %get3A_720 = arith.index_cast %rem3A_409 : i32 to index
        %get3A_721 = arith.index_cast %add3A_652 : i32 to index
        %get3A_722 = arith.constant 112 : index
        %get3A_723 = tpu.vector_load %arg14[%get3A_720, %get3A_721, %get3A_722] {strides = array<i32>} : memref<2x128x128xf32, #tpu.memory_space<vmem>>, vector<16xf32>,
        %mul3A_724 = arith.mulf %get3A_723, %gather3A_656 : vector<16xf32>
        %swap3A_725 = arith.index_cast %rem3A_409 : i32 to index
        %swap3A_726 = arith.index_cast %add3A_652 : i32 to index
        %swap3A_727 = arith.constant 112 : index
        %swap3A_728 = tpu.vector_load %arg14[%swap3A_725, %swap3A_726, %swap3A_727] {strides = array<i32>} : memref<2x128x128xf32, #tpu.memory_space<vmem>>, vector<16xf32>,
        tpu.vector_store %arg14[%swap3A_725, %swap3A_726, %swap3A_727], %mul3A_724 {strides = array<i32>} : memref<2x128x128xf32, #tpu.memory_space<vmem>>, vector<16xf32>,
        %mul3A_729 = arith.constant 4 : i32
        %mul3A_730 = arith.muli %scan3A_648, %mul3A_729 : i32
        %add3A_731 = arith.constant 1 : i32
        %add3A_732 = arith.addi %mul3A_730, %add3A_731 : i32
        %broadcast_in_dim3A_733 = vector.broadcast %add3A_732 : i32 to vector<16xi32>
        %gather3A_734 = arith.constant 0 : i32
        %gather3A_735 = tpu.memref_slice %arg11[%rem3A_409, %gather3A_734] : memref<2x128xf32, #tpu.memory_space<vmem>> -> memref<1x128xf32, #tpu.memory_space<vmem>>
        %gather3A_736 = tpu.memref_squeeze %gather3A_735 : memref<1x128xf32, #tpu.memory_space<vmem>> -> memref<128xf32, #tpu.memory_space<vmem>>
        %gather3A_737 = tpu.vector_load_idx %gather3A_736[%broadcast_in_dim3A_733] : memref<128xf32, #tpu.memory_space<vmem>>[vector<16xi32>], vector<16xf32>,
        %get3A_738 = arith.index_cast %rem3A_409 : i32 to index
        %get3A_739 = arith.index_cast %add3A_732 : i32 to index
        %get3A_740 = arith.constant 0 : index
        %get3A_741 = tpu.vector_load %arg14[%get3A_738, %get3A_739, %get3A_740] {strides = array<i32>} : memref<2x128x128xf32, #tpu.memory_space<vmem>>, vector<16xf32>,
        %mul3A_742 = arith.mulf %get3A_741, %gather3A_737 : vector<16xf32>
        %swap3A_743 = arith.index_cast %rem3A_409 : i32 to index
        %swap3A_744 = arith.index_cast %add3A_732 : i32 to index
        %swap3A_745 = arith.constant 0 : index
        %swap3A_746 = tpu.vector_load %arg14[%swap3A_743, %swap3A_744, %swap3A_745] {strides = array<i32>} : memref<2x128x128xf32, #tpu.memory_space<vmem>>, vector<16xf32>,
        tpu.vector_store %arg14[%swap3A_743, %swap3A_744, %swap3A_745], %mul3A_742 {strides = array<i32>} : memref<2x128x128xf32, #tpu.memory_space<vmem>>, vector<16xf32>,
        %get3A_747 = arith.index_cast %rem3A_409 : i32 to index
        %get3A_748 = arith.index_cast %add3A_732 : i32 to index
        %get3A_749 = arith.constant 16 : index
        %get3A_750 = tpu.vector_load %arg14[%get3A_747, %get3A_748, %get3A_749] {strides = array<i32>} : memref<2x128x128xf32, #tpu.memory_space<vmem>>, vector<16xf32>,
        %mul3A_751 = arith.mulf %get3A_750, %gather3A_737 : vector<16xf32>
        %swap3A_752 = arith.index_cast %rem3A_409 : i32 to index
        %swap3A_753 = arith.index_cast %add3A_732 : i32 to index
        %swap3A_754 = arith.constant 16 : index
        %swap3A_755 = tpu.vector_load %arg14[%swap3A_752, %swap3A_753, %swap3A_754] {strides = array<i32>} : memref<2x128x128xf32, #tpu.memory_space<vmem>>, vector<16xf32>,
        tpu.vector_store %arg14[%swap3A_752, %swap3A_753, %swap3A_754], %mul3A_751 {strides = array<i32>} : memref<2x128x128xf32, #tpu.memory_space<vmem>>, vector<16xf32>,
        %get3A_756 = arith.index_cast %rem3A_409 : i32 to index
        %get3A_757 = arith.index_cast %add3A_732 : i32 to index
        %get3A_758 = arith.constant 32 : index
        %get3A_759 = tpu.vector_load %arg14[%get3A_756, %get3A_757, %get3A_758] {strides = array<i32>} : memref<2x128x128xf32, #tpu.memory_space<vmem>>, vector<16xf32>,
        %mul3A_760 = arith.mulf %get3A_759, %gather3A_737 : vector<16xf32>
        %swap3A_761 = arith.index_cast %rem3A_409 : i32 to index
        %swap3A_762 = arith.index_cast %add3A_732 : i32 to index
        %swap3A_763 = arith.constant 32 : index
        %swap3A_764 = tpu.vector_load %arg14[%swap3A_761, %swap3A_762, %swap3A_763] {strides = array<i32>} : memref<2x128x128xf32, #tpu.memory_space<vmem>>, vector<16xf32>,
        tpu.vector_store %arg14[%swap3A_761, %swap3A_762, %swap3A_763], %mul3A_760 {strides = array<i32>} : memref<2x128x128xf32, #tpu.memory_space<vmem>>, vector<16xf32>,
        %get3A_765 = arith.index_cast %rem3A_409 : i32 to index
        %get3A_766 = arith.index_cast %add3A_732 : i32 to index
        %get3A_767 = arith.constant 48 : index
        %get3A_768 = tpu.vector_load %arg14[%get3A_765, %get3A_766, %get3A_767] {strides = array<i32>} : memref<2x128x128xf32, #tpu.memory_space<vmem>>, vector<16xf32>,
        %mul3A_769 = arith.mulf %get3A_768, %gather3A_737 : vector<16xf32>
        %swap3A_770 = arith.index_cast %rem3A_409 : i32 to index
        %swap3A_771 = arith.index_cast %add3A_732 : i32 to index
        %swap3A_772 = arith.constant 48 : index
        %swap3A_773 = tpu.vector_load %arg14[%swap3A_770, %swap3A_771, %swap3A_772] {strides = array<i32>} : memref<2x128x128xf32, #tpu.memory_space<vmem>>, vector<16xf32>,
        tpu.vector_store %arg14[%swap3A_770, %swap3A_771, %swap3A_772], %mul3A_769 {strides = array<i32>} : memref<2x128x128xf32, #tpu.memory_space<vmem>>, vector<16xf32>,
        %get3A_774 = arith.index_cast %rem3A_409 : i32 to index
        %get3A_775 = arith.index_cast %add3A_732 : i32 to index
        %get3A_776 = arith.constant 64 : index
        %get3A_777 = tpu.vector_load %arg14[%get3A_774, %get3A_775, %get3A_776] {strides = array<i32>} : memref<2x128x128xf32, #tpu.memory_space<vmem>>, vector<16xf32>,
        %mul3A_778 = arith.mulf %get3A_777, %gather3A_737 : vector<16xf32>
        %swap3A_779 = arith.index_cast %rem3A_409 : i32 to index
        %swap3A_780 = arith.index_cast %add3A_732 : i32 to index
        %swap3A_781 = arith.constant 64 : index
        %swap3A_782 = tpu.vector_load %arg14[%swap3A_779, %swap3A_780, %swap3A_781] {strides = array<i32>} : memref<2x128x128xf32, #tpu.memory_space<vmem>>, vector<16xf32>,
        tpu.vector_store %arg14[%swap3A_779, %swap3A_780, %swap3A_781], %mul3A_778 {strides = array<i32>} : memref<2x128x128xf32, #tpu.memory_space<vmem>>, vector<16xf32>,
        %get3A_783 = arith.index_cast %rem3A_409 : i32 to index
        %get3A_784 = arith.index_cast %add3A_732 : i32 to index
        %get3A_785 = arith.constant 80 : index
        %get3A_786 = tpu.vector_load %arg14[%get3A_783, %get3A_784, %get3A_785] {strides = array<i32>} : memref<2x128x128xf32, #tpu.memory_space<vmem>>, vector<16xf32>,
        %mul3A_787 = arith.mulf %get3A_786, %gather3A_737 : vector<16xf32>
        %swap3A_788 = arith.index_cast %rem3A_409 : i32 to index
        %swap3A_789 = arith.index_cast %add3A_732 : i32 to index
        %swap3A_790 = arith.constant 80 : index
        %swap3A_791 = tpu.vector_load %arg14[%swap3A_788, %swap3A_789, %swap3A_790] {strides = array<i32>} : memref<2x128x128xf32, #tpu.memory_space<vmem>>, vector<16xf32>,
        tpu.vector_store %arg14[%swap3A_788, %swap3A_789, %swap3A_790], %mul3A_787 {strides = array<i32>} : memref<2x128x128xf32, #tpu.memory_space<vmem>>, vector<16xf32>,
        %get3A_792 = arith.index_cast %rem3A_409 : i32 to index
        %get3A_793 = arith.index_cast %add3A_732 : i32 to index
        %get3A_794 = arith.constant 96 : index
        %get3A_795 = tpu.vector_load %arg14[%get3A_792, %get3A_793, %get3A_794] {strides = array<i32>} : memref<2x128x128xf32, #tpu.memory_space<vmem>>, vector<16xf32>,
        %mul3A_796 = arith.mulf %get3A_795, %gather3A_737 : vector<16xf32>
        %swap3A_797 = arith.index_cast %rem3A_409 : i32 to index
        %swap3A_798 = arith.index_cast %add3A_732 : i32 to index
        %swap3A_799 = arith.constant 96 : index
        %swap3A_800 = tpu.vector_load %arg14[%swap3A_797, %swap3A_798, %swap3A_799] {strides = array<i32>} : memref<2x128x128xf32, #tpu.memory_space<vmem>>, vector<16xf32>,
        tpu.vector_store %arg14[%swap3A_797, %swap3A_798, %swap3A_799], %mul3A_796 {strides = array<i32>} : memref<2x128x128xf32, #tpu.memory_space<vmem>>, vector<16xf32>,
        %get3A_801 = arith.index_cast %rem3A_409 : i32 to index
        %get3A_802 = arith.index_cast %add3A_732 : i32 to index
        %get3A_803 = arith.constant 112 : index
        %get3A_804 = tpu.vector_load %arg14[%get3A_801, %get3A_802, %get3A_803] {strides = array<i32>} : memref<2x128x128xf32, #tpu.memory_space<vmem>>, vector<16xf32>,
        %mul3A_805 = arith.mulf %get3A_804, %gather3A_737 : vector<16xf32>
        %swap3A_806 = arith.index_cast %rem3A_409 : i32 to index
        %swap3A_807 = arith.index_cast %add3A_732 : i32 to index
        %swap3A_808 = arith.constant 112 : index
        %swap3A_809 = tpu.vector_load %arg14[%swap3A_806, %swap3A_807, %swap3A_808] {strides = array<i32>} : memref<2x128x128xf32, #tpu.memory_space<vmem>>, vector<16xf32>,
        tpu.vector_store %arg14[%swap3A_806, %swap3A_807, %swap3A_808], %mul3A_805 {strides = array<i32>} : memref<2x128x128xf32, #tpu.memory_space<vmem>>, vector<16xf32>,
        %mul3A_810 = arith.constant 4 : i32
        %mul3A_811 = arith.muli %scan3A_648, %mul3A_810 : i32
        %add3A_812 = arith.constant 2 : i32
        %add3A_813 = arith.addi %mul3A_811, %add3A_812 : i32
        %broadcast_in_dim3A_814 = vector.broadcast %add3A_813 : i32 to vector<16xi32>
        %gather3A_815 = arith.constant 0 : i32
        %gather3A_816 = tpu.memref_slice %arg11[%rem3A_409, %gather3A_815] : memref<2x128xf32, #tpu.memory_space<vmem>> -> memref<1x128xf32, #tpu.memory_space<vmem>>
        %gather3A_817 = tpu.memref_squeeze %gather3A_816 : memref<1x128xf32, #tpu.memory_space<vmem>> -> memref<128xf32, #tpu.memory_space<vmem>>
        %gather3A_818 = tpu.vector_load_idx %gather3A_817[%broadcast_in_dim3A_814] : memref<128xf32, #tpu.memory_space<vmem>>[vector<16xi32>], vector<16xf32>,
        %get3A_819 = arith.index_cast %rem3A_409 : i32 to index
        %get3A_820 = arith.index_cast %add3A_813 : i32 to index
        %get3A_821 = arith.constant 0 : index
        %get3A_822 = tpu.vector_load %arg14[%get3A_819, %get3A_820, %get3A_821] {strides = array<i32>} : memref<2x128x128xf32, #tpu.memory_space<vmem>>, vector<16xf32>,
        %mul3A_823 = arith.mulf %get3A_822, %gather3A_818 : vector<16xf32>
        %swap3A_824 = arith.index_cast %rem3A_409 : i32 to index
        %swap3A_825 = arith.index_cast %add3A_813 : i32 to index
        %swap3A_826 = arith.constant 0 : index
        %swap3A_827 = tpu.vector_load %arg14[%swap3A_824, %swap3A_825, %swap3A_826] {strides = array<i32>} : memref<2x128x128xf32, #tpu.memory_space<vmem>>, vector<16xf32>,
        tpu.vector_store %arg14[%swap3A_824, %swap3A_825, %swap3A_826], %mul3A_823 {strides = array<i32>} : memref<2x128x128xf32, #tpu.memory_space<vmem>>, vector<16xf32>,
        %get3A_828 = arith.index_cast %rem3A_409 : i32 to index
        %get3A_829 = arith.index_cast %add3A_813 : i32 to index
        %get3A_830 = arith.constant 16 : index
        %get3A_831 = tpu.vector_load %arg14[%get3A_828, %get3A_829, %get3A_830] {strides = array<i32>} : memref<2x128x128xf32, #tpu.memory_space<vmem>>, vector<16xf32>,
        %mul3A_832 = arith.mulf %get3A_831, %gather3A_818 : vector<16xf32>
        %swap3A_833 = arith.index_cast %rem3A_409 : i32 to index
        %swap3A_834 = arith.index_cast %add3A_813 : i32 to index
        %swap3A_835 = arith.constant 16 : index
        %swap3A_836 = tpu.vector_load %arg14[%swap3A_833, %swap3A_834, %swap3A_835] {strides = array<i32>} : memref<2x128x128xf32, #tpu.memory_space<vmem>>, vector<16xf32>,
        tpu.vector_store %arg14[%swap3A_833, %swap3A_834, %swap3A_835], %mul3A_832 {strides = array<i32>} : memref<2x128x128xf32, #tpu.memory_space<vmem>>, vector<16xf32>,
        %get3A_837 = arith.index_cast %rem3A_409 : i32 to index
        %get3A_838 = arith.index_cast %add3A_813 : i32 to index
        %get3A_839 = arith.constant 32 : index
        %get3A_840 = tpu.vector_load %arg14[%get3A_837, %get3A_838, %get3A_839] {strides = array<i32>} : memref<2x128x128xf32, #tpu.memory_space<vmem>>, vector<16xf32>,
        %mul3A_841 = arith.mulf %get3A_840, %gather3A_818 : vector<16xf32>
        %swap3A_842 = arith.index_cast %rem3A_409 : i32 to index
        %swap3A_843 = arith.index_cast %add3A_813 : i32 to index
        %swap3A_844 = arith.constant 32 : index
        %swap3A_845 = tpu.vector_load %arg14[%swap3A_842, %swap3A_843, %swap3A_844] {strides = array<i32>} : memref<2x128x128xf32, #tpu.memory_space<vmem>>, vector<16xf32>,
        tpu.vector_store %arg14[%swap3A_842, %swap3A_843, %swap3A_844], %mul3A_841 {strides = array<i32>} : memref<2x128x128xf32, #tpu.memory_space<vmem>>, vector<16xf32>,
        %get3A_846 = arith.index_cast %rem3A_409 : i32 to index
        %get3A_847 = arith.index_cast %add3A_813 : i32 to index
        %get3A_848 = arith.constant 48 : index
        %get3A_849 = tpu.vector_load %arg14[%get3A_846, %get3A_847, %get3A_848] {strides = array<i32>} : memref<2x128x128xf32, #tpu.memory_space<vmem>>, vector<16xf32>,
        %mul3A_850 = arith.mulf %get3A_849, %gather3A_818 : vector<16xf32>
        %swap3A_851 = arith.index_cast %rem3A_409 : i32 to index
        %swap3A_852 = arith.index_cast %add3A_813 : i32 to index
        %swap3A_853 = arith.constant 48 : index
        %swap3A_854 = tpu.vector_load %arg14[%swap3A_851, %swap3A_852, %swap3A_853] {strides = array<i32>} : memref<2x128x128xf32, #tpu.memory_space<vmem>>, vector<16xf32>,
        tpu.vector_store %arg14[%swap3A_851, %swap3A_852, %swap3A_853], %mul3A_850 {strides = array<i32>} : memref<2x128x128xf32, #tpu.memory_space<vmem>>, vector<16xf32>,
        %get3A_855 = arith.index_cast %rem3A_409 : i32 to index
        %get3A_856 = arith.index_cast %add3A_813 : i32 to index
        %get3A_857 = arith.constant 64 : index
        %get3A_858 = tpu.vector_load %arg14[%get3A_855, %get3A_856, %get3A_857] {strides = array<i32>} : memref<2x128x128xf32, #tpu.memory_space<vmem>>, vector<16xf32>,
        %mul3A_859 = arith.mulf %get3A_858, %gather3A_818 : vector<16xf32>
        %swap3A_860 = arith.index_cast %rem3A_409 : i32 to index
        %swap3A_861 = arith.index_cast %add3A_813 : i32 to index
        %swap3A_862 = arith.constant 64 : index
        %swap3A_863 = tpu.vector_load %arg14[%swap3A_860, %swap3A_861, %swap3A_862] {strides = array<i32>} : memref<2x128x128xf32, #tpu.memory_space<vmem>>, vector<16xf32>,
        tpu.vector_store %arg14[%swap3A_860, %swap3A_861, %swap3A_862], %mul3A_859 {strides = array<i32>} : memref<2x128x128xf32, #tpu.memory_space<vmem>>, vector<16xf32>,
        %get3A_864 = arith.index_cast %rem3A_409 : i32 to index
        %get3A_865 = arith.index_cast %add3A_813 : i32 to index
        %get3A_866 = arith.constant 80 : index
        %get3A_867 = tpu.vector_load %arg14[%get3A_864, %get3A_865, %get3A_866] {strides = array<i32>} : memref<2x128x128xf32, #tpu.memory_space<vmem>>, vector<16xf32>,
        %mul3A_868 = arith.mulf %get3A_867, %gather3A_818 : vector<16xf32>
        %swap3A_869 = arith.index_cast %rem3A_409 : i32 to index
        %swap3A_870 = arith.index_cast %add3A_813 : i32 to index
        %swap3A_871 = arith.constant 80 : index
        %swap3A_872 = tpu.vector_load %arg14[%swap3A_869, %swap3A_870, %swap3A_871] {strides = array<i32>} : memref<2x128x128xf32, #tpu.memory_space<vmem>>, vector<16xf32>,
        tpu.vector_store %arg14[%swap3A_869, %swap3A_870, %swap3A_871], %mul3A_868 {strides = array<i32>} : memref<2x128x128xf32, #tpu.memory_space<vmem>>, vector<16xf32>,
        %get3A_873 = arith.index_cast %rem3A_409 : i32 to index
        %get3A_874 = arith.index_cast %add3A_813 : i32 to index
        %get3A_875 = arith.constant 96 : index
        %get3A_876 = tpu.vector_load %arg14[%get3A_873, %get3A_874, %get3A_875] {strides = array<i32>} : memref<2x128x128xf32, #tpu.memory_space<vmem>>, vector<16xf32>,
        %mul3A_877 = arith.mulf %get3A_876, %gather3A_818 : vector<16xf32>
        %swap3A_878 = arith.index_cast %rem3A_409 : i32 to index
        %swap3A_879 = arith.index_cast %add3A_813 : i32 to index
        %swap3A_880 = arith.constant 96 : index
        %swap3A_881 = tpu.vector_load %arg14[%swap3A_878, %swap3A_879, %swap3A_880] {strides = array<i32>} : memref<2x128x128xf32, #tpu.memory_space<vmem>>, vector<16xf32>,
        tpu.vector_store %arg14[%swap3A_878, %swap3A_879, %swap3A_880], %mul3A_877 {strides = array<i32>} : memref<2x128x128xf32, #tpu.memory_space<vmem>>, vector<16xf32>,
        %get3A_882 = arith.index_cast %rem3A_409 : i32 to index
        %get3A_883 = arith.index_cast %add3A_813 : i32 to index
        %get3A_884 = arith.constant 112 : index
        %get3A_885 = tpu.vector_load %arg14[%get3A_882, %get3A_883, %get3A_884] {strides = array<i32>} : memref<2x128x128xf32, #tpu.memory_space<vmem>>, vector<16xf32>,
        %mul3A_886 = arith.mulf %get3A_885, %gather3A_818 : vector<16xf32>
        %swap3A_887 = arith.index_cast %rem3A_409 : i32 to index
        %swap3A_888 = arith.index_cast %add3A_813 : i32 to index
        %swap3A_889 = arith.constant 112 : index
        %swap3A_890 = tpu.vector_load %arg14[%swap3A_887, %swap3A_888, %swap3A_889] {strides = array<i32>} : memref<2x128x128xf32, #tpu.memory_space<vmem>>, vector<16xf32>,
        tpu.vector_store %arg14[%swap3A_887, %swap3A_888, %swap3A_889], %mul3A_886 {strides = array<i32>} : memref<2x128x128xf32, #tpu.memory_space<vmem>>, vector<16xf32>,
        %mul3A_891 = arith.constant 4 : i32
        %mul3A_892 = arith.muli %scan3A_648, %mul3A_891 : i32
        %add3A_893 = arith.constant 3 : i32
        %add3A_894 = arith.addi %mul3A_892, %add3A_893 : i32
        %broadcast_in_dim3A_895 = vector.broadcast %add3A_894 : i32 to vector<16xi32>
        %gather3A_896 = arith.constant 0 : i32
        %gather3A_897 = tpu.memref_slice %arg11[%rem3A_409, %gather3A_896] : memref<2x128xf32, #tpu.memory_space<vmem>> -> memref<1x128xf32, #tpu.memory_space<vmem>>
        %gather3A_898 = tpu.memref_squeeze %gather3A_897 : memref<1x128xf32, #tpu.memory_space<vmem>> -> memref<128xf32, #tpu.memory_space<vmem>>
        %gather3A_899 = tpu.vector_load_idx %gather3A_898[%broadcast_in_dim3A_895] : memref<128xf32, #tpu.memory_space<vmem>>[vector<16xi32>], vector<16xf32>,
        %get3A_900 = arith.index_cast %rem3A_409 : i32 to index
        %get3A_901 = arith.index_cast %add3A_894 : i32 to index
        %get3A_902 = arith.constant 0 : index
        %get3A_903 = tpu.vector_load %arg14[%get3A_900, %get3A_901, %get3A_902] {strides = array<i32>} : memref<2x128x128xf32, #tpu.memory_space<vmem>>, vector<16xf32>,
        %mul3A_904 = arith.mulf %get3A_903, %gather3A_899 : vector<16xf32>
        %swap3A_905 = arith.index_cast %rem3A_409 : i32 to index
        %swap3A_906 = arith.index_cast %add3A_894 : i32 to index
        %swap3A_907 = arith.constant 0 : index
        %swap3A_908 = tpu.vector_load %arg14[%swap3A_905, %swap3A_906, %swap3A_907] {strides = array<i32>} : memref<2x128x128xf32, #tpu.memory_space<vmem>>, vector<16xf32>,
        tpu.vector_store %arg14[%swap3A_905, %swap3A_906, %swap3A_907], %mul3A_904 {strides = array<i32>} : memref<2x128x128xf32, #tpu.memory_space<vmem>>, vector<16xf32>,
        %get3A_909 = arith.index_cast %rem3A_409 : i32 to index
        %get3A_910 = arith.index_cast %add3A_894 : i32 to index
        %get3A_911 = arith.constant 16 : index
        %get3A_912 = tpu.vector_load %arg14[%get3A_909, %get3A_910, %get3A_911] {strides = array<i32>} : memref<2x128x128xf32, #tpu.memory_space<vmem>>, vector<16xf32>,
        %mul3A_913 = arith.mulf %get3A_912, %gather3A_899 : vector<16xf32>
        %swap3A_914 = arith.index_cast %rem3A_409 : i32 to index
        %swap3A_915 = arith.index_cast %add3A_894 : i32 to index
        %swap3A_916 = arith.constant 16 : index
        %swap3A_917 = tpu.vector_load %arg14[%swap3A_914, %swap3A_915, %swap3A_916] {strides = array<i32>} : memref<2x128x128xf32, #tpu.memory_space<vmem>>, vector<16xf32>,
        tpu.vector_store %arg14[%swap3A_914, %swap3A_915, %swap3A_916], %mul3A_913 {strides = array<i32>} : memref<2x128x128xf32, #tpu.memory_space<vmem>>, vector<16xf32>,
        %get3A_918 = arith.index_cast %rem3A_409 : i32 to index
        %get3A_919 = arith.index_cast %add3A_894 : i32 to index
        %get3A_920 = arith.constant 32 : index
        %get3A_921 = tpu.vector_load %arg14[%get3A_918, %get3A_919, %get3A_920] {strides = array<i32>} : memref<2x128x128xf32, #tpu.memory_space<vmem>>, vector<16xf32>,
        %mul3A_922 = arith.mulf %get3A_921, %gather3A_899 : vector<16xf32>
        %swap3A_923 = arith.index_cast %rem3A_409 : i32 to index
        %swap3A_924 = arith.index_cast %add3A_894 : i32 to index
        %swap3A_925 = arith.constant 32 : index
        %swap3A_926 = tpu.vector_load %arg14[%swap3A_923, %swap3A_924, %swap3A_925] {strides = array<i32>} : memref<2x128x128xf32, #tpu.memory_space<vmem>>, vector<16xf32>,
        tpu.vector_store %arg14[%swap3A_923, %swap3A_924, %swap3A_925], %mul3A_922 {strides = array<i32>} : memref<2x128x128xf32, #tpu.memory_space<vmem>>, vector<16xf32>,
        %get3A_927 = arith.index_cast %rem3A_409 : i32 to index
        %get3A_928 = arith.index_cast %add3A_894 : i32 to index
        %get3A_929 = arith.constant 48 : index
        %get3A_930 = tpu.vector_load %arg14[%get3A_927, %get3A_928, %get3A_929] {strides = array<i32>} : memref<2x128x128xf32, #tpu.memory_space<vmem>>, vector<16xf32>,
        %mul3A_931 = arith.mulf %get3A_930, %gather3A_899 : vector<16xf32>
        %swap3A_932 = arith.index_cast %rem3A_409 : i32 to index
        %swap3A_933 = arith.index_cast %add3A_894 : i32 to index
        %swap3A_934 = arith.constant 48 : index
        %swap3A_935 = tpu.vector_load %arg14[%swap3A_932, %swap3A_933, %swap3A_934] {strides = array<i32>} : memref<2x128x128xf32, #tpu.memory_space<vmem>>, vector<16xf32>,
        tpu.vector_store %arg14[%swap3A_932, %swap3A_933, %swap3A_934], %mul3A_931 {strides = array<i32>} : memref<2x128x128xf32, #tpu.memory_space<vmem>>, vector<16xf32>,
        %get3A_936 = arith.index_cast %rem3A_409 : i32 to index
        %get3A_937 = arith.index_cast %add3A_894 : i32 to index
        %get3A_938 = arith.constant 64 : index
        %get3A_939 = tpu.vector_load %arg14[%get3A_936, %get3A_937, %get3A_938] {strides = array<i32>} : memref<2x128x128xf32, #tpu.memory_space<vmem>>, vector<16xf32>,
        %mul3A_940 = arith.mulf %get3A_939, %gather3A_899 : vector<16xf32>
        %swap3A_941 = arith.index_cast %rem3A_409 : i32 to index
        %swap3A_942 = arith.index_cast %add3A_894 : i32 to index
        %swap3A_943 = arith.constant 64 : index
        %swap3A_944 = tpu.vector_load %arg14[%swap3A_941, %swap3A_942, %swap3A_943] {strides = array<i32>} : memref<2x128x128xf32, #tpu.memory_space<vmem>>, vector<16xf32>,
        tpu.vector_store %arg14[%swap3A_941, %swap3A_942, %swap3A_943], %mul3A_940 {strides = array<i32>} : memref<2x128x128xf32, #tpu.memory_space<vmem>>, vector<16xf32>,
        %get3A_945 = arith.index_cast %rem3A_409 : i32 to index
        %get3A_946 = arith.index_cast %add3A_894 : i32 to index
        %get3A_947 = arith.constant 80 : index
        %get3A_948 = tpu.vector_load %arg14[%get3A_945, %get3A_946, %get3A_947] {strides = array<i32>} : memref<2x128x128xf32, #tpu.memory_space<vmem>>, vector<16xf32>,
        %mul3A_949 = arith.mulf %get3A_948, %gather3A_899 : vector<16xf32>
        %swap3A_950 = arith.index_cast %rem3A_409 : i32 to index
        %swap3A_951 = arith.index_cast %add3A_894 : i32 to index
        %swap3A_952 = arith.constant 80 : index
        %swap3A_953 = tpu.vector_load %arg14[%swap3A_950, %swap3A_951, %swap3A_952] {strides = array<i32>} : memref<2x128x128xf32, #tpu.memory_space<vmem>>, vector<16xf32>,
        tpu.vector_store %arg14[%swap3A_950, %swap3A_951, %swap3A_952], %mul3A_949 {strides = array<i32>} : memref<2x128x128xf32, #tpu.memory_space<vmem>>, vector<16xf32>,
        %get3A_954 = arith.index_cast %rem3A_409 : i32 to index
        %get3A_955 = arith.index_cast %add3A_894 : i32 to index
        %get3A_956 = arith.constant 96 : index
        %get3A_957 = tpu.vector_load %arg14[%get3A_954, %get3A_955, %get3A_956] {strides = array<i32>} : memref<2x128x128xf32, #tpu.memory_space<vmem>>, vector<16xf32>,
        %mul3A_958 = arith.mulf %get3A_957, %gather3A_899 : vector<16xf32>
        %swap3A_959 = arith.index_cast %rem3A_409 : i32 to index
        %swap3A_960 = arith.index_cast %add3A_894 : i32 to index
        %swap3A_961 = arith.constant 96 : index
        %swap3A_962 = tpu.vector_load %arg14[%swap3A_959, %swap3A_960, %swap3A_961] {strides = array<i32>} : memref<2x128x128xf32, #tpu.memory_space<vmem>>, vector<16xf32>,
        tpu.vector_store %arg14[%swap3A_959, %swap3A_960, %swap3A_961], %mul3A_958 {strides = array<i32>} : memref<2x128x128xf32, #tpu.memory_space<vmem>>, vector<16xf32>,
        %get3A_963 = arith.index_cast %rem3A_409 : i32 to index
        %get3A_964 = arith.index_cast %add3A_894 : i32 to index
        %get3A_965 = arith.constant 112 : index
        %get3A_966 = tpu.vector_load %arg14[%get3A_963, %get3A_964, %get3A_965] {strides = array<i32>} : memref<2x128x128xf32, #tpu.memory_space<vmem>>, vector<16xf32>,
        %mul3A_967 = arith.mulf %get3A_966, %gather3A_899 : vector<16xf32>
        %swap3A_968 = arith.index_cast %rem3A_409 : i32 to index
        %swap3A_969 = arith.index_cast %add3A_894 : i32 to index
        %swap3A_970 = arith.constant 112 : index
        %swap3A_971 = tpu.vector_load %arg14[%swap3A_968, %swap3A_969, %swap3A_970] {strides = array<i32>} : memref<2x128x128xf32, #tpu.memory_space<vmem>>, vector<16xf32>,
        tpu.vector_store %arg14[%swap3A_968, %swap3A_969, %swap3A_970], %mul3A_967 {strides = array<i32>} : memref<2x128x128xf32, #tpu.memory_space<vmem>>, vector<16xf32>,
      }
      %scan3A_637 = arith.constant 32 : i32
      %dma_start3A_638 = arith.constant 0 : i32
      %dma_start3A_639 = arith.constant 0 : i32
      %dma_start3A_640 = tpu.memref_slice %arg14[%rem3A_409, %dma_start3A_638, %dma_start3A_639] : memref<2x128x128xf32, #tpu.memory_space<vmem>> -> memref<1x128x128xf32, #tpu.memory_space<vmem>>
      %dma_start3A_641 = tpu.memref_squeeze %dma_start3A_640 : memref<1x128x128xf32, #tpu.memory_space<vmem>> -> memref<128x128xf32, #tpu.memory_space<vmem>>
      %dma_start3A_642 = arith.constant 0 : i32
      %dma_start3A_643 = tpu.memref_slice %arg10[%rem3A_413, %dma_start3A_642] : memref<3x128xi32, #tpu.memory_space<vmem>> -> memref<1x128xi32, #tpu.memory_space<vmem>>
      %dma_start3A_644 = tpu.memref_squeeze %dma_start3A_643 : memref<1x128xi32, #tpu.memory_space<vmem>> -> memref<128xi32, #tpu.memory_space<vmem>>
      %dma_start3A_645 = arith.constant 0 : i32
      %dma_start3A_646 = arith.constant 0 : i32
      %dma_start3A_647 = tpu.memref_slice %arg15[%dma_start3A_645, %dma_start3A_646] : memref<10000x128xf32, #tpu.memory_space<vmem_shared>> -> memref<10000x128xf32, #tpu.memory_space<vmem_shared>>
      tpu.enqueue_indirect_dma source(%dma_start3A_641 : memref<128x128xf32, #tpu.memory_space<vmem>>) target(%dma_start3A_647 : memref<10000x128xf32, #tpu.memory_space<vmem_shared>>) offsets(%dma_start3A_644 : memref<128xi32, #tpu.memory_space<vmem>>) semaphore(%arg18 : memref<!tpu.dma_semaphore, #tpu.memory_space<semaphore_mem>>) {add = true}
    }
    %sub3A_184 = arith.constant 1 : i32
    %sub3A_185 = arith.subi %add3A_73, %sub3A_184 : i32
    %rem3A = arith.constant 2 : i32
    %rem3A_186 = arith.remsi %sub3A_185, %rem3A : i32
    %rem3A_187 = arith.constant 3 : i32
    %rem3A_188 = arith.remsi %sub3A_185, %rem3A_187 : i32
    %add3A_189 = arith.constant 2 : i32
    %add3A_190 = arith.addi %sub3A_185, %add3A_189 : i32
    %rem3A_191 = arith.constant 3 : i32
    %rem3A_192 = arith.remsi %add3A_190, %rem3A_191 : i32
    %dma_wait3A_193 = arith.constant 0 : i32
    %dma_wait3A_194 = tpu.memref_slice %arg12[%rem3A_186, %dma_wait3A_193] : memref<2x128xf32, #tpu.memory_space<vmem>> -> memref<1x128xf32, #tpu.memory_space<vmem>>
    %dma_wait3A_195 = tpu.memref_squeeze %dma_wait3A_194 : memref<1x128xf32, #tpu.memory_space<vmem>> -> memref<128xf32, #tpu.memory_space<vmem>>
    %dma_wait3A_196 = arith.constant 0 : i32
    %dma_wait3A_197 = tpu.memref_slice %arg9[%rem3A_188, %dma_wait3A_196] : memref<3x128xi32, #tpu.memory_space<vmem>> -> memref<1x128xi32, #tpu.memory_space<vmem>>
    %dma_wait3A_198 = tpu.memref_squeeze %dma_wait3A_197 : memref<1x128xi32, #tpu.memory_space<vmem>> -> memref<128xi32, #tpu.memory_space<vmem>>
    %dma_wait3A_199 = arith.constant 0 : i32
    %dma_wait3A_200 = tpu.memref_slice %arg5[%dma_wait3A_199] : memref<10000xf32, #tpu.memory_space<hbm>> -> memref<10000xf32, #tpu.memory_space<hbm>>
    tpu.wait_indirect_dma semaphore(%arg20 : memref<!tpu.dma_semaphore, #tpu.memory_space<semaphore_mem>>) src(%dma_wait3A_200 : memref<10000xf32, #tpu.memory_space<hbm>>) dst(%dma_wait3A_195 : memref<128xf32, #tpu.memory_space<vmem>>)
    %dma_wait3A_201 = arith.constant 0 : i32
    %dma_wait3A_202 = tpu.memref_slice %arg13[%rem3A_186, %dma_wait3A_201] : memref<2x128xf32, #tpu.memory_space<vmem>> -> memref<1x128xf32, #tpu.memory_space<vmem>>
    %dma_wait3A_203 = tpu.memref_squeeze %dma_wait3A_202 : memref<1x128xf32, #tpu.memory_space<vmem>> -> memref<128xf32, #tpu.memory_space<vmem>>
    %dma_wait3A_204 = arith.constant 0 : i32
    %dma_wait3A_205 = tpu.memref_slice %arg10[%rem3A_188, %dma_wait3A_204] : memref<3x128xi32, #tpu.memory_space<vmem>> -> memref<1x128xi32, #tpu.memory_space<vmem>>
    %dma_wait3A_206 = tpu.memref_squeeze %dma_wait3A_205 : memref<1x128xi32, #tpu.memory_space<vmem>> -> memref<128xi32, #tpu.memory_space<vmem>>
    %dma_wait3A_207 = arith.constant 0 : i32
    %dma_wait3A_208 = tpu.memref_slice %arg6[%dma_wait3A_207] : memref<10000xf32, #tpu.memory_space<hbm>> -> memref<10000xf32, #tpu.memory_space<hbm>>
    tpu.wait_indirect_dma semaphore(%arg20 : memref<!tpu.dma_semaphore, #tpu.memory_space<semaphore_mem>>) src(%dma_wait3A_208 : memref<10000xf32, #tpu.memory_space<hbm>>) dst(%dma_wait3A_203 : memref<128xf32, #tpu.memory_space<vmem>>)
    %get3A = arith.index_cast %rem3A_186 : i32 to index
    %get3A_209 = arith.constant 0 : index
    %get3A_210 = tpu.vector_load %arg12[%get3A, %get3A_209] {strides = array<i32>} : memref<2x128xf32, #tpu.memory_space<vmem>>, vector<16xf32>,
    %get3A_211 = arith.index_cast %rem3A_186 : i32 to index
    %get3A_212 = arith.constant 0 : index
    %get3A_213 = tpu.vector_load %arg13[%get3A_211, %get3A_212] {strides = array<i32>} : memref<2x128xf32, #tpu.memory_space<vmem>>, vector<16xf32>,
    %add3A_214 = arith.addf %get3A_210, %get3A_213 : vector<16xf32>
    %mul3A_215 = arith.constant 2.000000e-01 : f32
    %mul3A_216 = vector.broadcast %mul3A_215 : f32 to vector<16xf32>
    %mul3A_217 = arith.mulf %add3A_214, %mul3A_216 : vector<16xf32>
    %max3A = arith.maximumf %add3A_214, %mul3A_217 : vector<16xf32>
    %exp3A = math.exp %max3A : vector<16xf32>
    %swap3A_218 = arith.index_cast %rem3A_186 : i32 to index
    %swap3A_219 = arith.constant 0 : index
    %swap3A_220 = tpu.vector_load %arg11[%swap3A_218, %swap3A_219] {strides = array<i32>} : memref<2x128xf32, #tpu.memory_space<vmem>>, vector<16xf32>,
    tpu.vector_store %arg11[%swap3A_218, %swap3A_219], %exp3A {strides = array<i32>} : memref<2x128xf32, #tpu.memory_space<vmem>>, vector<16xf32>,
    %get3A_221 = arith.index_cast %rem3A_186 : i32 to index
    %get3A_222 = arith.constant 16 : index
    %get3A_223 = tpu.vector_load %arg12[%get3A_221, %get3A_222] {strides = array<i32>} : memref<2x128xf32, #tpu.memory_space<vmem>>, vector<16xf32>,
    %get3A_224 = arith.index_cast %rem3A_186 : i32 to index
    %get3A_225 = arith.constant 16 : index
    %get3A_226 = tpu.vector_load %arg13[%get3A_224, %get3A_225] {strides = array<i32>} : memref<2x128xf32, #tpu.memory_space<vmem>>, vector<16xf32>,
    %add3A_227 = arith.addf %get3A_223, %get3A_226 : vector<16xf32>
    %mul3A_228 = arith.constant 2.000000e-01 : f32
    %mul3A_229 = vector.broadcast %mul3A_228 : f32 to vector<16xf32>
    %mul3A_230 = arith.mulf %add3A_227, %mul3A_229 : vector<16xf32>
    %max3A_231 = arith.maximumf %add3A_227, %mul3A_230 : vector<16xf32>
    %exp3A_232 = math.exp %max3A_231 : vector<16xf32>
    %swap3A_233 = arith.index_cast %rem3A_186 : i32 to index
    %swap3A_234 = arith.constant 16 : index
    %swap3A_235 = tpu.vector_load %arg11[%swap3A_233, %swap3A_234] {strides = array<i32>} : memref<2x128xf32, #tpu.memory_space<vmem>>, vector<16xf32>,
    tpu.vector_store %arg11[%swap3A_233, %swap3A_234], %exp3A_232 {strides = array<i32>} : memref<2x128xf32, #tpu.memory_space<vmem>>, vector<16xf32>,
    %get3A_236 = arith.index_cast %rem3A_186 : i32 to index
    %get3A_237 = arith.constant 32 : index
    %get3A_238 = tpu.vector_load %arg12[%get3A_236, %get3A_237] {strides = array<i32>} : memref<2x128xf32, #tpu.memory_space<vmem>>, vector<16xf32>,
    %get3A_239 = arith.index_cast %rem3A_186 : i32 to index
    %get3A_240 = arith.constant 32 : index
    %get3A_241 = tpu.vector_load %arg13[%get3A_239, %get3A_240] {strides = array<i32>} : memref<2x128xf32, #tpu.memory_space<vmem>>, vector<16xf32>,
    %add3A_242 = arith.addf %get3A_238, %get3A_241 : vector<16xf32>
    %mul3A_243 = arith.constant 2.000000e-01 : f32
    %mul3A_244 = vector.broadcast %mul3A_243 : f32 to vector<16xf32>
    %mul3A_245 = arith.mulf %add3A_242, %mul3A_244 : vector<16xf32>
    %max3A_246 = arith.maximumf %add3A_242, %mul3A_245 : vector<16xf32>
    %exp3A_247 = math.exp %max3A_246 : vector<16xf32>
    %swap3A_248 = arith.index_cast %rem3A_186 : i32 to index
    %swap3A_249 = arith.constant 32 : index
    %swap3A_250 = tpu.vector_load %arg11[%swap3A_248, %swap3A_249] {strides = array<i32>} : memref<2x128xf32, #tpu.memory_space<vmem>>, vector<16xf32>,
    tpu.vector_store %arg11[%swap3A_248, %swap3A_249], %exp3A_247 {strides = array<i32>} : memref<2x128xf32, #tpu.memory_space<vmem>>, vector<16xf32>,
    %get3A_251 = arith.index_cast %rem3A_186 : i32 to index
    %get3A_252 = arith.constant 48 : index
    %get3A_253 = tpu.vector_load %arg12[%get3A_251, %get3A_252] {strides = array<i32>} : memref<2x128xf32, #tpu.memory_space<vmem>>, vector<16xf32>,
    %get3A_254 = arith.index_cast %rem3A_186 : i32 to index
    %get3A_255 = arith.constant 48 : index
    %get3A_256 = tpu.vector_load %arg13[%get3A_254, %get3A_255] {strides = array<i32>} : memref<2x128xf32, #tpu.memory_space<vmem>>, vector<16xf32>,
    %add3A_257 = arith.addf %get3A_253, %get3A_256 : vector<16xf32>
    %mul3A_258 = arith.constant 2.000000e-01 : f32
    %mul3A_259 = vector.broadcast %mul3A_258 : f32 to vector<16xf32>
    %mul3A_260 = arith.mulf %add3A_257, %mul3A_259 : vector<16xf32>
    %max3A_261 = arith.maximumf %add3A_257, %mul3A_260 : vector<16xf32>
    %exp3A_262 = math.exp %max3A_261 : vector<16xf32>
    %swap3A_263 = arith.index_cast %rem3A_186 : i32 to index
    %swap3A_264 = arith.constant 48 : index
    %swap3A_265 = tpu.vector_load %arg11[%swap3A_263, %swap3A_264] {strides = array<i32>} : memref<2x128xf32, #tpu.memory_space<vmem>>, vector<16xf32>,
    tpu.vector_store %arg11[%swap3A_263, %swap3A_264], %exp3A_262 {strides = array<i32>} : memref<2x128xf32, #tpu.memory_space<vmem>>, vector<16xf32>,
    %get3A_266 = arith.index_cast %rem3A_186 : i32 to index
    %get3A_267 = arith.constant 64 : index
    %get3A_268 = tpu.vector_load %arg12[%get3A_266, %get3A_267] {strides = array<i32>} : memref<2x128xf32, #tpu.memory_space<vmem>>, vector<16xf32>,
    %get3A_269 = arith.index_cast %rem3A_186 : i32 to index
    %get3A_270 = arith.constant 64 : index
    %get3A_271 = tpu.vector_load %arg13[%get3A_269, %get3A_270] {strides = array<i32>} : memref<2x128xf32, #tpu.memory_space<vmem>>, vector<16xf32>,
    %add3A_272 = arith.addf %get3A_268, %get3A_271 : vector<16xf32>
    %mul3A_273 = arith.constant 2.000000e-01 : f32
    %mul3A_274 = vector.broadcast %mul3A_273 : f32 to vector<16xf32>
    %mul3A_275 = arith.mulf %add3A_272, %mul3A_274 : vector<16xf32>
    %max3A_276 = arith.maximumf %add3A_272, %mul3A_275 : vector<16xf32>
    %exp3A_277 = math.exp %max3A_276 : vector<16xf32>
    %swap3A_278 = arith.index_cast %rem3A_186 : i32 to index
    %swap3A_279 = arith.constant 64 : index
    %swap3A_280 = tpu.vector_load %arg11[%swap3A_278, %swap3A_279] {strides = array<i32>} : memref<2x128xf32, #tpu.memory_space<vmem>>, vector<16xf32>,
    tpu.vector_store %arg11[%swap3A_278, %swap3A_279], %exp3A_277 {strides = array<i32>} : memref<2x128xf32, #tpu.memory_space<vmem>>, vector<16xf32>,
    %get3A_281 = arith.index_cast %rem3A_186 : i32 to index
    %get3A_282 = arith.constant 80 : index
    %get3A_283 = tpu.vector_load %arg12[%get3A_281, %get3A_282] {strides = array<i32>} : memref<2x128xf32, #tpu.memory_space<vmem>>, vector<16xf32>,
    %get3A_284 = arith.index_cast %rem3A_186 : i32 to index
    %get3A_285 = arith.constant 80 : index
    %get3A_286 = tpu.vector_load %arg13[%get3A_284, %get3A_285] {strides = array<i32>} : memref<2x128xf32, #tpu.memory_space<vmem>>, vector<16xf32>,
    %add3A_287 = arith.addf %get3A_283, %get3A_286 : vector<16xf32>
    %mul3A_288 = arith.constant 2.000000e-01 : f32
    %mul3A_289 = vector.broadcast %mul3A_288 : f32 to vector<16xf32>
    %mul3A_290 = arith.mulf %add3A_287, %mul3A_289 : vector<16xf32>
    %max3A_291 = arith.maximumf %add3A_287, %mul3A_290 : vector<16xf32>
    %exp3A_292 = math.exp %max3A_291 : vector<16xf32>
    %swap3A_293 = arith.index_cast %rem3A_186 : i32 to index
    %swap3A_294 = arith.constant 80 : index
    %swap3A_295 = tpu.vector_load %arg11[%swap3A_293, %swap3A_294] {strides = array<i32>} : memref<2x128xf32, #tpu.memory_space<vmem>>, vector<16xf32>,
    tpu.vector_store %arg11[%swap3A_293, %swap3A_294], %exp3A_292 {strides = array<i32>} : memref<2x128xf32, #tpu.memory_space<vmem>>, vector<16xf32>,
    %get3A_296 = arith.index_cast %rem3A_186 : i32 to index
    %get3A_297 = arith.constant 96 : index
    %get3A_298 = tpu.vector_load %arg12[%get3A_296, %get3A_297] {strides = array<i32>} : memref<2x128xf32, #tpu.memory_space<vmem>>, vector<16xf32>,
    %get3A_299 = arith.index_cast %rem3A_186 : i32 to index
    %get3A_300 = arith.constant 96 : index
    %get3A_301 = tpu.vector_load %arg13[%get3A_299, %get3A_300] {strides = array<i32>} : memref<2x128xf32, #tpu.memory_space<vmem>>, vector<16xf32>,
    %add3A_302 = arith.addf %get3A_298, %get3A_301 : vector<16xf32>
    %mul3A_303 = arith.constant 2.000000e-01 : f32
    %mul3A_304 = vector.broadcast %mul3A_303 : f32 to vector<16xf32>
    %mul3A_305 = arith.mulf %add3A_302, %mul3A_304 : vector<16xf32>
    %max3A_306 = arith.maximumf %add3A_302, %mul3A_305 : vector<16xf32>
    %exp3A_307 = math.exp %max3A_306 : vector<16xf32>
    %swap3A_308 = arith.index_cast %rem3A_186 : i32 to index
    %swap3A_309 = arith.constant 96 : index
    %swap3A_310 = tpu.vector_load %arg11[%swap3A_308, %swap3A_309] {strides = array<i32>} : memref<2x128xf32, #tpu.memory_space<vmem>>, vector<16xf32>,
    tpu.vector_store %arg11[%swap3A_308, %swap3A_309], %exp3A_307 {strides = array<i32>} : memref<2x128xf32, #tpu.memory_space<vmem>>, vector<16xf32>,
    %get3A_311 = arith.index_cast %rem3A_186 : i32 to index
    %get3A_312 = arith.constant 112 : index
    %get3A_313 = tpu.vector_load %arg12[%get3A_311, %get3A_312] {strides = array<i32>} : memref<2x128xf32, #tpu.memory_space<vmem>>, vector<16xf32>,
    %get3A_314 = arith.index_cast %rem3A_186 : i32 to index
    %get3A_315 = arith.constant 112 : index
    %get3A_316 = tpu.vector_load %arg13[%get3A_314, %get3A_315] {strides = array<i32>} : memref<2x128xf32, #tpu.memory_space<vmem>>, vector<16xf32>,
    %add3A_317 = arith.addf %get3A_313, %get3A_316 : vector<16xf32>
    %mul3A_318 = arith.constant 2.000000e-01 : f32
    %mul3A_319 = vector.broadcast %mul3A_318 : f32 to vector<16xf32>
    %mul3A_320 = arith.mulf %add3A_317, %mul3A_319 : vector<16xf32>
    %max3A_321 = arith.maximumf %add3A_317, %mul3A_320 : vector<16xf32>
    %exp3A_322 = math.exp %max3A_321 : vector<16xf32>
    %swap3A_323 = arith.index_cast %rem3A_186 : i32 to index
    %swap3A_324 = arith.constant 112 : index
    %swap3A_325 = tpu.vector_load %arg11[%swap3A_323, %swap3A_324] {strides = array<i32>} : memref<2x128xf32, #tpu.memory_space<vmem>>, vector<16xf32>,
    tpu.vector_store %arg11[%swap3A_323, %swap3A_324], %exp3A_322 {strides = array<i32>} : memref<2x128xf32, #tpu.memory_space<vmem>>, vector<16xf32>,
    %dma_start3A_326 = arith.constant 0 : i32
    %dma_start3A_327 = tpu.memref_slice %arg11[%rem3A_186, %dma_start3A_326] : memref<2x128xf32, #tpu.memory_space<vmem>> -> memref<1x128xf32, #tpu.memory_space<vmem>>
    %dma_start3A_328 = tpu.memref_squeeze %dma_start3A_327 : memref<1x128xf32, #tpu.memory_space<vmem>> -> memref<128xf32, #tpu.memory_space<vmem>>
    %dma_start3A_329 = arith.constant 0 : i32
    %dma_start3A_330 = tpu.memref_slice %arg10[%rem3A_188, %dma_start3A_329] : memref<3x128xi32, #tpu.memory_space<vmem>> -> memref<1x128xi32, #tpu.memory_space<vmem>>
    %dma_start3A_331 = tpu.memref_squeeze %dma_start3A_330 : memref<1x128xi32, #tpu.memory_space<vmem>> -> memref<128xi32, #tpu.memory_space<vmem>>
    %dma_start3A_332 = arith.constant 0 : i32
    %dma_start3A_333 = tpu.memref_slice %arg16[%dma_start3A_332] : memref<10000xf32, #tpu.memory_space<vmem_shared>> -> memref<10000xf32, #tpu.memory_space<vmem_shared>>
    tpu.enqueue_indirect_dma source(%dma_start3A_328 : memref<128xf32, #tpu.memory_space<vmem>>) target(%dma_start3A_333 : memref<10000xf32, #tpu.memory_space<vmem_shared>>) offsets(%dma_start3A_331 : memref<128xi32, #tpu.memory_space<vmem>>) semaphore(%arg21 : memref<!tpu.dma_semaphore, #tpu.memory_space<semaphore_mem>>) {add = true}
    %dma_wait3A_334 = arith.constant 0 : i32
    %dma_wait3A_335 = arith.constant 0 : i32
    %dma_wait3A_336 = tpu.memref_slice %arg14[%rem3A_186, %dma_wait3A_334, %dma_wait3A_335] : memref<2x128x128xf32, #tpu.memory_space<vmem>> -> memref<1x128x128xf32, #tpu.memory_space<vmem>>
    %dma_wait3A_337 = tpu.memref_squeeze %dma_wait3A_336 : memref<1x128x128xf32, #tpu.memory_space<vmem>> -> memref<128x128xf32, #tpu.memory_space<vmem>>
    %dma_wait3A_338 = arith.constant 0 : i32
    %dma_wait3A_339 = tpu.memref_slice %arg9[%rem3A_188, %dma_wait3A_338] : memref<3x128xi32, #tpu.memory_space<vmem>> -> memref<1x128xi32, #tpu.memory_space<vmem>>
    %dma_wait3A_340 = tpu.memref_squeeze %dma_wait3A_339 : memref<1x128xi32, #tpu.memory_space<vmem>> -> memref<128xi32, #tpu.memory_space<vmem>>
    %dma_wait3A_341 = arith.constant 0 : i32
    %dma_wait3A_342 = arith.constant 0 : i32
    %dma_wait3A_343 = tpu.memref_slice %arg2[%dma_wait3A_341, %dma_wait3A_342] : memref<10000x128xf32, #tpu.memory_space<hbm>> -> memref<10000x128xf32, #tpu.memory_space<hbm>>
    tpu.wait_indirect_dma semaphore(%arg17 : memref<!tpu.dma_semaphore, #tpu.memory_space<semaphore_mem>>) src(%dma_wait3A_343 : memref<10000x128xf32, #tpu.memory_space<hbm>>) dst(%dma_wait3A_337 : memref<128x128xf32, #tpu.memory_space<vmem>>)
    %sub3A_344 = arith.constant 1 : i32
    %sub3A_345 = arith.subi %sub3A_344, %rem3A_186 : i32
    %dma_wait3A_346 = arith.constant 0 : i32
    %dma_wait3A_347 = arith.constant 0 : i32
    %dma_wait3A_348 = tpu.memref_slice %arg14[%sub3A_345, %dma_wait3A_346, %dma_wait3A_347] : memref<2x128x128xf32, #tpu.memory_space<vmem>> -> memref<1x128x128xf32, #tpu.memory_space<vmem>>
    %dma_wait3A_349 = tpu.memref_squeeze %dma_wait3A_348 : memref<1x128x128xf32, #tpu.memory_space<vmem>> -> memref<128x128xf32, #tpu.memory_space<vmem>>
    %dma_wait3A_350 = arith.constant 0 : i32
    %dma_wait3A_351 = tpu.memref_slice %arg10[%rem3A_192, %dma_wait3A_350] : memref<3x128xi32, #tpu.memory_space<vmem>> -> memref<1x128xi32, #tpu.memory_space<vmem>>
    %dma_wait3A_352 = tpu.memref_squeeze %dma_wait3A_351 : memref<1x128xi32, #tpu.memory_space<vmem>> -> memref<128xi32, #tpu.memory_space<vmem>>
    %dma_wait3A_353 = arith.constant 0 : i32
    %dma_wait3A_354 = arith.constant 0 : i32
    %dma_wait3A_355 = tpu.memref_slice %arg15[%dma_wait3A_353, %dma_wait3A_354] : memref<10000x128xf32, #tpu.memory_space<vmem_shared>> -> memref<10000x128xf32, #tpu.memory_space<vmem_shared>>
    tpu.wait_indirect_dma semaphore(%arg18 : memref<!tpu.dma_semaphore, #tpu.memory_space<semaphore_mem>>) src(%dma_wait3A_349 : memref<128x128xf32, #tpu.memory_space<vmem>>) dst(%dma_wait3A_355 : memref<10000x128xf32, #tpu.memory_space<vmem_shared>>)
    %sub3A_356 = arith.constant 1 : i32
    %sub3A_357 = arith.subi %sub3A_356, %rem3A_186 : i32
    %dma_wait3A_358 = arith.constant 0 : i32
    %dma_wait3A_359 = tpu.memref_slice %arg11[%sub3A_357, %dma_wait3A_358] : memref<2x128xf32, #tpu.memory_space<vmem>> -> memref<1x128xf32, #tpu.memory_space<vmem>>
    %dma_wait3A_360 = tpu.memref_squeeze %dma_wait3A_359 : memref<1x128xf32, #tpu.memory_space<vmem>> -> memref<128xf32, #tpu.memory_space<vmem>>
    %dma_wait3A_361 = arith.constant 0 : i32
    %dma_wait3A_362 = tpu.memref_slice %arg10[%rem3A_192, %dma_wait3A_361] : memref<3x128xi32, #tpu.memory_space<vmem>> -> memref<1x128xi32, #tpu.memory_space<vmem>>
    %dma_wait3A_363 = tpu.memref_squeeze %dma_wait3A_362 : memref<1x128xi32, #tpu.memory_space<vmem>> -> memref<128xi32, #tpu.memory_space<vmem>>
    %dma_wait3A_364 = arith.constant 0 : i32
    %dma_wait3A_365 = tpu.memref_slice %arg16[%dma_wait3A_364] : memref<10000xf32, #tpu.memory_space<vmem_shared>> -> memref<10000xf32, #tpu.memory_space<vmem_shared>>
    tpu.wait_indirect_dma semaphore(%arg21 : memref<!tpu.dma_semaphore, #tpu.memory_space<semaphore_mem>>) src(%dma_wait3A_360 : memref<128xf32, #tpu.memory_space<vmem>>) dst(%dma_wait3A_365 : memref<10000xf32, #tpu.memory_space<vmem_shared>>)
    %scan3A_366 = arith.constant 0 : i32
    %scan3A_367 = arith.constant 0 : i32
    %scan3A_368 = arith.constant 32 : i32
    %scan3A_369 = arith.addi %scan3A_367, %scan3A_368 : i32
    %scan3A_370 = arith.constant 1 : i32
    scf.for %scan3A_407 = %scan3A_367 to %scan3A_369 step %scan3A_370  : i32 {
      %mul3A_408 = arith.constant 4 : i32
      %mul3A_409 = arith.muli %scan3A_407, %mul3A_408 : i32
      %add3A_410 = arith.constant 0 : i32
      %add3A_411 = arith.addi %mul3A_409, %add3A_410 : i32
      %broadcast_in_dim3A_412 = vector.broadcast %add3A_411 : i32 to vector<16xi32>
      %gather3A = arith.constant 0 : i32
      %gather3A_413 = tpu.memref_slice %arg11[%rem3A_186, %gather3A] : memref<2x128xf32, #tpu.memory_space<vmem>> -> memref<1x128xf32, #tpu.memory_space<vmem>>
      %gather3A_414 = tpu.memref_squeeze %gather3A_413 : memref<1x128xf32, #tpu.memory_space<vmem>> -> memref<128xf32, #tpu.memory_space<vmem>>
      %gather3A_415 = tpu.vector_load_idx %gather3A_414[%broadcast_in_dim3A_412] : memref<128xf32, #tpu.memory_space<vmem>>[vector<16xi32>], vector<16xf32>,
      %get3A_416 = arith.index_cast %rem3A_186 : i32 to index
      %get3A_417 = arith.index_cast %add3A_411 : i32 to index
      %get3A_418 = arith.constant 0 : index
      %get3A_419 = tpu.vector_load %arg14[%get3A_416, %get3A_417, %get3A_418] {strides = array<i32>} : memref<2x128x128xf32, #tpu.memory_space<vmem>>, vector<16xf32>,
      %mul3A_420 = arith.mulf %get3A_419, %gather3A_415 : vector<16xf32>
      %swap3A_421 = arith.index_cast %rem3A_186 : i32 to index
      %swap3A_422 = arith.index_cast %add3A_411 : i32 to index
      %swap3A_423 = arith.constant 0 : index
      %swap3A_424 = tpu.vector_load %arg14[%swap3A_421, %swap3A_422, %swap3A_423] {strides = array<i32>} : memref<2x128x128xf32, #tpu.memory_space<vmem>>, vector<16xf32>,
      tpu.vector_store %arg14[%swap3A_421, %swap3A_422, %swap3A_423], %mul3A_420 {strides = array<i32>} : memref<2x128x128xf32, #tpu.memory_space<vmem>>, vector<16xf32>,
      %get3A_425 = arith.index_cast %rem3A_186 : i32 to index
      %get3A_426 = arith.index_cast %add3A_411 : i32 to index
      %get3A_427 = arith.constant 16 : index
      %get3A_428 = tpu.vector_load %arg14[%get3A_425, %get3A_426, %get3A_427] {strides = array<i32>} : memref<2x128x128xf32, #tpu.memory_space<vmem>>, vector<16xf32>,
      %mul3A_429 = arith.mulf %get3A_428, %gather3A_415 : vector<16xf32>
      %swap3A_430 = arith.index_cast %rem3A_186 : i32 to index
      %swap3A_431 = arith.index_cast %add3A_411 : i32 to index
      %swap3A_432 = arith.constant 16 : index
      %swap3A_433 = tpu.vector_load %arg14[%swap3A_430, %swap3A_431, %swap3A_432] {strides = array<i32>} : memref<2x128x128xf32, #tpu.memory_space<vmem>>, vector<16xf32>,
      tpu.vector_store %arg14[%swap3A_430, %swap3A_431, %swap3A_432], %mul3A_429 {strides = array<i32>} : memref<2x128x128xf32, #tpu.memory_space<vmem>>, vector<16xf32>,
      %get3A_434 = arith.index_cast %rem3A_186 : i32 to index
      %get3A_435 = arith.index_cast %add3A_411 : i32 to index
      %get3A_436 = arith.constant 32 : index
      %get3A_437 = tpu.vector_load %arg14[%get3A_434, %get3A_435, %get3A_436] {strides = array<i32>} : memref<2x128x128xf32, #tpu.memory_space<vmem>>, vector<16xf32>,
      %mul3A_438 = arith.mulf %get3A_437, %gather3A_415 : vector<16xf32>
      %swap3A_439 = arith.index_cast %rem3A_186 : i32 to index
      %swap3A_440 = arith.index_cast %add3A_411 : i32 to index
      %swap3A_441 = arith.constant 32 : index
      %swap3A_442 = tpu.vector_load %arg14[%swap3A_439, %swap3A_440, %swap3A_441] {strides = array<i32>} : memref<2x128x128xf32, #tpu.memory_space<vmem>>, vector<16xf32>,
      tpu.vector_store %arg14[%swap3A_439, %swap3A_440, %swap3A_441], %mul3A_438 {strides = array<i32>} : memref<2x128x128xf32, #tpu.memory_space<vmem>>, vector<16xf32>,
      %get3A_443 = arith.index_cast %rem3A_186 : i32 to index
      %get3A_444 = arith.index_cast %add3A_411 : i32 to index
      %get3A_445 = arith.constant 48 : index
      %get3A_446 = tpu.vector_load %arg14[%get3A_443, %get3A_444, %get3A_445] {strides = array<i32>} : memref<2x128x128xf32, #tpu.memory_space<vmem>>, vector<16xf32>,
      %mul3A_447 = arith.mulf %get3A_446, %gather3A_415 : vector<16xf32>
      %swap3A_448 = arith.index_cast %rem3A_186 : i32 to index
      %swap3A_449 = arith.index_cast %add3A_411 : i32 to index
      %swap3A_450 = arith.constant 48 : index
      %swap3A_451 = tpu.vector_load %arg14[%swap3A_448, %swap3A_449, %swap3A_450] {strides = array<i32>} : memref<2x128x128xf32, #tpu.memory_space<vmem>>, vector<16xf32>,
      tpu.vector_store %arg14[%swap3A_448, %swap3A_449, %swap3A_450], %mul3A_447 {strides = array<i32>} : memref<2x128x128xf32, #tpu.memory_space<vmem>>, vector<16xf32>,
      %get3A_452 = arith.index_cast %rem3A_186 : i32 to index
      %get3A_453 = arith.index_cast %add3A_411 : i32 to index
      %get3A_454 = arith.constant 64 : index
      %get3A_455 = tpu.vector_load %arg14[%get3A_452, %get3A_453, %get3A_454] {strides = array<i32>} : memref<2x128x128xf32, #tpu.memory_space<vmem>>, vector<16xf32>,
      %mul3A_456 = arith.mulf %get3A_455, %gather3A_415 : vector<16xf32>
      %swap3A_457 = arith.index_cast %rem3A_186 : i32 to index
      %swap3A_458 = arith.index_cast %add3A_411 : i32 to index
      %swap3A_459 = arith.constant 64 : index
      %swap3A_460 = tpu.vector_load %arg14[%swap3A_457, %swap3A_458, %swap3A_459] {strides = array<i32>} : memref<2x128x128xf32, #tpu.memory_space<vmem>>, vector<16xf32>,
      tpu.vector_store %arg14[%swap3A_457, %swap3A_458, %swap3A_459], %mul3A_456 {strides = array<i32>} : memref<2x128x128xf32, #tpu.memory_space<vmem>>, vector<16xf32>,
      %get3A_461 = arith.index_cast %rem3A_186 : i32 to index
      %get3A_462 = arith.index_cast %add3A_411 : i32 to index
      %get3A_463 = arith.constant 80 : index
      %get3A_464 = tpu.vector_load %arg14[%get3A_461, %get3A_462, %get3A_463] {strides = array<i32>} : memref<2x128x128xf32, #tpu.memory_space<vmem>>, vector<16xf32>,
      %mul3A_465 = arith.mulf %get3A_464, %gather3A_415 : vector<16xf32>
      %swap3A_466 = arith.index_cast %rem3A_186 : i32 to index
      %swap3A_467 = arith.index_cast %add3A_411 : i32 to index
      %swap3A_468 = arith.constant 80 : index
      %swap3A_469 = tpu.vector_load %arg14[%swap3A_466, %swap3A_467, %swap3A_468] {strides = array<i32>} : memref<2x128x128xf32, #tpu.memory_space<vmem>>, vector<16xf32>,
      tpu.vector_store %arg14[%swap3A_466, %swap3A_467, %swap3A_468], %mul3A_465 {strides = array<i32>} : memref<2x128x128xf32, #tpu.memory_space<vmem>>, vector<16xf32>,
      %get3A_470 = arith.index_cast %rem3A_186 : i32 to index
      %get3A_471 = arith.index_cast %add3A_411 : i32 to index
      %get3A_472 = arith.constant 96 : index
      %get3A_473 = tpu.vector_load %arg14[%get3A_470, %get3A_471, %get3A_472] {strides = array<i32>} : memref<2x128x128xf32, #tpu.memory_space<vmem>>, vector<16xf32>,
      %mul3A_474 = arith.mulf %get3A_473, %gather3A_415 : vector<16xf32>
      %swap3A_475 = arith.index_cast %rem3A_186 : i32 to index
      %swap3A_476 = arith.index_cast %add3A_411 : i32 to index
      %swap3A_477 = arith.constant 96 : index
      %swap3A_478 = tpu.vector_load %arg14[%swap3A_475, %swap3A_476, %swap3A_477] {strides = array<i32>} : memref<2x128x128xf32, #tpu.memory_space<vmem>>, vector<16xf32>,
      tpu.vector_store %arg14[%swap3A_475, %swap3A_476, %swap3A_477], %mul3A_474 {strides = array<i32>} : memref<2x128x128xf32, #tpu.memory_space<vmem>>, vector<16xf32>,
      %get3A_479 = arith.index_cast %rem3A_186 : i32 to index
      %get3A_480 = arith.index_cast %add3A_411 : i32 to index
      %get3A_481 = arith.constant 112 : index
      %get3A_482 = tpu.vector_load %arg14[%get3A_479, %get3A_480, %get3A_481] {strides = array<i32>} : memref<2x128x128xf32, #tpu.memory_space<vmem>>, vector<16xf32>,
      %mul3A_483 = arith.mulf %get3A_482, %gather3A_415 : vector<16xf32>
      %swap3A_484 = arith.index_cast %rem3A_186 : i32 to index
      %swap3A_485 = arith.index_cast %add3A_411 : i32 to index
      %swap3A_486 = arith.constant 112 : index
      %swap3A_487 = tpu.vector_load %arg14[%swap3A_484, %swap3A_485, %swap3A_486] {strides = array<i32>} : memref<2x128x128xf32, #tpu.memory_space<vmem>>, vector<16xf32>,
      tpu.vector_store %arg14[%swap3A_484, %swap3A_485, %swap3A_486], %mul3A_483 {strides = array<i32>} : memref<2x128x128xf32, #tpu.memory_space<vmem>>, vector<16xf32>,
      %mul3A_488 = arith.constant 4 : i32
      %mul3A_489 = arith.muli %scan3A_407, %mul3A_488 : i32
      %add3A_490 = arith.constant 1 : i32
      %add3A_491 = arith.addi %mul3A_489, %add3A_490 : i32
      %broadcast_in_dim3A_492 = vector.broadcast %add3A_491 : i32 to vector<16xi32>
      %gather3A_493 = arith.constant 0 : i32
      %gather3A_494 = tpu.memref_slice %arg11[%rem3A_186, %gather3A_493] : memref<2x128xf32, #tpu.memory_space<vmem>> -> memref<1x128xf32, #tpu.memory_space<vmem>>
      %gather3A_495 = tpu.memref_squeeze %gather3A_494 : memref<1x128xf32, #tpu.memory_space<vmem>> -> memref<128xf32, #tpu.memory_space<vmem>>
      %gather3A_496 = tpu.vector_load_idx %gather3A_495[%broadcast_in_dim3A_492] : memref<128xf32, #tpu.memory_space<vmem>>[vector<16xi32>], vector<16xf32>,
      %get3A_497 = arith.index_cast %rem3A_186 : i32 to index
      %get3A_498 = arith.index_cast %add3A_491 : i32 to index
      %get3A_499 = arith.constant 0 : index
      %get3A_500 = tpu.vector_load %arg14[%get3A_497, %get3A_498, %get3A_499] {strides = array<i32>} : memref<2x128x128xf32, #tpu.memory_space<vmem>>, vector<16xf32>,
      %mul3A_501 = arith.mulf %get3A_500, %gather3A_496 : vector<16xf32>
      %swap3A_502 = arith.index_cast %rem3A_186 : i32 to index
      %swap3A_503 = arith.index_cast %add3A_491 : i32 to index
      %swap3A_504 = arith.constant 0 : index
      %swap3A_505 = tpu.vector_load %arg14[%swap3A_502, %swap3A_503, %swap3A_504] {strides = array<i32>} : memref<2x128x128xf32, #tpu.memory_space<vmem>>, vector<16xf32>,
      tpu.vector_store %arg14[%swap3A_502, %swap3A_503, %swap3A_504], %mul3A_501 {strides = array<i32>} : memref<2x128x128xf32, #tpu.memory_space<vmem>>, vector<16xf32>,
      %get3A_506 = arith.index_cast %rem3A_186 : i32 to index
      %get3A_507 = arith.index_cast %add3A_491 : i32 to index
      %get3A_508 = arith.constant 16 : index
      %get3A_509 = tpu.vector_load %arg14[%get3A_506, %get3A_507, %get3A_508] {strides = array<i32>} : memref<2x128x128xf32, #tpu.memory_space<vmem>>, vector<16xf32>,
      %mul3A_510 = arith.mulf %get3A_509, %gather3A_496 : vector<16xf32>
      %swap3A_511 = arith.index_cast %rem3A_186 : i32 to index
      %swap3A_512 = arith.index_cast %add3A_491 : i32 to index
      %swap3A_513 = arith.constant 16 : index
      %swap3A_514 = tpu.vector_load %arg14[%swap3A_511, %swap3A_512, %swap3A_513] {strides = array<i32>} : memref<2x128x128xf32, #tpu.memory_space<vmem>>, vector<16xf32>,
      tpu.vector_store %arg14[%swap3A_511, %swap3A_512, %swap3A_513], %mul3A_510 {strides = array<i32>} : memref<2x128x128xf32, #tpu.memory_space<vmem>>, vector<16xf32>,
      %get3A_515 = arith.index_cast %rem3A_186 : i32 to index
      %get3A_516 = arith.index_cast %add3A_491 : i32 to index
      %get3A_517 = arith.constant 32 : index
      %get3A_518 = tpu.vector_load %arg14[%get3A_515, %get3A_516, %get3A_517] {strides = array<i32>} : memref<2x128x128xf32, #tpu.memory_space<vmem>>, vector<16xf32>,
      %mul3A_519 = arith.mulf %get3A_518, %gather3A_496 : vector<16xf32>
      %swap3A_520 = arith.index_cast %rem3A_186 : i32 to index
      %swap3A_521 = arith.index_cast %add3A_491 : i32 to index
      %swap3A_522 = arith.constant 32 : index
      %swap3A_523 = tpu.vector_load %arg14[%swap3A_520, %swap3A_521, %swap3A_522] {strides = array<i32>} : memref<2x128x128xf32, #tpu.memory_space<vmem>>, vector<16xf32>,
      tpu.vector_store %arg14[%swap3A_520, %swap3A_521, %swap3A_522], %mul3A_519 {strides = array<i32>} : memref<2x128x128xf32, #tpu.memory_space<vmem>>, vector<16xf32>,
      %get3A_524 = arith.index_cast %rem3A_186 : i32 to index
      %get3A_525 = arith.index_cast %add3A_491 : i32 to index
      %get3A_526 = arith.constant 48 : index
      %get3A_527 = tpu.vector_load %arg14[%get3A_524, %get3A_525, %get3A_526] {strides = array<i32>} : memref<2x128x128xf32, #tpu.memory_space<vmem>>, vector<16xf32>,
      %mul3A_528 = arith.mulf %get3A_527, %gather3A_496 : vector<16xf32>
      %swap3A_529 = arith.index_cast %rem3A_186 : i32 to index
      %swap3A_530 = arith.index_cast %add3A_491 : i32 to index
      %swap3A_531 = arith.constant 48 : index
      %swap3A_532 = tpu.vector_load %arg14[%swap3A_529, %swap3A_530, %swap3A_531] {strides = array<i32>} : memref<2x128x128xf32, #tpu.memory_space<vmem>>, vector<16xf32>,
      tpu.vector_store %arg14[%swap3A_529, %swap3A_530, %swap3A_531], %mul3A_528 {strides = array<i32>} : memref<2x128x128xf32, #tpu.memory_space<vmem>>, vector<16xf32>,
      %get3A_533 = arith.index_cast %rem3A_186 : i32 to index
      %get3A_534 = arith.index_cast %add3A_491 : i32 to index
      %get3A_535 = arith.constant 64 : index
      %get3A_536 = tpu.vector_load %arg14[%get3A_533, %get3A_534, %get3A_535] {strides = array<i32>} : memref<2x128x128xf32, #tpu.memory_space<vmem>>, vector<16xf32>,
      %mul3A_537 = arith.mulf %get3A_536, %gather3A_496 : vector<16xf32>
      %swap3A_538 = arith.index_cast %rem3A_186 : i32 to index
      %swap3A_539 = arith.index_cast %add3A_491 : i32 to index
      %swap3A_540 = arith.constant 64 : index
      %swap3A_541 = tpu.vector_load %arg14[%swap3A_538, %swap3A_539, %swap3A_540] {strides = array<i32>} : memref<2x128x128xf32, #tpu.memory_space<vmem>>, vector<16xf32>,
      tpu.vector_store %arg14[%swap3A_538, %swap3A_539, %swap3A_540], %mul3A_537 {strides = array<i32>} : memref<2x128x128xf32, #tpu.memory_space<vmem>>, vector<16xf32>,
      %get3A_542 = arith.index_cast %rem3A_186 : i32 to index
      %get3A_543 = arith.index_cast %add3A_491 : i32 to index
      %get3A_544 = arith.constant 80 : index
      %get3A_545 = tpu.vector_load %arg14[%get3A_542, %get3A_543, %get3A_544] {strides = array<i32>} : memref<2x128x128xf32, #tpu.memory_space<vmem>>, vector<16xf32>,
      %mul3A_546 = arith.mulf %get3A_545, %gather3A_496 : vector<16xf32>
      %swap3A_547 = arith.index_cast %rem3A_186 : i32 to index
      %swap3A_548 = arith.index_cast %add3A_491 : i32 to index
      %swap3A_549 = arith.constant 80 : index
      %swap3A_550 = tpu.vector_load %arg14[%swap3A_547, %swap3A_548, %swap3A_549] {strides = array<i32>} : memref<2x128x128xf32, #tpu.memory_space<vmem>>, vector<16xf32>,
      tpu.vector_store %arg14[%swap3A_547, %swap3A_548, %swap3A_549], %mul3A_546 {strides = array<i32>} : memref<2x128x128xf32, #tpu.memory_space<vmem>>, vector<16xf32>,
      %get3A_551 = arith.index_cast %rem3A_186 : i32 to index
      %get3A_552 = arith.index_cast %add3A_491 : i32 to index
      %get3A_553 = arith.constant 96 : index
      %get3A_554 = tpu.vector_load %arg14[%get3A_551, %get3A_552, %get3A_553] {strides = array<i32>} : memref<2x128x128xf32, #tpu.memory_space<vmem>>, vector<16xf32>,
      %mul3A_555 = arith.mulf %get3A_554, %gather3A_496 : vector<16xf32>
      %swap3A_556 = arith.index_cast %rem3A_186 : i32 to index
      %swap3A_557 = arith.index_cast %add3A_491 : i32 to index
      %swap3A_558 = arith.constant 96 : index
      %swap3A_559 = tpu.vector_load %arg14[%swap3A_556, %swap3A_557, %swap3A_558] {strides = array<i32>} : memref<2x128x128xf32, #tpu.memory_space<vmem>>, vector<16xf32>,
      tpu.vector_store %arg14[%swap3A_556, %swap3A_557, %swap3A_558], %mul3A_555 {strides = array<i32>} : memref<2x128x128xf32, #tpu.memory_space<vmem>>, vector<16xf32>,
      %get3A_560 = arith.index_cast %rem3A_186 : i32 to index
      %get3A_561 = arith.index_cast %add3A_491 : i32 to index
      %get3A_562 = arith.constant 112 : index
      %get3A_563 = tpu.vector_load %arg14[%get3A_560, %get3A_561, %get3A_562] {strides = array<i32>} : memref<2x128x128xf32, #tpu.memory_space<vmem>>, vector<16xf32>,
      %mul3A_564 = arith.mulf %get3A_563, %gather3A_496 : vector<16xf32>
      %swap3A_565 = arith.index_cast %rem3A_186 : i32 to index
      %swap3A_566 = arith.index_cast %add3A_491 : i32 to index
      %swap3A_567 = arith.constant 112 : index
      %swap3A_568 = tpu.vector_load %arg14[%swap3A_565, %swap3A_566, %swap3A_567] {strides = array<i32>} : memref<2x128x128xf32, #tpu.memory_space<vmem>>, vector<16xf32>,
      tpu.vector_store %arg14[%swap3A_565, %swap3A_566, %swap3A_567], %mul3A_564 {strides = array<i32>} : memref<2x128x128xf32, #tpu.memory_space<vmem>>, vector<16xf32>,
      %mul3A_569 = arith.constant 4 : i32
      %mul3A_570 = arith.muli %scan3A_407, %mul3A_569 : i32
      %add3A_571 = arith.constant 2 : i32
      %add3A_572 = arith.addi %mul3A_570, %add3A_571 : i32
      %broadcast_in_dim3A_573 = vector.broadcast %add3A_572 : i32 to vector<16xi32>
      %gather3A_574 = arith.constant 0 : i32
      %gather3A_575 = tpu.memref_slice %arg11[%rem3A_186, %gather3A_574] : memref<2x128xf32, #tpu.memory_space<vmem>> -> memref<1x128xf32, #tpu.memory_space<vmem>>
      %gather3A_576 = tpu.memref_squeeze %gather3A_575 : memref<1x128xf32, #tpu.memory_space<vmem>> -> memref<128xf32, #tpu.memory_space<vmem>>
      %gather3A_577 = tpu.vector_load_idx %gather3A_576[%broadcast_in_dim3A_573] : memref<128xf32, #tpu.memory_space<vmem>>[vector<16xi32>], vector<16xf32>,
      %get3A_578 = arith.index_cast %rem3A_186 : i32 to index
      %get3A_579 = arith.index_cast %add3A_572 : i32 to index
      %get3A_580 = arith.constant 0 : index
      %get3A_581 = tpu.vector_load %arg14[%get3A_578, %get3A_579, %get3A_580] {strides = array<i32>} : memref<2x128x128xf32, #tpu.memory_space<vmem>>, vector<16xf32>,
      %mul3A_582 = arith.mulf %get3A_581, %gather3A_577 : vector<16xf32>
      %swap3A_583 = arith.index_cast %rem3A_186 : i32 to index
      %swap3A_584 = arith.index_cast %add3A_572 : i32 to index
      %swap3A_585 = arith.constant 0 : index
      %swap3A_586 = tpu.vector_load %arg14[%swap3A_583, %swap3A_584, %swap3A_585] {strides = array<i32>} : memref<2x128x128xf32, #tpu.memory_space<vmem>>, vector<16xf32>,
      tpu.vector_store %arg14[%swap3A_583, %swap3A_584, %swap3A_585], %mul3A_582 {strides = array<i32>} : memref<2x128x128xf32, #tpu.memory_space<vmem>>, vector<16xf32>,
      %get3A_587 = arith.index_cast %rem3A_186 : i32 to index
      %get3A_588 = arith.index_cast %add3A_572 : i32 to index
      %get3A_589 = arith.constant 16 : index
      %get3A_590 = tpu.vector_load %arg14[%get3A_587, %get3A_588, %get3A_589] {strides = array<i32>} : memref<2x128x128xf32, #tpu.memory_space<vmem>>, vector<16xf32>,
      %mul3A_591 = arith.mulf %get3A_590, %gather3A_577 : vector<16xf32>
      %swap3A_592 = arith.index_cast %rem3A_186 : i32 to index
      %swap3A_593 = arith.index_cast %add3A_572 : i32 to index
      %swap3A_594 = arith.constant 16 : index
      %swap3A_595 = tpu.vector_load %arg14[%swap3A_592, %swap3A_593, %swap3A_594] {strides = array<i32>} : memref<2x128x128xf32, #tpu.memory_space<vmem>>, vector<16xf32>,
      tpu.vector_store %arg14[%swap3A_592, %swap3A_593, %swap3A_594], %mul3A_591 {strides = array<i32>} : memref<2x128x128xf32, #tpu.memory_space<vmem>>, vector<16xf32>,
      %get3A_596 = arith.index_cast %rem3A_186 : i32 to index
      %get3A_597 = arith.index_cast %add3A_572 : i32 to index
      %get3A_598 = arith.constant 32 : index
      %get3A_599 = tpu.vector_load %arg14[%get3A_596, %get3A_597, %get3A_598] {strides = array<i32>} : memref<2x128x128xf32, #tpu.memory_space<vmem>>, vector<16xf32>,
      %mul3A_600 = arith.mulf %get3A_599, %gather3A_577 : vector<16xf32>
      %swap3A_601 = arith.index_cast %rem3A_186 : i32 to index
      %swap3A_602 = arith.index_cast %add3A_572 : i32 to index
      %swap3A_603 = arith.constant 32 : index
      %swap3A_604 = tpu.vector_load %arg14[%swap3A_601, %swap3A_602, %swap3A_603] {strides = array<i32>} : memref<2x128x128xf32, #tpu.memory_space<vmem>>, vector<16xf32>,
      tpu.vector_store %arg14[%swap3A_601, %swap3A_602, %swap3A_603], %mul3A_600 {strides = array<i32>} : memref<2x128x128xf32, #tpu.memory_space<vmem>>, vector<16xf32>,
      %get3A_605 = arith.index_cast %rem3A_186 : i32 to index
      %get3A_606 = arith.index_cast %add3A_572 : i32 to index
      %get3A_607 = arith.constant 48 : index
      %get3A_608 = tpu.vector_load %arg14[%get3A_605, %get3A_606, %get3A_607] {strides = array<i32>} : memref<2x128x128xf32, #tpu.memory_space<vmem>>, vector<16xf32>,
      %mul3A_609 = arith.mulf %get3A_608, %gather3A_577 : vector<16xf32>
      %swap3A_610 = arith.index_cast %rem3A_186 : i32 to index
      %swap3A_611 = arith.index_cast %add3A_572 : i32 to index
      %swap3A_612 = arith.constant 48 : index
      %swap3A_613 = tpu.vector_load %arg14[%swap3A_610, %swap3A_611, %swap3A_612] {strides = array<i32>} : memref<2x128x128xf32, #tpu.memory_space<vmem>>, vector<16xf32>,
      tpu.vector_store %arg14[%swap3A_610, %swap3A_611, %swap3A_612], %mul3A_609 {strides = array<i32>} : memref<2x128x128xf32, #tpu.memory_space<vmem>>, vector<16xf32>,
      %get3A_614 = arith.index_cast %rem3A_186 : i32 to index
      %get3A_615 = arith.index_cast %add3A_572 : i32 to index
      %get3A_616 = arith.constant 64 : index
      %get3A_617 = tpu.vector_load %arg14[%get3A_614, %get3A_615, %get3A_616] {strides = array<i32>} : memref<2x128x128xf32, #tpu.memory_space<vmem>>, vector<16xf32>,
      %mul3A_618 = arith.mulf %get3A_617, %gather3A_577 : vector<16xf32>
      %swap3A_619 = arith.index_cast %rem3A_186 : i32 to index
      %swap3A_620 = arith.index_cast %add3A_572 : i32 to index
      %swap3A_621 = arith.constant 64 : index
      %swap3A_622 = tpu.vector_load %arg14[%swap3A_619, %swap3A_620, %swap3A_621] {strides = array<i32>} : memref<2x128x128xf32, #tpu.memory_space<vmem>>, vector<16xf32>,
      tpu.vector_store %arg14[%swap3A_619, %swap3A_620, %swap3A_621], %mul3A_618 {strides = array<i32>} : memref<2x128x128xf32, #tpu.memory_space<vmem>>, vector<16xf32>,
      %get3A_623 = arith.index_cast %rem3A_186 : i32 to index
      %get3A_624 = arith.index_cast %add3A_572 : i32 to index
      %get3A_625 = arith.constant 80 : index
      %get3A_626 = tpu.vector_load %arg14[%get3A_623, %get3A_624, %get3A_625] {strides = array<i32>} : memref<2x128x128xf32, #tpu.memory_space<vmem>>, vector<16xf32>,
      %mul3A_627 = arith.mulf %get3A_626, %gather3A_577 : vector<16xf32>
      %swap3A_628 = arith.index_cast %rem3A_186 : i32 to index
      %swap3A_629 = arith.index_cast %add3A_572 : i32 to index
      %swap3A_630 = arith.constant 80 : index
      %swap3A_631 = tpu.vector_load %arg14[%swap3A_628, %swap3A_629, %swap3A_630] {strides = array<i32>} : memref<2x128x128xf32, #tpu.memory_space<vmem>>, vector<16xf32>,
      tpu.vector_store %arg14[%swap3A_628, %swap3A_629, %swap3A_630], %mul3A_627 {strides = array<i32>} : memref<2x128x128xf32, #tpu.memory_space<vmem>>, vector<16xf32>,
      %get3A_632 = arith.index_cast %rem3A_186 : i32 to index
      %get3A_633 = arith.index_cast %add3A_572 : i32 to index
      %get3A_634 = arith.constant 96 : index
      %get3A_635 = tpu.vector_load %arg14[%get3A_632, %get3A_633, %get3A_634] {strides = array<i32>} : memref<2x128x128xf32, #tpu.memory_space<vmem>>, vector<16xf32>,
      %mul3A_636 = arith.mulf %get3A_635, %gather3A_577 : vector<16xf32>
      %swap3A_637 = arith.index_cast %rem3A_186 : i32 to index
      %swap3A_638 = arith.index_cast %add3A_572 : i32 to index
      %swap3A_639 = arith.constant 96 : index
      %swap3A_640 = tpu.vector_load %arg14[%swap3A_637, %swap3A_638, %swap3A_639] {strides = array<i32>} : memref<2x128x128xf32, #tpu.memory_space<vmem>>, vector<16xf32>,
      tpu.vector_store %arg14[%swap3A_637, %swap3A_638, %swap3A_639], %mul3A_636 {strides = array<i32>} : memref<2x128x128xf32, #tpu.memory_space<vmem>>, vector<16xf32>,
      %get3A_641 = arith.index_cast %rem3A_186 : i32 to index
      %get3A_642 = arith.index_cast %add3A_572 : i32 to index
      %get3A_643 = arith.constant 112 : index
      %get3A_644 = tpu.vector_load %arg14[%get3A_641, %get3A_642, %get3A_643] {strides = array<i32>} : memref<2x128x128xf32, #tpu.memory_space<vmem>>, vector<16xf32>,
      %mul3A_645 = arith.mulf %get3A_644, %gather3A_577 : vector<16xf32>
      %swap3A_646 = arith.index_cast %rem3A_186 : i32 to index
      %swap3A_647 = arith.index_cast %add3A_572 : i32 to index
      %swap3A_648 = arith.constant 112 : index
      %swap3A_649 = tpu.vector_load %arg14[%swap3A_646, %swap3A_647, %swap3A_648] {strides = array<i32>} : memref<2x128x128xf32, #tpu.memory_space<vmem>>, vector<16xf32>,
      tpu.vector_store %arg14[%swap3A_646, %swap3A_647, %swap3A_648], %mul3A_645 {strides = array<i32>} : memref<2x128x128xf32, #tpu.memory_space<vmem>>, vector<16xf32>,
      %mul3A_650 = arith.constant 4 : i32
      %mul3A_651 = arith.muli %scan3A_407, %mul3A_650 : i32
      %add3A_652 = arith.constant 3 : i32
      %add3A_653 = arith.addi %mul3A_651, %add3A_652 : i32
      %broadcast_in_dim3A_654 = vector.broadcast %add3A_653 : i32 to vector<16xi32>
      %gather3A_655 = arith.constant 0 : i32
      %gather3A_656 = tpu.memref_slice %arg11[%rem3A_186, %gather3A_655] : memref<2x128xf32, #tpu.memory_space<vmem>> -> memref<1x128xf32, #tpu.memory_space<vmem>>
      %gather3A_657 = tpu.memref_squeeze %gather3A_656 : memref<1x128xf32, #tpu.memory_space<vmem>> -> memref<128xf32, #tpu.memory_space<vmem>>
      %gather3A_658 = tpu.vector_load_idx %gather3A_657[%broadcast_in_dim3A_654] : memref<128xf32, #tpu.memory_space<vmem>>[vector<16xi32>], vector<16xf32>,
      %get3A_659 = arith.index_cast %rem3A_186 : i32 to index
      %get3A_660 = arith.index_cast %add3A_653 : i32 to index
      %get3A_661 = arith.constant 0 : index
      %get3A_662 = tpu.vector_load %arg14[%get3A_659, %get3A_660, %get3A_661] {strides = array<i32>} : memref<2x128x128xf32, #tpu.memory_space<vmem>>, vector<16xf32>,
      %mul3A_663 = arith.mulf %get3A_662, %gather3A_658 : vector<16xf32>
      %swap3A_664 = arith.index_cast %rem3A_186 : i32 to index
      %swap3A_665 = arith.index_cast %add3A_653 : i32 to index
      %swap3A_666 = arith.constant 0 : index
      %swap3A_667 = tpu.vector_load %arg14[%swap3A_664, %swap3A_665, %swap3A_666] {strides = array<i32>} : memref<2x128x128xf32, #tpu.memory_space<vmem>>, vector<16xf32>,
      tpu.vector_store %arg14[%swap3A_664, %swap3A_665, %swap3A_666], %mul3A_663 {strides = array<i32>} : memref<2x128x128xf32, #tpu.memory_space<vmem>>, vector<16xf32>,
      %get3A_668 = arith.index_cast %rem3A_186 : i32 to index
      %get3A_669 = arith.index_cast %add3A_653 : i32 to index
      %get3A_670 = arith.constant 16 : index
      %get3A_671 = tpu.vector_load %arg14[%get3A_668, %get3A_669, %get3A_670] {strides = array<i32>} : memref<2x128x128xf32, #tpu.memory_space<vmem>>, vector<16xf32>,
      %mul3A_672 = arith.mulf %get3A_671, %gather3A_658 : vector<16xf32>
      %swap3A_673 = arith.index_cast %rem3A_186 : i32 to index
      %swap3A_674 = arith.index_cast %add3A_653 : i32 to index
      %swap3A_675 = arith.constant 16 : index
      %swap3A_676 = tpu.vector_load %arg14[%swap3A_673, %swap3A_674, %swap3A_675] {strides = array<i32>} : memref<2x128x128xf32, #tpu.memory_space<vmem>>, vector<16xf32>,
      tpu.vector_store %arg14[%swap3A_673, %swap3A_674, %swap3A_675], %mul3A_672 {strides = array<i32>} : memref<2x128x128xf32, #tpu.memory_space<vmem>>, vector<16xf32>,
      %get3A_677 = arith.index_cast %rem3A_186 : i32 to index
      %get3A_678 = arith.index_cast %add3A_653 : i32 to index
      %get3A_679 = arith.constant 32 : index
      %get3A_680 = tpu.vector_load %arg14[%get3A_677, %get3A_678, %get3A_679] {strides = array<i32>} : memref<2x128x128xf32, #tpu.memory_space<vmem>>, vector<16xf32>,
      %mul3A_681 = arith.mulf %get3A_680, %gather3A_658 : vector<16xf32>
      %swap3A_682 = arith.index_cast %rem3A_186 : i32 to index
      %swap3A_683 = arith.index_cast %add3A_653 : i32 to index
      %swap3A_684 = arith.constant 32 : index
      %swap3A_685 = tpu.vector_load %arg14[%swap3A_682, %swap3A_683, %swap3A_684] {strides = array<i32>} : memref<2x128x128xf32, #tpu.memory_space<vmem>>, vector<16xf32>,
      tpu.vector_store %arg14[%swap3A_682, %swap3A_683, %swap3A_684], %mul3A_681 {strides = array<i32>} : memref<2x128x128xf32, #tpu.memory_space<vmem>>, vector<16xf32>,
      %get3A_686 = arith.index_cast %rem3A_186 : i32 to index
      %get3A_687 = arith.index_cast %add3A_653 : i32 to index
      %get3A_688 = arith.constant 48 : index
      %get3A_689 = tpu.vector_load %arg14[%get3A_686, %get3A_687, %get3A_688] {strides = array<i32>} : memref<2x128x128xf32, #tpu.memory_space<vmem>>, vector<16xf32>,
      %mul3A_690 = arith.mulf %get3A_689, %gather3A_658 : vector<16xf32>
      %swap3A_691 = arith.index_cast %rem3A_186 : i32 to index
      %swap3A_692 = arith.index_cast %add3A_653 : i32 to index
      %swap3A_693 = arith.constant 48 : index
      %swap3A_694 = tpu.vector_load %arg14[%swap3A_691, %swap3A_692, %swap3A_693] {strides = array<i32>} : memref<2x128x128xf32, #tpu.memory_space<vmem>>, vector<16xf32>,
      tpu.vector_store %arg14[%swap3A_691, %swap3A_692, %swap3A_693], %mul3A_690 {strides = array<i32>} : memref<2x128x128xf32, #tpu.memory_space<vmem>>, vector<16xf32>,
      %get3A_695 = arith.index_cast %rem3A_186 : i32 to index
      %get3A_696 = arith.index_cast %add3A_653 : i32 to index
      %get3A_697 = arith.constant 64 : index
      %get3A_698 = tpu.vector_load %arg14[%get3A_695, %get3A_696, %get3A_697] {strides = array<i32>} : memref<2x128x128xf32, #tpu.memory_space<vmem>>, vector<16xf32>,
      %mul3A_699 = arith.mulf %get3A_698, %gather3A_658 : vector<16xf32>
      %swap3A_700 = arith.index_cast %rem3A_186 : i32 to index
      %swap3A_701 = arith.index_cast %add3A_653 : i32 to index
      %swap3A_702 = arith.constant 64 : index
      %swap3A_703 = tpu.vector_load %arg14[%swap3A_700, %swap3A_701, %swap3A_702] {strides = array<i32>} : memref<2x128x128xf32, #tpu.memory_space<vmem>>, vector<16xf32>,
      tpu.vector_store %arg14[%swap3A_700, %swap3A_701, %swap3A_702], %mul3A_699 {strides = array<i32>} : memref<2x128x128xf32, #tpu.memory_space<vmem>>, vector<16xf32>,
      %get3A_704 = arith.index_cast %rem3A_186 : i32 to index
      %get3A_705 = arith.index_cast %add3A_653 : i32 to index
      %get3A_706 = arith.constant 80 : index
      %get3A_707 = tpu.vector_load %arg14[%get3A_704, %get3A_705, %get3A_706] {strides = array<i32>} : memref<2x128x128xf32, #tpu.memory_space<vmem>>, vector<16xf32>,
      %mul3A_708 = arith.mulf %get3A_707, %gather3A_658 : vector<16xf32>
      %swap3A_709 = arith.index_cast %rem3A_186 : i32 to index
      %swap3A_710 = arith.index_cast %add3A_653 : i32 to index
      %swap3A_711 = arith.constant 80 : index
      %swap3A_712 = tpu.vector_load %arg14[%swap3A_709, %swap3A_710, %swap3A_711] {strides = array<i32>} : memref<2x128x128xf32, #tpu.memory_space<vmem>>, vector<16xf32>,
      tpu.vector_store %arg14[%swap3A_709, %swap3A_710, %swap3A_711], %mul3A_708 {strides = array<i32>} : memref<2x128x128xf32, #tpu.memory_space<vmem>>, vector<16xf32>,
      %get3A_713 = arith.index_cast %rem3A_186 : i32 to index
      %get3A_714 = arith.index_cast %add3A_653 : i32 to index
      %get3A_715 = arith.constant 96 : index
      %get3A_716 = tpu.vector_load %arg14[%get3A_713, %get3A_714, %get3A_715] {strides = array<i32>} : memref<2x128x128xf32, #tpu.memory_space<vmem>>, vector<16xf32>,
      %mul3A_717 = arith.mulf %get3A_716, %gather3A_658 : vector<16xf32>
      %swap3A_718 = arith.index_cast %rem3A_186 : i32 to index
      %swap3A_719 = arith.index_cast %add3A_653 : i32 to index
      %swap3A_720 = arith.constant 96 : index
      %swap3A_721 = tpu.vector_load %arg14[%swap3A_718, %swap3A_719, %swap3A_720] {strides = array<i32>} : memref<2x128x128xf32, #tpu.memory_space<vmem>>, vector<16xf32>,
      tpu.vector_store %arg14[%swap3A_718, %swap3A_719, %swap3A_720], %mul3A_717 {strides = array<i32>} : memref<2x128x128xf32, #tpu.memory_space<vmem>>, vector<16xf32>,
      %get3A_722 = arith.index_cast %rem3A_186 : i32 to index
      %get3A_723 = arith.index_cast %add3A_653 : i32 to index
      %get3A_724 = arith.constant 112 : index
      %get3A_725 = tpu.vector_load %arg14[%get3A_722, %get3A_723, %get3A_724] {strides = array<i32>} : memref<2x128x128xf32, #tpu.memory_space<vmem>>, vector<16xf32>,
      %mul3A_726 = arith.mulf %get3A_725, %gather3A_658 : vector<16xf32>
      %swap3A_727 = arith.index_cast %rem3A_186 : i32 to index
      %swap3A_728 = arith.index_cast %add3A_653 : i32 to index
      %swap3A_729 = arith.constant 112 : index
      %swap3A_730 = tpu.vector_load %arg14[%swap3A_727, %swap3A_728, %swap3A_729] {strides = array<i32>} : memref<2x128x128xf32, #tpu.memory_space<vmem>>, vector<16xf32>,
      tpu.vector_store %arg14[%swap3A_727, %swap3A_728, %swap3A_729], %mul3A_726 {strides = array<i32>} : memref<2x128x128xf32, #tpu.memory_space<vmem>>, vector<16xf32>,
    }
    %scan3A_371 = arith.constant 32 : i32
    "tpu.region"() ({
      %run_scoped3A_407 = tpu.sem_alloc : memref<!tpu.dma_semaphore, #tpu.memory_space<semaphore_mem>>
      %dma_start3A_408 = arith.constant 0 : i32
      %dma_start3A_409 = arith.constant 0 : i32
      %dma_start3A_410 = tpu.memref_slice %arg14[%rem3A_186, %dma_start3A_408, %dma_start3A_409] : memref<2x128x128xf32, #tpu.memory_space<vmem>> -> memref<1x128x128xf32, #tpu.memory_space<vmem>>
      %dma_start3A_411 = tpu.memref_squeeze %dma_start3A_410 : memref<1x128x128xf32, #tpu.memory_space<vmem>> -> memref<128x128xf32, #tpu.memory_space<vmem>>
      %dma_start3A_412 = arith.constant 0 : i32
      %dma_start3A_413 = tpu.memref_slice %arg10[%rem3A_188, %dma_start3A_412] : memref<3x128xi32, #tpu.memory_space<vmem>> -> memref<1x128xi32, #tpu.memory_space<vmem>>
      %dma_start3A_414 = tpu.memref_squeeze %dma_start3A_413 : memref<1x128xi32, #tpu.memory_space<vmem>> -> memref<128xi32, #tpu.memory_space<vmem>>
      %dma_start3A_415 = arith.constant 0 : i32
      %dma_start3A_416 = arith.constant 0 : i32
      %dma_start3A_417 = tpu.memref_slice %arg15[%dma_start3A_415, %dma_start3A_416] : memref<10000x128xf32, #tpu.memory_space<vmem_shared>> -> memref<10000x128xf32, #tpu.memory_space<vmem_shared>>
      tpu.enqueue_indirect_dma source(%dma_start3A_411 : memref<128x128xf32, #tpu.memory_space<vmem>>) target(%dma_start3A_417 : memref<10000x128xf32, #tpu.memory_space<vmem_shared>>) offsets(%dma_start3A_414 : memref<128xi32, #tpu.memory_space<vmem>>) semaphore(%run_scoped3A_407 : memref<!tpu.dma_semaphore, #tpu.memory_space<semaphore_mem>>) {add = true}
      %dma_wait3A_418 = arith.constant 0 : i32
      %dma_wait3A_419 = arith.constant 0 : i32
      %dma_wait3A_420 = tpu.memref_slice %arg14[%rem3A_186, %dma_wait3A_418, %dma_wait3A_419] : memref<2x128x128xf32, #tpu.memory_space<vmem>> -> memref<1x128x128xf32, #tpu.memory_space<vmem>>
      %dma_wait3A_421 = tpu.memref_squeeze %dma_wait3A_420 : memref<1x128x128xf32, #tpu.memory_space<vmem>> -> memref<128x128xf32, #tpu.memory_space<vmem>>
      %dma_wait3A_422 = arith.constant 0 : i32
      %dma_wait3A_423 = tpu.memref_slice %arg10[%rem3A_188, %dma_wait3A_422] : memref<3x128xi32, #tpu.memory_space<vmem>> -> memref<1x128xi32, #tpu.memory_space<vmem>>
      %dma_wait3A_424 = tpu.memref_squeeze %dma_wait3A_423 : memref<1x128xi32, #tpu.memory_space<vmem>> -> memref<128xi32, #tpu.memory_space<vmem>>
      %dma_wait3A_425 = arith.constant 0 : i32
      %dma_wait3A_426 = arith.constant 0 : i32
      %dma_wait3A_427 = tpu.memref_slice %arg15[%dma_wait3A_425, %dma_wait3A_426] : memref<10000x128xf32, #tpu.memory_space<vmem_shared>> -> memref<10000x128xf32, #tpu.memory_space<vmem_shared>>
      tpu.wait_indirect_dma semaphore(%run_scoped3A_407 : memref<!tpu.dma_semaphore, #tpu.memory_space<semaphore_mem>>) src(%dma_wait3A_421 : memref<128x128xf32, #tpu.memory_space<vmem>>) dst(%dma_wait3A_427 : memref<10000x128xf32, #tpu.memory_space<vmem_shared>>)
      tpu.yield
    }) : () -> ()
    %dma_wait3A_372 = arith.constant 0 : i32
    %dma_wait3A_373 = tpu.memref_slice %arg11[%rem3A_186, %dma_wait3A_372] : memref<2x128xf32, #tpu.memory_space<vmem>> -> memref<1x128xf32, #tpu.memory_space<vmem>>
    %dma_wait3A_374 = tpu.memref_squeeze %dma_wait3A_373 : memref<1x128xf32, #tpu.memory_space<vmem>> -> memref<128xf32, #tpu.memory_space<vmem>>
    %dma_wait3A_375 = arith.constant 0 : i32
    %dma_wait3A_376 = tpu.memref_slice %arg10[%rem3A_188, %dma_wait3A_375] : memref<3x128xi32, #tpu.memory_space<vmem>> -> memref<1x128xi32, #tpu.memory_space<vmem>>
    %dma_wait3A_377 = tpu.memref_squeeze %dma_wait3A_376 : memref<1x128xi32, #tpu.memory_space<vmem>> -> memref<128xi32, #tpu.memory_space<vmem>>
    %dma_wait3A_378 = arith.constant 0 : i32
    %dma_wait3A_379 = tpu.memref_slice %arg16[%dma_wait3A_378] : memref<10000xf32, #tpu.memory_space<vmem_shared>> -> memref<10000xf32, #tpu.memory_space<vmem_shared>>
    tpu.wait_indirect_dma semaphore(%arg21 : memref<!tpu.dma_semaphore, #tpu.memory_space<semaphore_mem>>) src(%dma_wait3A_374 : memref<128xf32, #tpu.memory_space<vmem>>) dst(%dma_wait3A_379 : memref<10000xf32, #tpu.memory_space<vmem_shared>>)
    %barrier3A_380 = arith.constant 0 : index
    tpu.barrier barrier_id(%barrier3A_380)
    %scan3A_381 = arith.constant 0 : i32
    %scan3A_382 = arith.constant 0 : i32
    %scan3A_383 = arith.constant 13 : i32
    %scan3A_384 = arith.addi %scan3A_382, %scan3A_383 : i32
    %scan3A_385 = arith.constant 1 : i32
    scf.for %scan3A_407 = %scan3A_382 to %scan3A_384 step %scan3A_385  : i32 {
      %mul3A_408 = arith.constant 48 : i32
      %mul3A_409 = arith.muli %scan3A_407, %mul3A_408 : i32
      %add3A_410 = arith.addi %mul3A_53, %mul3A_409 : i32
      %run_scoped3A_411 = arith.constant 0 : i32
      "tpu.region"() ({
        %run_scoped3A_413 = tpu.sem_alloc : memref<!tpu.dma_semaphore, #tpu.memory_space<semaphore_mem>>
        %dma_start3A_414 = arith.constant 0 : i32
        %dma_start3A_415 = arith.constant 0 : i32
        %dma_start3A_416 = tpu.memref_slice %arg14[%run_scoped3A_411, %dma_start3A_414, %dma_start3A_415] : memref<2x128x128xf32, #tpu.memory_space<vmem>> -> memref<1x48x128xf32, #tpu.memory_space<vmem>>
        %dma_start3A_417 = tpu.memref_squeeze %dma_start3A_416 : memref<1x48x128xf32, #tpu.memory_space<vmem>> -> memref<48x128xf32, #tpu.memory_space<vmem>>
        %dma_start3A_418 = arith.constant 0 : i32
        %dma_start3A_419 = tpu.memref_slice %arg15[%add3A_410, %dma_start3A_418] : memref<10000x128xf32, #tpu.memory_space<vmem_shared>> -> memref<48x128xf32, #tpu.memory_space<vmem_shared>>
        %dma_start3A_420 = arith.constant 0 : i32
        %dma_start3A_421 = arith.constant 0 : i32
        %dma_start3A_422 = tpu.memref_slice %arg14[%run_scoped3A_411, %dma_start3A_420, %dma_start3A_421] : memref<2x128x128xf32, #tpu.memory_space<vmem>> -> memref<1x48x128xf32, #tpu.memory_space<vmem>>
        %dma_start3A_423 = tpu.memref_squeeze %dma_start3A_422 : memref<1x48x128xf32, #tpu.memory_space<vmem>> -> memref<48x128xf32, #tpu.memory_space<vmem>>
        %dma_start3A_424 = arith.constant 0 : i32
        %dma_start3A_425 = tpu.memref_slice %arg15[%add3A_410, %dma_start3A_424] : memref<10000x128xf32, #tpu.memory_space<vmem_shared>> -> memref<48x128xf32, #tpu.memory_space<vmem_shared>>
        tpu.enqueue_dma source(%dma_start3A_425 : memref<48x128xf32, #tpu.memory_space<vmem_shared>>) target(%dma_start3A_423 : memref<48x128xf32, #tpu.memory_space<vmem>>) target_semaphore(%run_scoped3A_413 : memref<!tpu.dma_semaphore, #tpu.memory_space<semaphore_mem>>)
        %dma_wait3A_426 = arith.constant 0 : i32
        %dma_wait3A_427 = arith.constant 0 : i32
        %dma_wait3A_428 = tpu.memref_slice %arg14[%run_scoped3A_411, %dma_wait3A_426, %dma_wait3A_427] : memref<2x128x128xf32, #tpu.memory_space<vmem>> -> memref<1x48x128xf32, #tpu.memory_space<vmem>>
        %dma_wait3A_429 = tpu.memref_squeeze %dma_wait3A_428 : memref<1x48x128xf32, #tpu.memory_space<vmem>> -> memref<48x128xf32, #tpu.memory_space<vmem>>
        %dma_wait3A_430 = arith.constant 0 : i32
        %dma_wait3A_431 = tpu.memref_slice %arg15[%add3A_410, %dma_wait3A_430] : memref<10000x128xf32, #tpu.memory_space<vmem_shared>> -> memref<48x128xf32, #tpu.memory_space<vmem_shared>>
        %dma_wait3A_432 = arith.constant 0 : i32
        %dma_wait3A_433 = arith.constant 0 : i32
        %dma_wait3A_434 = tpu.memref_slice %arg14[%run_scoped3A_411, %dma_wait3A_432, %dma_wait3A_433] : memref<2x128x128xf32, #tpu.memory_space<vmem>> -> memref<1x48x128xf32, #tpu.memory_space<vmem>>
        %dma_wait3A_435 = tpu.memref_squeeze %dma_wait3A_434 : memref<1x48x128xf32, #tpu.memory_space<vmem>> -> memref<48x128xf32, #tpu.memory_space<vmem>>
        %dma_wait3A_436 = arith.constant 0 : i32
        %dma_wait3A_437 = tpu.memref_slice %arg15[%add3A_410, %dma_wait3A_436] : memref<10000x128xf32, #tpu.memory_space<vmem_shared>> -> memref<48x128xf32, #tpu.memory_space<vmem_shared>>
        tpu.wait_dma2 semaphore(%run_scoped3A_413 : memref<!tpu.dma_semaphore, #tpu.memory_space<semaphore_mem>>) src(%dma_wait3A_437 : memref<48x128xf32, #tpu.memory_space<vmem_shared>>) dst(%dma_wait3A_435 : memref<48x128xf32, #tpu.memory_space<vmem>>)
        tpu.yield
      }) : () -> ()
      %run_scoped3A_412 = arith.constant 0 : i32
      "tpu.region"() ({
        %run_scoped3A_413 = tpu.sem_alloc : memref<!tpu.dma_semaphore, #tpu.memory_space<semaphore_mem>>
        %dma_start3A_414 = arith.constant 0 : i32
        %dma_start3A_415 = arith.constant 0 : i32
        %dma_start3A_416 = tpu.memref_slice %arg14[%run_scoped3A_412, %dma_start3A_414, %dma_start3A_415] : memref<2x128x128xf32, #tpu.memory_space<vmem>> -> memref<1x48x128xf32, #tpu.memory_space<vmem>>
        %dma_start3A_417 = tpu.memref_squeeze %dma_start3A_416 : memref<1x48x128xf32, #tpu.memory_space<vmem>> -> memref<48x128xf32, #tpu.memory_space<vmem>>
        %dma_start3A_418 = arith.constant 0 : i32
        %dma_start3A_419 = tpu.memref_slice %arg7[%arg0, %add3A_410, %dma_start3A_418] : memref<2x10000x128xf32, #tpu.memory_space<hbm>> -> memref<1x48x128xf32, #tpu.memory_space<hbm>>
        %dma_start3A_420 = tpu.memref_squeeze %dma_start3A_419 : memref<1x48x128xf32, #tpu.memory_space<hbm>> -> memref<48x128xf32, #tpu.memory_space<hbm>>
        %dma_start3A_421 = arith.constant 0 : i32
        %dma_start3A_422 = tpu.memref_slice %arg7[%arg0, %add3A_410, %dma_start3A_421] : memref<2x10000x128xf32, #tpu.memory_space<hbm>> -> memref<1x48x128xf32, #tpu.memory_space<hbm>>
        %dma_start3A_423 = tpu.memref_squeeze %dma_start3A_422 : memref<1x48x128xf32, #tpu.memory_space<hbm>> -> memref<48x128xf32, #tpu.memory_space<hbm>>
        %dma_start3A_424 = arith.constant 0 : i32
        %dma_start3A_425 = arith.constant 0 : i32
        %dma_start3A_426 = tpu.memref_slice %arg14[%run_scoped3A_412, %dma_start3A_424, %dma_start3A_425] : memref<2x128x128xf32, #tpu.memory_space<vmem>> -> memref<1x48x128xf32, #tpu.memory_space<vmem>>
        %dma_start3A_427 = tpu.memref_squeeze %dma_start3A_426 : memref<1x48x128xf32, #tpu.memory_space<vmem>> -> memref<48x128xf32, #tpu.memory_space<vmem>>
        tpu.enqueue_dma source(%dma_start3A_427 : memref<48x128xf32, #tpu.memory_space<vmem>>) target(%dma_start3A_423 : memref<48x128xf32, #tpu.memory_space<hbm>>) target_semaphore(%run_scoped3A_413 : memref<!tpu.dma_semaphore, #tpu.memory_space<semaphore_mem>>)
        %dma_wait3A_428 = arith.constant 0 : i32
        %dma_wait3A_429 = arith.constant 0 : i32
        %dma_wait3A_430 = tpu.memref_slice %arg14[%run_scoped3A_412, %dma_wait3A_428, %dma_wait3A_429] : memref<2x128x128xf32, #tpu.memory_space<vmem>> -> memref<1x48x128xf32, #tpu.memory_space<vmem>>
        %dma_wait3A_431 = tpu.memref_squeeze %dma_wait3A_430 : memref<1x48x128xf32, #tpu.memory_space<vmem>> -> memref<48x128xf32, #tpu.memory_space<vmem>>
        %dma_wait3A_432 = arith.constant 0 : i32
        %dma_wait3A_433 = tpu.memref_slice %arg7[%arg0, %add3A_410, %dma_wait3A_432] : memref<2x10000x128xf32, #tpu.memory_space<hbm>> -> memref<1x48x128xf32, #tpu.memory_space<hbm>>
        %dma_wait3A_434 = tpu.memref_squeeze %dma_wait3A_433 : memref<1x48x128xf32, #tpu.memory_space<hbm>> -> memref<48x128xf32, #tpu.memory_space<hbm>>
        %dma_wait3A_435 = arith.constant 0 : i32
        %dma_wait3A_436 = tpu.memref_slice %arg7[%arg0, %add3A_410, %dma_wait3A_435] : memref<2x10000x128xf32, #tpu.memory_space<hbm>> -> memref<1x48x128xf32, #tpu.memory_space<hbm>>
        %dma_wait3A_437 = tpu.memref_squeeze %dma_wait3A_436 : memref<1x48x128xf32, #tpu.memory_space<hbm>> -> memref<48x128xf32, #tpu.memory_space<hbm>>
        %dma_wait3A_438 = arith.constant 0 : i32
        %dma_wait3A_439 = arith.constant 0 : i32
        %dma_wait3A_440 = tpu.memref_slice %arg14[%run_scoped3A_412, %dma_wait3A_438, %dma_wait3A_439] : memref<2x128x128xf32, #tpu.memory_space<vmem>> -> memref<1x48x128xf32, #tpu.memory_space<vmem>>
        %dma_wait3A_441 = tpu.memref_squeeze %dma_wait3A_440 : memref<1x48x128xf32, #tpu.memory_space<vmem>> -> memref<48x128xf32, #tpu.memory_space<vmem>>
        tpu.wait_dma2 semaphore(%run_scoped3A_413 : memref<!tpu.dma_semaphore, #tpu.memory_space<semaphore_mem>>) src(%dma_wait3A_441 : memref<48x128xf32, #tpu.memory_space<vmem>>) dst(%dma_wait3A_437 : memref<48x128xf32, #tpu.memory_space<hbm>>)
        tpu.yield
      }) : () -> ()
    }
    %scan3A_386 = arith.constant 13 : i32
    %scan3A_387 = arith.constant 0 : i32
    %scan3A_388 = arith.constant 0 : i32
    %scan3A_389 = arith.constant 4 : i32
    %scan3A_390 = arith.addi %scan3A_388, %scan3A_389 : i32
    %scan3A_391 = arith.constant 1 : i32
    scf.for %scan3A_407 = %scan3A_388 to %scan3A_390 step %scan3A_391  : i32 {
      %mul3A_408 = arith.constant 128 : i32
      %mul3A_409 = arith.muli %scan3A_407, %mul3A_408 : i32
      %add3A_410 = arith.addi %mul3A_53, %mul3A_409 : i32
      %run_scoped3A_411 = arith.constant 0 : i32
      "tpu.region"() ({
        %run_scoped3A_416 = tpu.sem_alloc : memref<!tpu.dma_semaphore, #tpu.memory_space<semaphore_mem>>
        %dma_start3A_417 = arith.constant 0 : i32
        %dma_start3A_418 = tpu.memref_slice %arg12[%run_scoped3A_411, %dma_start3A_417] : memref<2x128xf32, #tpu.memory_space<vmem>> -> memref<1x128xf32, #tpu.memory_space<vmem>>
        %dma_start3A_419 = tpu.memref_squeeze %dma_start3A_418 : memref<1x128xf32, #tpu.memory_space<vmem>> -> memref<128xf32, #tpu.memory_space<vmem>>
        %dma_start3A_420 = tpu.memref_slice %arg16[%add3A_410] : memref<10000xf32, #tpu.memory_space<vmem_shared>> -> memref<128xf32, #tpu.memory_space<vmem_shared>>
        %dma_start3A_421 = arith.constant 0 : i32
        %dma_start3A_422 = tpu.memref_slice %arg12[%run_scoped3A_411, %dma_start3A_421] : memref<2x128xf32, #tpu.memory_space<vmem>> -> memref<1x128xf32, #tpu.memory_space<vmem>>
        %dma_start3A_423 = tpu.memref_squeeze %dma_start3A_422 : memref<1x128xf32, #tpu.memory_space<vmem>> -> memref<128xf32, #tpu.memory_space<vmem>>
        %dma_start3A_424 = tpu.memref_slice %arg16[%add3A_410] : memref<10000xf32, #tpu.memory_space<vmem_shared>> -> memref<128xf32, #tpu.memory_space<vmem_shared>>
        tpu.enqueue_dma source(%dma_start3A_424 : memref<128xf32, #tpu.memory_space<vmem_shared>>) target(%dma_start3A_423 : memref<128xf32, #tpu.memory_space<vmem>>) target_semaphore(%run_scoped3A_416 : memref<!tpu.dma_semaphore, #tpu.memory_space<semaphore_mem>>)
        %dma_wait3A_425 = arith.constant 0 : i32
        %dma_wait3A_426 = tpu.memref_slice %arg12[%run_scoped3A_411, %dma_wait3A_425] : memref<2x128xf32, #tpu.memory_space<vmem>> -> memref<1x128xf32, #tpu.memory_space<vmem>>
        %dma_wait3A_427 = tpu.memref_squeeze %dma_wait3A_426 : memref<1x128xf32, #tpu.memory_space<vmem>> -> memref<128xf32, #tpu.memory_space<vmem>>
        %dma_wait3A_428 = tpu.memref_slice %arg16[%add3A_410] : memref<10000xf32, #tpu.memory_space<vmem_shared>> -> memref<128xf32, #tpu.memory_space<vmem_shared>>
        %dma_wait3A_429 = arith.constant 0 : i32
        %dma_wait3A_430 = tpu.memref_slice %arg12[%run_scoped3A_411, %dma_wait3A_429] : memref<2x128xf32, #tpu.memory_space<vmem>> -> memref<1x128xf32, #tpu.memory_space<vmem>>
        %dma_wait3A_431 = tpu.memref_squeeze %dma_wait3A_430 : memref<1x128xf32, #tpu.memory_space<vmem>> -> memref<128xf32, #tpu.memory_space<vmem>>
        %dma_wait3A_432 = tpu.memref_slice %arg16[%add3A_410] : memref<10000xf32, #tpu.memory_space<vmem_shared>> -> memref<128xf32, #tpu.memory_space<vmem_shared>>
        tpu.wait_dma2 semaphore(%run_scoped3A_416 : memref<!tpu.dma_semaphore, #tpu.memory_space<semaphore_mem>>) src(%dma_wait3A_432 : memref<128xf32, #tpu.memory_space<vmem_shared>>) dst(%dma_wait3A_431 : memref<128xf32, #tpu.memory_space<vmem>>)
        tpu.yield
      }) : () -> ()
      %mul3A_412 = arith.constant 10000 : i32
      %mul3A_413 = arith.muli %arg0, %mul3A_412 : i32
      %add3A_414 = arith.addi %mul3A_413, %add3A_410 : i32
      %run_scoped3A_415 = arith.constant 0 : i32
      "tpu.region"() ({
        %run_scoped3A_416 = tpu.sem_alloc : memref<!tpu.dma_semaphore, #tpu.memory_space<semaphore_mem>>
        %dma_start3A_417 = arith.constant 0 : i32
        %dma_start3A_418 = tpu.memref_slice %arg12[%run_scoped3A_415, %dma_start3A_417] : memref<2x128xf32, #tpu.memory_space<vmem>> -> memref<1x128xf32, #tpu.memory_space<vmem>>
        %dma_start3A_419 = tpu.memref_squeeze %dma_start3A_418 : memref<1x128xf32, #tpu.memory_space<vmem>> -> memref<128xf32, #tpu.memory_space<vmem>>
        %dma_start3A_420 = tpu.memref_slice %arg8[%add3A_414] : memref<20000xf32, #tpu.memory_space<hbm>> -> memref<128xf32, #tpu.memory_space<hbm>>
        %dma_start3A_421 = tpu.memref_slice %arg8[%add3A_414] : memref<20000xf32, #tpu.memory_space<hbm>> -> memref<128xf32, #tpu.memory_space<hbm>>
        %dma_start3A_422 = arith.constant 0 : i32
        %dma_start3A_423 = tpu.memref_slice %arg12[%run_scoped3A_415, %dma_start3A_422] : memref<2x128xf32, #tpu.memory_space<vmem>> -> memref<1x128xf32, #tpu.memory_space<vmem>>
        %dma_start3A_424 = tpu.memref_squeeze %dma_start3A_423 : memref<1x128xf32, #tpu.memory_space<vmem>> -> memref<128xf32, #tpu.memory_space<vmem>>
        tpu.enqueue_dma source(%dma_start3A_424 : memref<128xf32, #tpu.memory_space<vmem>>) target(%dma_start3A_421 : memref<128xf32, #tpu.memory_space<hbm>>) target_semaphore(%run_scoped3A_416 : memref<!tpu.dma_semaphore, #tpu.memory_space<semaphore_mem>>)
        %dma_wait3A_425 = arith.constant 0 : i32
        %dma_wait3A_426 = tpu.memref_slice %arg12[%run_scoped3A_415, %dma_wait3A_425] : memref<2x128xf32, #tpu.memory_space<vmem>> -> memref<1x128xf32, #tpu.memory_space<vmem>>
        %dma_wait3A_427 = tpu.memref_squeeze %dma_wait3A_426 : memref<1x128xf32, #tpu.memory_space<vmem>> -> memref<128xf32, #tpu.memory_space<vmem>>
        %dma_wait3A_428 = tpu.memref_slice %arg8[%add3A_414] : memref<20000xf32, #tpu.memory_space<hbm>> -> memref<128xf32, #tpu.memory_space<hbm>>
        %dma_wait3A_429 = tpu.memref_slice %arg8[%add3A_414] : memref<20000xf32, #tpu.memory_space<hbm>> -> memref<128xf32, #tpu.memory_space<hbm>>
        %dma_wait3A_430 = arith.constant 0 : i32
        %dma_wait3A_431 = tpu.memref_slice %arg12[%run_scoped3A_415, %dma_wait3A_430] : memref<2x128xf32, #tpu.memory_space<vmem>> -> memref<1x128xf32, #tpu.memory_space<vmem>>
        %dma_wait3A_432 = tpu.memref_squeeze %dma_wait3A_431 : memref<1x128xf32, #tpu.memory_space<vmem>> -> memref<128xf32, #tpu.memory_space<vmem>>
        tpu.wait_dma2 semaphore(%run_scoped3A_416 : memref<!tpu.dma_semaphore, #tpu.memory_space<semaphore_mem>>) src(%dma_wait3A_432 : memref<128xf32, #tpu.memory_space<vmem>>) dst(%dma_wait3A_429 : memref<128xf32, #tpu.memory_space<hbm>>)
        tpu.yield
      }) : () -> ()
    }
    %scan3A_392 = arith.constant 4 : i32
    %add3A_393 = arith.constant 512 : i32
    %add3A_394 = arith.addi %mul3A_53, %add3A_393 : i32
    %run_scoped3A_395 = arith.constant 0 : i32
    "tpu.region"() ({
      %run_scoped3A_407 = tpu.sem_alloc : memref<!tpu.dma_semaphore, #tpu.memory_space<semaphore_mem>>
      %dma_start3A_408 = arith.constant 0 : i32
      %dma_start3A_409 = tpu.memref_slice %arg12[%run_scoped3A_395, %dma_start3A_408] : memref<2x128xf32, #tpu.memory_space<vmem>> -> memref<1x112xf32, #tpu.memory_space<vmem>>
      %dma_start3A_410 = tpu.memref_squeeze %dma_start3A_409 : memref<1x112xf32, #tpu.memory_space<vmem>> -> memref<112xf32, #tpu.memory_space<vmem>>
      %dma_start3A_411 = tpu.memref_slice %arg16[%add3A_394] : memref<10000xf32, #tpu.memory_space<vmem_shared>> -> memref<112xf32, #tpu.memory_space<vmem_shared>>
      %dma_start3A_412 = arith.constant 0 : i32
      %dma_start3A_413 = tpu.memref_slice %arg12[%run_scoped3A_395, %dma_start3A_412] : memref<2x128xf32, #tpu.memory_space<vmem>> -> memref<1x112xf32, #tpu.memory_space<vmem>>
      %dma_start3A_414 = tpu.memref_squeeze %dma_start3A_413 : memref<1x112xf32, #tpu.memory_space<vmem>> -> memref<112xf32, #tpu.memory_space<vmem>>
      %dma_start3A_415 = tpu.memref_slice %arg16[%add3A_394] : memref<10000xf32, #tpu.memory_space<vmem_shared>> -> memref<112xf32, #tpu.memory_space<vmem_shared>>
      tpu.enqueue_dma source(%dma_start3A_415 : memref<112xf32, #tpu.memory_space<vmem_shared>>) target(%dma_start3A_414 : memref<112xf32, #tpu.memory_space<vmem>>) target_semaphore(%run_scoped3A_407 : memref<!tpu.dma_semaphore, #tpu.memory_space<semaphore_mem>>)
      %dma_wait3A_416 = arith.constant 0 : i32
      %dma_wait3A_417 = tpu.memref_slice %arg12[%run_scoped3A_395, %dma_wait3A_416] : memref<2x128xf32, #tpu.memory_space<vmem>> -> memref<1x112xf32, #tpu.memory_space<vmem>>
      %dma_wait3A_418 = tpu.memref_squeeze %dma_wait3A_417 : memref<1x112xf32, #tpu.memory_space<vmem>> -> memref<112xf32, #tpu.memory_space<vmem>>
      %dma_wait3A_419 = tpu.memref_slice %arg16[%add3A_394] : memref<10000xf32, #tpu.memory_space<vmem_shared>> -> memref<112xf32, #tpu.memory_space<vmem_shared>>
      %dma_wait3A_420 = arith.constant 0 : i32
      %dma_wait3A_421 = tpu.memref_slice %arg12[%run_scoped3A_395, %dma_wait3A_420] : memref<2x128xf32, #tpu.memory_space<vmem>> -> memref<1x112xf32, #tpu.memory_space<vmem>>
      %dma_wait3A_422 = tpu.memref_squeeze %dma_wait3A_421 : memref<1x112xf32, #tpu.memory_space<vmem>> -> memref<112xf32, #tpu.memory_space<vmem>>
      %dma_wait3A_423 = tpu.memref_slice %arg16[%add3A_394] : memref<10000xf32, #tpu.memory_space<vmem_shared>> -> memref<112xf32, #tpu.memory_space<vmem_shared>>
      tpu.wait_dma2 semaphore(%run_scoped3A_407 : memref<!tpu.dma_semaphore, #tpu.memory_space<semaphore_mem>>) src(%dma_wait3A_423 : memref<112xf32, #tpu.memory_space<vmem_shared>>) dst(%dma_wait3A_422 : memref<112xf32, #tpu.memory_space<vmem>>)
      tpu.yield
    }) : () -> ()
    %mul3A_396 = arith.constant 10000 : i32
    %mul3A_397 = arith.muli %arg0, %mul3A_396 : i32
    %add3A_398 = arith.addi %mul3A_397, %mul3A_53 : i32
    %add3A_399 = arith.constant 512 : i32
    %add3A_400 = arith.addi %add3A_398, %add3A_399 : i32
    %run_scoped3A_401 = arith.constant 0 : i32
    "tpu.region"() ({
      %run_scoped3A_407 = tpu.sem_alloc : memref<!tpu.dma_semaphore, #tpu.memory_space<semaphore_mem>>
      %dma_start3A_408 = arith.constant 0 : i32
      %dma_start3A_409 = tpu.memref_slice %arg12[%run_scoped3A_401, %dma_start3A_408] : memref<2x128xf32, #tpu.memory_space<vmem>> -> memref<1x112xf32, #tpu.memory_space<vmem>>
      %dma_start3A_410 = tpu.memref_squeeze %dma_start3A_409 : memref<1x112xf32, #tpu.memory_space<vmem>> -> memref<112xf32, #tpu.memory_space<vmem>>
      %dma_start3A_411 = tpu.memref_slice %arg8[%add3A_400] : memref<20000xf32, #tpu.memory_space<hbm>> -> memref<112xf32, #tpu.memory_space<hbm>>
      %dma_start3A_412 = tpu.memref_slice %arg8[%add3A_400] : memref<20000xf32, #tpu.memory_space<hbm>> -> memref<112xf32, #tpu.memory_space<hbm>>
      %dma_start3A_413 = arith.constant 0 : i32
      %dma_start3A_414 = tpu.memref_slice %arg12[%run_scoped3A_401, %dma_start3A_413] : memref<2x128xf32, #tpu.memory_space<vmem>> -> memref<1x112xf32, #tpu.memory_space<vmem>>
      %dma_start3A_415 = tpu.memref_squeeze %dma_start3A_414 : memref<1x112xf32, #tpu.memory_space<vmem>> -> memref<112xf32, #tpu.memory_space<vmem>>
      tpu.enqueue_dma source(%dma_start3A_415 : memref<112xf32, #tpu.memory_space<vmem>>) target(%dma_start3A_412 : memref<112xf32, #tpu.memory_space<hbm>>) target_semaphore(%run_scoped3A_407 : memref<!tpu.dma_semaphore, #tpu.memory_space<semaphore_mem>>)
      %dma_wait3A_416 = arith.constant 0 : i32
      %dma_wait3A_417 = tpu.memref_slice %arg12[%run_scoped3A_401, %dma_wait3A_416] : memref<2x128xf32, #tpu.memory_space<vmem>> -> memref<1x112xf32, #tpu.memory_space<vmem>>
      %dma_wait3A_418 = tpu.memref_squeeze %dma_wait3A_417 : memref<1x112xf32, #tpu.memory_space<vmem>> -> memref<112xf32, #tpu.memory_space<vmem>>
      %dma_wait3A_419 = tpu.memref_slice %arg8[%add3A_400] : memref<20000xf32, #tpu.memory_space<hbm>> -> memref<112xf32, #tpu.memory_space<hbm>>
      %dma_wait3A_420 = tpu.memref_slice %arg8[%add3A_400] : memref<20000xf32, #tpu.memory_space<hbm>> -> memref<112xf32, #tpu.memory_space<hbm>>
      %dma_wait3A_421 = arith.constant 0 : i32
      %dma_wait3A_422 = tpu.memref_slice %arg12[%run_scoped3A_401, %dma_wait3A_421] : memref<2x128xf32, #tpu.memory_space<vmem>> -> memref<1x112xf32, #tpu.memory_space<vmem>>
      %dma_wait3A_423 = tpu.memref_squeeze %dma_wait3A_422 : memref<1x112xf32, #tpu.memory_space<vmem>> -> memref<112xf32, #tpu.memory_space<vmem>>
      tpu.wait_dma2 semaphore(%run_scoped3A_407 : memref<!tpu.dma_semaphore, #tpu.memory_space<semaphore_mem>>) src(%dma_wait3A_423 : memref<112xf32, #tpu.memory_space<vmem>>) dst(%dma_wait3A_420 : memref<112xf32, #tpu.memory_space<hbm>>)
      tpu.yield
    }) : () -> ()
    %eq3A_402 = arith.constant 0 : i32
    %eq3A_403 = arith.cmpi eq, %arg1, %eq3A_402 : i32
    %convert_element_type3A_404 = arith.extui %eq3A_403 : i1 to i32
    %cond3A_405 = arith.constant 0 : i32
    %cond3A_406 = arith.cmpi ne, %convert_element_type3A_404, %cond3A_405 : i32
    scf.if %cond3A_406 {
      %run_scoped3A_407 = arith.constant 0 : i32
      "tpu.region"() ({
        %run_scoped3A_415 = tpu.sem_alloc : memref<!tpu.dma_semaphore, #tpu.memory_space<semaphore_mem>>
        %dma_start3A_416 = arith.constant 0 : i32
        %dma_start3A_417 = arith.constant 0 : i32
        %dma_start3A_418 = tpu.memref_slice %arg14[%run_scoped3A_407, %dma_start3A_416, %dma_start3A_417] : memref<2x128x128xf32, #tpu.memory_space<vmem>> -> memref<1x16x128xf32, #tpu.memory_space<vmem>>
        %dma_start3A_419 = tpu.memref_squeeze %dma_start3A_418 : memref<1x16x128xf32, #tpu.memory_space<vmem>> -> memref<16x128xf32, #tpu.memory_space<vmem>>
        %dma_start3A_420 = arith.constant 9984 : i32
        %dma_start3A_421 = arith.constant 0 : i32
        %dma_start3A_422 = tpu.memref_slice %arg15[%dma_start3A_420, %dma_start3A_421] : memref<10000x128xf32, #tpu.memory_space<vmem_shared>> -> memref<16x128xf32, #tpu.memory_space<vmem_shared>>
        %dma_start3A_423 = arith.constant 0 : i32
        %dma_start3A_424 = arith.constant 0 : i32
        %dma_start3A_425 = tpu.memref_slice %arg14[%run_scoped3A_407, %dma_start3A_423, %dma_start3A_424] : memref<2x128x128xf32, #tpu.memory_space<vmem>> -> memref<1x16x128xf32, #tpu.memory_space<vmem>>
        %dma_start3A_426 = tpu.memref_squeeze %dma_start3A_425 : memref<1x16x128xf32, #tpu.memory_space<vmem>> -> memref<16x128xf32, #tpu.memory_space<vmem>>
        %dma_start3A_427 = arith.constant 9984 : i32
        %dma_start3A_428 = arith.constant 0 : i32
        %dma_start3A_429 = tpu.memref_slice %arg15[%dma_start3A_427, %dma_start3A_428] : memref<10000x128xf32, #tpu.memory_space<vmem_shared>> -> memref<16x128xf32, #tpu.memory_space<vmem_shared>>
        tpu.enqueue_dma source(%dma_start3A_429 : memref<16x128xf32, #tpu.memory_space<vmem_shared>>) target(%dma_start3A_426 : memref<16x128xf32, #tpu.memory_space<vmem>>) target_semaphore(%run_scoped3A_415 : memref<!tpu.dma_semaphore, #tpu.memory_space<semaphore_mem>>)
        %dma_wait3A_430 = arith.constant 0 : i32
        %dma_wait3A_431 = arith.constant 0 : i32
        %dma_wait3A_432 = tpu.memref_slice %arg14[%run_scoped3A_407, %dma_wait3A_430, %dma_wait3A_431] : memref<2x128x128xf32, #tpu.memory_space<vmem>> -> memref<1x16x128xf32, #tpu.memory_space<vmem>>
        %dma_wait3A_433 = tpu.memref_squeeze %dma_wait3A_432 : memref<1x16x128xf32, #tpu.memory_space<vmem>> -> memref<16x128xf32, #tpu.memory_space<vmem>>
        %dma_wait3A_434 = arith.constant 9984 : i32
        %dma_wait3A_435 = arith.constant 0 : i32
        %dma_wait3A_436 = tpu.memref_slice %arg15[%dma_wait3A_434, %dma_wait3A_435] : memref<10000x128xf32, #tpu.memory_space<vmem_shared>> -> memref<16x128xf32, #tpu.memory_space<vmem_shared>>
        %dma_wait3A_437 = arith.constant 0 : i32
        %dma_wait3A_438 = arith.constant 0 : i32
        %dma_wait3A_439 = tpu.memref_slice %arg14[%run_scoped3A_407, %dma_wait3A_437, %dma_wait3A_438] : memref<2x128x128xf32, #tpu.memory_space<vmem>> -> memref<1x16x128xf32, #tpu.memory_space<vmem>>
        %dma_wait3A_440 = tpu.memref_squeeze %dma_wait3A_439 : memref<1x16x128xf32, #tpu.memory_space<vmem>> -> memref<16x128xf32, #tpu.memory_space<vmem>>
        %dma_wait3A_441 = arith.constant 9984 : i32
        %dma_wait3A_442 = arith.constant 0 : i32
        %dma_wait3A_443 = tpu.memref_slice %arg15[%dma_wait3A_441, %dma_wait3A_442] : memref<10000x128xf32, #tpu.memory_space<vmem_shared>> -> memref<16x128xf32, #tpu.memory_space<vmem_shared>>
        tpu.wait_dma2 semaphore(%run_scoped3A_415 : memref<!tpu.dma_semaphore, #tpu.memory_space<semaphore_mem>>) src(%dma_wait3A_443 : memref<16x128xf32, #tpu.memory_space<vmem_shared>>) dst(%dma_wait3A_440 : memref<16x128xf32, #tpu.memory_space<vmem>>)
        tpu.yield
      }) : () -> ()
      %run_scoped3A_408 = arith.constant 0 : i32
      "tpu.region"() ({
        %run_scoped3A_415 = tpu.sem_alloc : memref<!tpu.dma_semaphore, #tpu.memory_space<semaphore_mem>>
        %dma_start3A_416 = arith.constant 0 : i32
        %dma_start3A_417 = arith.constant 0 : i32
        %dma_start3A_418 = tpu.memref_slice %arg14[%run_scoped3A_408, %dma_start3A_416, %dma_start3A_417] : memref<2x128x128xf32, #tpu.memory_space<vmem>> -> memref<1x16x128xf32, #tpu.memory_space<vmem>>
        %dma_start3A_419 = tpu.memref_squeeze %dma_start3A_418 : memref<1x16x128xf32, #tpu.memory_space<vmem>> -> memref<16x128xf32, #tpu.memory_space<vmem>>
        %dma_start3A_420 = arith.constant 9984 : i32
        %dma_start3A_421 = arith.constant 0 : i32
        %dma_start3A_422 = tpu.memref_slice %arg7[%arg0, %dma_start3A_420, %dma_start3A_421] : memref<2x10000x128xf32, #tpu.memory_space<hbm>> -> memref<1x16x128xf32, #tpu.memory_space<hbm>>
        %dma_start3A_423 = tpu.memref_squeeze %dma_start3A_422 : memref<1x16x128xf32, #tpu.memory_space<hbm>> -> memref<16x128xf32, #tpu.memory_space<hbm>>
        %dma_start3A_424 = arith.constant 9984 : i32
        %dma_start3A_425 = arith.constant 0 : i32
        %dma_start3A_426 = tpu.memref_slice %arg7[%arg0, %dma_start3A_424, %dma_start3A_425] : memref<2x10000x128xf32, #tpu.memory_space<hbm>> -> memref<1x16x128xf32, #tpu.memory_space<hbm>>
        %dma_start3A_427 = tpu.memref_squeeze %dma_start3A_426 : memref<1x16x128xf32, #tpu.memory_space<hbm>> -> memref<16x128xf32, #tpu.memory_space<hbm>>
        %dma_start3A_428 = arith.constant 0 : i32
        %dma_start3A_429 = arith.constant 0 : i32
        %dma_start3A_430 = tpu.memref_slice %arg14[%run_scoped3A_408, %dma_start3A_428, %dma_start3A_429] : memref<2x128x128xf32, #tpu.memory_space<vmem>> -> memref<1x16x128xf32, #tpu.memory_space<vmem>>
        %dma_start3A_431 = tpu.memref_squeeze %dma_start3A_430 : memref<1x16x128xf32, #tpu.memory_space<vmem>> -> memref<16x128xf32, #tpu.memory_space<vmem>>
        tpu.enqueue_dma source(%dma_start3A_431 : memref<16x128xf32, #tpu.memory_space<vmem>>) target(%dma_start3A_427 : memref<16x128xf32, #tpu.memory_space<hbm>>) target_semaphore(%run_scoped3A_415 : memref<!tpu.dma_semaphore, #tpu.memory_space<semaphore_mem>>)
        %dma_wait3A_432 = arith.constant 0 : i32
        %dma_wait3A_433 = arith.constant 0 : i32
        %dma_wait3A_434 = tpu.memref_slice %arg14[%run_scoped3A_408, %dma_wait3A_432, %dma_wait3A_433] : memref<2x128x128xf32, #tpu.memory_space<vmem>> -> memref<1x16x128xf32, #tpu.memory_space<vmem>>
        %dma_wait3A_435 = tpu.memref_squeeze %dma_wait3A_434 : memref<1x16x128xf32, #tpu.memory_space<vmem>> -> memref<16x128xf32, #tpu.memory_space<vmem>>
        %dma_wait3A_436 = arith.constant 9984 : i32
        %dma_wait3A_437 = arith.constant 0 : i32
        %dma_wait3A_438 = tpu.memref_slice %arg7[%arg0, %dma_wait3A_436, %dma_wait3A_437] : memref<2x10000x128xf32, #tpu.memory_space<hbm>> -> memref<1x16x128xf32, #tpu.memory_space<hbm>>
        %dma_wait3A_439 = tpu.memref_squeeze %dma_wait3A_438 : memref<1x16x128xf32, #tpu.memory_space<hbm>> -> memref<16x128xf32, #tpu.memory_space<hbm>>
        %dma_wait3A_440 = arith.constant 9984 : i32
        %dma_wait3A_441 = arith.constant 0 : i32
        %dma_wait3A_442 = tpu.memref_slice %arg7[%arg0, %dma_wait3A_440, %dma_wait3A_441] : memref<2x10000x128xf32, #tpu.memory_space<hbm>> -> memref<1x16x128xf32, #tpu.memory_space<hbm>>
        %dma_wait3A_443 = tpu.memref_squeeze %dma_wait3A_442 : memref<1x16x128xf32, #tpu.memory_space<hbm>> -> memref<16x128xf32, #tpu.memory_space<hbm>>
        %dma_wait3A_444 = arith.constant 0 : i32
        %dma_wait3A_445 = arith.constant 0 : i32
        %dma_wait3A_446 = tpu.memref_slice %arg14[%run_scoped3A_408, %dma_wait3A_444, %dma_wait3A_445] : memref<2x128x128xf32, #tpu.memory_space<vmem>> -> memref<1x16x128xf32, #tpu.memory_space<vmem>>
        %dma_wait3A_447 = tpu.memref_squeeze %dma_wait3A_446 : memref<1x16x128xf32, #tpu.memory_space<vmem>> -> memref<16x128xf32, #tpu.memory_space<vmem>>
        tpu.wait_dma2 semaphore(%run_scoped3A_415 : memref<!tpu.dma_semaphore, #tpu.memory_space<semaphore_mem>>) src(%dma_wait3A_447 : memref<16x128xf32, #tpu.memory_space<vmem>>) dst(%dma_wait3A_443 : memref<16x128xf32, #tpu.memory_space<hbm>>)
        tpu.yield
      }) : () -> ()
      %run_scoped3A_409 = arith.constant 0 : i32
      "tpu.region"() ({
        %run_scoped3A_415 = tpu.sem_alloc : memref<!tpu.dma_semaphore, #tpu.memory_space<semaphore_mem>>
        %dma_start3A_416 = arith.constant 0 : i32
        %dma_start3A_417 = tpu.memref_slice %arg13[%run_scoped3A_409, %dma_start3A_416] : memref<2x128xf32, #tpu.memory_space<vmem>> -> memref<1x16xf32, #tpu.memory_space<vmem>>
        %dma_start3A_418 = tpu.memref_squeeze %dma_start3A_417 : memref<1x16xf32, #tpu.memory_space<vmem>> -> memref<16xf32, #tpu.memory_space<vmem>>
        %dma_start3A_419 = arith.constant 9984 : i32
        %dma_start3A_420 = tpu.memref_slice %arg16[%dma_start3A_419] : memref<10000xf32, #tpu.memory_space<vmem_shared>> -> memref<16xf32, #tpu.memory_space<vmem_shared>>
        %dma_start3A_421 = arith.constant 0 : i32
        %dma_start3A_422 = tpu.memref_slice %arg13[%run_scoped3A_409, %dma_start3A_421] : memref<2x128xf32, #tpu.memory_space<vmem>> -> memref<1x16xf32, #tpu.memory_space<vmem>>
        %dma_start3A_423 = tpu.memref_squeeze %dma_start3A_422 : memref<1x16xf32, #tpu.memory_space<vmem>> -> memref<16xf32, #tpu.memory_space<vmem>>
        %dma_start3A_424 = arith.constant 9984 : i32
        %dma_start3A_425 = tpu.memref_slice %arg16[%dma_start3A_424] : memref<10000xf32, #tpu.memory_space<vmem_shared>> -> memref<16xf32, #tpu.memory_space<vmem_shared>>
        tpu.enqueue_dma source(%dma_start3A_425 : memref<16xf32, #tpu.memory_space<vmem_shared>>) target(%dma_start3A_423 : memref<16xf32, #tpu.memory_space<vmem>>) target_semaphore(%run_scoped3A_415 : memref<!tpu.dma_semaphore, #tpu.memory_space<semaphore_mem>>)
        %dma_wait3A_426 = arith.constant 0 : i32
        %dma_wait3A_427 = tpu.memref_slice %arg13[%run_scoped3A_409, %dma_wait3A_426] : memref<2x128xf32, #tpu.memory_space<vmem>> -> memref<1x16xf32, #tpu.memory_space<vmem>>
        %dma_wait3A_428 = tpu.memref_squeeze %dma_wait3A_427 : memref<1x16xf32, #tpu.memory_space<vmem>> -> memref<16xf32, #tpu.memory_space<vmem>>
        %dma_wait3A_429 = arith.constant 9984 : i32
        %dma_wait3A_430 = tpu.memref_slice %arg16[%dma_wait3A_429] : memref<10000xf32, #tpu.memory_space<vmem_shared>> -> memref<16xf32, #tpu.memory_space<vmem_shared>>
        %dma_wait3A_431 = arith.constant 0 : i32
        %dma_wait3A_432 = tpu.memref_slice %arg13[%run_scoped3A_409, %dma_wait3A_431] : memref<2x128xf32, #tpu.memory_space<vmem>> -> memref<1x16xf32, #tpu.memory_space<vmem>>
        %dma_wait3A_433 = tpu.memref_squeeze %dma_wait3A_432 : memref<1x16xf32, #tpu.memory_space<vmem>> -> memref<16xf32, #tpu.memory_space<vmem>>
        %dma_wait3A_434 = arith.constant 9984 : i32
        %dma_wait3A_435 = tpu.memref_slice %arg16[%dma_wait3A_434] : memref<10000xf32, #tpu.memory_space<vmem_shared>> -> memref<16xf32, #tpu.memory_space<vmem_shared>>
        tpu.wait_dma2 semaphore(%run_scoped3A_415 : memref<!tpu.dma_semaphore, #tpu.memory_space<semaphore_mem>>) src(%dma_wait3A_435 : memref<16xf32, #tpu.memory_space<vmem_shared>>) dst(%dma_wait3A_433 : memref<16xf32, #tpu.memory_space<vmem>>)
        tpu.yield
      }) : () -> ()
      %mul3A_410 = arith.constant 10000 : i32
      %mul3A_411 = arith.muli %arg0, %mul3A_410 : i32
      %add3A_412 = arith.constant 9984 : i32
      %add3A_413 = arith.addi %mul3A_411, %add3A_412 : i32
      %run_scoped3A_414 = arith.constant 0 : i32
      "tpu.region"() ({
        %run_scoped3A_415 = tpu.sem_alloc : memref<!tpu.dma_semaphore, #tpu.memory_space<semaphore_mem>>
        %dma_start3A_416 = arith.constant 0 : i32
        %dma_start3A_417 = tpu.memref_slice %arg13[%run_scoped3A_414, %dma_start3A_416] : memref<2x128xf32, #tpu.memory_space<vmem>> -> memref<1x16xf32, #tpu.memory_space<vmem>>
        %dma_start3A_418 = tpu.memref_squeeze %dma_start3A_417 : memref<1x16xf32, #tpu.memory_space<vmem>> -> memref<16xf32, #tpu.memory_space<vmem>>
        %dma_start3A_419 = tpu.memref_slice %arg8[%add3A_413] : memref<20000xf32, #tpu.memory_space<hbm>> -> memref<16xf32, #tpu.memory_space<hbm>>
        %dma_start3A_420 = tpu.memref_slice %arg8[%add3A_413] : memref<20000xf32, #tpu.memory_space<hbm>> -> memref<16xf32, #tpu.memory_space<hbm>>
        %dma_start3A_421 = arith.constant 0 : i32
        %dma_start3A_422 = tpu.memref_slice %arg13[%run_scoped3A_414, %dma_start3A_421] : memref<2x128xf32, #tpu.memory_space<vmem>> -> memref<1x16xf32, #tpu.memory_space<vmem>>
        %dma_start3A_423 = tpu.memref_squeeze %dma_start3A_422 : memref<1x16xf32, #tpu.memory_space<vmem>> -> memref<16xf32, #tpu.memory_space<vmem>>
        tpu.enqueue_dma source(%dma_start3A_423 : memref<16xf32, #tpu.memory_space<vmem>>) target(%dma_start3A_420 : memref<16xf32, #tpu.memory_space<hbm>>) target_semaphore(%run_scoped3A_415 : memref<!tpu.dma_semaphore, #tpu.memory_space<semaphore_mem>>)
        %dma_wait3A_424 = arith.constant 0 : i32
        %dma_wait3A_425 = tpu.memref_slice %arg13[%run_scoped3A_414, %dma_wait3A_424] : memref<2x128xf32, #tpu.memory_space<vmem>> -> memref<1x16xf32, #tpu.memory_space<vmem>>
        %dma_wait3A_426 = tpu.memref_squeeze %dma_wait3A_425 : memref<1x16xf32, #tpu.memory_space<vmem>> -> memref<16xf32, #tpu.memory_space<vmem>>
        %dma_wait3A_427 = tpu.memref_slice %arg8[%add3A_413] : memref<20000xf32, #tpu.memory_space<hbm>> -> memref<16xf32, #tpu.memory_space<hbm>>
        %dma_wait3A_428 = tpu.memref_slice %arg8[%add3A_413] : memref<20000xf32, #tpu.memory_space<hbm>> -> memref<16xf32, #tpu.memory_space<hbm>>
        %dma_wait3A_429 = arith.constant 0 : i32
        %dma_wait3A_430 = tpu.memref_slice %arg13[%run_scoped3A_414, %dma_wait3A_429] : memref<2x128xf32, #tpu.memory_space<vmem>> -> memref<1x16xf32, #tpu.memory_space<vmem>>
        %dma_wait3A_431 = tpu.memref_squeeze %dma_wait3A_430 : memref<1x16xf32, #tpu.memory_space<vmem>> -> memref<16xf32, #tpu.memory_space<vmem>>
        tpu.wait_dma2 semaphore(%run_scoped3A_415 : memref<!tpu.dma_semaphore, #tpu.memory_space<semaphore_mem>>) src(%dma_wait3A_431 : memref<16xf32, #tpu.memory_space<vmem>>) dst(%dma_wait3A_428 : memref<16xf32, #tpu.memory_space<hbm>>)
        tpu.yield
      }) : () -> ()
    } else {
    }
    return
  }
}

module attributes {stable_mosaic.version = 14 : i64} {
  func.func @_tc_combine_body(%arg0: i32, %arg1: memref<2x1000x128xf32, #tpu.memory_space<vmem>>, %arg2: memref<2x1000x1xf32, #tpu.memory_space<vmem>>, %arg3: memref<1x128xf32, #tpu.memory_space<vmem>>, %arg4: memref<1000x128xf32, #tpu.memory_space<vmem>>) attributes {dimension_semantics = [#tpu.dimension_semantics<arbitrary>], iteration_bounds = array<i64: 10>, scalar_prefetch = 0 : i64, scratch_operands = 0 : i64, tpu.core_type = #tpu.core_type<tc>, window_params = [{transform_indices = @transform_0, window_bounds = array<i64: 2, 1000, 128>}, {transform_indices = @transform_1, window_bounds = array<i64: 2, 1000, 1>}, {pipeline_mode = #tpu.pipeline_mode<synchronous>, transform_indices = @transform_2, window_bounds = array<i64: 1, 128>}, {transform_indices = @transform_3, window_bounds = array<i64: 1000, 128>}]} {
    %get3A = arith.constant 0 : index
    %get3A_0 = arith.constant 0 : index
    %get3A_1 = arith.constant 0 : index
    %get3A_2 = vector.load %arg1[%get3A, %get3A_0, %get3A_1] : memref<2x1000x128xf32, #tpu.memory_space<vmem>>, vector<1x1000x128xf32>
    %get3A_3 = vector.shape_cast %get3A_2 : vector<1x1000x128xf32> to vector<1000x128xf32>
    %get3A_4 = arith.constant 1 : index
    %get3A_5 = arith.constant 0 : index
    %get3A_6 = arith.constant 0 : index
    %get3A_7 = vector.load %arg1[%get3A_4, %get3A_5, %get3A_6] : memref<2x1000x128xf32, #tpu.memory_space<vmem>>, vector<1x1000x128xf32>
    %get3A_8 = vector.shape_cast %get3A_7 : vector<1x1000x128xf32> to vector<1000x128xf32>
    %add3A = arith.addf %get3A_3, %get3A_8 : vector<1000x128xf32>
    %get3A_9 = arith.constant 0 : index
    %get3A_10 = arith.constant 0 : index
    %get3A_11 = arith.constant 0 : index
    %get3A_12 = vector.load %arg2[%get3A_9, %get3A_10, %get3A_11] : memref<2x1000x1xf32, #tpu.memory_space<vmem>>, vector<1x1000x1xf32>
    %get3A_13 = vector.shape_cast %get3A_12 : vector<1x1000x1xf32> to vector<1000x1xf32>
    %get3A_14 = arith.constant 1 : index
    %get3A_15 = arith.constant 0 : index
    %get3A_16 = arith.constant 0 : index
    %get3A_17 = vector.load %arg2[%get3A_14, %get3A_15, %get3A_16] : memref<2x1000x1xf32, #tpu.memory_space<vmem>>, vector<1x1000x1xf32>
    %get3A_18 = vector.shape_cast %get3A_17 : vector<1x1000x1xf32> to vector<1000x1xf32>
    %add3A_19 = arith.addf %get3A_13, %get3A_18 : vector<1000x1xf32>
    %add3A_20 = arith.constant 1.000000e-16 : f32
    %add3A_21 = vector.broadcast %add3A_20 : f32 to vector<1000x1xf32>
    %add3A_22 = arith.addf %add3A_19, %add3A_21 : vector<1000x1xf32>
    %div3A = vector.broadcast %add3A_22 : vector<1000x1xf32> to vector<1000x128xf32>
    %div3A_23 = arith.divf %add3A, %div3A : vector<1000x128xf32>
    %get3A_24 = arith.constant 0 : index
    %get3A_25 = arith.constant 0 : index
    %get3A_26 = vector.load %arg3[%get3A_24, %get3A_25] : memref<1x128xf32, #tpu.memory_space<vmem>>, vector<1x128xf32>
    %add3A_27 = vector.broadcast %get3A_26 : vector<1x128xf32> to vector<1000x128xf32>
    %add3A_28 = arith.addf %div3A_23, %add3A_27 : vector<1000x128xf32>
    %swap3A = arith.constant 0 : index
    %swap3A_29 = arith.constant 0 : index
    %swap3A_30 = vector.load %arg4[%swap3A, %swap3A_29] : memref<1000x128xf32, #tpu.memory_space<vmem>>, vector<1000x128xf32>
    tpu.vector_store %arg4[%swap3A, %swap3A_29], %add3A_28 {strides = array<i32>} : memref<1000x128xf32, #tpu.memory_space<vmem>>, vector<1000x128xf32>,
    return
  }
  func.func @transform_0(%arg0: i32) -> (i32, i32, i32) {
    %c0_i32 = arith.constant 0 : i32
    %c0_i32_0 = arith.constant 0 : i32
    %c0_i32_1 = arith.constant 0 : i32
    return %c0_i32, %arg0, %c0_i32_0 : i32, i32, i32
  }
  func.func @transform_1(%arg0: i32) -> (i32, i32, i32) {
    %c0_i32 = arith.constant 0 : i32
    %c0_i32_0 = arith.constant 0 : i32
    %c0_i32_1 = arith.constant 0 : i32
    return %c0_i32, %arg0, %c0_i32_0 : i32, i32, i32
  }
  func.func @transform_2(%arg0: i32) -> (i32, i32) {
    %c0_i32 = arith.constant 0 : i32
    %c0_i32_0 = arith.constant 0 : i32
    %c0_i32_1 = arith.constant 0 : i32
    return %c0_i32, %c0_i32_0 : i32, i32
  }
  func.func @transform_3(%arg0: i32) -> (i32, i32) {
    %c0_i32 = arith.constant 0 : i32
    %c0_i32_0 = arith.constant 0 : i32
    return %arg0, %c0_i32 : i32, i32
  }
}

module attributes {stable_mosaic.version = 14 : i64} {
  func.func @_tc_prep_body(%arg0: i32, %arg1: memref<1000x128xf32, #tpu.memory_space<vmem>>, %arg2: memref<128x128xf32, #tpu.memory_space<vmem>>, %arg3: memref<128x1xf32, #tpu.memory_space<vmem>>, %arg4: memref<128x1xf32, #tpu.memory_space<vmem>>, %arg5: memref<1000x128xf32, #tpu.memory_space<vmem>>, %arg6: memref<1000x1xf32, #tpu.memory_space<vmem>>, %arg7: memref<1000x1xf32, #tpu.memory_space<vmem>>) attributes {dimension_semantics = [#tpu.dimension_semantics<arbitrary>], iteration_bounds = array<i64: 10>, scalar_prefetch = 0 : i64, scratch_operands = 0 : i64, tpu.core_type = #tpu.core_type<tc>, window_params = [{transform_indices = @transform_0, window_bounds = array<i64: 1000, 128>}, {pipeline_mode = #tpu.pipeline_mode<synchronous>, transform_indices = @transform_1, window_bounds = array<i64: 128, 128>}, {pipeline_mode = #tpu.pipeline_mode<synchronous>, transform_indices = @transform_2, window_bounds = array<i64: 128, 1>}, {pipeline_mode = #tpu.pipeline_mode<synchronous>, transform_indices = @transform_3, window_bounds = array<i64: 128, 1>}, {transform_indices = @transform_4, window_bounds = array<i64: 1000, 128>}, {transform_indices = @transform_5, window_bounds = array<i64: 1000, 1>}, {transform_indices = @transform_6, window_bounds = array<i64: 1000, 1>}]} {
    %get3A = arith.constant 0 : index
    %get3A_0 = arith.constant 0 : index
    %get3A_1 = vector.load %arg1[%get3A, %get3A_0] : memref<1000x128xf32, #tpu.memory_space<vmem>>, vector<1000x128xf32>
    %get3A_2 = arith.constant 0 : index
    %get3A_3 = arith.constant 0 : index
    %get3A_4 = vector.load %arg2[%get3A_2, %get3A_3] : memref<128x128xf32, #tpu.memory_space<vmem>>, vector<128x128xf32>
    %dot_general3A = arith.constant dense<0.000000e+00> : vector<1000x128xf32>
    %dot_general3A_5 = tpu.matmul %get3A_1, %get3A_4, %dot_general3A {dimension_numbers = #tpu.dot_dimension_numbers<[1], [0], [0], [1], [0, 0, 1, 1], [], []>, transpose_lhs_hint = false} : vector<1000x128xf32>, vector<128x128xf32>, vector<1000x128xf32> -> vector<1000x128xf32>
    %swap3A = arith.constant 0 : index
    %swap3A_6 = arith.constant 0 : index
    %swap3A_7 = vector.load %arg5[%swap3A, %swap3A_6] : memref<1000x128xf32, #tpu.memory_space<vmem>>, vector<1000x128xf32>
    tpu.vector_store %arg5[%swap3A, %swap3A_6], %dot_general3A_5 {strides = array<i32>} : memref<1000x128xf32, #tpu.memory_space<vmem>>, vector<1000x128xf32>,
    %get3A_8 = arith.constant 0 : index
    %get3A_9 = arith.constant 0 : index
    %get3A_10 = vector.load %arg3[%get3A_8, %get3A_9] : memref<128x1xf32, #tpu.memory_space<vmem>>, vector<128x1xf32>
    %dot_general3A_11 = arith.constant dense<0.000000e+00> : vector<1000x1xf32>
    %dot_general3A_12 = tpu.matmul %dot_general3A_5, %get3A_10, %dot_general3A_11 {dimension_numbers = #tpu.dot_dimension_numbers<[1], [0], [0], [1], [0, 0, 1, 1], [], []>, transpose_lhs_hint = false} : vector<1000x128xf32>, vector<128x1xf32>, vector<1000x1xf32> -> vector<1000x1xf32>
    %swap3A_13 = arith.constant 0 : index
    %swap3A_14 = arith.constant 0 : index
    %swap3A_15 = vector.load %arg6[%swap3A_13, %swap3A_14] : memref<1000x1xf32, #tpu.memory_space<vmem>>, vector<1000x1xf32>
    tpu.vector_store %arg6[%swap3A_13, %swap3A_14], %dot_general3A_12 {strides = array<i32>} : memref<1000x1xf32, #tpu.memory_space<vmem>>, vector<1000x1xf32>,
    %get3A_16 = arith.constant 0 : index
    %get3A_17 = arith.constant 0 : index
    %get3A_18 = vector.load %arg4[%get3A_16, %get3A_17] : memref<128x1xf32, #tpu.memory_space<vmem>>, vector<128x1xf32>
    %dot_general3A_19 = arith.constant dense<0.000000e+00> : vector<1000x1xf32>
    %dot_general3A_20 = tpu.matmul %dot_general3A_5, %get3A_18, %dot_general3A_19 {dimension_numbers = #tpu.dot_dimension_numbers<[1], [0], [0], [1], [0, 0, 1, 1], [], []>, transpose_lhs_hint = false} : vector<1000x128xf32>, vector<128x1xf32>, vector<1000x1xf32> -> vector<1000x1xf32>
    %swap3A_21 = arith.constant 0 : index
    %swap3A_22 = arith.constant 0 : index
    %swap3A_23 = vector.load %arg7[%swap3A_21, %swap3A_22] : memref<1000x1xf32, #tpu.memory_space<vmem>>, vector<1000x1xf32>
    tpu.vector_store %arg7[%swap3A_21, %swap3A_22], %dot_general3A_20 {strides = array<i32>} : memref<1000x1xf32, #tpu.memory_space<vmem>>, vector<1000x1xf32>,
    return
  }
  func.func @transform_0(%arg0: i32) -> (i32, i32) {
    %c0_i32 = arith.constant 0 : i32
    %c0_i32_0 = arith.constant 0 : i32
    return %arg0, %c0_i32 : i32, i32
  }
  func.func @transform_1(%arg0: i32) -> (i32, i32) {
    %c0_i32 = arith.constant 0 : i32
    %c0_i32_0 = arith.constant 0 : i32
    %c0_i32_1 = arith.constant 0 : i32
    return %c0_i32, %c0_i32_0 : i32, i32
  }
  func.func @transform_2(%arg0: i32) -> (i32, i32) {
    %c0_i32 = arith.constant 0 : i32
    %c0_i32_0 = arith.constant 0 : i32
    %c0_i32_1 = arith.constant 0 : i32
    return %c0_i32, %c0_i32_0 : i32, i32
  }
  func.func @transform_3(%arg0: i32) -> (i32, i32) {
    %c0_i32 = arith.constant 0 : i32
    %c0_i32_0 = arith.constant 0 : i32
    %c0_i32_1 = arith.constant 0 : i32
    return %c0_i32, %c0_i32_0 : i32, i32
  }
  func.func @transform_4(%arg0: i32) -> (i32, i32) {
    %c0_i32 = arith.constant 0 : i32
    %c0_i32_0 = arith.constant 0 : i32
    return %arg0, %c0_i32 : i32, i32
  }
  func.func @transform_5(%arg0: i32) -> (i32, i32) {
    %c0_i32 = arith.constant 0 : i32
    %c0_i32_0 = arith.constant 0 : i32
    return %arg0, %c0_i32 : i32, i32
  }
  func.func @transform_6(%arg0: i32) -> (i32, i32) {
    %c0_i32 = arith.constant 0 : i32
    %c0_i32_0 = arith.constant 0 : i32
    return %arg0, %c0_i32 : i32, i32
  }
}

</mosaic_0001>

<sc_bundles>
// kernel: kernel.5.cloned.1.call-start
scs
__scs_entry_jumppad:
0x0: {  	(pc) =	sbr.rel $0x88, $3  }
0x1: {  	(tag) =	ssettag $0x0;
	lr =	simm.s32 $0x1  }
0x2: {  	[smem:$0x3F9B] =	sst lr;
	_ =	strace $0xD0000000  }
0x3: {  	_ = 	snop  }
0x4: {  	_ = 	snop  }
0x5: {  	_ = 	snop  }
0x6: {  	_ = 	snop  }
0x7: {  	_ = 	snop  }
__scs_overlays_trampoline_lowered:
0x8: {  	[smem:$0x3FAA] =	sst s0  }
0x9: {  	[smem:$0x3FAB] =	sst s1  }
0xa: {  	[smem:$0x3FAC] =	sst s2  }
0xb: {  	[smem:$0x3FAD] =	sst s3  }
0xc: {  	[smem:$0x3FAE] =	sst s4  }
0xd: {  	[smem:$0x3FAF] =	sst s5  }
0xe: {  	[smem:$0x3FB0] =	sst s6  }
0xf: {  	[smem:$0x3FB1] =	sst s7  }
0x10: {  	[smem:$0x3FB2] =	sst s8  }
0x11: {  	[smem:$0x3FB3] =	sst s9;
	s0 =	simm.s32 @!p0 $0x0  }
0x12: {  	s1 =	sld [smem:$0x3F99];
	s0 =	simm.s32 @p0 $0x1  }
0x13: {  	[smem:$0x3FB4] =	sst s0;
	s0 =	simm.s32 @!p1 $0x0  }
0x14: {  	s2 =	sld [smem:$0x3F98];
	s0 =	simm.s32 @p1 $0x1  }
0x15: {  	[smem:$0x3FB5] =	sst s0;
	s0 =	simm.s32 @!p2 $0x0  }
0x16: {  	s3 =	sld [smem:$0x3FDB];
	s0 =	simm.s32 @p2 $0x1  }
0x17: {  	s4 =	simm.s32 $0x1BF5;
	[smem:$0x3FB7] =	sst s0  }
0x18: {  	s0 =	sld [smem:$0x3F9A];
	_ =	swait.ge [sflag:s4], $0x0  }
0x19: {  	s7 =	sld [smem:$0x3F9B]  }
0x1a: {  	s8 =	sadd.s32 $0xFFFFE003, lr  }
0x1b: {  	s9 =	sadd.s32 $0xFFFFFEF7, lr;
	s5 =	simm.s32 $0xFFFFFFFF;
	p2 =	slt.u32 s8, $0xFFFFF086  }
0x1c: {  	p1 =	slt.u32 s9, $0xF7A;
	s5 =	simm.s32 @!p2 $0x0  }
0x1d: {  	s5 =	simm.s32 @p1 $0x1;
	p0 =	seq.s32 s7, s2  }
0x1e: {  	s7 =	smul.u32 @!p0 $0xF7A, s2;
	p2 =	seq.s32 @!p0 s5, $0x0  }
0x1f: {  	s9 =	smul.u32 $0xF7A, s1;
	s8 =	simm.s32 @!p0 $0x1BF5;
	p2 =	por !p2, p0  }
0x20: {  	[sflag:s8] =	ssyncset.s32 @!p0 $0xFFFFF086;
	s6 =	sadd.s32 @!p0 s3, s7;
	s7 =	simm.s32 @!p0 $0x108  }
0x21: {  	s3 =	sadd.s32 s3, s9;
	s6 =	sadd.s32 @!p0 $0x88, s6;
	s7 =	simm.s32 @p2 $0x1082  }
0x22: {  	[simem:s7], [sflag:s8] =	dma.local @!p0 [hbm:s6], $0xF7A  }
0x23: {  	s9 =	sor.u32 $0xD0000000, s2;
	s6 =	simm.s32 $0x108;
	_ =	swait.ge @!p0 [sflag:s8], $0x0  }
0x24: {  	s3 =	sadd.s32 $0x88, s3;
	s6 =	simm.s32 @!p1 $0x1082;
	[sflag:s4] =	ssyncset.s32 $0xFFFFF086  }
0x25: {  	[simem:s6], [sflag:s4] =	dma.local [hbm:s3], $0xF7A  }
0x26: {  	[smem:$0x3F9B] =	sst s1;
	(tag) =	ssettag s2;
	_ =	strace s9  }
0x27: {  	s1 =	sld [smem:$0x3FAB]  }
0x28: {  	s2 =	sld [smem:$0x3FAC]  }
0x29: {  	s4 =	sld [smem:$0x3FAE]  }
0x2a: {  	p0 =	seq.s32 s5, $0x0;
	s5 =	sld [smem:$0x3FAF]  }
0x2b: {  	s6 =	sld [smem:$0x3FB0]  }
0x2c: {  	s7 =	sld [smem:$0x3FB1]  }
0x2d: {  	s3 =	simm.s32 $0x108;
	s8 =	sld [smem:$0x3FB2]  }
0x2e: {  	s3 =	simm.s32 @!p0 $0x1082;
	s9 =	sld [smem:$0x3FB3]  }
0x2f: {  	lr =	sadd.s32 s0, s3;
	s0 =	sld [smem:$0x3FAA]  }
0x30: {  	s3 =	sld [smem:$0x3FAD]  }
0x31: {  	[smem:$0x3FB6] =	sst s10  }
0x32: {  	s10 =	sld [smem:$0x3FB4];
	_ =	sdelay $0x3  }
0x33: {  	p0 =	seq.s32 s10, $0x1;
	s10 =	sld [smem:$0x3FB6];
	_ =	sdelay $0x3  }
0x34: {  	[smem:$0x3FB6] =	sst s10  }
0x35: {  	s10 =	sld [smem:$0x3FB5];
	_ =	sdelay $0x3  }
0x36: {  	p1 =	seq.s32 s10, $0x1;
	s10 =	sld [smem:$0x3FB6];
	_ =	sdelay $0x3  }
0x37: {  	[smem:$0x3FB6] =	sst s10  }
0x38: {  	s10 =	sld [smem:$0x3FB7]  }
0x39: {  	_ = 	snop;
	(pc) =	sbr.ind lr, $3  }
0x3a: {  	_ = 	snop  }
0x3b: {  	_ = 	snop  }
0x3c: {  	p2 =	seq.s32 s10, $0x1;
	s10 =	sld [smem:$0x3FB6]  }
0x3d: {  	_ =	shalt  }
0x3e: {  	_ =	shalt  }
0x3f: {  	_ =	shalt  }
0x40: {  	_ =	shalt  }
0x41: {  	_ =	shalt  }
0x42: {  	_ =	shalt  }
0x43: {  	_ =	shalt  }
0x44: {  	_ =	shalt  }
0x45: {  	_ =	shalt  }
0x46: {  	_ =	shalt  }
0x47: {  	_ =	shalt  }
0x48: {  	_ =	shalt  }
0x49: {  	_ =	shalt  }
0x4a: {  	_ =	shalt  }
0x4b: {  	_ =	shalt  }
0x4c: {  	_ =	shalt  }
0x4d: {  	_ =	shalt  }
0x4e: {  	_ =	shalt  }
0x4f: {  	_ =	shalt  }
0x50: {  	_ =	shalt  }
0x51: {  	_ =	shalt  }
0x52: {  	_ =	shalt  }
0x53: {  	_ =	shalt  }
0x54: {  	_ =	shalt  }
0x55: {  	_ =	shalt  }
0x56: {  	_ =	shalt  }
0x57: {  	_ =	shalt  }
0x58: {  	_ =	shalt  }
0x59: {  	_ =	shalt  }
0x5a: {  	_ =	shalt  }
0x5b: {  	_ =	shalt  }
0x5c: {  	_ =	shalt  }
0x5d: {  	_ =	shalt  }
0x5e: {  	_ =	shalt  }
0x5f: {  	_ =	shalt  }
0x60: {  	_ =	shalt  }
0x61: {  	_ =	shalt  }
0x62: {  	_ =	shalt  }
0x63: {  	_ =	shalt  }
0x64: {  	_ =	shalt  }
0x65: {  	_ =	shalt  }
0x66: {  	_ =	shalt  }
0x67: {  	_ =	shalt  }
0x68: {  	_ =	shalt  }
0x69: {  	_ =	shalt  }
0x6a: {  	_ =	shalt  }
0x6b: {  	_ =	shalt  }
0x6c: {  	_ =	shalt  }
0x6d: {  	_ =	shalt  }
0x6e: {  	_ =	shalt  }
0x6f: {  	_ =	shalt  }
0x70: {  	_ =	shalt  }
0x71: {  	_ =	shalt  }
0x72: {  	_ =	shalt  }
0x73: {  	_ =	shalt  }
0x74: {  	_ =	shalt  }
0x75: {  	_ =	shalt  }
0x76: {  	_ =	shalt  }
0x77: {  	_ =	shalt  }
0x78: {  	_ =	shalt  }
0x79: {  	_ =	shalt  }
0x7a: {  	_ =	shalt  }
0x7b: {  	_ =	shalt  }
0x7c: {  	_ =	shalt  }
0x7d: {  	_ =	shalt  }
0x7e: {  	_ =	shalt  }
0x7f: {  	_ =	shalt  }
0x80: {  	_ =	shalt  }
0x81: {  	_ =	shalt  }
0x82: {  	_ =	shalt  }
0x83: {  	_ =	shalt  }
0x84: {  	_ =	shalt  }
0x85: {  	_ =	shalt  }
0x86: {  	_ =	shalt  }
0x87: {  	_ =	shalt  }
.Lfunc_end0:
.L_simem_size_0:
called_computation_lowered:
.L_overlay_start_0:
0x88: {  	s2 =	sld [smem:$0x3FD9]  }
0x89: {  	s3 =	sld [smem:$0x3FFE];
	_ =	sdelay $0x1  }
0x8a: {  	s1 =	srdreg.scid  }
0x8b: {  	s0 =	sand.u32 $0x1, s1  }
0x8c: {  	s17 =	sshll.u32 s0, $0xA;
	s2 =	sadd.s32 s3, s2  }
0x8d: {  	s2 =	sadd.s32 s2, s17  }
0x8e: {  	[smem:$0x3FC2] =	sst s2  }
0x8f: {  	_ = 	snop  }
0x90: {  	s2 =	sld [smem:$0x3FD0];
	(tm) =	ssettm $0x1  }
0x91: {  	s18 =	sld [smem:$0x3FFB];
	_ =	sdelay $0x3  }
0x92: {  	_ =	strace s18  }
0x93: {  	s3 =	sld [smem:$0x3FFC];
	_ =	sdelay $0x3  }
0x94: {  	_ =	strace s3  }
0x95: {  	s3 =	sld [smem:$0x3FFD];
	_ =	sdelay $0x3  }
0x96: {  	_ =	strace s3  }
0x97: {  	_ =	strace $0x8FFFFFFF  }
0x98: {  	s19 =	sld [smem:$0x3FDB];
	_ =	sdelay $0x1  }
0x99: {  	s4 =	simm.s32 $_scs_section_size  }
0x9a: {  	s5 =	simm.s32 $_size__tile_overlayer_lowered;
	s6 =	simm.s32 $_tile_overlayer_lowered  }
0x9b: {  	s22 =	simm.s32 $0x1BFF;
	s21 =	sshll.u32 s6, $0x1;
	s3 =	sadd.s32 s4, s19  }
0x9c: {  	s7 =	simm.s32 $0x0;
	s20 =	sshll.u32 s5, $0x1;
	s5 =	sadd.s32 s21, s3  }
0x9d: {  	[timem:s7], [sflag:s22] =	dma.local [hbm:s5], s20  }
0x9e: {  	_ =	swait.ge [sflag:s22], s20  }
0x9f: {  	s4 =	ssub.s32 $0x0, s20;
	[sflag:s22] =	ssyncset.done $0x0  }
0xa0: {  	[sflag:s22] =	ssyncadd.s32 s4;
	_ =	sdelay $0x1  }
0xa1: {  	s23 =	simm.s32 $0x1B8B  }
0xa2: {  	_ =	swait.ge [sflag:s23], $0x1  }
0xa3: {  	[sflag:s23] =	ssyncset.done $0x0  }
0xa4: {  	s25 =	simm.s32 $0x1B8E;
	s24 =	sld [smem:$0x3FFE];
	[sflag:s23] =	ssyncadd.s32 $0xFFFFFFFF  }
0xa5: {  	s26 =	simm.s32 $execute0_lowered;
	[smem:$0x3FD2] =	sst s25  }
0xa6: {  	s5 =	sshll.u32 s26, $0x1;
	_ =	strace $0x80000046;
	[dreg:$0x1] =	wrdreg $0xFFFFFFFF  }
0xa7: {  	s28 =	simm.s32 $_size_execute0_lowered;
	s3 =	sadd.s32 s3, s5;
	[dreg:$0x0] =	wrdreg $0x0  }
0xa8: {  	s5 =	sshll.u32 s28, $0x1;
	[dreg:$0x2] =	wrdreg s3  }
0xa9: {  	[dreg:$0x3] =	wrdreg s5  }
0xaa: {  	[dreg:$0x4] =	wrdreg $0xC0  }
0xab: {  	_ =	task [dreg:s7], $0x5FFFF  }
0xac: {  	[dreg:$0x1] =	wrdreg $0xFFFFFFFF  }
0xad: {  	[dreg:$0x0] =	wrdreg $0x60  }
0xae: {  	[dreg:$0x2] =	wrdreg s2  }
0xaf: {  	[dreg:$0x3] =	wrdreg s24  }
0xb0: {  	[dreg:$0x4] =	wrdreg $0x87000  }
0xb1: {  	[dreg:$0x5] =	wrdreg $0x1BF800  }
0xb2: {  	[dreg:$0x6] =	wrdreg $0x9  }
0xb3: {  	_ =	task.clear_ibuf [dreg:s7], $0x7FFFF;
	_ =	strace $0x90000046  }
0xb4: {  	s29 =	simm.s32 $0x9;
	_ =	strace $0x80000048  }
0xb5: {  	_ =	swait.ge [sflag:s29], $0x1  }
0xb6: {  	[sflag:s29] =	ssyncadd.s32 $0xFFFFFFFF  }
0xb7: {  	_ =	strace $0x90000048  }
0xb8: {  	_ =	sfence  }
0xb9: {  	s30 =	sld [smem:$0x0];
	_ =	sdelay $0x2  }
0xba: {  	s31 =	sshll.u32 s1, $0xD;
	s1 =	sshrl.u32 s1, $0x2  }
0xbb: {  	s3 =	sand.u32 $0x4000, s31;
	s1 =	sadd.s32 s1, s30  }
0xbc: {  	s0 =	sor.u32 s3, s0;
	s1 =	sshll.u32 s1, $0x11  }
0xbd: {  	s0 =	sor.u32 s1, s0  }
0xbe: {  	s0 =	sadd.s32 $0x8F2B, s0  }
0xbf: {  	[sflag:s0] =	ssyncadd.remote.s32 $0x1  }
0xc0: {  	_ =	sfence.sel $0xFFFF  }
0xc1: {  	[dreg:$0x0] =	wrdreg $0xFFFFFFFF;
	(pc) =	sbr.abs _section_cstart, $3  }
0xc2: {  	[dreg:$0x1] =	wrdreg $0xFFFFFFFF  }
0xc3: {  	_ =	task.clear_ibuf [dreg:s7], $0x2FFFF;
	_ =	strace $0x9FFFFFFF  }
0xc4: {  	(tm) =	ssettm $0x7FFFFFFF  }
0xc5: {  	_ =	shalt  }
tec
execute0_lowered:
.L_overlay_start_1:
0x0: {  	(tag) =	ssettag $0x1  }
0x1: {  	s1 =	rddreg [dreg:$0x0]  }
0x2: {  	s2 =	rddreg [dreg:$0x1]  }
0x3: {  	s3 =	rddreg [dreg:$0x2]  }
0x4: {  	s4 =	rddreg [dreg:$0x3];
	s5 =	simm.s32 $0x0;
	s7 =	srdreg.scid  }
0x5: {  	s11 =	stileid.u32;
	[smem:$0x7FF] =	sst s5;
	s6 =	sadd.s32 $0x9E00, s2  }
0x6: {  	s0 =	sadd.s32 $0x15200, s2;
	s8 =	sadd.s32 $0x14800, s2;
	s12 =	sand.u32 $0x1, s7  }
0x7: {  	p0 =	slt.u32 s11, $0x2;
	s7 =	simm.s32 $0x4E;
	s13 =	smul.u32 $0x270, s11  }
0x8: {  	s10 =	sshll.u32 s11, $0x1;
	s22 =	smul.u32 $0x13800, s11;
	s28 =	sadd.s32 $0x138000, s3  }
0x9: {  	s31 =	sadd.s32 $0x2700, s4;
	_ =	strace $0x80000047;
	s9 =	ssub.s32 $0x2, s12  }
0xa: {  	s7 =	simm.s32 @!p0 $0x4D;
	s17 =	smul.u32 $0x2710, s12;
	[dreg:$0x1a] =	wrdreg s28  }
0xb: {  	s10 =	sor.u32 s12, s10;
	s12 =	smul.u32 $0x138800, s12;
	[dreg:$0x1b] =	wrdreg s31  }
0xc: {  	s14 =	sshrl.u32 s9, $0x1;
	s15 =	smul.u32 $0x56, s7;
	s23 =	sadd.s32 s13, s4  }
0xd: {  	s16 =	smul.u32 $0x4E, s10;
	s10 =	smin.u32 s10, $0x4;
	s19 =	sadd.s32 $0x80, s13  }
0xe: {  	s20 =	sadd.s32 $0x180, s13;
	s14 =	ssub.s32 s9, s14;
	s9 =	simm.s32 $0x4F  }
0xf: {  	s25 =	sadd.s32 s17, s13;
	s18 =	sshrl.u32 s17, $0x3;
	s26 =	sadd.s32 s17, s19  }
0x10: {  	s13 =	sadd.s32 $0x100, s13;
	[dreg:$0x5] =	wrdreg s23;
	s15 =	sshrl.u32 s15, $0x8  }
0x11: {  	s10 =	sadd.s32 s10, s16;
	s16 =	sshrl.u32 s25, $0x3;
	s21 =	sadd.s32 s17, s13  }
0x12: {  	s17 =	sadd.s32 s17, s20;
	s25 =	sadd.s32 s22, s12;
	s12 =	sshrl.u32 s12, $0x3  }
0x13: {  	s15 =	smul.u32 $0x3, s15;
	s24 =	sadd.s32 s8, s16;
	s16 =	sadd.s32 s8, s18  }
0x14: {  	s18 =	sshrl.u32 s26, $0x3;
	s21 =	sshrl.u32 s21, $0x3;
	s17 =	sshrl.u32 s17, $0x3  }
0x15: {  	s12 =	sadd.s32 s0, s12;
	s18 =	sadd.s32 s8, s18;
	[dreg:$0x6] =	wrdreg s24  }
0x16: {  	[dreg:$0x7] =	wrdreg s18;
	s18 =	sadd.s32 s8, s21;
	s8 =	sadd.s32 s8, s17  }
0x17: {  	s17 =	sshll.u32 s10, $0x4;
	s26 =	ssub.s32 s7, s15;
	[dreg:$0x8] =	wrdreg s18  }
0x18: {  	[dreg:$0x9] =	wrdreg s8;
	s8 =	sshrl.u32 s25, $0x3;
	s21 =	sadd.s32 s6, s17  }
0x19: {  	s25 =	sadd.s32 $0x10, s17;
	s17 =	sadd.s32 s2, s17;
	[dreg:$0xa] =	wrdreg s21  }
0x1a: {  	s22 =	sand.u32 $0xFB, s26;
	[dreg:$0xb] =	wrdreg s17;
	s26 =	sadd.s32 s6, s25  }
0x1b: {  	s15 =	sadd.s32 s8, s0;
	s8 =	sadd.s32 s2, s25;
	[dreg:$0xc] =	wrdreg s26  }
0x1c: {  	s0 =	sshll.u32 s22, $0x7;
	s22 =	sadd.s32 $0x27000, s12;
	[dreg:$0xd] =	wrdreg s8  }
0x1d: {  	s18 =	sand.u32 $0x1, s7;
	s12 =	smax.u32 s14, $0x1;
	[dreg:$0x10] =	wrdreg s22  }
0x1e: {  	s9 =	simm.s32 @!p0 $0x4E;
	s17 =	sshll.u32 s18, $0x7;
	[dreg:$0x12] =	wrdreg s12  }
0x1f: {  	s14 =	sshll.u32 s20, $0x7;
	s26 =	sadd.s32 $0x4E0, s16;
	[dreg:$0xf] =	wrdreg s17  }
0x20: {  	s25 =	sor.u32 $0x200, s0;
	s16 =	sadd.s32 s14, s3;
	[dreg:$0x11] =	wrdreg s26  }
0x21: {  	s0 =	sshll.u32 s18, $0xE;
	s18 =	sadd.s32 s19, s4;
	[dreg:$0x14] =	wrdreg s16  }
0x22: {  	p0 =	sne.s32 s11, $0x0;
	s19 =	sadd.s32 s13, s4;
	[dreg:$0x15] =	wrdreg s18  }
0x23: {  	s21 =	smul.u32 $0x4E000, s11;
	s11 =	sor.u32 $0x10, s17;
	[dreg:$0x16] =	wrdreg s19  }
0x24: {  	s14 =	sor.u32 $0x20, s17;
	[dreg:$0x1c] =	wrdreg s11  }
0x25: {  	[dreg:$0x1d] =	wrdreg s14  }
0x26: {  	s8 =	sshrl.u32 s21, $0x2;
	s21 =	sadd.s32 s20, s4;
	[dreg:$0xe] =	wrdreg s25  }
0x27: {  	s26 =	sor.u32 $0x700, s0;
	[dreg:$0x17] =	wrdreg s21  }
0x28: {  	s16 =	sor.u32 $0x30, s17;
	[dreg:$0x18] =	wrdreg s26  }
0x29: {  	s19 =	sor.u32 $0x40, s17;
	[dreg:$0x1e] =	wrdreg s16  }
0x2a: {  	s20 =	sor.u32 $0x50, s17;
	[dreg:$0x1f] =	wrdreg s19  }
0x2b: {  	s11 =	sor.u32 $0x70, s17;
	[smem:$0x7EC] =	sst s20  }
0x2c: {  	s14 =	sadd.s32 $0x40, s24;
	[smem:$0x7EE] =	sst s11  }
0x2d: {  	s21 =	sor.u32 $0x60, s17;
	[smem:$0x7EF] =	sst s14  }
0x2e: {  	s22 =	sadd.s32 s8, s3;
	[smem:$0x7ED] =	sst s21  }
0x2f: {  	s26 =	sadd.s32 $0x200, s23;
	[dreg:$0x13] =	wrdreg s22  }
0x30: {  	s16 =	sadd.s32 $0x1800, s22;
	[dreg:$0x19] =	wrdreg s26  }
0x31: {  	s18 =	sor.u32 $0x400, s17;
	s17 =	sadd.s32 $0x3000, s22;
	[smem:$0x7F0] =	sst s16  }
0x32: {  	s19 =	sadd.s32 $0x4800, s22;
	[smem:$0x7F1] =	sst s17  }
0x33: {  	s20 =	sadd.s32 $0x6000, s22;
	[smem:$0x7F2] =	sst s19  }
0x34: {  	s21 =	sadd.s32 $0x7800, s22;
	[smem:$0x7F3] =	sst s20  }
0x35: {  	s24 =	sadd.s32 $0x9000, s22;
	[smem:$0x7F4] =	sst s21  }
0x36: {  	s11 =	sadd.s32 $0xA800, s22;
	[smem:$0x7F5] =	sst s24  }
0x37: {  	s14 =	sadd.s32 $0xD800, s22;
	[smem:$0x7F6] =	sst s11  }
0x38: {  	s29 =	simm.s32 $0x700;
	[smem:$0x7F7] =	sst s14;
	s16 =	sadd.s32 $0xF000, s22  }
0x39: {  	s30 =	simm.s32 $0x6;
	s17 =	sadd.s32 $0x10800, s22;
	[smem:$0x7F8] =	sst s16  }
0x3a: {  	s12 =	sadd.s32 $0x13C00, s2;
	s19 =	sadd.s32 $0x12000, s22;
	[smem:$0x7F9] =	sst s17  }
0x3b: {  	s13 =	sadd.s32 $0x14200, s2;
	s20 =	sadd.s32 $0x80, s23;
	[smem:$0x7FA] =	sst s19  }
0x3c: {  	s0 =	sor.u32 $0x800, s0;
	s21 =	sadd.s32 $0x100, s23;
	[smem:$0x7FB] =	sst s20  }
0x3d: {  	s24 =	sadd.s32 $0x180, s23;
	s14 =	simm.s32 $0x80;
	[smem:$0x7FC] =	sst s21  }
0x3e: {  	[smem:$0x7FD] =	sst s24;
	s24 =	simm.s32 $0x500;
	s20 =	simm.s32 $0x3  }
0x3f: {  	v0 =	vimm.f32 $0.0e+00;
	s16 =	simm.s32 $0x1;
	s17 =	simm.s32 $0x4;
	s19 =	simm.s32 $0x0  }
.LBB2_1:
0x40: {  	[smem:$0x7EB] =	sst s19;
	s8 =	simm.s32 $0x0;
	s11 =	simm.s32 $0x200  }
.LBB2_2:
0x41: {  	p1 =	sne.s32 s11, $0x5E00;
	[tilespmem:s8+$0x770] =	vst v0  }
0x42: {  	[tilespmem:s8+$0x700] =	vst v0  }
0x43: {  	[tilespmem:s8+$0x710] =	vst v0  }
.Ltmp0:
0x44: {  	[tilespmem:s8+$0x720] =	vst v0;
	(pc) =	sbr.rel @p1 .LBB2_2-.Ltmp0, $4  }
0x45: {  	[tilespmem:s8+$0x730] =	vst v0  }
0x46: {  	[tilespmem:s8+$0x740] =	vst v0  }
0x47: {  	[tilespmem:s8+$0x750] =	vst v0  }
0x48: {  	[tilespmem:s8+$0x760] =	vst v0;
	s8 =	sshra.s32 s11, $0x2;
	s11 =	sadd.s32 $0x200, s11  }
0x49: {  	[tilespmem:s8+$0x770] =	vst v0  }
0x4a: {  	[tilespmem:s8+$0x700] =	vst v0  }
0x4b: {  	[tilespmem:s8+$0x710] =	vst v0  }
0x4c: {  	[tilespmem:s8+$0x720] =	vst v0  }
0x4d: {  	[tilespmem:s8+$0x730] =	vst v0  }
0x4e: {  	[tilespmem:s8+$0x740] =	vst v0  }
0x4f: {  	[tilespmem:s8+$0x750] =	vst v0  }
0x50: {  	[tilespmem:s8+$0x760] =	vst v0  }
0x51: {  	[tilespmem:$0x500] =	vst v0  }
0x52: {  	[tilespmem:$0x510] =	vst v0  }
0x53: {  	[tilespmem:$0x520] =	vst v0  }
0x54: {  	[tilespmem:$0x530] =	vst v0  }
0x55: {  	[tilespmem:$0x540] =	vst v0  }
0x56: {  	[tilespmem:$0x550] =	vst v0  }
0x57: {  	[tilespmem:$0x560] =	vst v0  }
0x58: {  	[tilespmem:$0x570] =	vst v0  }
0x59: {  	[spmem:s22] =	stream.linear.scatter [tilespmem:s29], [sflag:$0x6], $0x1800, $0x38;
	[tilespmem:$0x1C1F8] =	vst v63  }
0x5a: {  	_ =	swait.ge [sflag:s30], $0x1800  }
0x5b: {  	s21 =	sld [smem:$0x7F0]  }
0x5c: {  	[sflag:s30] =	ssyncset.done $0x0  }
0x5d: {  	[sflag:s30] =	ssyncadd.s32 $0xFFFFE800  }
0x5e: {  	[spmem:s21] =	stream.linear.scatter [tilespmem:s29], [sflag:$0x6], $0x1800, $0x38;
	[tilespmem:$0x1C1F8] =	vst v63  }
0x5f: {  	_ =	swait.ge [sflag:s30], $0x1800  }
0x60: {  	s22 =	sld [smem:$0x7F1]  }
0x61: {  	[sflag:s30] =	ssyncset.done $0x0  }
0x62: {  	[sflag:s30] =	ssyncadd.s32 $0xFFFFE800  }
0x63: {  	[spmem:s22] =	stream.linear.scatter [tilespmem:s29], [sflag:$0x6], $0x1800, $0x38;
	[tilespmem:$0x1C1F8] =	vst v63  }
0x64: {  	_ =	swait.ge [sflag:s30], $0x1800  }
0x65: {  	s25 =	sld [smem:$0x7F2]  }
0x66: {  	[sflag:s30] =	ssyncset.done $0x0  }
0x67: {  	[sflag:s30] =	ssyncadd.s32 $0xFFFFE800  }
0x68: {  	[spmem:s25] =	stream.linear.scatter [tilespmem:s29], [sflag:$0x6], $0x1800, $0x38;
	[tilespmem:$0x1C1F8] =	vst v63  }
0x69: {  	_ =	swait.ge [sflag:s30], $0x1800  }
0x6a: {  	s11 =	sld [smem:$0x7F3]  }
0x6b: {  	[sflag:s30] =	ssyncset.done $0x0  }
0x6c: {  	[sflag:s30] =	ssyncadd.s32 $0xFFFFE800  }
0x6d: {  	[spmem:s11] =	stream.linear.scatter [tilespmem:s29], [sflag:$0x6], $0x1800, $0x38;
	[tilespmem:$0x1C1F8] =	vst v63  }
0x6e: {  	_ =	swait.ge [sflag:s30], $0x1800  }
0x6f: {  	s19 =	sld [smem:$0x7F4]  }
0x70: {  	[sflag:s30] =	ssyncset.done $0x0  }
0x71: {  	[sflag:s30] =	ssyncadd.s32 $0xFFFFE800  }
0x72: {  	[spmem:s19] =	stream.linear.scatter [tilespmem:s29], [sflag:$0x6], $0x1800, $0x38;
	[tilespmem:$0x1C1F8] =	vst v63  }
0x73: {  	_ =	swait.ge [sflag:s30], $0x1800  }
0x74: {  	s21 =	sld [smem:$0x7F5]  }
0x75: {  	[sflag:s30] =	ssyncset.done $0x0  }
0x76: {  	[sflag:s30] =	ssyncadd.s32 $0xFFFFE800  }
0x77: {  	[spmem:s21] =	stream.linear.scatter [tilespmem:s29], [sflag:$0x6], $0x1800, $0x38;
	[tilespmem:$0x1C1F8] =	vst v63  }
0x78: {  	_ =	swait.ge [sflag:s30], $0x1800  }
0x79: {  	s22 =	sld [smem:$0x7F6]  }
0x7a: {  	[sflag:s30] =	ssyncset.done $0x0  }
0x7b: {  	[sflag:s30] =	ssyncadd.s32 $0xFFFFE800  }
0x7c: {  	[spmem:s22] =	stream.linear.scatter [tilespmem:s29], [sflag:$0x6], $0x1800, $0x38;
	[tilespmem:$0x1C1F8] =	vst v63  }
0x7d: {  	_ =	swait.ge [sflag:s30], $0x1800  }
0x7e: {  	[sflag:s30] =	ssyncset.done $0x0  }
0x7f: {  	s25 =	rddreg [dreg:$0x14];
	[sflag:s30] =	ssyncadd.s32 $0xFFFFE800  }
0x80: {  	[spmem:s25] =	stream.linear.scatter [tilespmem:s29], [sflag:$0x6], $0x1800, $0x38;
	[tilespmem:$0x1C1F8] =	vst v63  }
0x81: {  	_ =	swait.ge [sflag:s30], $0x1800  }
0x82: {  	s11 =	sld [smem:$0x7F7]  }
0x83: {  	[sflag:s30] =	ssyncset.done $0x0  }
0x84: {  	[sflag:s30] =	ssyncadd.s32 $0xFFFFE800  }
0x85: {  	[spmem:s11] =	stream.linear.scatter [tilespmem:s29], [sflag:$0x6], $0x1800, $0x38;
	[tilespmem:$0x1C1F8] =	vst v63  }
0x86: {  	_ =	swait.ge [sflag:s30], $0x1800  }
0x87: {  	s19 =	sld [smem:$0x7F8]  }
0x88: {  	[sflag:s30] =	ssyncset.done $0x0  }
0x89: {  	[sflag:s30] =	ssyncadd.s32 $0xFFFFE800  }
0x8a: {  	[spmem:s19] =	stream.linear.scatter [tilespmem:s29], [sflag:$0x6], $0x1800, $0x38;
	[tilespmem:$0x1C1F8] =	vst v63  }
0x8b: {  	_ =	swait.ge [sflag:s30], $0x1800  }
0x8c: {  	s21 =	sld [smem:$0x7F9]  }
0x8d: {  	[sflag:s30] =	ssyncset.done $0x0  }
0x8e: {  	[sflag:s30] =	ssyncadd.s32 $0xFFFFE800  }
0x8f: {  	[spmem:s21] =	stream.linear.scatter [tilespmem:s29], [sflag:$0x6], $0x1800, $0x38;
	[tilespmem:$0x1C1F8] =	vst v63  }
0x90: {  	_ =	swait.ge [sflag:s30], $0x1800  }
0x91: {  	s22 =	sld [smem:$0x7FA]  }
0x92: {  	[sflag:s30] =	ssyncset.done $0x0  }
0x93: {  	[sflag:s30] =	ssyncadd.s32 $0xFFFFE800  }
0x94: {  	[spmem:s22] =	stream.linear.scatter [tilespmem:s29], [sflag:$0x6], $0x1800, $0x38;
	[tilespmem:$0x1C1F8] =	vst v63  }
0x95: {  	_ =	swait.ge [sflag:s30], $0x1800  }
0x96: {  	[sflag:s30] =	ssyncset.done $0x0  }
0x97: {  	[sflag:s30] =	ssyncadd.s32 $0xFFFFE800  }
0x98: {  	[spmem:s23] =	stream.linear.scatter [tilespmem:s24], [sflag:$0x6], $0x80, $0x38;
	[tilespmem:$0x1C1F8] =	vst v63  }
0x99: {  	_ =	swait.ge [sflag:s30], $0x80  }
0x9a: {  	s23 =	sld [smem:$0x7FB]  }
0x9b: {  	[sflag:s30] =	ssyncset.done $0x0  }
0x9c: {  	[sflag:s30] =	ssyncadd.s32 $0xFFFFFF80  }
0x9d: {  	[spmem:s23] =	stream.linear.scatter [tilespmem:s24], [sflag:$0x6], $0x80, $0x38;
	[tilespmem:$0x1C1F8] =	vst v63  }
0x9e: {  	_ =	swait.ge [sflag:s30], $0x80  }
0x9f: {  	s25 =	sld [smem:$0x7FC]  }
0xa0: {  	[sflag:s30] =	ssyncset.done $0x0  }
0xa1: {  	[sflag:s30] =	ssyncadd.s32 $0xFFFFFF80  }
0xa2: {  	[spmem:s25] =	stream.linear.scatter [tilespmem:s24], [sflag:$0x6], $0x80, $0x38;
	[tilespmem:$0x1C1F8] =	vst v63  }
0xa3: {  	_ =	swait.ge [sflag:s30], $0x80  }
0xa4: {  	s11 =	sld [smem:$0x7FD]  }
0xa5: {  	[sflag:s30] =	ssyncset.done $0x0  }
0xa6: {  	[sflag:s30] =	ssyncadd.s32 $0xFFFFFF80  }
0xa7: {  	[spmem:s11] =	stream.linear.scatter [tilespmem:s24], [sflag:$0x6], $0x80, $0x38;
	[tilespmem:$0x1C1F8] =	vst v63  }
0xa8: {  	_ =	swait.ge [sflag:s30], $0x80  }
0xa9: {  	[sflag:s30] =	ssyncset.done $0x0  }
0xaa: {  	[sflag:s30] =	ssyncadd.s32 $0xFFFFFF80  }
0xab: {  	[spmem:s26] =	stream.linear.scatter [tilespmem:s24], [sflag:$0x6], $0x70, $0x38;
	[tilespmem:$0x1C1F8] =	vst v63  }
0xac: {  	_ =	swait.ge [sflag:s30], $0x70  }
0xad: {  	[sflag:s30] =	ssyncset.done $0x0  }
0xae: {  	s8 =	simm.s32 @!p0 $0x700;
	[sflag:s30] =	ssyncadd.s32 $0xFFFFFF90  }
0xaf: {  	[spmem:s28] =	stream.linear.scatter @!p0 [tilespmem:s8], [sflag:$0x6], $0x800, $0x38;
	[tilespmem:$0x1C1F8] =	vst v63  }
0xb0: {  	s8 =	simm.s32 @!p0 $0x6  }
0xb1: {  	_ =	swait.ge @!p0 [sflag:s8], $0x800  }
0xb2: {  	[sflag:s8] =	ssyncset.done @!p0 $0x0  }
0xb3: {  	s11 =	simm.s32 @!p0 $0x500;
	[sflag:s8] =	ssyncadd.s32 @!p0 $0xFFFFF800  }
0xb4: {  	[spmem:s31] =	stream.linear.scatter @!p0 [tilespmem:s11], [sflag:$0x6], $0x10, $0x38;
	[tilespmem:$0x1C1F8] =	vst v63  }
0xb5: {  	_ =	swait.ge @!p0 [sflag:s8], $0x10  }
0xb6: {  	[sflag:s8] =	ssyncset.done @!p0 $0x0  }
0xb7: {  	[sflag:s8] =	ssyncadd.s32 @!p0 $0xFFFFFFF0  }
0xb8: {  	[bflag:$0x0] =	sbarrier.arrive $0xFFFF  }
0xb9: {  	s22 =	simm.s32 $0x0;
	s19 =	rddreg [dreg:$0xa]  }
0xba: {  	[tilespmem:s22], [sflag:$0x3] =	stream.linear.gather [hbm4b:s19+s22], $0x80, $0x38;
	[tilespmem:$0x1C1F8] =	vst v63  }
0xbb: {  	s23 =	simm.s32 $0x200;
	s21 =	rddreg [dreg:$0xb]  }
0xbc: {  	[tilespmem:s23], [sflag:$0x3] =	stream.linear.gather [hbm4b:s21+s22], $0x80, $0x38;
	[tilespmem:$0x1C1F8] =	vst v63  }
0xbd: {  	_ =	swait.ge [sflag:s20], $0x80  }
0xbe: {  	[sflag:s20] =	ssyncset.done $0x0  }
0xbf: {  	[sflag:s20] =	ssyncadd.s32 $0xFFFFFF80  }
0xc0: {  	_ =	swait.ge [sflag:s20], $0x80  }
0xc1: {  	[sflag:s20] =	ssyncset.done $0x0  }
0xc2: {  	[sflag:s20] =	ssyncadd.s32 $0xFFFFFF80  }
0xc3: {  	[tilespmem:s24], [sflag:$0x4] =	stream.indirect.gather [hbm4b:s12+s14], $0x1, s22, s14, $0xb8;
	[tilespmem:$0x1C1F8] =	vst v63  }
0xc4: {  	s25 =	simm.s32 $0x600  }
0xc5: {  	[tilespmem:s25], [sflag:$0x4] =	stream.indirect.gather [hbm4b:s13+s14], $0x1, s23, s14, $0xb8;
	[tilespmem:$0x1C1F8] =	vst v63  }
0xc6: {  	_ = 	snop  }
0xc7: {  	[tilespmem:s29], [sflag:$0x1] =	stream.indirect.gather [hbm4b:s1+s14], $0x80, s22, s14, $0xb8;
	[tilespmem:$0x1C1F8] =	vst v63  }
0xc8: {  	p1 =	por $0x0, $0x0;
	s26 =	rddreg [dreg:$0xc]  }
0xc9: {  	[tilespmem:s14], [sflag:$0x3] =	stream.linear.gather [hbm4b:s26+s22], $0x80, $0x38;
	[tilespmem:$0x1C1F8] =	vst v63  }
0xca: {  	s31 =	simm.s32 $0x280;
	s11 =	simm.s32 $0x0;
	s28 =	rddreg [dreg:$0xd]  }
0xcb: {  	[tilespmem:s31], [sflag:$0x3] =	stream.linear.gather [hbm4b:s28+s22], $0x80, $0x38;
	[tilespmem:$0x1C1F8] =	vst v63  }
.LBB2_4:
0xcc: {  	_ =	swait.ge [sflag:s17], $0x80  }
0xcd: {  	[sflag:s17] =	ssyncset.done $0x0  }
0xce: {  	[sflag:s17] =	ssyncadd.s32 $0xFFFFFF80  }
0xcf: {  	_ =	swait.ge [sflag:s17], $0x80  }
0xd0: {  	s28 =	sand.u32 $0x1, s11;
	[sflag:s17] =	ssyncset.done $0x0  }
0xd1: {  	s8 =	sshll.u32 s28, $0x7;
	[sflag:s17] =	ssyncadd.s32 $0xFFFFFF80  }
0xd2: {  	v1 =	vld [tilespmem:s8+$0x500]  }
0xd3: {  	v2 =	vld [tilespmem:s8+$0x600]  }
0xd4: {  	v3 =	vld [tilespmem:s8+$0x510]  }
0xd5: {  	v4 =	vld [tilespmem:s8+$0x610]  }
0xd6: {  	v5 =	vld [tilespmem:s8+$0x520]  }
0xd7: {  	v6 =	vld [tilespmem:s8+$0x620]  }
0xd8: {  	v7 =	vld [tilespmem:s8+$0x530]  }
0xd9: {  	v8 =	vld [tilespmem:s8+$0x630]  }
0xda: {  	v9 =	vld [tilespmem:s8+$0x540]  }
0xdb: {  	v10 =	vld [tilespmem:s8+$0x640]  }
0xdc: {  	v13 =	vld [tilespmem:s8+$0x660];
	v1 =	vadd.f32 v2, v1  }
0xdd: {  	v14 =	vld [tilespmem:s8+$0x570];
	v3 =	vadd.f32 v4, v3  }
0xde: {  	v2 =	vld [tilespmem:s8+$0x550];
	v5 =	vadd.f32 v6, v5;
	v11 =	vmul.f32 $2.000000030e-01, v1  }
0xdf: {  	v4 =	vld [tilespmem:s8+$0x650];
	v12 =	vmul.f32 $2.000000030e-01, v3  }
0xe0: {  	v6 =	vld [tilespmem:s8+$0x560];
	v59 =	vmul.f32 $2.000000030e-01, v5;
	v1 =	vmax.f32 v1, v11  }
0xe1: {  	v60 =	vld [tilespmem:s8+$0x670];
	v3 =	vmax.f32 v3, v12;
	v1 =	vmul.f32 $1.442695020e+00, v1  }
0xe2: {  	v7 =	vadd.f32 v8, v7;
	v5 =	vmax.f32 v5, v59;
	v3 =	vmul.f32 $1.442695020e+00, v3  }
0xe3: {  	(erf) = vpow2.f32 v1;
	v1 =	vmul.f32 $1.442695020e+00, v5;
	v5 =	vadd.f32 v10, v9  }
0xe4: {  	v2 =	vadd.f32 v4, v2;
	(erf) = vpow2.f32 v3;
	v3 =	vmul.f32 $2.000000030e-01, v7  }
0xe5: {  	v4 =	vadd.f32 v13, v6;
	(erf) = vpow2.f32 v1;
	v1 =	vmul.f32 $2.000000030e-01, v5  }
0xe6: {  	v6 =	vmul.f32 $2.000000030e-01, v2;
	v3 =	vmax.f32 v7, v3;
	v7 =	vadd.f32 v60, v14  }
0xe7: {  	v3 =	vmul.f32 $1.442695020e+00, v3;
	v1 =	vmax.f32 v5, v1;
	v5 =	vmul.f32 $2.000000030e-01, v4  }
0xe8: {  	v2 =	vmax.f32 v2, v6;
	v1 =	vmul.f32 $1.442695020e+00, v1;
	v6 =	vmul.f32 $2.000000030e-01, v7  }
0xe9: {  	v2 =	vmul.f32 $1.442695020e+00, v2;
	(erf) = vpow2.f32 v3;
	v3 =	vmax.f32 v4, v5  }
0xea: {  	(erf) = vpow2.f32 v1;
	v1 =	vmul.f32 $1.442695020e+00, v3;
	v3 =	vmax.f32 v7, v6  }
0xeb: {  	(erf) = vpow2.f32 v2;
	v2 =	vmul.f32 $1.442695020e+00, v3  }
0xec: {  	(erf) = vpow2.f32 v1  }
0xed: {  	(erf) = vpow2.f32 v2;
	_ =	sdelay $0x1  }
0xee: {  	v1 =	vpop (erf)  }
0xef: {  	s21 =	smulhi.u32 $0xAAAAAAAB, s11;
	v2 =	vpop (erf);
	[tilespmem:s8+$0x400] =	vst v1  }
0xf0: {  	v1 =	vpop (erf);
	[tilespmem:s8+$0x410] =	vst v2  }
0xf1: {  	s21 =	sshrl.u32 s21, $0x1;
	[tilespmem:s8+$0x420] =	vst v1;
	v2 =	vpop (erf)  }
0xf2: {  	s21 =	smul.u32 $0x3, s21;
	v1 =	vpop (erf);
	[tilespmem:s8+$0x430] =	vst v2  }
0xf3: {  	v2 =	vpop (erf);
	[tilespmem:s8+$0x440] =	vst v1  }
0xf4: {  	s21 =	ssub.s32 s11, s21;
	v1 =	vpop (erf);
	[tilespmem:s8+$0x450] =	vst v2  }
0xf5: {  	s21 =	sshll.u32 s21, $0x7;
	[tilespmem:s8+$0x460] =	vst v1;
	v1 =	vpop (erf)  }
0xf6: {  	s24 =	sor.u32 $0x400, s8;
	s23 =	sor.u32 $0x200, s21;
	[tilespmem:s8+$0x470] =	vst v1  }
0xf7: {  	[spmem:s4] =	stream.indirect.scatter.add.f32 [tilespmem:s24], [sflag:$0x5], $0x1, s23, s14, $0xb8;
	[tilespmem:$0x1C1F8] =	vst v63  }
0xf8: {  	_ =	swait.ge [sflag:s16], $0x4000  }
0xf9: {  	p3 =	seq.s32 s11, $0x0;
	[sflag:s16] =	ssyncset.done $0x0  }
0xfa: {  	s8 =	simm.s32 @!p3 $0x2;
	[sflag:s16] =	ssyncadd.s32 $0xFFFFC000  }
0xfb: {  	s21 =	sadd.s32 $0x2, s11;
	_ =	swait.ge @!p3 [sflag:s8], $0x4000  }
0xfc: {  	s25 =	smulhi.u32 $0xAAAAAAAB, s21;
	[sflag:s8] =	ssyncset.done @!p3 $0x0  }
0xfd: {  	[sflag:s8] =	ssyncadd.s32 @!p3 $0xFFFFC000;
	s8 =	simm.s32 @!p3 $0x5  }
0xfe: {  	p2 =	sge.u32 s21, s9;
	s25 =	sshrl.u32 s25, $0x1;
	_ =	swait.ge @!p3 [sflag:s8], $0x80  }
0xff: {  	s26 =	sadd.s32 @!p2 s10, s21;
	s25 =	smul.u32 $0x3, s25;
	[sflag:s8] =	ssyncset.done @!p3 $0x0  }
0x100: {  	[sflag:s8] =	ssyncadd.s32 @!p3 $0xFFFFFF80;
	s8 =	sshll.u32 @!p2 s26, $0x4  }
0x101: {  	s11 =	sadd.s32 $0x1, s11;
	s21 =	ssub.s32 s21, s25;
	s8 =	sand.u32 @!p2 $0x1FFFFFF0, s8  }
0x102: {  	s21 =	sshll.u32 @!p2 s21, $0x7;
	s26 =	simm.s32 @!p2 $0x0;
	s25 =	sadd.s32 @!p2 s6, s8  }
0x103: {  	[tilespmem:s21], [sflag:$0x3] =	stream.linear.gather @!p2 [hbm4b:s25+s26], $0x80, $0x38;
	[tilespmem:$0x1C1F8] =	vst v63  }
0x104: {  	s19 =	smulhi.u32 $0xAAAAAAAB, s11;
	s8 =	sadd.s32 @!p2 s2, s8;
	s21 =	sadd.s32 @!p2 $0x200, s21  }
0x105: {  	[tilespmem:s21], [sflag:$0x3] =	stream.linear.gather @!p2 [hbm4b:s8+s26], $0x80, $0x38;
	[tilespmem:$0x1C1F8] =	vst v63  }
0x106: {  	_ =	swait.ge [sflag:s20], $0x80  }
0x107: {  	s26 =	sshrl.u32 s19, $0x1;
	[sflag:s20] =	ssyncset.done $0x0  }
0x108: {  	s8 =	smul.u32 $0x3, s26;
	[sflag:s20] =	ssyncadd.s32 $0xFFFFFF80  }
0x109: {  	s25 =	sxor.u32 $0x1, s28;
	s21 =	simm.s32 $0x1;
	_ =	swait.ge [sflag:s20], $0x80  }
0x10a: {  	s26 =	sshll.u32 s25, $0x7;
	s8 =	ssub.s32 s11, s8;
	[sflag:s20] =	ssyncset.done $0x0  }
0x10b: {  	v1 =	vmov s22;
	s19 =	sor.u32 $0x500, s26;
	s8 =	sshll.u32 s8, $0x7;
	[sflag:s20] =	ssyncadd.s32 $0xFFFFFF80  }
0x10c: {  	v1 =	vand.u32 $0xFFFFFFFC, v1;
	[tilespmem:s19], [sflag:$0x4] =	stream.indirect.gather [hbm4b:s12+s14], $0x1, s8, s14, $0xb8;
	[tilespmem:$0x1C1F8] =	vst v63  }
0x10d: {  	v1 =	vbroadcast v1, $0x0;
	s21 =	simm.s32 @!p1 $0x0;
	s26 =	sor.u32 $0x600, s26;
	s31 =	sadd.s32 $0x200, s8  }
0x10e: {  	[tilespmem:s26], [sflag:$0x4] =	stream.indirect.gather [hbm4b:s13+s14], $0x1, s31, s14, $0xb8;
	[tilespmem:$0x1C1F8] =	vst v63  }
0x10f: {  	s21 =	sshll.u32 s21, $0xE;
	s26 =	sshll.u32 s25, $0xE  }
0x110: {  	s25 =	sor.u32 $0x800, s21;
	s31 =	sor.u32 $0x700, s26  }
0x111: {  	[tilespmem:s31], [sflag:$0x1] =	stream.indirect.gather [hbm4b:s1+s14], $0x80, s8, s14, $0xb8;
	[tilespmem:$0x1C1F8] =	vst v63  }
0x112: {  	v2 =	vld [tilespmem:s25+$0xFFFFFF70]  }
0x113: {  	v1 =	vld.idx.msk [tilespmem:v1+s24+$0x0], $0xffff  }
0x114: {  	v3 =	vld [tilespmem:s25+$0xFFFFFF00]  }
0x115: {  	v4 =	vld [tilespmem:s25+$0xFFFFFF20]  }
0x116: {  	v5 =	vld [tilespmem:s25+$0xFFFFFF50]  }
0x117: {  	v6 =	vld [tilespmem:s25+$0xFFFFFF40]  }
0x118: {  	v7 =	vld [tilespmem:s25+$0xFFFFFF60];
	v2 =	vmul.f32 v2, v1  }
0x119: {  	s21 =	simm.s32 $0x1;
	v8 =	vld [tilespmem:s25+$0xFFFFFF30];
	v3 =	vmul.f32 v3, v1  }
0x11a: {  	v61 =	vld [tilespmem:s25+$0xFFFFFF10];
	v4 =	vmul.f32 v4, v1;
	[tilespmem:s25+$0xFFFFFF70] =	vst v2;
	v2 =	vmov s21  }
0x11b: {  	v5 =	vmul.f32 v5, v1;
	[tilespmem:s25+$0xFFFFFF00] =	vst v3;
	v2 =	vand.u32 $0xFFFFFFFD, v2  }
0x11c: {  	v3 =	vmul.f32 v6, v1;
	[tilespmem:s25+$0xFFFFFF20] =	vst v4;
	v2 =	vbroadcast v2, $0x0  }
0x11d: {  	v4 =	vmul.f32 v7, v1;
	[tilespmem:s25+$0xFFFFFF50] =	vst v5  }
0x11e: {  	v5 =	vmul.f32 v8, v1;
	[tilespmem:s25+$0xFFFFFF40] =	vst v3  }
0x11f: {  	v1 =	vmul.f32 v61, v1;
	[tilespmem:s25+$0xFFFFFF60] =	vst v4  }
0x120: {  	[tilespmem:s25+$0xFFFFFF30] =	vst v5  }
0x121: {  	[tilespmem:s25+$0xFFFFFF10] =	vst v1;
	v1 =	vld [tilespmem:s25+$0xFFFFFF90]  }
0x122: {  	v3 =	vld.idx.msk [tilespmem:v2+s24+$0x0], $0xffff  }
0x123: {  	v2 =	vld [tilespmem:s25+$0xFFFFFFA0]  }
0x124: {  	v4 =	vld [tilespmem:s25+$0xFFFFFF80]  }
0x125: {  	v5 =	vld [tilespmem:s25+$0xFFFFFFB0]  }
0x126: {  	v6 =	vld [tilespmem:s25+$0xFFFFFFC0]  }
0x127: {  	v7 =	vld [tilespmem:s25+$0xFFFFFFD0];
	v1 =	vmul.f32 v1, v3  }
0x128: {  	s26 =	simm.s32 $0x2;
	v8 =	vld [tilespmem:s25+$0xFFFFFFF0];
	v2 =	vmul.f32 v2, v3  }
0x129: {  	v62 =	vld [tilespmem:s25+$0xFFFFFFE0];
	v4 =	vmul.f32 v4, v3;
	[tilespmem:s25+$0xFFFFFF90] =	vst v1;
	v1 =	vmov s26  }
0x12a: {  	v5 =	vmul.f32 v5, v3;
	[tilespmem:s25+$0xFFFFFFA0] =	vst v2;
	v1 =	vand.u32 $0xFFFFFFFE, v1  }
0x12b: {  	v2 =	vmul.f32 v6, v3;
	[tilespmem:s25+$0xFFFFFF80] =	vst v4;
	v6 =	vld [tilespmem:s25+$0x60];
	v63 =	vbroadcast v1, $0x0  }
0x12c: {  	v4 =	vmul.f32 v7, v3;
	[tilespmem:s25+$0xFFFFFFB0] =	vst v5;
	v7 =	vld [tilespmem:s25+$0x0]  }
0x12d: {  	v5 =	vmul.f32 v8, v3;
	v1 =	vld [tilespmem:s25+$0x20];
	[tilespmem:s25+$0xFFFFFFC0] =	vst v2  }
0x12e: {  	v3 =	vmul.f32 v62, v3;
	v2 =	vld [tilespmem:s25+$0x30];
	[tilespmem:s25+$0xFFFFFFD0] =	vst v4  }
0x12f: {  	[tilespmem:s25+$0xFFFFFFF0] =	vst v5;
	v4 =	vld [tilespmem:s25+$0x40]  }
0x130: {  	s31 =	sshll.u32 s28, $0xE;
	s8 =	simm.s32 $0x0;
	[tilespmem:s25+$0xFFFFFFE0] =	vst v3;
	v5 =	vld [tilespmem:s25+$0x10]  }
0x131: {  	s28 =	sor.u32 $0x700, s31;
	s21 =	simm.s32 $0x4;
	s26 =	smov.u32 s25;
	v3 =	vld.idx.msk [tilespmem:v63+s24+$0x0], $0xffff  }
.LBB2_5:
0x132: {  	p2 =	sne.s32 s21, $0x7C  }
0x133: {  	v8 =	vld [tilespmem:s25+$0x50];
	s26 =	sadd.s32 $0x200, s26;
	s19 =	smov.u32 s21;
	s21 =	sadd.s32 $0x4, s21  }
0x134: {  	v9 =	vld [tilespmem:s25+$0x70];
	_ =	sdelay $0x1  }
0x135: {  	v6 =	vmul.f32 v6, v3;
	v7 =	vmul.f32 v7, v3  }
0x136: {  	v4 =	vmul.f32 v4, v3;
	v5 =	vmul.f32 v5, v3  }
0x137: {  	v1 =	vmul.f32 v1, v3;
	v2 =	vmul.f32 v2, v3;
	[tilespmem:s25+$0x60] =	vst v6  }
0x138: {  	[tilespmem:s25+$0x40] =	vst v4;
	v4 =	vmul.f32 v8, v3;
	v3 =	vmul.f32 v9, v3  }
0x139: {  	s31 =	sadd.s32 $0x3, s8;
	s8 =	smov.u32 s19;
	[tilespmem:s25+$0x20] =	vst v1;
	v6 =	vld [tilespmem:s25+$0x80]  }
0x13a: {  	v1 =	vld [tilespmem:s26+$0x20];
	[tilespmem:s25+$0x0] =	vst v7;
	v7 =	vmov s31  }
0x13b: {  	[tilespmem:s25+$0x50] =	vst v4;
	v4 =	vld [tilespmem:s25+$0xE0]  }
0x13c: {  	[tilespmem:s25+$0x30] =	vst v2;
	v8 =	vld [tilespmem:s25+$0xC0]  }
0x13d: {  	v2 =	vld [tilespmem:s26+$0x30];
	[tilespmem:s25+$0x10] =	vst v5  }
0x13e: {  	[tilespmem:s25+$0x70] =	vst v3;
	v3 =	vld [tilespmem:s25+$0xA0]  }
0x13f: {  	v5 =	vld.idx.msk [tilespmem:v7+s24+$0x0], $0xffff  }
0x140: {  	v7 =	vld [tilespmem:s25+$0x90]  }
0x141: {  	v9 =	vld [tilespmem:s25+$0xB0]  }
0x142: {  	v10 =	vld [tilespmem:s25+$0xD0]  }
0x143: {  	v11 =	vld [tilespmem:s25+$0xF0];
	_ =	sdelay $0x1  }
0x144: {  	v6 =	vmul.f32 v6, v5;
	v7 =	vmul.f32 v7, v5  }
0x145: {  	v3 =	vmul.f32 v3, v5;
	v9 =	vmul.f32 v9, v5  }
0x146: {  	v12 =	vmov s8;
	[tilespmem:s25+$0x80] =	vst v6;
	v6 =	vmul.f32 v8, v5;
	v8 =	vmul.f32 v10, v5  }
0x147: {  	v10 =	vand.u32 $0xFFFFFFFC, v12;
	[tilespmem:s25+$0xA0] =	vst v3;
	v3 =	vmul.f32 v4, v5;
	v4 =	vmul.f32 v11, v5  }
0x148: {  	v5 =	vbroadcast v10, $0x0;
	[tilespmem:s25+$0xC0] =	vst v6  }
0x149: {  	[tilespmem:s25+$0xF0] =	vst v4  }
0x14a: {  	v4 =	vld [tilespmem:s26+$0xFFFFFF40];
	[tilespmem:s25+$0xE0] =	vst v3  }
0x14b: {  	v3 =	vld [tilespmem:s26+$0xFFFFFF50];
	[tilespmem:s25+$0x90] =	vst v7  }
0x14c: {  	v6 =	vld [tilespmem:s26+$0xFFFFFF60];
	[tilespmem:s25+$0xB0] =	vst v9  }
0x14d: {  	v7 =	vld [tilespmem:s26+$0xFFFFFF70];
	[tilespmem:s25+$0xD0] =	vst v8;
	s25 =	smov.u32 s26  }
0x14e: {  	v5 =	vld.idx.msk [tilespmem:v5+s24+$0x0], $0xffff  }
0x14f: {  	v8 =	vld [tilespmem:s26+$0xFFFFFF00]  }
0x150: {  	v9 =	vld [tilespmem:s26+$0xFFFFFF20]  }
0x151: {  	v10 =	vld [tilespmem:s26+$0xFFFFFF10]  }
0x152: {  	v11 =	vld [tilespmem:s26+$0xFFFFFF30];
	_ =	sdelay $0x1  }
0x153: {  	v7 =	vmul.f32 v7, v5;
	v8 =	vmul.f32 v8, v5  }
0x154: {  	s19 =	sadd.s32 $0x1, s8;
	v6 =	vmul.f32 v6, v5;
	v9 =	vmul.f32 v9, v5  }
0x155: {  	v3 =	vmul.f32 v3, v5;
	v10 =	vmul.f32 v10, v5;
	[tilespmem:s26+$0xFFFFFF70] =	vst v7;
	v7 =	vmov s19  }
0x156: {  	v4 =	vmul.f32 v4, v5;
	[tilespmem:s26+$0xFFFFFF00] =	vst v8;
	v8 =	vmul.f32 v11, v5;
	v5 =	vand.u32 $0xFFFFFFFD, v7  }
0x157: {  	[tilespmem:s26+$0xFFFFFF20] =	vst v9;
	v5 =	vbroadcast v5, $0x0  }
0x158: {  	[tilespmem:s26+$0xFFFFFF50] =	vst v3  }
0x159: {  	[tilespmem:s26+$0xFFFFFF40] =	vst v4;
	v3 =	vld [tilespmem:s26+$0xFFFFFFF0]  }
0x15a: {  	[tilespmem:s26+$0xFFFFFF60] =	vst v6;
	v4 =	vld [tilespmem:s26+$0xFFFFFFC0]  }
0x15b: {  	[tilespmem:s26+$0xFFFFFF30] =	vst v8;
	v6 =	vld [tilespmem:s26+$0xFFFFFFD0]  }
0x15c: {  	[tilespmem:s26+$0xFFFFFF10] =	vst v10;
	v7 =	vld [tilespmem:s26+$0xFFFFFF90]  }
0x15d: {  	v5 =	vld.idx.msk [tilespmem:v5+s24+$0x0], $0xffff  }
0x15e: {  	v8 =	vld [tilespmem:s26+$0xFFFFFF80]  }
0x15f: {  	v9 =	vld [tilespmem:s26+$0xFFFFFFA0]  }
0x160: {  	v10 =	vld [tilespmem:s26+$0xFFFFFFB0]  }
0x161: {  	v11 =	vld [tilespmem:s26+$0xFFFFFFE0];
	_ =	sdelay $0x1  }
0x162: {  	v7 =	vmul.f32 v7, v5;
	v8 =	vmul.f32 v8, v5  }
0x163: {  	s19 =	sadd.s32 $0x2, s8;
	v6 =	vmul.f32 v6, v5;
	v9 =	vmul.f32 v9, v5  }
0x164: {  	v4 =	vmul.f32 v4, v5;
	[tilespmem:s26+$0xFFFFFF90] =	vst v7;
	v7 =	vmul.f32 v10, v5;
	v10 =	vmov s19  }
0x165: {  	v3 =	vmul.f32 v3, v5;
	[tilespmem:s26+$0xFFFFFFA0] =	vst v9;
	v9 =	vmul.f32 v11, v5;
	v5 =	vand.u32 $0xFFFFFFFE, v10  }
0x166: {  	[tilespmem:s26+$0xFFFFFF80] =	vst v8;
	v5 =	vbroadcast v5, $0x0  }
0x167: {  	[tilespmem:s26+$0xFFFFFFB0] =	vst v7  }
0x168: {  	[tilespmem:s26+$0xFFFFFFC0] =	vst v4  }
0x169: {  	[tilespmem:s26+$0xFFFFFFD0] =	vst v6  }
.Ltmp1:
0x16a: {  	[tilespmem:s26+$0xFFFFFFF0] =	vst v3;
	v4 =	vld [tilespmem:s26+$0x40];
	(pc) =	sbr.rel @p2 .LBB2_5-.Ltmp1, $4  }
0x16b: {  	[tilespmem:s26+$0xFFFFFFE0] =	vst v9;
	v6 =	vld [tilespmem:s26+$0x60]  }
0x16c: {  	v3 =	vld.idx.msk [tilespmem:v5+s24+$0x0], $0xffff  }
0x16d: {  	v7 =	vld [tilespmem:s26+$0x0]  }
0x16e: {  	v5 =	vld [tilespmem:s26+$0x10]  }
0x16f: {  	_ =	sdelay $0x1  }
0x170: {  	v6 =	vmul.f32 v6, v3  }
0x171: {  	v8 =	vld [tilespmem:s25+$0x50];
	v4 =	vmul.f32 v4, v3  }
0x172: {  	v9 =	vld [tilespmem:s25+$0x70];
	v1 =	vmul.f32 v1, v3;
	[tilespmem:s25+$0x60] =	vst v6  }
0x173: {  	v54 =	vmul.f32 v7, v3;
	[tilespmem:s25+$0x40] =	vst v4  }
0x174: {  	s8 =	sadd.s32 $0x3, s8;
	[tilespmem:s25+$0x20] =	vst v1;
	v1 =	vmul.f32 v2, v3  }
0x175: {  	v56 =	vmov s8;
	v5 =	vmul.f32 v5, v3;
	[tilespmem:s25+$0x0] =	vst v54  }
0x176: {  	v55 =	vmul.f32 v8, v3;
	[tilespmem:s25+$0x30] =	vst v1  }
0x177: {  	v3 =	vmul.f32 v9, v3;
	[tilespmem:s25+$0x10] =	vst v5  }
0x178: {  	[tilespmem:s25+$0x50] =	vst v55  }
0x179: {  	v2 =	vld [tilespmem:s25+$0x80];
	[tilespmem:s25+$0x70] =	vst v3  }
0x17a: {  	v1 =	vld.idx.msk [tilespmem:v56+s24+$0x0], $0xffff  }
0x17b: {  	v3 =	vld [tilespmem:s25+$0xA0]  }
0x17c: {  	v59 =	vld [tilespmem:s25+$0xE0]  }
0x17d: {  	v57 =	vld [tilespmem:s25+$0xC0]  }
0x17e: {  	v58 =	vld [tilespmem:s25+$0xF0]  }
0x17f: {  	v60 =	vld [tilespmem:s25+$0x90];
	v2 =	vmul.f32 v2, v1  }
0x180: {  	v61 =	vld [tilespmem:s25+$0xB0];
	v3 =	vmul.f32 v3, v1  }
0x181: {  	v62 =	vld [tilespmem:s25+$0xD0];
	v63 =	vmul.f32 v59, v1;
	[tilespmem:s25+$0x80] =	vst v2  }
0x182: {  	v2 =	vmul.f32 v57, v1;
	[tilespmem:s25+$0xA0] =	vst v3  }
0x183: {  	v3 =	vmul.f32 v58, v1;
	[tilespmem:s25+$0xE0] =	vst v63  }
0x184: {  	p2 =	sne.s32 s11, s7;
	[tilespmem:s25+$0xC0] =	vst v2;
	v2 =	vmul.f32 v60, v1  }
.Ltmp2:
0x185: {  	[tilespmem:s25+$0xF0] =	vst v3;
	v3 =	vmul.f32 v61, v1;
	(pc) =	sbr.rel @p2 .LBB2_4-.Ltmp2, $4  }
0x186: {  	v1 =	vmul.f32 v62, v1;
	[tilespmem:s25+$0x90] =	vst v2  }
0x187: {  	[tilespmem:s25+$0xB0] =	vst v3  }
0x188: {  	p1 =	por !p1, !p1;
	[tilespmem:s25+$0xD0] =	vst v1  }
0x189: {  	[spmem:s3] =	stream.indirect.scatter.add.f32 [tilespmem:s28], [sflag:$0x2], $0x80, s23, s14, $0xb8;
	[tilespmem:$0x1C1F8] =	vst v63  }
0x18a: {  	_ =	swait.ge [sflag:s17], $0x80  }
0x18b: {  	[sflag:s17] =	ssyncset.done $0x0  }
0x18c: {  	[sflag:s17] =	ssyncadd.s32 $0xFFFFFF80  }
0x18d: {  	_ =	swait.ge [sflag:s17], $0x80  }
0x18e: {  	[sflag:s17] =	ssyncset.done $0x0  }
0x18f: {  	s8 =	rddreg [dreg:$0xf];
	[sflag:s17] =	ssyncadd.s32 $0xFFFFFF80  }
0x190: {  	v1 =	vld [tilespmem:s8+$0x500]  }
0x191: {  	v2 =	vld [tilespmem:s8+$0x600];
	_ =	sdelay $0x4  }
0x192: {  	v1 =	vadd.f32 v2, v1;
	_ =	sdelay $0x1  }
0x193: {  	v2 =	vmul.f32 $2.000000030e-01, v1;
	_ =	sdelay $0x1  }
0x194: {  	v1 =	vmax.f32 v1, v2  }
0x195: {  	v1 =	vmul.f32 $1.442695020e+00, v1;
	_ =	sdelay $0x1  }
0x196: {  	(erf) = vpow2.f32 v1;
	_ =	sdelay $0x8  }
0x197: {  	v1 =	vpop (erf)  }
0x198: {  	s28 =	rddreg [dreg:$0x1c];
	[tilespmem:s8+$0x400] =	vst v1  }
0x199: {  	v1 =	vld [tilespmem:s28+$0x500]  }
0x19a: {  	v2 =	vld [tilespmem:s28+$0x600];
	_ =	sdelay $0x4  }
0x19b: {  	v1 =	vadd.f32 v2, v1;
	_ =	sdelay $0x1  }
0x19c: {  	v2 =	vmul.f32 $2.000000030e-01, v1;
	_ =	sdelay $0x1  }
0x19d: {  	v1 =	vmax.f32 v1, v2  }
0x19e: {  	v1 =	vmul.f32 $1.442695020e+00, v1;
	_ =	sdelay $0x1  }
0x19f: {  	(erf) = vpow2.f32 v1;
	_ =	sdelay $0x8  }
0x1a0: {  	v1 =	vpop (erf)  }
0x1a1: {  	s31 =	rddreg [dreg:$0x1d];
	[tilespmem:s28+$0x400] =	vst v1  }
0x1a2: {  	v1 =	vld [tilespmem:s31+$0x500]  }
0x1a3: {  	v2 =	vld [tilespmem:s31+$0x600];
	_ =	sdelay $0x4  }
0x1a4: {  	v1 =	vadd.f32 v2, v1;
	_ =	sdelay $0x1  }
0x1a5: {  	v2 =	vmul.f32 $2.000000030e-01, v1;
	_ =	sdelay $0x1  }
0x1a6: {  	v1 =	vmax.f32 v1, v2  }
0x1a7: {  	v1 =	vmul.f32 $1.442695020e+00, v1;
	_ =	sdelay $0x1  }
0x1a8: {  	(erf) = vpow2.f32 v1;
	_ =	sdelay $0x8  }
0x1a9: {  	v1 =	vpop (erf)  }
0x1aa: {  	s11 =	rddreg [dreg:$0x1e];
	[tilespmem:s31+$0x400] =	vst v1  }
0x1ab: {  	v1 =	vld [tilespmem:s11+$0x500]  }
0x1ac: {  	v2 =	vld [tilespmem:s11+$0x600];
	_ =	sdelay $0x4  }
0x1ad: {  	v1 =	vadd.f32 v2, v1;
	_ =	sdelay $0x1  }
0x1ae: {  	v2 =	vmul.f32 $2.000000030e-01, v1;
	_ =	sdelay $0x1  }
0x1af: {  	v1 =	vmax.f32 v1, v2  }
0x1b0: {  	v1 =	vmul.f32 $1.442695020e+00, v1;
	_ =	sdelay $0x1  }
0x1b1: {  	(erf) = vpow2.f32 v1;
	_ =	sdelay $0x8  }
0x1b2: {  	v1 =	vpop (erf)  }
0x1b3: {  	s19 =	rddreg [dreg:$0x1f];
	[tilespmem:s11+$0x400] =	vst v1  }
0x1b4: {  	v1 =	vld [tilespmem:s19+$0x500]  }
0x1b5: {  	v2 =	vld [tilespmem:s19+$0x600];
	_ =	sdelay $0x4  }
0x1b6: {  	v1 =	vadd.f32 v2, v1;
	_ =	sdelay $0x1  }
0x1b7: {  	v2 =	vmul.f32 $2.000000030e-01, v1;
	_ =	sdelay $0x1  }
0x1b8: {  	v1 =	vmax.f32 v1, v2  }
0x1b9: {  	v1 =	vmul.f32 $1.442695020e+00, v1;
	_ =	sdelay $0x1  }
0x1ba: {  	(erf) = vpow2.f32 v1;
	_ =	sdelay $0x7  }
0x1bb: {  	s21 =	sld [smem:$0x7EC]  }
0x1bc: {  	v1 =	vpop (erf)  }
0x1bd: {  	[tilespmem:s19+$0x400] =	vst v1  }
0x1be: {  	v1 =	vld [tilespmem:s21+$0x500]  }
0x1bf: {  	v2 =	vld [tilespmem:s21+$0x600];
	_ =	sdelay $0x4  }
0x1c0: {  	v1 =	vadd.f32 v2, v1;
	_ =	sdelay $0x1  }
0x1c1: {  	v2 =	vmul.f32 $2.000000030e-01, v1;
	_ =	sdelay $0x1  }
0x1c2: {  	v1 =	vmax.f32 v1, v2  }
0x1c3: {  	v1 =	vmul.f32 $1.442695020e+00, v1;
	_ =	sdelay $0x1  }
0x1c4: {  	(erf) = vpow2.f32 v1;
	_ =	sdelay $0x7  }
0x1c5: {  	s22 =	sld [smem:$0x7ED]  }
0x1c6: {  	v1 =	vpop (erf)  }
0x1c7: {  	[tilespmem:s21+$0x400] =	vst v1  }
0x1c8: {  	v1 =	vld [tilespmem:s22+$0x500]  }
0x1c9: {  	v2 =	vld [tilespmem:s22+$0x600];
	_ =	sdelay $0x4  }
0x1ca: {  	v1 =	vadd.f32 v2, v1;
	_ =	sdelay $0x1  }
0x1cb: {  	v2 =	vmul.f32 $2.000000030e-01, v1;
	_ =	sdelay $0x1  }
0x1cc: {  	v1 =	vmax.f32 v1, v2  }
0x1cd: {  	v1 =	vmul.f32 $1.442695020e+00, v1;
	_ =	sdelay $0x1  }
0x1ce: {  	(erf) = vpow2.f32 v1;
	_ =	sdelay $0x7  }
0x1cf: {  	s23 =	sld [smem:$0x7EE]  }
0x1d0: {  	v1 =	vpop (erf)  }
0x1d1: {  	[tilespmem:s22+$0x400] =	vst v1  }
0x1d2: {  	v1 =	vld [tilespmem:s23+$0x500]  }
0x1d3: {  	v2 =	vld [tilespmem:s23+$0x600];
	_ =	sdelay $0x4  }
0x1d4: {  	v1 =	vadd.f32 v2, v1;
	_ =	sdelay $0x1  }
0x1d5: {  	v2 =	vmul.f32 $2.000000030e-01, v1;
	_ =	sdelay $0x1  }
0x1d6: {  	v1 =	vmax.f32 v1, v2  }
0x1d7: {  	v1 =	vmul.f32 $1.442695020e+00, v1;
	_ =	sdelay $0x1  }
0x1d8: {  	(erf) = vpow2.f32 v1;
	_ =	sdelay $0x8  }
0x1d9: {  	v1 =	vpop (erf)  }
0x1da: {  	s25 =	rddreg [dreg:$0xe];
	[tilespmem:s23+$0x400] =	vst v1  }
0x1db: {  	[spmem:s4] =	stream.indirect.scatter.add.f32 [tilespmem:s18], [sflag:$0x5], $0x1, s25, s14, $0xb8;
	[tilespmem:$0x1C1F8] =	vst v63  }
0x1dc: {  	_ =	swait.ge [sflag:s16], $0x4000  }
0x1dd: {  	s11 =	simm.s32 $0x0;
	[sflag:s16] =	ssyncset.done $0x0  }
0x1de: {  	s24 =	simm.s32 $0x2;
	v1 =	vmov s11;
	[sflag:s16] =	ssyncadd.s32 $0xFFFFC000  }
0x1df: {  	v1 =	vand.u32 $0xFFFFFFFC, v1;
	_ =	swait.ge [sflag:s24], $0x4000  }
0x1e0: {  	v1 =	vbroadcast v1, $0x0;
	[sflag:s24] =	ssyncset.done $0x0  }
0x1e1: {  	s26 =	simm.s32 $0x5;
	[sflag:s24] =	ssyncadd.s32 $0xFFFFC000  }
0x1e2: {  	_ =	swait.ge [sflag:s26], $0x80  }
0x1e3: {  	[sflag:s26] =	ssyncset.done $0x0  }
0x1e4: {  	[sflag:s26] =	ssyncadd.s32 $0xFFFFFF80  }
0x1e5: {  	v2 =	vld [tilespmem:s0+$0xFFFFFF70]  }
0x1e6: {  	v1 =	vld.idx.msk [tilespmem:v1+s18+$0x0], $0xffff  }
0x1e7: {  	v3 =	vld [tilespmem:s0+$0xFFFFFF00]  }
0x1e8: {  	v4 =	vld [tilespmem:s0+$0xFFFFFF20]  }
0x1e9: {  	v5 =	vld [tilespmem:s0+$0xFFFFFF50]  }
0x1ea: {  	v6 =	vld [tilespmem:s0+$0xFFFFFF40]  }
0x1eb: {  	v7 =	vld [tilespmem:s0+$0xFFFFFF60];
	v2 =	vmul.f32 v2, v1  }
0x1ec: {  	s28 =	simm.s32 $0x1;
	v8 =	vld [tilespmem:s0+$0xFFFFFF30];
	v3 =	vmul.f32 v3, v1  }
0x1ed: {  	v9 =	vld [tilespmem:s0+$0xFFFFFF10];
	v4 =	vmul.f32 v4, v1;
	[tilespmem:s0+$0xFFFFFF70] =	vst v2;
	v2 =	vmov s28  }
0x1ee: {  	v5 =	vmul.f32 v5, v1;
	[tilespmem:s0+$0xFFFFFF00] =	vst v3;
	v2 =	vand.u32 $0xFFFFFFFD, v2  }
0x1ef: {  	v3 =	vmul.f32 v6, v1;
	[tilespmem:s0+$0xFFFFFF20] =	vst v4;
	v2 =	vbroadcast v2, $0x0  }
0x1f0: {  	v4 =	vmul.f32 v7, v1;
	[tilespmem:s0+$0xFFFFFF50] =	vst v5  }
0x1f1: {  	v5 =	vmul.f32 v8, v1;
	[tilespmem:s0+$0xFFFFFF40] =	vst v3  }
0x1f2: {  	v1 =	vmul.f32 v9, v1;
	[tilespmem:s0+$0xFFFFFF60] =	vst v4  }
0x1f3: {  	[tilespmem:s0+$0xFFFFFF30] =	vst v5  }
0x1f4: {  	[tilespmem:s0+$0xFFFFFF10] =	vst v1;
	v1 =	vld [tilespmem:s0+$0xFFFFFF90]  }
0x1f5: {  	v3 =	vld.idx.msk [tilespmem:v2+s18+$0x0], $0xffff  }
0x1f6: {  	v2 =	vld [tilespmem:s0+$0xFFFFFFA0]  }
0x1f7: {  	v4 =	vld [tilespmem:s0+$0xFFFFFF80]  }
0x1f8: {  	v5 =	vld [tilespmem:s0+$0xFFFFFFB0]  }
0x1f9: {  	v6 =	vld [tilespmem:s0+$0xFFFFFFC0]  }
0x1fa: {  	v7 =	vld [tilespmem:s0+$0xFFFFFFD0];
	v1 =	vmul.f32 v1, v3  }
0x1fb: {  	s31 =	simm.s32 $0x2;
	v8 =	vld [tilespmem:s0+$0xFFFFFFF0];
	v2 =	vmul.f32 v2, v3  }
0x1fc: {  	v63 =	vld [tilespmem:s0+$0xFFFFFFE0];
	v4 =	vmul.f32 v4, v3;
	[tilespmem:s0+$0xFFFFFF90] =	vst v1;
	v1 =	vmov s31  }
0x1fd: {  	v5 =	vmul.f32 v5, v3;
	[tilespmem:s0+$0xFFFFFFA0] =	vst v2;
	v1 =	vand.u32 $0xFFFFFFFE, v1  }
0x1fe: {  	v2 =	vmul.f32 v6, v3;
	[tilespmem:s0+$0xFFFFFF80] =	vst v4;
	v6 =	vld [tilespmem:s0+$0x60];
	v10 =	vbroadcast v1, $0x0  }
0x1ff: {  	v4 =	vmul.f32 v7, v3;
	[tilespmem:s0+$0xFFFFFFB0] =	vst v5;
	v7 =	vld [tilespmem:s0+$0x0]  }
0x200: {  	v5 =	vmul.f32 v8, v3;
	v1 =	vld [tilespmem:s0+$0x20];
	[tilespmem:s0+$0xFFFFFFC0] =	vst v2  }
0x201: {  	v3 =	vmul.f32 v63, v3;
	v2 =	vld [tilespmem:s0+$0x30];
	[tilespmem:s0+$0xFFFFFFD0] =	vst v4  }
0x202: {  	[tilespmem:s0+$0xFFFFFFF0] =	vst v5;
	v4 =	vld [tilespmem:s0+$0x40]  }
0x203: {  	[tilespmem:s0+$0xFFFFFFE0] =	vst v3;
	v5 =	vld [tilespmem:s0+$0x10]  }
0x204: {  	s8 =	simm.s32 $0x4;
	s21 =	smov.u32 s0;
	s22 =	smov.u32 s0;
	v3 =	vld.idx.msk [tilespmem:v10+s18+$0x0], $0xffff  }
.LBB2_8:
0x205: {  	p1 =	sne.s32 s8, $0x7C  }
0x206: {  	v8 =	vld [tilespmem:s22+$0x50];
	s21 =	sadd.s32 $0x200, s21;
	s19 =	smov.u32 s8;
	s8 =	sadd.s32 $0x4, s8  }
0x207: {  	v9 =	vld [tilespmem:s22+$0x70];
	_ =	sdelay $0x1  }
0x208: {  	v6 =	vmul.f32 v6, v3;
	v7 =	vmul.f32 v7, v3  }
0x209: {  	v4 =	vmul.f32 v4, v3;
	v5 =	vmul.f32 v5, v3  }
0x20a: {  	v1 =	vmul.f32 v1, v3;
	v2 =	vmul.f32 v2, v3;
	[tilespmem:s22+$0x60] =	vst v6  }
0x20b: {  	[tilespmem:s22+$0x40] =	vst v4;
	v4 =	vmul.f32 v8, v3;
	v3 =	vmul.f32 v9, v3  }
0x20c: {  	s23 =	sadd.s32 $0x3, s11;
	s11 =	smov.u32 s19;
	[tilespmem:s22+$0x20] =	vst v1;
	v6 =	vld [tilespmem:s22+$0x80]  }
0x20d: {  	v1 =	vld [tilespmem:s21+$0x20];
	[tilespmem:s22+$0x0] =	vst v7;
	v7 =	vmov s23  }
0x20e: {  	[tilespmem:s22+$0x50] =	vst v4;
	v4 =	vld [tilespmem:s22+$0xE0]  }
0x20f: {  	[tilespmem:s22+$0x30] =	vst v2;
	v8 =	vld [tilespmem:s22+$0xC0]  }
0x210: {  	v2 =	vld [tilespmem:s21+$0x30];
	[tilespmem:s22+$0x10] =	vst v5  }
0x211: {  	[tilespmem:s22+$0x70] =	vst v3;
	v3 =	vld [tilespmem:s22+$0xA0]  }
0x212: {  	v5 =	vld.idx.msk [tilespmem:v7+s18+$0x0], $0xffff  }
0x213: {  	v7 =	vld [tilespmem:s22+$0x90]  }
0x214: {  	v9 =	vld [tilespmem:s22+$0xB0]  }
0x215: {  	v10 =	vld [tilespmem:s22+$0xD0]  }
0x216: {  	v11 =	vld [tilespmem:s22+$0xF0];
	_ =	sdelay $0x1  }
0x217: {  	v6 =	vmul.f32 v6, v5;
	v7 =	vmul.f32 v7, v5  }
0x218: {  	v3 =	vmul.f32 v3, v5;
	v9 =	vmul.f32 v9, v5  }
0x219: {  	v12 =	vmov s11;
	[tilespmem:s22+$0x80] =	vst v6;
	v6 =	vmul.f32 v8, v5;
	v8 =	vmul.f32 v10, v5  }
0x21a: {  	v10 =	vand.u32 $0xFFFFFFFC, v12;
	[tilespmem:s22+$0xA0] =	vst v3;
	v3 =	vmul.f32 v4, v5;
	v4 =	vmul.f32 v11, v5  }
0x21b: {  	v5 =	vbroadcast v10, $0x0;
	[tilespmem:s22+$0xC0] =	vst v6  }
0x21c: {  	[tilespmem:s22+$0xF0] =	vst v4  }
0x21d: {  	v4 =	vld [tilespmem:s21+$0xFFFFFF40];
	[tilespmem:s22+$0xE0] =	vst v3  }
0x21e: {  	v3 =	vld [tilespmem:s21+$0xFFFFFF50];
	[tilespmem:s22+$0x90] =	vst v7  }
0x21f: {  	v6 =	vld [tilespmem:s21+$0xFFFFFF60];
	[tilespmem:s22+$0xB0] =	vst v9  }
0x220: {  	v7 =	vld [tilespmem:s21+$0xFFFFFF70];
	[tilespmem:s22+$0xD0] =	vst v8;
	s22 =	smov.u32 s21  }
0x221: {  	v5 =	vld.idx.msk [tilespmem:v5+s18+$0x0], $0xffff  }
0x222: {  	v8 =	vld [tilespmem:s21+$0xFFFFFF00]  }
0x223: {  	v9 =	vld [tilespmem:s21+$0xFFFFFF20]  }
0x224: {  	v10 =	vld [tilespmem:s21+$0xFFFFFF10]  }
0x225: {  	v11 =	vld [tilespmem:s21+$0xFFFFFF30];
	_ =	sdelay $0x1  }
0x226: {  	v7 =	vmul.f32 v7, v5;
	v8 =	vmul.f32 v8, v5  }
0x227: {  	s19 =	sadd.s32 $0x1, s11;
	v6 =	vmul.f32 v6, v5;
	v9 =	vmul.f32 v9, v5  }
0x228: {  	v3 =	vmul.f32 v3, v5;
	v10 =	vmul.f32 v10, v5;
	[tilespmem:s21+$0xFFFFFF70] =	vst v7;
	v7 =	vmov s19  }
0x229: {  	v4 =	vmul.f32 v4, v5;
	[tilespmem:s21+$0xFFFFFF00] =	vst v8;
	v8 =	vmul.f32 v11, v5;
	v5 =	vand.u32 $0xFFFFFFFD, v7  }
0x22a: {  	[tilespmem:s21+$0xFFFFFF20] =	vst v9;
	v5 =	vbroadcast v5, $0x0  }
0x22b: {  	[tilespmem:s21+$0xFFFFFF50] =	vst v3  }
0x22c: {  	[tilespmem:s21+$0xFFFFFF40] =	vst v4;
	v3 =	vld [tilespmem:s21+$0xFFFFFFF0]  }
0x22d: {  	[tilespmem:s21+$0xFFFFFF60] =	vst v6;
	v4 =	vld [tilespmem:s21+$0xFFFFFFC0]  }
0x22e: {  	[tilespmem:s21+$0xFFFFFF30] =	vst v8;
	v6 =	vld [tilespmem:s21+$0xFFFFFFD0]  }
0x22f: {  	[tilespmem:s21+$0xFFFFFF10] =	vst v10;
	v7 =	vld [tilespmem:s21+$0xFFFFFF90]  }
0x230: {  	v5 =	vld.idx.msk [tilespmem:v5+s18+$0x0], $0xffff  }
0x231: {  	v8 =	vld [tilespmem:s21+$0xFFFFFF80]  }
0x232: {  	v9 =	vld [tilespmem:s21+$0xFFFFFFA0]  }
0x233: {  	v10 =	vld [tilespmem:s21+$0xFFFFFFB0]  }
0x234: {  	v11 =	vld [tilespmem:s21+$0xFFFFFFE0];
	_ =	sdelay $0x1  }
0x235: {  	v7 =	vmul.f32 v7, v5;
	v8 =	vmul.f32 v8, v5  }
0x236: {  	s19 =	sadd.s32 $0x2, s11;
	v6 =	vmul.f32 v6, v5;
	v9 =	vmul.f32 v9, v5  }
0x237: {  	v4 =	vmul.f32 v4, v5;
	[tilespmem:s21+$0xFFFFFF90] =	vst v7;
	v7 =	vmul.f32 v10, v5;
	v10 =	vmov s19  }
0x238: {  	v3 =	vmul.f32 v3, v5;
	[tilespmem:s21+$0xFFFFFFA0] =	vst v9;
	v9 =	vmul.f32 v11, v5;
	v5 =	vand.u32 $0xFFFFFFFE, v10  }
0x239: {  	[tilespmem:s21+$0xFFFFFF80] =	vst v8;
	v5 =	vbroadcast v5, $0x0  }
0x23a: {  	[tilespmem:s21+$0xFFFFFFB0] =	vst v7  }
0x23b: {  	[tilespmem:s21+$0xFFFFFFC0] =	vst v4  }
0x23c: {  	[tilespmem:s21+$0xFFFFFFD0] =	vst v6  }
.Ltmp3:
0x23d: {  	[tilespmem:s21+$0xFFFFFFF0] =	vst v3;
	v4 =	vld [tilespmem:s21+$0x40];
	(pc) =	sbr.rel @p1 .LBB2_8-.Ltmp3, $4  }
0x23e: {  	[tilespmem:s21+$0xFFFFFFE0] =	vst v9;
	v6 =	vld [tilespmem:s21+$0x60]  }
0x23f: {  	v3 =	vld.idx.msk [tilespmem:v5+s18+$0x0], $0xffff  }
0x240: {  	v7 =	vld [tilespmem:s21+$0x0]  }
0x241: {  	v5 =	vld [tilespmem:s21+$0x10]  }
0x242: {  	_ =	sdelay $0x1  }
0x243: {  	v6 =	vmul.f32 v6, v3  }
0x244: {  	v8 =	vld [tilespmem:s22+$0x50];
	v4 =	vmul.f32 v4, v3  }
0x245: {  	v9 =	vld [tilespmem:s22+$0x70];
	v1 =	vmul.f32 v1, v3;
	[tilespmem:s22+$0x60] =	vst v6  }
0x246: {  	v54 =	vmul.f32 v7, v3;
	[tilespmem:s22+$0x40] =	vst v4  }
0x247: {  	s8 =	sadd.s32 $0x3, s11;
	[tilespmem:s22+$0x20] =	vst v1;
	v1 =	vmul.f32 v2, v3  }
0x248: {  	v56 =	vmov s8;
	v5 =	vmul.f32 v5, v3;
	[tilespmem:s22+$0x0] =	vst v54  }
0x249: {  	v55 =	vmul.f32 v8, v3;
	[tilespmem:s22+$0x30] =	vst v1  }
0x24a: {  	v3 =	vmul.f32 v9, v3;
	[tilespmem:s22+$0x10] =	vst v5  }
0x24b: {  	[tilespmem:s22+$0x50] =	vst v55  }
0x24c: {  	v2 =	vld [tilespmem:s22+$0x80];
	[tilespmem:s22+$0x70] =	vst v3  }
0x24d: {  	v1 =	vld.idx.msk [tilespmem:v56+s18+$0x0], $0xffff  }
0x24e: {  	v3 =	vld [tilespmem:s22+$0xA0]  }
0x24f: {  	v59 =	vld [tilespmem:s22+$0xE0]  }
0x250: {  	v57 =	vld [tilespmem:s22+$0xC0]  }
0x251: {  	v58 =	vld [tilespmem:s22+$0xF0]  }
0x252: {  	v60 =	vld [tilespmem:s22+$0x90];
	v2 =	vmul.f32 v2, v1  }
0x253: {  	v61 =	vld [tilespmem:s22+$0xB0];
	v3 =	vmul.f32 v3, v1  }
0x254: {  	v62 =	vld [tilespmem:s22+$0xD0];
	v63 =	vmul.f32 v59, v1;
	[tilespmem:s22+$0x80] =	vst v2  }
0x255: {  	v2 =	vmul.f32 v57, v1;
	[tilespmem:s22+$0xA0] =	vst v3  }
0x256: {  	v3 =	vmul.f32 v58, v1;
	[tilespmem:s22+$0xE0] =	vst v63  }
0x257: {  	[tilespmem:s22+$0xC0] =	vst v2;
	v2 =	vmul.f32 v60, v1  }
0x258: {  	[tilespmem:s22+$0xF0] =	vst v3;
	v3 =	vmul.f32 v61, v1  }
0x259: {  	v1 =	vmul.f32 v62, v1;
	[tilespmem:s22+$0x90] =	vst v2  }
0x25a: {  	[tilespmem:s22+$0xB0] =	vst v3  }
0x25b: {  	s24 =	rddreg [dreg:$0x18];
	[tilespmem:s22+$0xD0] =	vst v1  }
0x25c: {  	[spmem:s3] =	stream.indirect.scatter.add.f32 [tilespmem:s24], [sflag:$0x6], $0x80, s25, s14, $0xb8;
	[tilespmem:$0x1C1F8] =	vst v63  }
0x25d: {  	_ =	swait.ge [sflag:s30], $0x4000  }
0x25e: {  	[sflag:s30] =	ssyncset.done $0x0  }
0x25f: {  	s25 =	simm.s32 $0x5;
	[sflag:s30] =	ssyncadd.s32 $0xFFFFC000  }
0x260: {  	_ =	swait.ge [sflag:s25], $0x80  }
0x261: {  	[sflag:s25] =	ssyncset.done $0x0  }
0x262: {  	[sflag:s25] =	ssyncadd.s32 $0xFFFFFF80  }
0x263: {  	[bflag:$0x0] =	sbarrier.arrive $0xFFFF  }
0x264: {  	s22 =	rddreg [dreg:$0x13]  }
0x265: {  	[tilespmem:s29], [sflag:$0x6] =	stream.linear.gather [spmem:s22], $0x1800, $0x38;
	[tilespmem:$0x1C1F8] =	vst v63  }
0x266: {  	_ =	swait.ge [sflag:s30], $0x1800  }
0x267: {  	[sflag:s30] =	ssyncset.done $0x0  }
0x268: {  	s26 =	sadd.s32 $0x0, s15;
	[sflag:s30] =	ssyncadd.s32 $0xFFFFE800  }
0x269: {  	[hbm4b:s26+s5] =	stream.linear.scatter [tilespmem:s29], [sflag:$0x6], $0x1800, $0x38;
	[tilespmem:$0x1C1F8] =	vst v63  }
0x26a: {  	_ =	swait.ge [sflag:s30], $0x1800  }
0x26b: {  	s23 =	rddreg [dreg:$0x5]  }
0x26c: {  	s26 =	rddreg [dreg:$0x19]  }
0x26d: {  	s8 =	simm.s32 $0x300;
	s24 =	simm.s32 $0x500;
	s28 =	rddreg [dreg:$0x1a]  }
0x26e: {  	s11 =	smov.u32 s22;
	[sflag:s30] =	ssyncset.done $0x0;
	s31 =	rddreg [dreg:$0x1b]  }
.LBB2_10:
0x26f: {  	p1 =	sne.s32 s8, $0x2400;
	[sflag:s30] =	ssyncadd.s32 $0xFFFFE800;
	s11 =	sadd.s32 $0x1800, s11  }
0x270: {  	[tilespmem:s29], [sflag:$0x6] =	stream.linear.gather [spmem:s11], $0x1800, $0x38;
	[tilespmem:$0x1C1F8] =	vst v63  }
0x271: {  	s19 =	smov.u32 s8;
	s8 =	sadd.s32 $0x300, s8;
	_ =	swait.ge [sflag:s30], $0x1800  }
.Ltmp4:
0x272: {  	[sflag:s30] =	ssyncset.done $0x0;
	(pc) =	sbr.rel @p1 .LBB2_10-.Ltmp4, $4  }
0x273: {  	s19 =	sadd.s32 s19, s15;
	[sflag:s30] =	ssyncadd.s32 $0xFFFFE800  }
0x274: {  	[hbm4b:s19+s5] =	stream.linear.scatter [tilespmem:s29], [sflag:$0x6], $0x1800, $0x38;
	[tilespmem:$0x1C1F8] =	vst v63  }
0x275: {  	_ =	swait.ge [sflag:s30], $0x1800  }
0x276: {  	[sflag:s30] =	ssyncset.done $0x0  }
0x277: {  	[sflag:s30] =	ssyncadd.s32 $0xFFFFE800  }
0x278: {  	[tilespmem:s24], [sflag:$0x6] =	stream.linear.gather [spmem:s23], $0x80, $0x38;
	[tilespmem:$0x1C1F8] =	vst v63  }
0x279: {  	_ =	swait.ge [sflag:s30], $0x80  }
0x27a: {  	[sflag:s30] =	ssyncset.done $0x0  }
0x27b: {  	s8 =	rddreg [dreg:$0x6];
	[sflag:s30] =	ssyncadd.s32 $0xFFFFFF80  }
0x27c: {  	[hbm4b:s8+s5] =	stream.linear.scatter [tilespmem:s24], [sflag:$0x6], $0x80, $0x38;
	[tilespmem:$0x1C1F8] =	vst v63  }
0x27d: {  	_ =	swait.ge [sflag:s30], $0x80  }
0x27e: {  	[sflag:s30] =	ssyncset.done $0x0  }
0x27f: {  	s25 =	rddreg [dreg:$0x15];
	[sflag:s30] =	ssyncadd.s32 $0xFFFFFF80  }
0x280: {  	[tilespmem:s24], [sflag:$0x6] =	stream.linear.gather [spmem:s25], $0x80, $0x38;
	[tilespmem:$0x1C1F8] =	vst v63  }
0x281: {  	_ =	swait.ge [sflag:s30], $0x80  }
0x282: {  	[sflag:s30] =	ssyncset.done $0x0  }
0x283: {  	s11 =	rddreg [dreg:$0x7];
	[sflag:s30] =	ssyncadd.s32 $0xFFFFFF80  }
0x284: {  	[hbm4b:s11+s5] =	stream.linear.scatter [tilespmem:s24], [sflag:$0x6], $0x80, $0x38;
	[tilespmem:$0x1C1F8] =	vst v63  }
0x285: {  	_ =	swait.ge [sflag:s30], $0x80  }
0x286: {  	[sflag:s30] =	ssyncset.done $0x0  }
0x287: {  	s19 =	rddreg [dreg:$0x16];
	[sflag:s30] =	ssyncadd.s32 $0xFFFFFF80  }
0x288: {  	[tilespmem:s24], [sflag:$0x6] =	stream.linear.gather [spmem:s19], $0x80, $0x38;
	[tilespmem:$0x1C1F8] =	vst v63  }
0x289: {  	_ =	swait.ge [sflag:s30], $0x80  }
0x28a: {  	[sflag:s30] =	ssyncset.done $0x0  }
0x28b: {  	s21 =	rddreg [dreg:$0x8];
	[sflag:s30] =	ssyncadd.s32 $0xFFFFFF80  }
0x28c: {  	[hbm4b:s21+s5] =	stream.linear.scatter [tilespmem:s24], [sflag:$0x6], $0x80, $0x38;
	[tilespmem:$0x1C1F8] =	vst v63  }
0x28d: {  	_ =	swait.ge [sflag:s30], $0x80  }
0x28e: {  	[sflag:s30] =	ssyncset.done $0x0  }
0x28f: {  	s25 =	rddreg [dreg:$0x17];
	[sflag:s30] =	ssyncadd.s32 $0xFFFFFF80  }
0x290: {  	[tilespmem:s24], [sflag:$0x6] =	stream.linear.gather [spmem:s25], $0x80, $0x38;
	[tilespmem:$0x1C1F8] =	vst v63  }
0x291: {  	_ =	swait.ge [sflag:s30], $0x80  }
0x292: {  	[sflag:s30] =	ssyncset.done $0x0  }
0x293: {  	s11 =	rddreg [dreg:$0x9];
	[sflag:s30] =	ssyncadd.s32 $0xFFFFFF80  }
0x294: {  	[hbm4b:s11+s5] =	stream.linear.scatter [tilespmem:s24], [sflag:$0x6], $0x80, $0x38;
	[tilespmem:$0x1C1F8] =	vst v63  }
0x295: {  	_ =	swait.ge [sflag:s30], $0x80  }
0x296: {  	[sflag:s30] =	ssyncset.done $0x0  }
0x297: {  	[sflag:s30] =	ssyncadd.s32 $0xFFFFFF80  }
0x298: {  	[tilespmem:s24], [sflag:$0x6] =	stream.linear.gather [spmem:s26], $0x70, $0x38;
	[tilespmem:$0x1C1F8] =	vst v63  }
0x299: {  	_ =	swait.ge [sflag:s30], $0x70  }
0x29a: {  	s19 =	sld [smem:$0x7EF]  }
0x29b: {  	[sflag:s30] =	ssyncset.done $0x0  }
0x29c: {  	[sflag:s30] =	ssyncadd.s32 $0xFFFFFF90  }
0x29d: {  	[hbm4b:s19+s5] =	stream.linear.scatter [tilespmem:s24], [sflag:$0x6], $0x70, $0x38;
	[tilespmem:$0x1C1F8] =	vst v63  }
0x29e: {  	_ =	swait.ge [sflag:s30], $0x70  }
0x29f: {  	[sflag:s30] =	ssyncset.done $0x0  }
0x2a0: {  	s8 =	simm.s32 @!p0 $0x700;
	s11 =	simm.s32 @!p0 $0x6;
	[sflag:s30] =	ssyncadd.s32 $0xFFFFFF90  }
0x2a1: {  	[tilespmem:s8], [sflag:$0x6] =	stream.linear.gather @!p0 [spmem:s28], $0x800, $0x38;
	[tilespmem:$0x1C1F8] =	vst v63  }
0x2a2: {  	_ =	swait.ge @!p0 [sflag:s11], $0x800  }
0x2a3: {  	[sflag:s11] =	ssyncset.done @!p0 $0x0  }
0x2a4: {  	s19 =	simm.s32 @!p0 $0x0;
	s21 =	rddreg [dreg:$0x10];
	[sflag:s11] =	ssyncadd.s32 @!p0 $0xFFFFF800  }
0x2a5: {  	[hbm4b:s21+s19] =	stream.linear.scatter @!p0 [tilespmem:s8], [sflag:$0x6], $0x800, $0x38;
	[tilespmem:$0x1C1F8] =	vst v63  }
0x2a6: {  	_ =	swait.ge @!p0 [sflag:s11], $0x800  }
0x2a7: {  	[sflag:s11] =	ssyncset.done @!p0 $0x0  }
0x2a8: {  	s8 =	simm.s32 @!p0 $0x600;
	[sflag:s11] =	ssyncadd.s32 @!p0 $0xFFFFF800  }
0x2a9: {  	[tilespmem:s8], [sflag:$0x6] =	stream.linear.gather @!p0 [spmem:s31], $0x10, $0x38;
	[tilespmem:$0x1C1F8] =	vst v63  }
0x2aa: {  	_ =	swait.ge @!p0 [sflag:s11], $0x10  }
0x2ab: {  	[sflag:s11] =	ssyncset.done @!p0 $0x0  }
0x2ac: {  	s21 =	rddreg [dreg:$0x11];
	[sflag:s11] =	ssyncadd.s32 @!p0 $0xFFFFFFF0  }
0x2ad: {  	[hbm4b:s21+s19] =	stream.linear.scatter @!p0 [tilespmem:s8], [sflag:$0x6], $0x10, $0x38;
	[tilespmem:$0x1C1F8] =	vst v63  }
0x2ae: {  	_ =	swait.ge @!p0 [sflag:s11], $0x10  }
0x2af: {  	s21 =	sld [smem:$0x7EB];
	_ =	sdelay $0x2  }
0x2b0: {  	s25 =	rddreg [dreg:$0x12];
	s19 =	sadd.s32 $0x1, s21  }
0x2b1: {  	p1 =	sne.s32 s19, s25  }
.Ltmp5:
0x2b2: {  	_ = 	snop;
	(pc) =	sbr.rel @p1 .LBB2_1-.Ltmp5, $3  }
0x2b3: {  	_ =	sdelay $0x1  }
0x2b4: {  	[sflag:s11] =	ssyncset.done @!p0 $0x0  }
0x2b5: {  	[sflag:s11] =	ssyncadd.s32 @!p0 $0xFFFFFFF0  }
0x2b6: {  	_ =	sfence.sel $0x180000  }
0x2b7: {  	[bflag:$0x0] =	sbarrier.arrive $0xFFFF  }
0x2b8: {  	_ =	strace $0x90000047  }
0x2b9: {  	[bflag:$0x2] =	sbarrier.arrive $0xFFFF  }
0x2ba: {  	s0 =	rddreg [dreg:$0x4]  }
0x2bb: {  	s0 =	sadd.s32 @!p0 $0x100000, s0  }
0x2bc: {  	[sflag:s0] =	ssyncadd.tile.s32 @!p0 $0x1;
	_ =	shalt  }
.Lfunc_end2:
_tile_overlayer_lowered:
.L_overlay_start_2:
0x2bd: {  	(tag) =	ssettag $0x2  }
0x2be: {  	s0 =	rddreg [dreg:$0x0];
	s2 =	stileid.u32  }
0x2bf: {  	s1 =	rddreg [dreg:$0x1];
	p0 =	sne.s32 s2, $0x0  }
0x2c0: {  	s3 =	rddreg [dreg:$0x2];
	[bflag:$0x3] =	sbarrier.arrive $0xFFFF;
	s2 =	simm.s32 @!p0 $0x1C06  }
0x2c1: {  	[timem:s3], [sflag:s2] =	dma.local @!p0 [hbm:s0], s1  }
0x2c2: {  	s0 =	simm.s32 @!p0 $0x6  }
0x2c3: {  	_ =	swait.ge @!p0 [sflag:s0], s1  }
0x2c4: {  	s1 =	ssub.s32 @!p0 $0x0, s1;
	[sflag:s0] =	ssyncset.done @!p0 $0x0  }
0x2c5: {  	[sflag:s0] =	ssyncadd.s32 @!p0 s1  }
0x2c6: {  	[bflag:$0x3] =	sbarrier.arrive $0xFFFF  }
0x2c7: {  	_ =	shalt  }

</sc_bundles>
